<compile_context>
chip_gen: v7x
topology: tpu7x:2x2x1
jax: 0.10.2.dev20260603
libtpu: 0.0.44.dev20260713+nightly
codegen_flags: <defaults>
</compile_context>

<pallas_src>
import functools

import jax
import jax.numpy as jnp
from jax import lax
from jax.experimental import pallas as pl
from jax.experimental.pallas import tpu as pltpu
from jax.experimental.pallas import tpu_sc as plsc

B = 8
N = 1000
M = 32
HA = 32
HB = 51
C = 2 * HA
NCLS = 6
NCONV = 3
STEP = 0.2
INV = 1.0 / (STEP * STEP)
EPS = 1e-5
R1 = B * N * M
R2 = B * N
GW = 128


def _sc_gather(table, idx_flat):
    mesh = plsc.VectorSubcoreMesh(core_axis_name="c", subcore_axis_name="s")

    @functools.partial(
        pl.kernel,
        out_type=jax.ShapeDtypeStruct((R1, HA), jnp.float32),
        mesh=mesh,
        compiler_params=pltpu.CompilerParams(use_tc_tiling_on_sc=False),
    )
    def k(table_hbm, i_hbm, o_hbm):
        def body(i_vmem, o_vmem):
            pltpu.sync_copy(table_hbm.at[i_vmem.at[0]], o_vmem)

        pltpu.emit_pipeline(
            body,
            grid=(R1 // GW,),
            in_specs=[pl.BlockSpec((1, GW), lambda i: (0, i))],
            out_specs=[pl.BlockSpec((GW, HA), lambda i: (i, 0))],
            core_axis_name=("c", "s"),
            dimension_semantics=(pltpu.PARALLEL,),
        )(i_hbm, o_hbm)

    return k(table, idx_flat)


def _w3d(W_fc):
    eye2 = jnp.eye(2, dtype=jnp.float32)
    blocks = []
    for l in range(NCONV):
        w3p = jnp.zeros((C, C), jnp.float32).at[:HB].set(W_fc[l, C:, :])
        blocks.append(jnp.kron(eye2, w3p))
    return jnp.concatenate(blocks, axis=1).astype(jnp.bfloat16)


def _prep_p(dist, w3d, interpret=False):
    def body(dist_ref, w3d_ref, p0_ref, p1_ref, p2_ref):
        lane = lax.broadcasted_iota(jnp.int32, (1, 2 * C), 1)
        filt = (jnp.where(lane < C, lane, lane - C)
                .astype(jnp.float32) * STEP)
        for mh in range(M // 2):
            d0 = dist_ref[0, :, 2 * mh:2 * mh + 1]
            d1 = dist_ref[0, :, 2 * mh + 1:2 * mh + 2]
            d2 = jnp.concatenate([jnp.broadcast_to(d0, (N, C)),
                                  jnp.broadcast_to(d1, (N, C))], axis=1)
            nbr = jnp.exp(-((d2 - filt) ** 2) * INV).astype(jnp.bfloat16)
            pp = jnp.dot(nbr, w3d_ref[...],
                         preferred_element_type=jnp.float32)
            p0_ref[0, mh] = pp[:, 0:2 * C].astype(jnp.bfloat16)
            p1_ref[0, mh] = pp[:, 2 * C:4 * C].astype(jnp.bfloat16)
            p2_ref[0, mh] = pp[:, 4 * C:6 * C].astype(jnp.bfloat16)

    pshape = jax.ShapeDtypeStruct((B, M // 2, N, 2 * C), jnp.bfloat16)
    pspec = pl.BlockSpec((1, M // 2, N, 2 * C), lambda b: (b, 0, 0, 0))
    return pl.pallas_call(
        body,
        grid=(B,),
        in_specs=[
            pl.BlockSpec((1, N, M), lambda b: (b, 0, 0)),
            pl.BlockSpec((2 * C, 6 * C), lambda b: (0, 0)),
        ],
        out_specs=[pspec, pspec, pspec],
        out_shape=[pshape, pshape, pshape],
        interpret=interpret,
    )(dist, w3d)


def _pass_a(gath4, emb, p, w2x4, w1, bias, interpret=False):
    def body(gath_ref, emb_ref, p_ref, w2_ref, w1_ref, bias_ref,
             gated_ref, stats_ref, a_sc, acc_s, acc_ss):
        b = pl.program_id(0)

        @pl.when(b == 0)
        def _():
            acc_s[...] = jnp.zeros_like(acc_s)
            acc_ss[...] = jnp.zeros_like(acc_ss)

        a = (jnp.dot(emb_ref[0], w1_ref[...],
                     preferred_element_type=jnp.float32)
             + bias_ref[...])
        a_sc[...] = jnp.concatenate([a, a], axis=1)
        ones = jnp.ones((1, N), jnp.bfloat16)
        stg = jnp.zeros((1, 2 * C), jnp.float32)
        stg2 = jnp.zeros((1, 2 * C), jnp.float32)
        for mo in range(M // 4):
            g4 = jnp.dot(gath_ref[0, mo].astype(jnp.bfloat16), w2_ref[...],
                         preferred_element_type=jnp.float32)
            for h in range(2):
                ph2 = p_ref[0, 2 * mo + h]
                g = (a_sc[...] + g4[:, 2 * C * h:2 * C * (h + 1)]
                     + ph2.astype(jnp.float32))
                gbf = g.astype(jnp.bfloat16)
                gated_ref[0, mo, :, 2 * C * h:2 * C * (h + 1)] = gbf
                stg = stg + jnp.dot(ones, gbf,
                                    preferred_element_type=jnp.float32)
                stg2 = stg2 + jnp.dot(ones, (g * g).astype(jnp.bfloat16),
                                      preferred_element_type=jnp.float32)
        acc_s[0:1, :] += stg[:, :C] + stg[:, C:]
        acc_ss[0:1, :] += stg2[:, :C] + stg2[:, C:]

        @pl.when(b == B - 1)
        def _():
            stats_ref[0:1, :] = acc_s[0:1, :]
            stats_ref[1:2, :] = acc_ss[0:1, :]
            stats_ref[2:8, :] = jnp.zeros((6, C), jnp.float32)

    return pl.pallas_call(
        body,
        grid=(B,),
        in_specs=[
            pl.BlockSpec((1, M // 4, N, 4 * HA), lambda b: (b, 0, 0, 0)),
            pl.BlockSpec((1, N, HA), lambda b: (b, 0, 0)),
            pl.BlockSpec((1, M // 2, N, 2 * C), lambda b: (b, 0, 0, 0)),
            pl.BlockSpec((4 * HA, 4 * C), lambda b: (0, 0)),
            pl.BlockSpec((HA, C), lambda b: (0, 0)),
            pl.BlockSpec((1, C), lambda b: (0, 0)),
        ],
        out_specs=[
            pl.BlockSpec((1, M // 4, N, 4 * C), lambda b: (b, 0, 0, 0)),
            pl.BlockSpec((8, C), lambda b: (0, 0)),
        ],
        out_shape=[
            jax.ShapeDtypeStruct((B, M // 4, N, 4 * C), jnp.bfloat16),
            jax.ShapeDtypeStruct((8, C), jnp.float32),
        ],
        scratch_shapes=[
            pltpu.VMEM((N, 2 * C), jnp.float32),
            pltpu.VMEM((8, C), jnp.float32),
            pltpu.VMEM((8, C), jnp.float32),
        ],
        interpret=interpret,
    )(gath4, emb, p, w2x4, w1, bias)


def _pass_b(gated, stats, gam, bet, interpret=False):
    def body(gated_ref, stats_ref, gam_ref, bet_ref, ns_ref, st2_ref,
             acc_s, acc_ss):
        b = pl.program_id(0)

        @pl.when(b == 0)
        def _():
            acc_s[...] = jnp.zeros_like(acc_s)
            acc_ss[...] = jnp.zeros_like(acc_ss)

        s = stats_ref[0:1, :]
        ss = stats_ref[1:2, :]
        mu = s * (1.0 / R1)
        var = ss * (1.0 / R1) - mu * mu
        scale = gam_ref[...] * lax.rsqrt(var + EPS)
        shift = bet_ref[...] - mu * scale
        scale2 = jnp.concatenate([scale, scale], axis=1)
        shift2 = jnp.concatenate([shift, shift], axis=1)
        acc = jnp.zeros((N, 2 * C), jnp.float32)
        for mo in range(M // 4):
            for h in range(2):
                gn = (gated_ref[0, mo, :, 2 * C * h:2 * C * (h + 1)]
                      .astype(jnp.float32) * scale2 + shift2)
                sig = 1.0 / (1.0 + jnp.exp(-gn))
                r = jnp.maximum(gn, 0.0)
                acc = acc + sig * pltpu.roll(r, 2 * C - HA, 1)
        accf = acc[:, 0:HA] + acc[:, C:C + HA]
        ns_ref[0] = accf
        acc_s[...] += accf
        acc_ss[...] += accf * accf

        @pl.when(b == B - 1)
        def _():
            st2_ref[0:1, :] = jnp.sum(acc_s[...], axis=0, keepdims=True)
            st2_ref[1:2, :] = jnp.sum(acc_ss[...], axis=0, keepdims=True)
            st2_ref[2:8, :] = jnp.zeros((6, HA), jnp.float32)

    return pl.pallas_call(
        body,
        grid=(B,),
        in_specs=[
            pl.BlockSpec((1, M // 4, N, 4 * C), lambda b: (b, 0, 0, 0)),
            pl.BlockSpec((8, C), lambda b: (0, 0)),
            pl.BlockSpec((1, C), lambda b: (0, 0)),
            pl.BlockSpec((1, C), lambda b: (0, 0)),
        ],
        out_specs=[
            pl.BlockSpec((1, N, HA), lambda b: (b, 0, 0)),
            pl.BlockSpec((8, HA), lambda b: (0, 0)),
        ],
        out_shape=[
            jax.ShapeDtypeStruct((B, N, HA), jnp.float32),
            jax.ShapeDtypeStruct((8, HA), jnp.float32),
        ],
        scratch_shapes=[
            pltpu.VMEM((N, HA), jnp.float32),
            pltpu.VMEM((N, HA), jnp.float32),
        ],
        interpret=interpret,
    )(gated, stats, gam, bet)


def _pass_c(ns, st2, emb, gam, bet, interpret=False):
    def body(ns_ref, st2_ref, emb_ref, gam_ref, bet_ref, out_ref):
        s = st2_ref[0:1, :]
        ss = st2_ref[1:2, :]
        mu = s * (1.0 / R2)
        var = ss * (1.0 / R2) - mu * mu
        scale = gam_ref[...] * lax.rsqrt(var + EPS)
        shift = bet_ref[...] - mu * scale
        for b in range(B):
            a = emb_ref[b]
            nsb = ns_ref[b] * scale + shift
            out_ref[b] = a + jnp.maximum(a + nsb, 0.0)

    return pl.pallas_call(
        body,
        grid=(1,),
        in_specs=[
            pl.BlockSpec((B, N, HA), lambda i: (0, 0, 0)),
            pl.BlockSpec((8, HA), lambda i: (0, 0)),
            pl.BlockSpec((B, N, HA), lambda i: (0, 0, 0)),
            pl.BlockSpec((1, HA), lambda i: (0, 0)),
            pl.BlockSpec((1, HA), lambda i: (0, 0)),
        ],
        out_specs=pl.BlockSpec((B, N, HA), lambda i: (0, 0, 0)),
        out_shape=jax.ShapeDtypeStruct((B, N, HA), jnp.float32),
        interpret=interpret,
    )(ns, st2, emb, gam, bet)


def _final(emb, wc, bc, interpret=False):
    def body(emb_ref, wc_ref, bc_ref, out_ref):
        rows = [jnp.sum(jnp.maximum(emb_ref[b], 0.0), axis=0, keepdims=True)
                for b in range(B)]
        pooled = jnp.concatenate(rows, axis=0) * (1.0 / N)
        logits = (jnp.dot(pooled, wc_ref[...], preferred_element_type=jnp.float32)
                  + bc_ref[...])
        mx = jnp.max(logits, axis=1, keepdims=True)
        e = jnp.exp(logits - mx)
        out_ref[...] = e / jnp.sum(e, axis=1, keepdims=True)

    return pl.pallas_call(
        body,
        grid=(1,),
        in_specs=[
            pl.BlockSpec((B, N, HA), lambda i: (0, 0, 0)),
            pl.BlockSpec((HA, NCLS), lambda i: (0, 0)),
            pl.BlockSpec((1, NCLS), lambda i: (0, 0)),
        ],
        out_specs=pl.BlockSpec((B, NCLS), lambda i: (0, 0)),
        out_shape=jax.ShapeDtypeStruct((B, NCLS), jnp.float32),
        interpret=interpret,
    )(emb, wc, bc)


def kernel(data, emb_table, W_fc, b_fc, gamma_h, beta_h, gamma_o, beta_o,
           W_cls, b_cls):
    dist = data[:, :, :M]
    idx = data[:, :, M:].astype(jnp.int32)
    idx_p = jnp.transpose(idx.reshape(B, N, M // 4, 4), (0, 2, 1, 3))
    idx_g = (idx_p + (jnp.arange(B, dtype=jnp.int32) * N)[:, None, None, None])
    idx_g = idx_g.reshape(1, R1)
    emb = jnp.broadcast_to(emb_table[None], (B, N, HA))

    ps = _prep_p(dist, _w3d(W_fc))
    eye4 = jnp.eye(4, dtype=jnp.float32)
    for l in range(NCONV):
        gath = _sc_gather(emb.reshape(R2, HA), idx_g)
        gath4 = gath.reshape(B, M // 4, N, 4 * HA)
        w2x4 = jnp.kron(eye4, W_fc[l, HA:C, :]).astype(jnp.bfloat16)
        gated, stats = _pass_a(gath4, emb, ps[l], w2x4,
                               W_fc[l, :HA, :], b_fc[l].reshape(1, C))
        ns, st2 = _pass_b(gated, stats,
                          gamma_h[l].reshape(1, C), beta_h[l].reshape(1, C))
        emb = _pass_c(ns, st2, emb,
                      gamma_o[l].reshape(1, HA), beta_o[l].reshape(1, HA))

    return _final(emb, W_cls, b_cls.reshape(1, NCLS))

# --- scband reference (transcript-rebuilt; emitter-appended) ---
"""Pipeline reference for scband-graph-vamp-net-63342177681977 (READ-ONLY COPY).

The authoritative reference and input builder live on the scoring server;
editing this copy changes nothing except your own understanding.
"""

import jax, jax.numpy as jnp
import numpy as np

B, N, M = 8, 1000, 32
H_A = 32
N_CONV = 3
N_CLASSES = 6
DMIN, DMAX, STEP = 0.0, 10.0, 0.2
FILT = jnp.arange(DMIN, DMAX + STEP, STEP)
H_B = int(FILT.shape[0])  # 51


def setup_inputs(seed: int = 0) -> dict:
    key = jax.random.key(seed)
    ks = jax.random.split(key, 6)
    # data packs [distances | neighbor indices] along last axis, like the torch module expects
    dist = jax.random.uniform(ks[0], (B, N, M), minval=0.0, maxval=DMAX, dtype=jnp.float32)
    idx = jax.random.randint(ks[1], (B, N, M), 0, N)
    data = jnp.concatenate([dist, idx.astype(jnp.float32)], axis=-1)
    emb_table = jax.random.normal(ks[2], (N, H_A), dtype=jnp.float32)
    d_in = 2 * H_A + H_B
    W_fc = jax.random.normal(ks[3], (N_CONV, d_in, 2 * H_A), dtype=jnp.float32) / np.sqrt(d_in)
    b_fc = jnp.zeros((N_CONV, 2 * H_A), dtype=jnp.float32)
    gamma_h = jnp.ones((N_CONV, 2 * H_A), dtype=jnp.float32)
    beta_h = jnp.zeros((N_CONV, 2 * H_A), dtype=jnp.float32)
    gamma_o = jnp.ones((N_CONV, H_A), dtype=jnp.float32)
    beta_o = jnp.zeros((N_CONV, H_A), dtype=jnp.float32)
    W_cls = jax.random.normal(ks[4], (H_A, N_CLASSES), dtype=jnp.float32) / np.sqrt(H_A)
    b_cls = jnp.zeros((N_CLASSES,), dtype=jnp.float32)
    return {"data": data, "emb_table": emb_table, "W_fc": W_fc, "b_fc": b_fc,
            "gamma_h": gamma_h, "beta_h": beta_h, "gamma_o": gamma_o, "beta_o": beta_o,
            "W_cls": W_cls, "b_cls": b_cls}


def _batchnorm(x, gamma, beta, eps=1e-5):
    # BatchNorm1d in training mode (batch statistics), affine params gamma/beta
    mean = jnp.mean(x, axis=0, keepdims=True)
    var = jnp.var(x, axis=0, keepdims=True)
    return (x - mean) / jnp.sqrt(var + eps) * gamma + beta


def reference(data, emb_table, W_fc, b_fc, gamma_h, beta_h, gamma_o, beta_o, W_cls, b_cls):
    n = data.shape[-1]
    dist = data[:, :, : n // 2]                                   # [B,N,M]
    idx = jax.lax.stop_gradient(data[:, :, n // 2:]).astype(jnp.int32)  # [B,N,M]
    # GaussianDistance.expand
    nbr_emb = jnp.exp(-((dist[..., None] - FILT) ** 2) / (STEP ** 2))   # [B,N,M,H_B]
    # atom embedding: table row per atom index (arange(N) repeated over batch)
    atom_emb = jnp.broadcast_to(emb_table[None, :, :], (B, N, H_A))
    for l in range(N_CONV):
        # gather neighbor embeddings
        gathered = jnp.take_along_axis(atom_emb, idx.reshape(B, N * M, 1), axis=1).reshape(B, N, M, H_A)
        self_emb = jnp.broadcast_to(atom_emb[:, :, None, :], (B, N, M, H_A))
        total = jnp.concatenate([self_emb, gathered, nbr_emb], axis=-1)  # [B,N,M,2*H_A+H_B]
        gated = total @ W_fc[l] + b_fc[l]                                # [B,N,M,2*H_A]
        gated = _batchnorm(gated.reshape(-1, 2 * H_A), gamma_h[l], beta_h[l]).reshape(B, N, M, 2 * H_A)
        nbr_filter, nbr_core = jnp.split(gated, 2, axis=-1)
        nbr_filter = jax.nn.sigmoid(nbr_filter)
        nbr_core = jax.nn.relu(nbr_core)
        nbr_summed = jnp.sum(nbr_filter * nbr_core, axis=2)              # [B,N,H_A]
        nbr_summed = _batchnorm(nbr_summed.reshape(-1, H_A), gamma_o[l], beta_o[l]).reshape(B, N, H_A)
        out = jax.nn.relu(atom_emb + nbr_summed)
        atom_emb = atom_emb + out  # residual=True
    atom_emb = jax.nn.relu(atom_emb)
    pooled = jnp.sum(atom_emb, axis=1) / N                               # mean pooling over atoms
    logits = pooled @ W_cls + b_cls
    return jax.nn.softmax(logits, axis=-1)

if __name__ == "__main__":
    import jax
    _d = setup_inputs()
    print(jax.jit(kernel)(*tuple(_d.values())))

</pallas_src>

<mosaic_0001>
#map = affine_map<(d0, d1) -> (0, 0)>
module attributes {stable_mosaic.version = 14 : i64} {
  func.func @k(%arg0: i32, %arg1: i32, %arg2: memref<8000x32xf32, #tpu.memory_space<hbm>>, %arg3: memref<1x256000xi32, #tpu.memory_space<hbm>>, %arg4: memref<256000x32xf32, #tpu.memory_space<hbm>>) attributes {dimension_semantics = [#tpu.dimension_semantics<core_parallel>, #tpu.dimension_semantics<subcore_parallel>], iteration_bounds = array<i64: 2, 16>, scalar_prefetch = 0 : i64, scratch_operands = 0 : i64, tpu.core_type = #tpu.core_type<sc_vector_subcore>, window_params = [{transform_indices = #map}, {transform_indices = #map}, {transform_indices = #map}]} {
    %mul3A = arith.constant 1 : i32
    %mul3A_0 = arith.muli %arg1, %mul3A : i32
    %add3A = arith.constant 0 : i32
    %add3A_1 = arith.addi %add3A, %mul3A_0 : i32
    %mul3A_2 = arith.constant 16 : i32
    %mul3A_3 = arith.muli %arg0, %mul3A_2 : i32
    %add3A_4 = arith.addi %add3A_1, %mul3A_3 : i32
    %lt3A = arith.constant 16 : i32
    %lt3A_5 = arith.cmpi slt, %add3A_4, %lt3A : i32
    %jit3A = arith.constant 63 : i32
    %jit3A_6 = arith.constant 62 : i32
    %select_n3A = arith.select %lt3A_5, %jit3A, %jit3A_6 : i32
    %lt3A_7 = arith.constant 16 : i32
    %lt3A_8 = arith.cmpi slt, %add3A_4, %lt3A_7 : i32
    %mul3A_9 = arith.muli %add3A_4, %select_n3A : i32
    %mul3A_10 = arith.constant 62 : i32
    %mul3A_11 = arith.muli %add3A_4, %mul3A_10 : i32
    %add3A_12 = arith.constant 16 : i32
    %add3A_13 = arith.addi %mul3A_11, %add3A_12 : i32
    %select_n3A_14 = arith.select %lt3A_8, %mul3A_9, %add3A_13 : i32
    %mul3A_15 = arith.constant 1 : i32
    %mul3A_16 = arith.muli %mul3A_15, %select_n3A : i32
    "tpu.region"() ({
      %run_scoped3A = memref.alloca() : memref<2x1x128xi32, #tpu.memory_space<vmem>>
      %run_scoped3A_17 = tpu.sem_alloc : memref<2x!tpu.dma_semaphore, #tpu.memory_space<semaphore_mem>>
      %run_scoped3A_18 = memref.alloca() : memref<2x128x32xf32, #tpu.memory_space<vmem>>
      %run_scoped3A_19 = tpu.sem_alloc : memref<2x!tpu.dma_semaphore, #tpu.memory_space<semaphore_mem>>
      %gt3A = arith.constant 0 : i32
      %gt3A_20 = arith.cmpi sgt, %mul3A_16, %gt3A : i32
      %convert_element_type3A = arith.extui %gt3A_20 : i1 to i32
      %cond3A = arith.constant 0 : i32
      %cond3A_21 = arith.cmpi ne, %convert_element_type3A, %cond3A : i32
      scf.if %cond3A_21 {
        %mul3A_22 = arith.constant 1 : i32
        %mul3A_23 = arith.muli %mul3A_22, %select_n3A : i32
        %sub3A = arith.constant 1 : i32
        %sub3A_24 = arith.subi %mul3A_23, %sub3A : i32
        %eq3A = arith.constant 0 : i32
        %eq3A_25 = arith.cmpi eq, %sub3A_24, %eq3A : i32
        %add3A_26 = arith.constant 0 : i32
        %add3A_27 = arith.addi %add3A_26, %select_n3A_14 : i32
        %select_n3A_28 = arith.constant true
        %select_n3A_29 = arith.constant 0 : i32
        %select_n3A_30 = arith.constant -1 : i32
        %select_n3A_31 = arith.select %select_n3A_28, %select_n3A_30, %select_n3A_29 : i32
        %eq3A_32 = arith.constant -1 : i32
        %eq3A_33 = arith.cmpi eq, %select_n3A_31, %eq3A_32 : i32
        %sub3A_34 = arith.constant 1 : i32
        %sub3A_35 = arith.subi %select_n3A, %sub3A_34 : i32
        %select_n3A_36 = arith.select %eq3A_33, %sub3A_35, %select_n3A_31 : i32
        %add3A_37 = arith.addi %select_n3A_36, %select_n3A_14 : i32
        %select_n3A_38 = arith.constant true
        %select_n3A_39 = arith.constant 0 : i32
        %select_n3A_40 = arith.constant 1 : i32
        %select_n3A_41 = arith.select %select_n3A_38, %select_n3A_40, %select_n3A_39 : i32
        %eq3A_42 = arith.cmpi eq, %select_n3A_41, %select_n3A : i32
        %select_n3A_43 = arith.constant 0 : i32
        %select_n3A_44 = arith.select %eq3A_42, %select_n3A_43, %select_n3A_41 : i32
        %add3A_45 = arith.addi %select_n3A_44, %select_n3A_14 : i32
        %add3A_46 = arith.constant 1 : i32
        %add3A_47 = arith.addi %select_n3A_44, %add3A_46 : i32
        %select_n3A_48 = arith.constant true
        %select_n3A_49 = arith.select %select_n3A_48, %add3A_47, %select_n3A_44 : i32
        %eq3A_50 = arith.cmpi eq, %select_n3A_49, %select_n3A : i32
        %select_n3A_51 = arith.constant 0 : i32
        %select_n3A_52 = arith.select %eq3A_50, %select_n3A_51, %select_n3A_49 : i32
        %add3A_53 = arith.addi %select_n3A_52, %select_n3A_14 : i32
        "tpu.trace_start"() <{level = 10 : i32, message = "ep_initialize_0"}> : () -> ()
        %rem3A = arith.constant 0 : i32
        %rem3A_54 = arith.constant 2 : i32
        %rem3A_55 = arith.remui %rem3A, %rem3A_54 : i32
        %mul3A_56 = arith.constant 128 : i32
        %mul3A_57 = arith.muli %mul3A_56, %add3A_27 : i32
        %dma_start3A = arith.constant 0 : i32
        %dma_start3A_58 = arith.constant 0 : i32
        %dma_start3A_59 = tpu.memref_slice %run_scoped3A[%rem3A_55, %dma_start3A, %dma_start3A_58] : memref<2x1x128xi32, #tpu.memory_space<vmem>> -> memref<1x1x128xi32, #tpu.memory_space<vmem>>
        %dma_start3A_60 = tpu.memref_squeeze %dma_start3A_59 : memref<1x1x128xi32, #tpu.memory_space<vmem>> -> memref<1x128xi32, #tpu.memory_space<vmem>>
        %dma_start3A_61 = arith.constant 0 : i32
        %dma_start3A_62 = tpu.memref_slice %arg3[%dma_start3A_61, %mul3A_57] : memref<1x256000xi32, #tpu.memory_space<hbm>> -> memref<1x128xi32, #tpu.memory_space<hbm>>
        %dma_start3A_63 = tpu.memref_slice %run_scoped3A_17[%rem3A_55] : memref<2x!tpu.dma_semaphore, #tpu.memory_space<semaphore_mem>> -> memref<1x!tpu.dma_semaphore, #tpu.memory_space<semaphore_mem>>
        %dma_start3A_64 = tpu.memref_squeeze %dma_start3A_63 : memref<1x!tpu.dma_semaphore, #tpu.memory_space<semaphore_mem>> -> memref<!tpu.dma_semaphore, #tpu.memory_space<semaphore_mem>>
        %dma_start3A_65 = arith.constant 0 : i32
        %dma_start3A_66 = arith.constant 0 : i32
        %dma_start3A_67 = tpu.memref_slice %run_scoped3A[%rem3A_55, %dma_start3A_65, %dma_start3A_66] : memref<2x1x128xi32, #tpu.memory_space<vmem>> -> memref<1x1x128xi32, #tpu.memory_space<vmem>>
        %dma_start3A_68 = tpu.memref_squeeze %dma_start3A_67 : memref<1x1x128xi32, #tpu.memory_space<vmem>> -> memref<1x128xi32, #tpu.memory_space<vmem>>
        %dma_start3A_69 = arith.constant 0 : i32
        %dma_start3A_70 = tpu.memref_slice %arg3[%dma_start3A_69, %mul3A_57] : memref<1x256000xi32, #tpu.memory_space<hbm>> -> memref<1x128xi32, #tpu.memory_space<hbm>>
        tpu.enqueue_dma source(%dma_start3A_70 : memref<1x128xi32, #tpu.memory_space<hbm>>) target(%dma_start3A_68 : memref<1x128xi32, #tpu.memory_space<vmem>>) target_semaphore(%dma_start3A_64 : memref<!tpu.dma_semaphore, #tpu.memory_space<semaphore_mem>>)
        %add3A_71 = arith.constant 0 : i32
        %add3A_72 = arith.constant 1 : i32
        %add3A_73 = arith.addi %add3A_71, %add3A_72 : i32
        %select_n3A_74 = arith.constant true
        %select_n3A_75 = arith.constant 0 : i32
        %select_n3A_76 = arith.select %select_n3A_74, %add3A_73, %select_n3A_75 : i32
        %while3A = arith.constant 0 : i32
        %while3A_77 = arith.constant 0 : i32
        %while3A_78 = arith.constant 0 : i32
        %while3A_79 = arith.constant 0 : i32
        %while3A_80 = arith.constant 0 : i32
        "tpu.trace_stop"() : () -> ()
        %while3A_81 = arith.subi %mul3A_16, %while3A : i32
        %while3A_82 = arith.addi %while3A, %while3A_81 : i32
        %while3A_83 = arith.constant 1 : i32
        %while3A_84 = arith.divsi %while3A_81, %while3A_83 : i32
        %while3A_85 = arith.muli %while3A_84, %while3A_83 : i32
        %while3A_86 = arith.addi %while3A, %while3A_85 : i32
        %while3A_87 = arith.constant 1 : i32
        %while3A_88:5 = scf.for %while3A_142 = %while3A to %while3A_86 step %while3A_87 iter_args(%while3A_143 = %select_n3A_76, %while3A_144 = %while3A_77, %while3A_145 = %while3A_78, %while3A_146 = %while3A_79, %while3A_147 = %while3A_80) -> (i32, i32, i32, i32, i32)  : i32 {
          %mul3A_148 = arith.constant 1 : i32
          %mul3A_149 = arith.muli %mul3A_148, %select_n3A : i32
          %eq3A_150 = arith.constant 0 : i32
          %eq3A_151 = arith.cmpi eq, %while3A_142, %eq3A_150 : i32
          %sub3A_152 = arith.constant 1 : i32
          %sub3A_153 = arith.subi %mul3A_149, %sub3A_152 : i32
          %eq3A_154 = arith.cmpi eq, %while3A_142, %sub3A_153 : i32
          %add3A_155 = arith.addi %while3A_147, %select_n3A_14 : i32
          %sub3A_156 = arith.constant 1 : i32
          %sub3A_157 = arith.subi %while3A_147, %sub3A_156 : i32
          %select_n3A_158 = arith.constant true
          %select_n3A_159 = arith.select %select_n3A_158, %sub3A_157, %while3A_147 : i32
          %eq3A_160 = arith.constant -1 : i32
          %eq3A_161 = arith.cmpi eq, %select_n3A_159, %eq3A_160 : i32
          %sub3A_162 = arith.constant 1 : i32
          %sub3A_163 = arith.subi %select_n3A, %sub3A_162 : i32
          %select_n3A_164 = arith.select %eq3A_161, %sub3A_163, %select_n3A_159 : i32
          %add3A_165 = arith.addi %select_n3A_164, %select_n3A_14 : i32
          %add3A_166 = arith.constant 1 : i32
          %add3A_167 = arith.addi %while3A_147, %add3A_166 : i32
          %select_n3A_168 = arith.constant true
          %select_n3A_169 = arith.select %select_n3A_168, %add3A_167, %while3A_147 : i32
          %eq3A_170 = arith.cmpi eq, %select_n3A_169, %select_n3A : i32
          %select_n3A_171 = arith.constant 0 : i32
          %select_n3A_172 = arith.select %eq3A_170, %select_n3A_171, %select_n3A_169 : i32
          %add3A_173 = arith.addi %select_n3A_172, %select_n3A_14 : i32
          %add3A_174 = arith.constant 1 : i32
          %add3A_175 = arith.addi %select_n3A_172, %add3A_174 : i32
          %select_n3A_176 = arith.constant true
          %select_n3A_177 = arith.select %select_n3A_176, %add3A_175, %select_n3A_172 : i32
          %eq3A_178 = arith.cmpi eq, %select_n3A_177, %select_n3A : i32
          %select_n3A_179 = arith.constant 0 : i32
          %select_n3A_180 = arith.select %eq3A_178, %select_n3A_179, %select_n3A_177 : i32
          %add3A_181 = arith.addi %select_n3A_180, %select_n3A_14 : i32
          %ne3A = arith.cmpi ne, %add3A_155, %add3A_173 : i32
          %or3A = arith.constant false
          %or3A_182 = arith.ori %or3A, %ne3A : i1
          %sub3A_183 = arith.constant 2 : i32
          %sub3A_184 = arith.subi %mul3A_149, %sub3A_183 : i32
          %add3A_185 = arith.constant 1 : i32
          %add3A_186 = arith.addi %sub3A_184, %add3A_185 : i32
          %ge3A = arith.cmpi sge, %while3A_142, %add3A_186 : i32
          %not3A = arith.constant true
          %not3A_187 = arith.xori %ge3A, %not3A : i1
          %and3A = arith.andi %or3A_182, %not3A_187 : i1
          %convert_element_type3A_188 = arith.extui %and3A : i1 to i32
          %cond3A_189 = arith.constant 0 : i32
          %cond3A_190 = arith.cmpi ne, %convert_element_type3A_188, %cond3A_189 : i32
          scf.if %cond3A_190 {
            "tpu.trace_start"() <{level = 10 : i32, message = "ep_copy_in"}> : () -> ()
            %rem3A_294 = arith.constant 2 : i32
            %rem3A_295 = arith.remui %while3A_143, %rem3A_294 : i32
            %mul3A_296 = arith.constant 128 : i32
            %mul3A_297 = arith.muli %mul3A_296, %add3A_173 : i32
            %dma_start3A_298 = arith.constant 0 : i32
            %dma_start3A_299 = arith.constant 0 : i32
            %dma_start3A_300 = tpu.memref_slice %run_scoped3A[%rem3A_295, %dma_start3A_298, %dma_start3A_299] : memref<2x1x128xi32, #tpu.memory_space<vmem>> -> memref<1x1x128xi32, #tpu.memory_space<vmem>>
            %dma_start3A_301 = tpu.memref_squeeze %dma_start3A_300 : memref<1x1x128xi32, #tpu.memory_space<vmem>> -> memref<1x128xi32, #tpu.memory_space<vmem>>
            %dma_start3A_302 = arith.constant 0 : i32
            %dma_start3A_303 = tpu.memref_slice %arg3[%dma_start3A_302, %mul3A_297] : memref<1x256000xi32, #tpu.memory_space<hbm>> -> memref<1x128xi32, #tpu.memory_space<hbm>>
            %dma_start3A_304 = tpu.memref_slice %run_scoped3A_17[%rem3A_295] : memref<2x!tpu.dma_semaphore, #tpu.memory_space<semaphore_mem>> -> memref<1x!tpu.dma_semaphore, #tpu.memory_space<semaphore_mem>>
            %dma_start3A_305 = tpu.memref_squeeze %dma_start3A_304 : memref<1x!tpu.dma_semaphore, #tpu.memory_space<semaphore_mem>> -> memref<!tpu.dma_semaphore, #tpu.memory_space<semaphore_mem>>
            %dma_start3A_306 = arith.constant 0 : i32
            %dma_start3A_307 = arith.constant 0 : i32
            %dma_start3A_308 = tpu.memref_slice %run_scoped3A[%rem3A_295, %dma_start3A_306, %dma_start3A_307] : memref<2x1x128xi32, #tpu.memory_space<vmem>> -> memref<1x1x128xi32, #tpu.memory_space<vmem>>
            %dma_start3A_309 = tpu.memref_squeeze %dma_start3A_308 : memref<1x1x128xi32, #tpu.memory_space<vmem>> -> memref<1x128xi32, #tpu.memory_space<vmem>>
            %dma_start3A_310 = arith.constant 0 : i32
            %dma_start3A_311 = tpu.memref_slice %arg3[%dma_start3A_310, %mul3A_297] : memref<1x256000xi32, #tpu.memory_space<hbm>> -> memref<1x128xi32, #tpu.memory_space<hbm>>
            tpu.enqueue_dma source(%dma_start3A_311 : memref<1x128xi32, #tpu.memory_space<hbm>>) target(%dma_start3A_309 : memref<1x128xi32, #tpu.memory_space<vmem>>) target_semaphore(%dma_start3A_305 : memref<!tpu.dma_semaphore, #tpu.memory_space<semaphore_mem>>)
            "tpu.trace_stop"() : () -> ()
          } else {
          }
          %and3A_191 = arith.constant true
          %and3A_192 = arith.andi %and3A, %and3A_191 : i1
          %add3A_193 = arith.constant 1 : i32
          %add3A_194 = arith.addi %while3A_143, %add3A_193 : i32
          %select_n3A_195 = arith.select %and3A_192, %add3A_194, %while3A_143 : i32
          %ne3A_196 = arith.cmpi ne, %add3A_155, %add3A_173 : i32
          %or3A_197 = arith.constant false
          %or3A_198 = arith.ori %or3A_197, %ne3A_196 : i1
          %or3A_199 = arith.constant false
          %or3A_200 = arith.ori %or3A_198, %or3A_199 : i1
          %sub3A_201 = arith.constant 2 : i32
          %sub3A_202 = arith.subi %mul3A_149, %sub3A_201 : i32
          %add3A_203 = arith.constant 1 : i32
          %add3A_204 = arith.addi %sub3A_202, %add3A_203 : i32
          %ge3A_205 = arith.cmpi sge, %while3A_142, %add3A_204 : i32
          %not3A_206 = arith.constant true
          %not3A_207 = arith.xori %ge3A_205, %not3A_206 : i1
          %and3A_208 = arith.andi %or3A_200, %not3A_207 : i1
          %ne3A_209 = arith.cmpi ne, %add3A_155, %add3A_165 : i32
          %or3A_210 = arith.constant false
          %or3A_211 = arith.ori %or3A_210, %ne3A_209 : i1
          %or3A_212 = arith.ori %or3A_211, %eq3A_151 : i1
          %convert_element_type3A_213 = arith.extui %or3A_212 : i1 to i32
          %cond3A_214 = arith.constant 0 : i32
          %cond3A_215 = arith.cmpi ne, %convert_element_type3A_213, %cond3A_214 : i32
          scf.if %cond3A_215 {
            "tpu.trace_start"() <{level = 10 : i32, message = "ep_wait_in"}> : () -> ()
            %mul3A_294 = arith.constant 128 : i32
            %mul3A_295 = arith.muli %mul3A_294, %add3A_155 : i32
            %rem3A_296 = arith.constant 2 : i32
            %rem3A_297 = arith.remui %while3A_144, %rem3A_296 : i32
            %dma_wait3A = arith.constant 0 : i32
            %dma_wait3A_298 = arith.constant 0 : i32
            %dma_wait3A_299 = tpu.memref_slice %run_scoped3A[%rem3A_297, %dma_wait3A, %dma_wait3A_298] : memref<2x1x128xi32, #tpu.memory_space<vmem>> -> memref<1x1x128xi32, #tpu.memory_space<vmem>>
            %dma_wait3A_300 = tpu.memref_squeeze %dma_wait3A_299 : memref<1x1x128xi32, #tpu.memory_space<vmem>> -> memref<1x128xi32, #tpu.memory_space<vmem>>
            %dma_wait3A_301 = arith.constant 0 : i32
            %dma_wait3A_302 = tpu.memref_slice %arg3[%dma_wait3A_301, %mul3A_295] : memref<1x256000xi32, #tpu.memory_space<hbm>> -> memref<1x128xi32, #tpu.memory_space<hbm>>
            %dma_wait3A_303 = tpu.memref_slice %run_scoped3A_17[%rem3A_297] : memref<2x!tpu.dma_semaphore, #tpu.memory_space<semaphore_mem>> -> memref<1x!tpu.dma_semaphore, #tpu.memory_space<semaphore_mem>>
            %dma_wait3A_304 = tpu.memref_squeeze %dma_wait3A_303 : memref<1x!tpu.dma_semaphore, #tpu.memory_space<semaphore_mem>> -> memref<!tpu.dma_semaphore, #tpu.memory_space<semaphore_mem>>
            %dma_wait3A_305 = arith.constant 0 : i32
            %dma_wait3A_306 = arith.constant 0 : i32
            %dma_wait3A_307 = tpu.memref_slice %run_scoped3A[%rem3A_297, %dma_wait3A_305, %dma_wait3A_306] : memref<2x1x128xi32, #tpu.memory_space<vmem>> -> memref<1x1x128xi32, #tpu.memory_space<vmem>>
            %dma_wait3A_308 = tpu.memref_squeeze %dma_wait3A_307 : memref<1x1x128xi32, #tpu.memory_space<vmem>> -> memref<1x128xi32, #tpu.memory_space<vmem>>
            %dma_wait3A_309 = arith.constant 0 : i32
            %dma_wait3A_310 = tpu.memref_slice %arg3[%dma_wait3A_309, %mul3A_295] : memref<1x256000xi32, #tpu.memory_space<hbm>> -> memref<1x128xi32, #tpu.memory_space<hbm>>
            tpu.wait_dma2 semaphore(%dma_wait3A_304 : memref<!tpu.dma_semaphore, #tpu.memory_space<semaphore_mem>>) src(%dma_wait3A_310 : memref<1x128xi32, #tpu.memory_space<hbm>>) dst(%dma_wait3A_308 : memref<1x128xi32, #tpu.memory_space<vmem>>)
            "tpu.trace_stop"() : () -> ()
          } else {
          }
          %ne3A_216 = arith.cmpi ne, %add3A_155, %add3A_165 : i32
          %or3A_217 = arith.constant false
          %or3A_218 = arith.ori %or3A_217, %ne3A_216 : i1
          %or3A_219 = arith.constant false
          %or3A_220 = arith.ori %or3A_218, %or3A_219 : i1
          %or3A_221 = arith.ori %or3A_220, %eq3A_151 : i1
          %convert_element_type3A_222 = arith.extui %or3A_221 : i1 to i32
          %cond3A_223 = arith.constant 0 : i32
          %cond3A_224 = arith.cmpi ne, %convert_element_type3A_222, %cond3A_223 : i32
          scf.if %cond3A_224 {
          } else {
          }
          %rem3A_225 = arith.constant 2 : i32
          %rem3A_226 = arith.remui %while3A_144, %rem3A_225 : i32
          %rem3A_227 = arith.constant 2 : i32
          %rem3A_228 = arith.remui %while3A_145, %rem3A_227 : i32
          %run_scoped3A_229 = arith.constant 0 : i32
          "tpu.trace_start"() <{level = 10 : i32, message = "ep_run_kernel"}> : () -> ()
          "tpu.region"() ({
            %run_scoped3A_294 = tpu.sem_alloc : memref<!tpu.dma_semaphore, #tpu.memory_space<semaphore_mem>>
            %dma_start3A_295 = arith.constant 0 : i32
            %dma_start3A_296 = arith.constant 0 : i32
            %dma_start3A_297 = tpu.memref_slice %run_scoped3A_18[%rem3A_228, %dma_start3A_295, %dma_start3A_296] : memref<2x128x32xf32, #tpu.memory_space<vmem>> -> memref<1x128x32xf32, #tpu.memory_space<vmem>>
            %dma_start3A_298 = tpu.memref_squeeze %dma_start3A_297 : memref<1x128x32xf32, #tpu.memory_space<vmem>> -> memref<128x32xf32, #tpu.memory_space<vmem>>
            %dma_start3A_299 = arith.constant 0 : i32
            %dma_start3A_300 = arith.constant 0 : i32
            %dma_start3A_301 = tpu.memref_slice %run_scoped3A[%rem3A_226, %dma_start3A_299, %dma_start3A_300] : memref<2x1x128xi32, #tpu.memory_space<vmem>> -> memref<1x1x128xi32, #tpu.memory_space<vmem>>
            %dma_start3A_302 = tpu.memref_squeeze %dma_start3A_301 : memref<1x1x128xi32, #tpu.memory_space<vmem>> -> memref<1x128xi32, #tpu.memory_space<vmem>>
            %dma_start3A_303 = arith.constant 0 : i32
            %dma_start3A_304 = tpu.memref_slice %dma_start3A_302[%run_scoped3A_229, %dma_start3A_303] : memref<1x128xi32, #tpu.memory_space<vmem>> -> memref<1x128xi32, #tpu.memory_space<vmem>>
            %dma_start3A_305 = tpu.memref_squeeze %dma_start3A_304 : memref<1x128xi32, #tpu.memory_space<vmem>> -> memref<128xi32, #tpu.memory_space<vmem>>
            %dma_start3A_306 = arith.constant 0 : i32
            %dma_start3A_307 = arith.constant 0 : i32
            %dma_start3A_308 = tpu.memref_slice %arg2[%dma_start3A_306, %dma_start3A_307] : memref<8000x32xf32, #tpu.memory_space<hbm>> -> memref<8000x32xf32, #tpu.memory_space<hbm>>
            tpu.enqueue_indirect_dma source(%dma_start3A_308 : memref<8000x32xf32, #tpu.memory_space<hbm>>) target(%dma_start3A_298 : memref<128x32xf32, #tpu.memory_space<vmem>>) offsets(%dma_start3A_305 : memref<128xi32, #tpu.memory_space<vmem>>) semaphore(%run_scoped3A_294 : memref<!tpu.dma_semaphore, #tpu.memory_space<semaphore_mem>>)
            %dma_wait3A = arith.constant 0 : i32
            %dma_wait3A_309 = arith.constant 0 : i32
            %dma_wait3A_310 = tpu.memref_slice %run_scoped3A_18[%rem3A_228, %dma_wait3A, %dma_wait3A_309] : memref<2x128x32xf32, #tpu.memory_space<vmem>> -> memref<1x128x32xf32, #tpu.memory_space<vmem>>
            %dma_wait3A_311 = tpu.memref_squeeze %dma_wait3A_310 : memref<1x128x32xf32, #tpu.memory_space<vmem>> -> memref<128x32xf32, #tpu.memory_space<vmem>>
            %dma_wait3A_312 = arith.constant 0 : i32
            %dma_wait3A_313 = arith.constant 0 : i32
            %dma_wait3A_314 = tpu.memref_slice %run_scoped3A[%rem3A_226, %dma_wait3A_312, %dma_wait3A_313] : memref<2x1x128xi32, #tpu.memory_space<vmem>> -> memref<1x1x128xi32, #tpu.memory_space<vmem>>
            %dma_wait3A_315 = tpu.memref_squeeze %dma_wait3A_314 : memref<1x1x128xi32, #tpu.memory_space<vmem>> -> memref<1x128xi32, #tpu.memory_space<vmem>>
            %dma_wait3A_316 = arith.constant 0 : i32
            %dma_wait3A_317 = tpu.memref_slice %dma_wait3A_315[%run_scoped3A_229, %dma_wait3A_316] : memref<1x128xi32, #tpu.memory_space<vmem>> -> memref<1x128xi32, #tpu.memory_space<vmem>>
            %dma_wait3A_318 = tpu.memref_squeeze %dma_wait3A_317 : memref<1x128xi32, #tpu.memory_space<vmem>> -> memref<128xi32, #tpu.memory_space<vmem>>
            %dma_wait3A_319 = arith.constant 0 : i32
            %dma_wait3A_320 = arith.constant 0 : i32
            %dma_wait3A_321 = tpu.memref_slice %arg2[%dma_wait3A_319, %dma_wait3A_320] : memref<8000x32xf32, #tpu.memory_space<hbm>> -> memref<8000x32xf32, #tpu.memory_space<hbm>>
            tpu.wait_indirect_dma semaphore(%run_scoped3A_294 : memref<!tpu.dma_semaphore, #tpu.memory_space<semaphore_mem>>) src(%dma_wait3A_321 : memref<8000x32xf32, #tpu.memory_space<hbm>>) dst(%dma_wait3A_311 : memref<128x32xf32, #tpu.memory_space<vmem>>)
            tpu.yield
          }) : () -> ()
          "tpu.trace_stop"() : () -> ()
          %ne3A_230 = arith.cmpi ne, %add3A_155, %add3A_173 : i32
          %or3A_231 = arith.constant false
          %or3A_232 = arith.ori %or3A_231, %ne3A_230 : i1
          %or3A_233 = arith.ori %or3A_232, %eq3A_154 : i1
          %convert_element_type3A_234 = arith.extui %or3A_233 : i1 to i32
          %cond3A_235 = arith.constant 0 : i32
          %cond3A_236 = arith.cmpi ne, %convert_element_type3A_234, %cond3A_235 : i32
          scf.if %cond3A_236 {
          } else {
          }
          %and3A_237 = arith.constant false
          %and3A_238 = arith.andi %or3A_233, %and3A_237 : i1
          %ne3A_239 = arith.cmpi ne, %add3A_155, %add3A_173 : i32
          %or3A_240 = arith.constant false
          %or3A_241 = arith.ori %or3A_240, %ne3A_239 : i1
          %or3A_242 = arith.constant false
          %or3A_243 = arith.ori %or3A_241, %or3A_242 : i1
          %or3A_244 = arith.ori %or3A_243, %eq3A_154 : i1
          %convert_element_type3A_245 = arith.extui %or3A_244 : i1 to i32
          %cond3A_246 = arith.constant 0 : i32
          %cond3A_247 = arith.cmpi ne, %convert_element_type3A_245, %cond3A_246 : i32
          scf.if %cond3A_247 {
            "tpu.trace_start"() <{level = 10 : i32, message = "ep_copy_out"}> : () -> ()
            %rem3A_294 = arith.constant 2 : i32
            %rem3A_295 = arith.remui %while3A_145, %rem3A_294 : i32
            %mul3A_296 = arith.constant 128 : i32
            %mul3A_297 = arith.muli %mul3A_296, %add3A_155 : i32
            %dma_start3A_298 = arith.constant 0 : i32
            %dma_start3A_299 = arith.constant 0 : i32
            %dma_start3A_300 = tpu.memref_slice %run_scoped3A_18[%rem3A_295, %dma_start3A_298, %dma_start3A_299] : memref<2x128x32xf32, #tpu.memory_space<vmem>> -> memref<1x128x32xf32, #tpu.memory_space<vmem>>
            %dma_start3A_301 = tpu.memref_squeeze %dma_start3A_300 : memref<1x128x32xf32, #tpu.memory_space<vmem>> -> memref<128x32xf32, #tpu.memory_space<vmem>>
            %dma_start3A_302 = arith.constant 0 : i32
            %dma_start3A_303 = tpu.memref_slice %arg4[%mul3A_297, %dma_start3A_302] : memref<256000x32xf32, #tpu.memory_space<hbm>> -> memref<128x32xf32, #tpu.memory_space<hbm>>
            %dma_start3A_304 = tpu.memref_slice %run_scoped3A_19[%rem3A_295] : memref<2x!tpu.dma_semaphore, #tpu.memory_space<semaphore_mem>> -> memref<1x!tpu.dma_semaphore, #tpu.memory_space<semaphore_mem>>
            %dma_start3A_305 = tpu.memref_squeeze %dma_start3A_304 : memref<1x!tpu.dma_semaphore, #tpu.memory_space<semaphore_mem>> -> memref<!tpu.dma_semaphore, #tpu.memory_space<semaphore_mem>>
            %dma_start3A_306 = arith.constant 0 : i32
            %dma_start3A_307 = tpu.memref_slice %arg4[%mul3A_297, %dma_start3A_306] : memref<256000x32xf32, #tpu.memory_space<hbm>> -> memref<128x32xf32, #tpu.memory_space<hbm>>
            %dma_start3A_308 = arith.constant 0 : i32
            %dma_start3A_309 = arith.constant 0 : i32
            %dma_start3A_310 = tpu.memref_slice %run_scoped3A_18[%rem3A_295, %dma_start3A_308, %dma_start3A_309] : memref<2x128x32xf32, #tpu.memory_space<vmem>> -> memref<1x128x32xf32, #tpu.memory_space<vmem>>
            %dma_start3A_311 = tpu.memref_squeeze %dma_start3A_310 : memref<1x128x32xf32, #tpu.memory_space<vmem>> -> memref<128x32xf32, #tpu.memory_space<vmem>>
            tpu.enqueue_dma source(%dma_start3A_311 : memref<128x32xf32, #tpu.memory_space<vmem>>) target(%dma_start3A_307 : memref<128x32xf32, #tpu.memory_space<hbm>>) target_semaphore(%dma_start3A_305 : memref<!tpu.dma_semaphore, #tpu.memory_space<semaphore_mem>>)
            "tpu.trace_stop"() : () -> ()
          } else {
          }
          %and3A_248 = arith.constant true
          %and3A_249 = arith.andi %or3A_244, %and3A_248 : i1
          %add3A_250 = arith.constant 1 : i32
          %add3A_251 = arith.addi %while3A_145, %add3A_250 : i32
          %select_n3A_252 = arith.select %and3A_249, %add3A_251, %while3A_145 : i32
          %ne3A_253 = arith.cmpi ne, %add3A_155, %add3A_165 : i32
          %or3A_254 = arith.constant false
          %or3A_255 = arith.ori %or3A_254, %ne3A_253 : i1
          %not3A_256 = arith.constant true
          %not3A_257 = arith.xori %eq3A_151, %not3A_256 : i1
          %and3A_258 = arith.andi %or3A_255, %not3A_257 : i1
          %convert_element_type3A_259 = arith.extui %and3A_258 : i1 to i32
          %cond3A_260 = arith.constant 0 : i32
          %cond3A_261 = arith.cmpi ne, %convert_element_type3A_259, %cond3A_260 : i32
          scf.if %cond3A_261 {
          } else {
          }
          %and3A_262 = arith.constant false
          %and3A_263 = arith.andi %and3A_258, %and3A_262 : i1
          %ne3A_264 = arith.cmpi ne, %add3A_155, %add3A_165 : i32
          %or3A_265 = arith.constant false
          %or3A_266 = arith.ori %or3A_265, %ne3A_264 : i1
          %or3A_267 = arith.constant false
          %or3A_268 = arith.ori %or3A_266, %or3A_267 : i1
          %not3A_269 = arith.constant true
          %not3A_270 = arith.xori %eq3A_151, %not3A_269 : i1
          %and3A_271 = arith.andi %or3A_268, %not3A_270 : i1
          %convert_element_type3A_272 = arith.extui %and3A_271 : i1 to i32
          %cond3A_273 = arith.constant 0 : i32
          %cond3A_274 = arith.cmpi ne, %convert_element_type3A_272, %cond3A_273 : i32
          scf.if %cond3A_274 {
            "tpu.trace_start"() <{level = 10 : i32, message = "ep_wait_out"}> : () -> ()
            %rem3A_294 = arith.constant 2 : i32
            %rem3A_295 = arith.remui %while3A_146, %rem3A_294 : i32
            %mul3A_296 = arith.constant 128 : i32
            %mul3A_297 = arith.muli %mul3A_296, %add3A_165 : i32
            %dma_wait3A = arith.constant 0 : i32
            %dma_wait3A_298 = arith.constant 0 : i32
            %dma_wait3A_299 = tpu.memref_slice %run_scoped3A_18[%rem3A_295, %dma_wait3A, %dma_wait3A_298] : memref<2x128x32xf32, #tpu.memory_space<vmem>> -> memref<1x128x32xf32, #tpu.memory_space<vmem>>
            %dma_wait3A_300 = tpu.memref_squeeze %dma_wait3A_299 : memref<1x128x32xf32, #tpu.memory_space<vmem>> -> memref<128x32xf32, #tpu.memory_space<vmem>>
            %dma_wait3A_301 = arith.constant 0 : i32
            %dma_wait3A_302 = tpu.memref_slice %arg4[%mul3A_297, %dma_wait3A_301] : memref<256000x32xf32, #tpu.memory_space<hbm>> -> memref<128x32xf32, #tpu.memory_space<hbm>>
            %dma_wait3A_303 = tpu.memref_slice %run_scoped3A_19[%rem3A_295] : memref<2x!tpu.dma_semaphore, #tpu.memory_space<semaphore_mem>> -> memref<1x!tpu.dma_semaphore, #tpu.memory_space<semaphore_mem>>
            %dma_wait3A_304 = tpu.memref_squeeze %dma_wait3A_303 : memref<1x!tpu.dma_semaphore, #tpu.memory_space<semaphore_mem>> -> memref<!tpu.dma_semaphore, #tpu.memory_space<semaphore_mem>>
            %dma_wait3A_305 = arith.constant 0 : i32
            %dma_wait3A_306 = tpu.memref_slice %arg4[%mul3A_297, %dma_wait3A_305] : memref<256000x32xf32, #tpu.memory_space<hbm>> -> memref<128x32xf32, #tpu.memory_space<hbm>>
            %dma_wait3A_307 = arith.constant 0 : i32
            %dma_wait3A_308 = arith.constant 0 : i32
            %dma_wait3A_309 = tpu.memref_slice %run_scoped3A_18[%rem3A_295, %dma_wait3A_307, %dma_wait3A_308] : memref<2x128x32xf32, #tpu.memory_space<vmem>> -> memref<1x128x32xf32, #tpu.memory_space<vmem>>
            %dma_wait3A_310 = tpu.memref_squeeze %dma_wait3A_309 : memref<1x128x32xf32, #tpu.memory_space<vmem>> -> memref<128x32xf32, #tpu.memory_space<vmem>>
            tpu.wait_dma2 semaphore(%dma_wait3A_304 : memref<!tpu.dma_semaphore, #tpu.memory_space<semaphore_mem>>) src(%dma_wait3A_310 : memref<128x32xf32, #tpu.memory_space<vmem>>) dst(%dma_wait3A_306 : memref<128x32xf32, #tpu.memory_space<hbm>>)
            "tpu.trace_stop"() : () -> ()
          } else {
          }
          %and3A_275 = arith.constant true
          %and3A_276 = arith.andi %and3A_271, %and3A_275 : i1
          %add3A_277 = arith.constant 1 : i32
          %add3A_278 = arith.addi %while3A_146, %add3A_277 : i32
          %select_n3A_279 = arith.select %and3A_276, %add3A_278, %while3A_146 : i32
          %ne3A_280 = arith.cmpi ne, %add3A_155, %add3A_173 : i32
          %or3A_281 = arith.constant false
          %or3A_282 = arith.ori %or3A_281, %ne3A_280 : i1
          %or3A_283 = arith.ori %or3A_282, %eq3A_154 : i1
          %add3A_284 = arith.constant 1 : i32
          %add3A_285 = arith.addi %while3A_144, %add3A_284 : i32
          %select_n3A_286 = arith.select %or3A_283, %add3A_285, %while3A_144 : i32
          %add3A_287 = arith.constant 1 : i32
          %add3A_288 = arith.addi %while3A_147, %add3A_287 : i32
          %select_n3A_289 = arith.constant true
          %select_n3A_290 = arith.select %select_n3A_289, %add3A_288, %while3A_147 : i32
          %eq3A_291 = arith.cmpi eq, %select_n3A_290, %select_n3A : i32
          %select_n3A_292 = arith.constant 0 : i32
          %select_n3A_293 = arith.select %eq3A_291, %select_n3A_292, %select_n3A_290 : i32
          scf.yield %select_n3A_195, %select_n3A_286, %select_n3A_252, %select_n3A_279, %select_n3A_293 : i32, i32, i32, i32, i32
        }
        %while3A_89 = arith.constant 1 : i32
        %while3A_90:5 = scf.for %while3A_142 = %while3A_86 to %while3A_82 step %while3A_89 iter_args(%while3A_143 = %while3A_88#0, %while3A_144 = %while3A_88#1, %while3A_145 = %while3A_88#2, %while3A_146 = %while3A_88#3, %while3A_147 = %while3A_88#4) -> (i32, i32, i32, i32, i32)  : i32 {
          %mul3A_148 = arith.constant 1 : i32
          %mul3A_149 = arith.muli %mul3A_148, %select_n3A : i32
          %eq3A_150 = arith.constant 0 : i32
          %eq3A_151 = arith.cmpi eq, %while3A_142, %eq3A_150 : i32
          %sub3A_152 = arith.constant 1 : i32
          %sub3A_153 = arith.subi %mul3A_149, %sub3A_152 : i32
          %eq3A_154 = arith.cmpi eq, %while3A_142, %sub3A_153 : i32
          %add3A_155 = arith.addi %while3A_147, %select_n3A_14 : i32
          %sub3A_156 = arith.constant 1 : i32
          %sub3A_157 = arith.subi %while3A_147, %sub3A_156 : i32
          %select_n3A_158 = arith.constant true
          %select_n3A_159 = arith.select %select_n3A_158, %sub3A_157, %while3A_147 : i32
          %eq3A_160 = arith.constant -1 : i32
          %eq3A_161 = arith.cmpi eq, %select_n3A_159, %eq3A_160 : i32
          %sub3A_162 = arith.constant 1 : i32
          %sub3A_163 = arith.subi %select_n3A, %sub3A_162 : i32
          %select_n3A_164 = arith.select %eq3A_161, %sub3A_163, %select_n3A_159 : i32
          %add3A_165 = arith.addi %select_n3A_164, %select_n3A_14 : i32
          %add3A_166 = arith.constant 1 : i32
          %add3A_167 = arith.addi %while3A_147, %add3A_166 : i32
          %select_n3A_168 = arith.constant true
          %select_n3A_169 = arith.select %select_n3A_168, %add3A_167, %while3A_147 : i32
          %eq3A_170 = arith.cmpi eq, %select_n3A_169, %select_n3A : i32
          %select_n3A_171 = arith.constant 0 : i32
          %select_n3A_172 = arith.select %eq3A_170, %select_n3A_171, %select_n3A_169 : i32
          %add3A_173 = arith.addi %select_n3A_172, %select_n3A_14 : i32
          %add3A_174 = arith.constant 1 : i32
          %add3A_175 = arith.addi %select_n3A_172, %add3A_174 : i32
          %select_n3A_176 = arith.constant true
          %select_n3A_177 = arith.select %select_n3A_176, %add3A_175, %select_n3A_172 : i32
          %eq3A_178 = arith.cmpi eq, %select_n3A_177, %select_n3A : i32
          %select_n3A_179 = arith.constant 0 : i32
          %select_n3A_180 = arith.select %eq3A_178, %select_n3A_179, %select_n3A_177 : i32
          %add3A_181 = arith.addi %select_n3A_180, %select_n3A_14 : i32
          %ne3A = arith.cmpi ne, %add3A_155, %add3A_173 : i32
          %or3A = arith.constant false
          %or3A_182 = arith.ori %or3A, %ne3A : i1
          %sub3A_183 = arith.constant 2 : i32
          %sub3A_184 = arith.subi %mul3A_149, %sub3A_183 : i32
          %add3A_185 = arith.constant 1 : i32
          %add3A_186 = arith.addi %sub3A_184, %add3A_185 : i32
          %ge3A = arith.cmpi sge, %while3A_142, %add3A_186 : i32
          %not3A = arith.constant true
          %not3A_187 = arith.xori %ge3A, %not3A : i1
          %and3A = arith.andi %or3A_182, %not3A_187 : i1
          %convert_element_type3A_188 = arith.extui %and3A : i1 to i32
          %cond3A_189 = arith.constant 0 : i32
          %cond3A_190 = arith.cmpi ne, %convert_element_type3A_188, %cond3A_189 : i32
          scf.if %cond3A_190 {
            "tpu.trace_start"() <{level = 10 : i32, message = "ep_copy_in"}> : () -> ()
            %rem3A_294 = arith.constant 2 : i32
            %rem3A_295 = arith.remui %while3A_143, %rem3A_294 : i32
            %mul3A_296 = arith.constant 128 : i32
            %mul3A_297 = arith.muli %mul3A_296, %add3A_173 : i32
            %dma_start3A_298 = arith.constant 0 : i32
            %dma_start3A_299 = arith.constant 0 : i32
            %dma_start3A_300 = tpu.memref_slice %run_scoped3A[%rem3A_295, %dma_start3A_298, %dma_start3A_299] : memref<2x1x128xi32, #tpu.memory_space<vmem>> -> memref<1x1x128xi32, #tpu.memory_space<vmem>>
            %dma_start3A_301 = tpu.memref_squeeze %dma_start3A_300 : memref<1x1x128xi32, #tpu.memory_space<vmem>> -> memref<1x128xi32, #tpu.memory_space<vmem>>
            %dma_start3A_302 = arith.constant 0 : i32
            %dma_start3A_303 = tpu.memref_slice %arg3[%dma_start3A_302, %mul3A_297] : memref<1x256000xi32, #tpu.memory_space<hbm>> -> memref<1x128xi32, #tpu.memory_space<hbm>>
            %dma_start3A_304 = tpu.memref_slice %run_scoped3A_17[%rem3A_295] : memref<2x!tpu.dma_semaphore, #tpu.memory_space<semaphore_mem>> -> memref<1x!tpu.dma_semaphore, #tpu.memory_space<semaphore_mem>>
            %dma_start3A_305 = tpu.memref_squeeze %dma_start3A_304 : memref<1x!tpu.dma_semaphore, #tpu.memory_space<semaphore_mem>> -> memref<!tpu.dma_semaphore, #tpu.memory_space<semaphore_mem>>
            %dma_start3A_306 = arith.constant 0 : i32
            %dma_start3A_307 = arith.constant 0 : i32
            %dma_start3A_308 = tpu.memref_slice %run_scoped3A[%rem3A_295, %dma_start3A_306, %dma_start3A_307] : memref<2x1x128xi32, #tpu.memory_space<vmem>> -> memref<1x1x128xi32, #tpu.memory_space<vmem>>
            %dma_start3A_309 = tpu.memref_squeeze %dma_start3A_308 : memref<1x1x128xi32, #tpu.memory_space<vmem>> -> memref<1x128xi32, #tpu.memory_space<vmem>>
            %dma_start3A_310 = arith.constant 0 : i32
            %dma_start3A_311 = tpu.memref_slice %arg3[%dma_start3A_310, %mul3A_297] : memref<1x256000xi32, #tpu.memory_space<hbm>> -> memref<1x128xi32, #tpu.memory_space<hbm>>
            tpu.enqueue_dma source(%dma_start3A_311 : memref<1x128xi32, #tpu.memory_space<hbm>>) target(%dma_start3A_309 : memref<1x128xi32, #tpu.memory_space<vmem>>) target_semaphore(%dma_start3A_305 : memref<!tpu.dma_semaphore, #tpu.memory_space<semaphore_mem>>)
            "tpu.trace_stop"() : () -> ()
          } else {
          }
          %and3A_191 = arith.constant true
          %and3A_192 = arith.andi %and3A, %and3A_191 : i1
          %add3A_193 = arith.constant 1 : i32
          %add3A_194 = arith.addi %while3A_143, %add3A_193 : i32
          %select_n3A_195 = arith.select %and3A_192, %add3A_194, %while3A_143 : i32
          %ne3A_196 = arith.cmpi ne, %add3A_155, %add3A_173 : i32
          %or3A_197 = arith.constant false
          %or3A_198 = arith.ori %or3A_197, %ne3A_196 : i1
          %or3A_199 = arith.constant false
          %or3A_200 = arith.ori %or3A_198, %or3A_199 : i1
          %sub3A_201 = arith.constant 2 : i32
          %sub3A_202 = arith.subi %mul3A_149, %sub3A_201 : i32
          %add3A_203 = arith.constant 1 : i32
          %add3A_204 = arith.addi %sub3A_202, %add3A_203 : i32
          %ge3A_205 = arith.cmpi sge, %while3A_142, %add3A_204 : i32
          %not3A_206 = arith.constant true
          %not3A_207 = arith.xori %ge3A_205, %not3A_206 : i1
          %and3A_208 = arith.andi %or3A_200, %not3A_207 : i1
          %ne3A_209 = arith.cmpi ne, %add3A_155, %add3A_165 : i32
          %or3A_210 = arith.constant false
          %or3A_211 = arith.ori %or3A_210, %ne3A_209 : i1
          %or3A_212 = arith.ori %or3A_211, %eq3A_151 : i1
          %convert_element_type3A_213 = arith.extui %or3A_212 : i1 to i32
          %cond3A_214 = arith.constant 0 : i32
          %cond3A_215 = arith.cmpi ne, %convert_element_type3A_213, %cond3A_214 : i32
          scf.if %cond3A_215 {
            "tpu.trace_start"() <{level = 10 : i32, message = "ep_wait_in"}> : () -> ()
            %mul3A_294 = arith.constant 128 : i32
            %mul3A_295 = arith.muli %mul3A_294, %add3A_155 : i32
            %rem3A_296 = arith.constant 2 : i32
            %rem3A_297 = arith.remui %while3A_144, %rem3A_296 : i32
            %dma_wait3A = arith.constant 0 : i32
            %dma_wait3A_298 = arith.constant 0 : i32
            %dma_wait3A_299 = tpu.memref_slice %run_scoped3A[%rem3A_297, %dma_wait3A, %dma_wait3A_298] : memref<2x1x128xi32, #tpu.memory_space<vmem>> -> memref<1x1x128xi32, #tpu.memory_space<vmem>>
            %dma_wait3A_300 = tpu.memref_squeeze %dma_wait3A_299 : memref<1x1x128xi32, #tpu.memory_space<vmem>> -> memref<1x128xi32, #tpu.memory_space<vmem>>
            %dma_wait3A_301 = arith.constant 0 : i32
            %dma_wait3A_302 = tpu.memref_slice %arg3[%dma_wait3A_301, %mul3A_295] : memref<1x256000xi32, #tpu.memory_space<hbm>> -> memref<1x128xi32, #tpu.memory_space<hbm>>
            %dma_wait3A_303 = tpu.memref_slice %run_scoped3A_17[%rem3A_297] : memref<2x!tpu.dma_semaphore, #tpu.memory_space<semaphore_mem>> -> memref<1x!tpu.dma_semaphore, #tpu.memory_space<semaphore_mem>>
            %dma_wait3A_304 = tpu.memref_squeeze %dma_wait3A_303 : memref<1x!tpu.dma_semaphore, #tpu.memory_space<semaphore_mem>> -> memref<!tpu.dma_semaphore, #tpu.memory_space<semaphore_mem>>
            %dma_wait3A_305 = arith.constant 0 : i32
            %dma_wait3A_306 = arith.constant 0 : i32
            %dma_wait3A_307 = tpu.memref_slice %run_scoped3A[%rem3A_297, %dma_wait3A_305, %dma_wait3A_306] : memref<2x1x128xi32, #tpu.memory_space<vmem>> -> memref<1x1x128xi32, #tpu.memory_space<vmem>>
            %dma_wait3A_308 = tpu.memref_squeeze %dma_wait3A_307 : memref<1x1x128xi32, #tpu.memory_space<vmem>> -> memref<1x128xi32, #tpu.memory_space<vmem>>
            %dma_wait3A_309 = arith.constant 0 : i32
            %dma_wait3A_310 = tpu.memref_slice %arg3[%dma_wait3A_309, %mul3A_295] : memref<1x256000xi32, #tpu.memory_space<hbm>> -> memref<1x128xi32, #tpu.memory_space<hbm>>
            tpu.wait_dma2 semaphore(%dma_wait3A_304 : memref<!tpu.dma_semaphore, #tpu.memory_space<semaphore_mem>>) src(%dma_wait3A_310 : memref<1x128xi32, #tpu.memory_space<hbm>>) dst(%dma_wait3A_308 : memref<1x128xi32, #tpu.memory_space<vmem>>)
            "tpu.trace_stop"() : () -> ()
          } else {
          }
          %ne3A_216 = arith.cmpi ne, %add3A_155, %add3A_165 : i32
          %or3A_217 = arith.constant false
          %or3A_218 = arith.ori %or3A_217, %ne3A_216 : i1
          %or3A_219 = arith.constant false
          %or3A_220 = arith.ori %or3A_218, %or3A_219 : i1
          %or3A_221 = arith.ori %or3A_220, %eq3A_151 : i1
          %convert_element_type3A_222 = arith.extui %or3A_221 : i1 to i32
          %cond3A_223 = arith.constant 0 : i32
          %cond3A_224 = arith.cmpi ne, %convert_element_type3A_222, %cond3A_223 : i32
          scf.if %cond3A_224 {
          } else {
          }
          %rem3A_225 = arith.constant 2 : i32
          %rem3A_226 = arith.remui %while3A_144, %rem3A_225 : i32
          %rem3A_227 = arith.constant 2 : i32
          %rem3A_228 = arith.remui %while3A_145, %rem3A_227 : i32
          %run_scoped3A_229 = arith.constant 0 : i32
          "tpu.trace_start"() <{level = 10 : i32, message = "ep_run_kernel"}> : () -> ()
          "tpu.region"() ({
            %run_scoped3A_294 = tpu.sem_alloc : memref<!tpu.dma_semaphore, #tpu.memory_space<semaphore_mem>>
            %dma_start3A_295 = arith.constant 0 : i32
            %dma_start3A_296 = arith.constant 0 : i32
            %dma_start3A_297 = tpu.memref_slice %run_scoped3A_18[%rem3A_228, %dma_start3A_295, %dma_start3A_296] : memref<2x128x32xf32, #tpu.memory_space<vmem>> -> memref<1x128x32xf32, #tpu.memory_space<vmem>>
            %dma_start3A_298 = tpu.memref_squeeze %dma_start3A_297 : memref<1x128x32xf32, #tpu.memory_space<vmem>> -> memref<128x32xf32, #tpu.memory_space<vmem>>
            %dma_start3A_299 = arith.constant 0 : i32
            %dma_start3A_300 = arith.constant 0 : i32
            %dma_start3A_301 = tpu.memref_slice %run_scoped3A[%rem3A_226, %dma_start3A_299, %dma_start3A_300] : memref<2x1x128xi32, #tpu.memory_space<vmem>> -> memref<1x1x128xi32, #tpu.memory_space<vmem>>
            %dma_start3A_302 = tpu.memref_squeeze %dma_start3A_301 : memref<1x1x128xi32, #tpu.memory_space<vmem>> -> memref<1x128xi32, #tpu.memory_space<vmem>>
            %dma_start3A_303 = arith.constant 0 : i32
            %dma_start3A_304 = tpu.memref_slice %dma_start3A_302[%run_scoped3A_229, %dma_start3A_303] : memref<1x128xi32, #tpu.memory_space<vmem>> -> memref<1x128xi32, #tpu.memory_space<vmem>>
            %dma_start3A_305 = tpu.memref_squeeze %dma_start3A_304 : memref<1x128xi32, #tpu.memory_space<vmem>> -> memref<128xi32, #tpu.memory_space<vmem>>
            %dma_start3A_306 = arith.constant 0 : i32
            %dma_start3A_307 = arith.constant 0 : i32
            %dma_start3A_308 = tpu.memref_slice %arg2[%dma_start3A_306, %dma_start3A_307] : memref<8000x32xf32, #tpu.memory_space<hbm>> -> memref<8000x32xf32, #tpu.memory_space<hbm>>
            tpu.enqueue_indirect_dma source(%dma_start3A_308 : memref<8000x32xf32, #tpu.memory_space<hbm>>) target(%dma_start3A_298 : memref<128x32xf32, #tpu.memory_space<vmem>>) offsets(%dma_start3A_305 : memref<128xi32, #tpu.memory_space<vmem>>) semaphore(%run_scoped3A_294 : memref<!tpu.dma_semaphore, #tpu.memory_space<semaphore_mem>>)
            %dma_wait3A = arith.constant 0 : i32
            %dma_wait3A_309 = arith.constant 0 : i32
            %dma_wait3A_310 = tpu.memref_slice %run_scoped3A_18[%rem3A_228, %dma_wait3A, %dma_wait3A_309] : memref<2x128x32xf32, #tpu.memory_space<vmem>> -> memref<1x128x32xf32, #tpu.memory_space<vmem>>
            %dma_wait3A_311 = tpu.memref_squeeze %dma_wait3A_310 : memref<1x128x32xf32, #tpu.memory_space<vmem>> -> memref<128x32xf32, #tpu.memory_space<vmem>>
            %dma_wait3A_312 = arith.constant 0 : i32
            %dma_wait3A_313 = arith.constant 0 : i32
            %dma_wait3A_314 = tpu.memref_slice %run_scoped3A[%rem3A_226, %dma_wait3A_312, %dma_wait3A_313] : memref<2x1x128xi32, #tpu.memory_space<vmem>> -> memref<1x1x128xi32, #tpu.memory_space<vmem>>
            %dma_wait3A_315 = tpu.memref_squeeze %dma_wait3A_314 : memref<1x1x128xi32, #tpu.memory_space<vmem>> -> memref<1x128xi32, #tpu.memory_space<vmem>>
            %dma_wait3A_316 = arith.constant 0 : i32
            %dma_wait3A_317 = tpu.memref_slice %dma_wait3A_315[%run_scoped3A_229, %dma_wait3A_316] : memref<1x128xi32, #tpu.memory_space<vmem>> -> memref<1x128xi32, #tpu.memory_space<vmem>>
            %dma_wait3A_318 = tpu.memref_squeeze %dma_wait3A_317 : memref<1x128xi32, #tpu.memory_space<vmem>> -> memref<128xi32, #tpu.memory_space<vmem>>
            %dma_wait3A_319 = arith.constant 0 : i32
            %dma_wait3A_320 = arith.constant 0 : i32
            %dma_wait3A_321 = tpu.memref_slice %arg2[%dma_wait3A_319, %dma_wait3A_320] : memref<8000x32xf32, #tpu.memory_space<hbm>> -> memref<8000x32xf32, #tpu.memory_space<hbm>>
            tpu.wait_indirect_dma semaphore(%run_scoped3A_294 : memref<!tpu.dma_semaphore, #tpu.memory_space<semaphore_mem>>) src(%dma_wait3A_321 : memref<8000x32xf32, #tpu.memory_space<hbm>>) dst(%dma_wait3A_311 : memref<128x32xf32, #tpu.memory_space<vmem>>)
            tpu.yield
          }) : () -> ()
          "tpu.trace_stop"() : () -> ()
          %ne3A_230 = arith.cmpi ne, %add3A_155, %add3A_173 : i32
          %or3A_231 = arith.constant false
          %or3A_232 = arith.ori %or3A_231, %ne3A_230 : i1
          %or3A_233 = arith.ori %or3A_232, %eq3A_154 : i1
          %convert_element_type3A_234 = arith.extui %or3A_233 : i1 to i32
          %cond3A_235 = arith.constant 0 : i32
          %cond3A_236 = arith.cmpi ne, %convert_element_type3A_234, %cond3A_235 : i32
          scf.if %cond3A_236 {
          } else {
          }
          %and3A_237 = arith.constant false
          %and3A_238 = arith.andi %or3A_233, %and3A_237 : i1
          %ne3A_239 = arith.cmpi ne, %add3A_155, %add3A_173 : i32
          %or3A_240 = arith.constant false
          %or3A_241 = arith.ori %or3A_240, %ne3A_239 : i1
          %or3A_242 = arith.constant false
          %or3A_243 = arith.ori %or3A_241, %or3A_242 : i1
          %or3A_244 = arith.ori %or3A_243, %eq3A_154 : i1
          %convert_element_type3A_245 = arith.extui %or3A_244 : i1 to i32
          %cond3A_246 = arith.constant 0 : i32
          %cond3A_247 = arith.cmpi ne, %convert_element_type3A_245, %cond3A_246 : i32
          scf.if %cond3A_247 {
            "tpu.trace_start"() <{level = 10 : i32, message = "ep_copy_out"}> : () -> ()
            %rem3A_294 = arith.constant 2 : i32
            %rem3A_295 = arith.remui %while3A_145, %rem3A_294 : i32
            %mul3A_296 = arith.constant 128 : i32
            %mul3A_297 = arith.muli %mul3A_296, %add3A_155 : i32
            %dma_start3A_298 = arith.constant 0 : i32
            %dma_start3A_299 = arith.constant 0 : i32
            %dma_start3A_300 = tpu.memref_slice %run_scoped3A_18[%rem3A_295, %dma_start3A_298, %dma_start3A_299] : memref<2x128x32xf32, #tpu.memory_space<vmem>> -> memref<1x128x32xf32, #tpu.memory_space<vmem>>
            %dma_start3A_301 = tpu.memref_squeeze %dma_start3A_300 : memref<1x128x32xf32, #tpu.memory_space<vmem>> -> memref<128x32xf32, #tpu.memory_space<vmem>>
            %dma_start3A_302 = arith.constant 0 : i32
            %dma_start3A_303 = tpu.memref_slice %arg4[%mul3A_297, %dma_start3A_302] : memref<256000x32xf32, #tpu.memory_space<hbm>> -> memref<128x32xf32, #tpu.memory_space<hbm>>
            %dma_start3A_304 = tpu.memref_slice %run_scoped3A_19[%rem3A_295] : memref<2x!tpu.dma_semaphore, #tpu.memory_space<semaphore_mem>> -> memref<1x!tpu.dma_semaphore, #tpu.memory_space<semaphore_mem>>
            %dma_start3A_305 = tpu.memref_squeeze %dma_start3A_304 : memref<1x!tpu.dma_semaphore, #tpu.memory_space<semaphore_mem>> -> memref<!tpu.dma_semaphore, #tpu.memory_space<semaphore_mem>>
            %dma_start3A_306 = arith.constant 0 : i32
            %dma_start3A_307 = tpu.memref_slice %arg4[%mul3A_297, %dma_start3A_306] : memref<256000x32xf32, #tpu.memory_space<hbm>> -> memref<128x32xf32, #tpu.memory_space<hbm>>
            %dma_start3A_308 = arith.constant 0 : i32
            %dma_start3A_309 = arith.constant 0 : i32
            %dma_start3A_310 = tpu.memref_slice %run_scoped3A_18[%rem3A_295, %dma_start3A_308, %dma_start3A_309] : memref<2x128x32xf32, #tpu.memory_space<vmem>> -> memref<1x128x32xf32, #tpu.memory_space<vmem>>
            %dma_start3A_311 = tpu.memref_squeeze %dma_start3A_310 : memref<1x128x32xf32, #tpu.memory_space<vmem>> -> memref<128x32xf32, #tpu.memory_space<vmem>>
            tpu.enqueue_dma source(%dma_start3A_311 : memref<128x32xf32, #tpu.memory_space<vmem>>) target(%dma_start3A_307 : memref<128x32xf32, #tpu.memory_space<hbm>>) target_semaphore(%dma_start3A_305 : memref<!tpu.dma_semaphore, #tpu.memory_space<semaphore_mem>>)
            "tpu.trace_stop"() : () -> ()
          } else {
          }
          %and3A_248 = arith.constant true
          %and3A_249 = arith.andi %or3A_244, %and3A_248 : i1
          %add3A_250 = arith.constant 1 : i32
          %add3A_251 = arith.addi %while3A_145, %add3A_250 : i32
          %select_n3A_252 = arith.select %and3A_249, %add3A_251, %while3A_145 : i32
          %ne3A_253 = arith.cmpi ne, %add3A_155, %add3A_165 : i32
          %or3A_254 = arith.constant false
          %or3A_255 = arith.ori %or3A_254, %ne3A_253 : i1
          %not3A_256 = arith.constant true
          %not3A_257 = arith.xori %eq3A_151, %not3A_256 : i1
          %and3A_258 = arith.andi %or3A_255, %not3A_257 : i1
          %convert_element_type3A_259 = arith.extui %and3A_258 : i1 to i32
          %cond3A_260 = arith.constant 0 : i32
          %cond3A_261 = arith.cmpi ne, %convert_element_type3A_259, %cond3A_260 : i32
          scf.if %cond3A_261 {
          } else {
          }
          %and3A_262 = arith.constant false
          %and3A_263 = arith.andi %and3A_258, %and3A_262 : i1
          %ne3A_264 = arith.cmpi ne, %add3A_155, %add3A_165 : i32
          %or3A_265 = arith.constant false
          %or3A_266 = arith.ori %or3A_265, %ne3A_264 : i1
          %or3A_267 = arith.constant false
          %or3A_268 = arith.ori %or3A_266, %or3A_267 : i1
          %not3A_269 = arith.constant true
          %not3A_270 = arith.xori %eq3A_151, %not3A_269 : i1
          %and3A_271 = arith.andi %or3A_268, %not3A_270 : i1
          %convert_element_type3A_272 = arith.extui %and3A_271 : i1 to i32
          %cond3A_273 = arith.constant 0 : i32
          %cond3A_274 = arith.cmpi ne, %convert_element_type3A_272, %cond3A_273 : i32
          scf.if %cond3A_274 {
            "tpu.trace_start"() <{level = 10 : i32, message = "ep_wait_out"}> : () -> ()
            %rem3A_294 = arith.constant 2 : i32
            %rem3A_295 = arith.remui %while3A_146, %rem3A_294 : i32
            %mul3A_296 = arith.constant 128 : i32
            %mul3A_297 = arith.muli %mul3A_296, %add3A_165 : i32
            %dma_wait3A = arith.constant 0 : i32
            %dma_wait3A_298 = arith.constant 0 : i32
            %dma_wait3A_299 = tpu.memref_slice %run_scoped3A_18[%rem3A_295, %dma_wait3A, %dma_wait3A_298] : memref<2x128x32xf32, #tpu.memory_space<vmem>> -> memref<1x128x32xf32, #tpu.memory_space<vmem>>
            %dma_wait3A_300 = tpu.memref_squeeze %dma_wait3A_299 : memref<1x128x32xf32, #tpu.memory_space<vmem>> -> memref<128x32xf32, #tpu.memory_space<vmem>>
            %dma_wait3A_301 = arith.constant 0 : i32
            %dma_wait3A_302 = tpu.memref_slice %arg4[%mul3A_297, %dma_wait3A_301] : memref<256000x32xf32, #tpu.memory_space<hbm>> -> memref<128x32xf32, #tpu.memory_space<hbm>>
            %dma_wait3A_303 = tpu.memref_slice %run_scoped3A_19[%rem3A_295] : memref<2x!tpu.dma_semaphore, #tpu.memory_space<semaphore_mem>> -> memref<1x!tpu.dma_semaphore, #tpu.memory_space<semaphore_mem>>
            %dma_wait3A_304 = tpu.memref_squeeze %dma_wait3A_303 : memref<1x!tpu.dma_semaphore, #tpu.memory_space<semaphore_mem>> -> memref<!tpu.dma_semaphore, #tpu.memory_space<semaphore_mem>>
            %dma_wait3A_305 = arith.constant 0 : i32
            %dma_wait3A_306 = tpu.memref_slice %arg4[%mul3A_297, %dma_wait3A_305] : memref<256000x32xf32, #tpu.memory_space<hbm>> -> memref<128x32xf32, #tpu.memory_space<hbm>>
            %dma_wait3A_307 = arith.constant 0 : i32
            %dma_wait3A_308 = arith.constant 0 : i32
            %dma_wait3A_309 = tpu.memref_slice %run_scoped3A_18[%rem3A_295, %dma_wait3A_307, %dma_wait3A_308] : memref<2x128x32xf32, #tpu.memory_space<vmem>> -> memref<1x128x32xf32, #tpu.memory_space<vmem>>
            %dma_wait3A_310 = tpu.memref_squeeze %dma_wait3A_309 : memref<1x128x32xf32, #tpu.memory_space<vmem>> -> memref<128x32xf32, #tpu.memory_space<vmem>>
            tpu.wait_dma2 semaphore(%dma_wait3A_304 : memref<!tpu.dma_semaphore, #tpu.memory_space<semaphore_mem>>) src(%dma_wait3A_310 : memref<128x32xf32, #tpu.memory_space<vmem>>) dst(%dma_wait3A_306 : memref<128x32xf32, #tpu.memory_space<hbm>>)
            "tpu.trace_stop"() : () -> ()
          } else {
          }
          %and3A_275 = arith.constant true
          %and3A_276 = arith.andi %and3A_271, %and3A_275 : i1
          %add3A_277 = arith.constant 1 : i32
          %add3A_278 = arith.addi %while3A_146, %add3A_277 : i32
          %select_n3A_279 = arith.select %and3A_276, %add3A_278, %while3A_146 : i32
          %ne3A_280 = arith.cmpi ne, %add3A_155, %add3A_173 : i32
          %or3A_281 = arith.constant false
          %or3A_282 = arith.ori %or3A_281, %ne3A_280 : i1
          %or3A_283 = arith.ori %or3A_282, %eq3A_154 : i1
          %add3A_284 = arith.constant 1 : i32
          %add3A_285 = arith.addi %while3A_144, %add3A_284 : i32
          %select_n3A_286 = arith.select %or3A_283, %add3A_285, %while3A_144 : i32
          %add3A_287 = arith.constant 1 : i32
          %add3A_288 = arith.addi %while3A_147, %add3A_287 : i32
          %select_n3A_289 = arith.constant true
          %select_n3A_290 = arith.select %select_n3A_289, %add3A_288, %while3A_147 : i32
          %eq3A_291 = arith.cmpi eq, %select_n3A_290, %select_n3A : i32
          %select_n3A_292 = arith.constant 0 : i32
          %select_n3A_293 = arith.select %eq3A_291, %select_n3A_292, %select_n3A_290 : i32
          scf.yield %select_n3A_195, %select_n3A_286, %select_n3A_252, %select_n3A_279, %select_n3A_293 : i32, i32, i32, i32, i32
        }
        %sub3A_91 = arith.constant 1 : i32
        %sub3A_92 = arith.subi %while3A_90#4, %sub3A_91 : i32
        %select_n3A_93 = arith.constant true
        %select_n3A_94 = arith.select %select_n3A_93, %sub3A_92, %while3A_90#4 : i32
        %eq3A_95 = arith.constant -1 : i32
        %eq3A_96 = arith.cmpi eq, %select_n3A_94, %eq3A_95 : i32
        %sub3A_97 = arith.constant 1 : i32
        %sub3A_98 = arith.subi %select_n3A, %sub3A_97 : i32
        %select_n3A_99 = arith.select %eq3A_96, %sub3A_98, %select_n3A_94 : i32
        %sub3A_100 = arith.constant 1 : i32
        %sub3A_101 = arith.subi %mul3A_16, %sub3A_100 : i32
        %mul3A_102 = arith.constant 1 : i32
        %mul3A_103 = arith.muli %mul3A_102, %select_n3A : i32
        %eq3A_104 = arith.constant 0 : i32
        %eq3A_105 = arith.cmpi eq, %sub3A_101, %eq3A_104 : i32
        %sub3A_106 = arith.constant 1 : i32
        %sub3A_107 = arith.subi %mul3A_103, %sub3A_106 : i32
        %eq3A_108 = arith.cmpi eq, %sub3A_101, %sub3A_107 : i32
        %add3A_109 = arith.addi %select_n3A_99, %select_n3A_14 : i32
        %sub3A_110 = arith.constant 1 : i32
        %sub3A_111 = arith.subi %select_n3A_99, %sub3A_110 : i32
        %select_n3A_112 = arith.constant true
        %select_n3A_113 = arith.select %select_n3A_112, %sub3A_111, %select_n3A_99 : i32
        %eq3A_114 = arith.constant -1 : i32
        %eq3A_115 = arith.cmpi eq, %select_n3A_113, %eq3A_114 : i32
        %sub3A_116 = arith.constant 1 : i32
        %sub3A_117 = arith.subi %select_n3A, %sub3A_116 : i32
        %select_n3A_118 = arith.select %eq3A_115, %sub3A_117, %select_n3A_113 : i32
        %add3A_119 = arith.addi %select_n3A_118, %select_n3A_14 : i32
        %add3A_120 = arith.constant 1 : i32
        %add3A_121 = arith.addi %select_n3A_99, %add3A_120 : i32
        %select_n3A_122 = arith.constant true
        %select_n3A_123 = arith.select %select_n3A_122, %add3A_121, %select_n3A_99 : i32
        %eq3A_124 = arith.cmpi eq, %select_n3A_123, %select_n3A : i32
        %select_n3A_125 = arith.constant 0 : i32
        %select_n3A_126 = arith.select %eq3A_124, %select_n3A_125, %select_n3A_123 : i32
        %add3A_127 = arith.addi %select_n3A_126, %select_n3A_14 : i32
        %add3A_128 = arith.constant 1 : i32
        %add3A_129 = arith.addi %select_n3A_126, %add3A_128 : i32
        %select_n3A_130 = arith.constant true
        %select_n3A_131 = arith.select %select_n3A_130, %add3A_129, %select_n3A_126 : i32
        %eq3A_132 = arith.cmpi eq, %select_n3A_131, %select_n3A : i32
        %select_n3A_133 = arith.constant 0 : i32
        %select_n3A_134 = arith.select %eq3A_132, %select_n3A_133, %select_n3A_131 : i32
        %add3A_135 = arith.addi %select_n3A_134, %select_n3A_14 : i32
        %convert_element_type3A_136 = arith.extui %eq3A_108 : i1 to i32
        %cond3A_137 = arith.constant 0 : i32
        %cond3A_138 = arith.cmpi ne, %convert_element_type3A_136, %cond3A_137 : i32
        scf.if %cond3A_138 {
        } else {
        }
        %convert_element_type3A_139 = arith.extui %eq3A_108 : i1 to i32
        %cond3A_140 = arith.constant 0 : i32
        %cond3A_141 = arith.cmpi ne, %convert_element_type3A_139, %cond3A_140 : i32
        scf.if %cond3A_141 {
          "tpu.trace_start"() <{level = 10 : i32, message = "ep_finalize"}> : () -> ()
          %rem3A_142 = arith.constant 2 : i32
          %rem3A_143 = arith.remui %while3A_90#3, %rem3A_142 : i32
          %mul3A_144 = arith.constant 128 : i32
          %mul3A_145 = arith.muli %mul3A_144, %add3A_109 : i32
          %dma_wait3A = arith.constant 0 : i32
          %dma_wait3A_146 = arith.constant 0 : i32
          %dma_wait3A_147 = tpu.memref_slice %run_scoped3A_18[%rem3A_143, %dma_wait3A, %dma_wait3A_146] : memref<2x128x32xf32, #tpu.memory_space<vmem>> -> memref<1x128x32xf32, #tpu.memory_space<vmem>>
          %dma_wait3A_148 = tpu.memref_squeeze %dma_wait3A_147 : memref<1x128x32xf32, #tpu.memory_space<vmem>> -> memref<128x32xf32, #tpu.memory_space<vmem>>
          %dma_wait3A_149 = arith.constant 0 : i32
          %dma_wait3A_150 = tpu.memref_slice %arg4[%mul3A_145, %dma_wait3A_149] : memref<256000x32xf32, #tpu.memory_space<hbm>> -> memref<128x32xf32, #tpu.memory_space<hbm>>
          %dma_wait3A_151 = tpu.memref_slice %run_scoped3A_19[%rem3A_143] : memref<2x!tpu.dma_semaphore, #tpu.memory_space<semaphore_mem>> -> memref<1x!tpu.dma_semaphore, #tpu.memory_space<semaphore_mem>>
          %dma_wait3A_152 = tpu.memref_squeeze %dma_wait3A_151 : memref<1x!tpu.dma_semaphore, #tpu.memory_space<semaphore_mem>> -> memref<!tpu.dma_semaphore, #tpu.memory_space<semaphore_mem>>
          %dma_wait3A_153 = arith.constant 0 : i32
          %dma_wait3A_154 = tpu.memref_slice %arg4[%mul3A_145, %dma_wait3A_153] : memref<256000x32xf32, #tpu.memory_space<hbm>> -> memref<128x32xf32, #tpu.memory_space<hbm>>
          %dma_wait3A_155 = arith.constant 0 : i32
          %dma_wait3A_156 = arith.constant 0 : i32
          %dma_wait3A_157 = tpu.memref_slice %run_scoped3A_18[%rem3A_143, %dma_wait3A_155, %dma_wait3A_156] : memref<2x128x32xf32, #tpu.memory_space<vmem>> -> memref<1x128x32xf32, #tpu.memory_space<vmem>>
          %dma_wait3A_158 = tpu.memref_squeeze %dma_wait3A_157 : memref<1x128x32xf32, #tpu.memory_space<vmem>> -> memref<128x32xf32, #tpu.memory_space<vmem>>
          tpu.wait_dma2 semaphore(%dma_wait3A_152 : memref<!tpu.dma_semaphore, #tpu.memory_space<semaphore_mem>>) src(%dma_wait3A_158 : memref<128x32xf32, #tpu.memory_space<vmem>>) dst(%dma_wait3A_154 : memref<128x32xf32, #tpu.memory_space<hbm>>)
          "tpu.trace_stop"() : () -> ()
        } else {
        }
      } else {
      }
      tpu.yield
    }) : () -> ()
    return
  }
}

#map = affine_map<(d0, d1) -> (0, 0)>
module attributes {stable_mosaic.version = 14 : i64} {
  func.func @k(%arg0: i32, %arg1: i32, %arg2: memref<8000x32xf32, #tpu.memory_space<hbm>>, %arg3: memref<1x256000xi32, #tpu.memory_space<hbm>>, %arg4: memref<256000x32xf32, #tpu.memory_space<hbm>>) attributes {dimension_semantics = [#tpu.dimension_semantics<core_parallel>, #tpu.dimension_semantics<subcore_parallel>], iteration_bounds = array<i64: 2, 16>, scalar_prefetch = 0 : i64, scratch_operands = 0 : i64, tpu.core_type = #tpu.core_type<sc_vector_subcore>, window_params = [{transform_indices = #map}, {transform_indices = #map}, {transform_indices = #map}]} {
    %mul3A = arith.constant 1 : i32
    %mul3A_0 = arith.muli %arg1, %mul3A : i32
    %add3A = arith.constant 0 : i32
    %add3A_1 = arith.addi %add3A, %mul3A_0 : i32
    %mul3A_2 = arith.constant 16 : i32
    %mul3A_3 = arith.muli %arg0, %mul3A_2 : i32
    %add3A_4 = arith.addi %add3A_1, %mul3A_3 : i32
    %lt3A = arith.constant 16 : i32
    %lt3A_5 = arith.cmpi slt, %add3A_4, %lt3A : i32
    %jit3A = arith.constant 63 : i32
    %jit3A_6 = arith.constant 62 : i32
    %select_n3A = arith.select %lt3A_5, %jit3A, %jit3A_6 : i32
    %lt3A_7 = arith.constant 16 : i32
    %lt3A_8 = arith.cmpi slt, %add3A_4, %lt3A_7 : i32
    %mul3A_9 = arith.muli %add3A_4, %select_n3A : i32
    %mul3A_10 = arith.constant 62 : i32
    %mul3A_11 = arith.muli %add3A_4, %mul3A_10 : i32
    %add3A_12 = arith.constant 16 : i32
    %add3A_13 = arith.addi %mul3A_11, %add3A_12 : i32
    %select_n3A_14 = arith.select %lt3A_8, %mul3A_9, %add3A_13 : i32
    %mul3A_15 = arith.constant 1 : i32
    %mul3A_16 = arith.muli %mul3A_15, %select_n3A : i32
    "tpu.region"() ({
      %run_scoped3A = memref.alloca() : memref<2x1x128xi32, #tpu.memory_space<vmem>>
      %run_scoped3A_17 = tpu.sem_alloc : memref<2x!tpu.dma_semaphore, #tpu.memory_space<semaphore_mem>>
      %run_scoped3A_18 = memref.alloca() : memref<2x128x32xf32, #tpu.memory_space<vmem>>
      %run_scoped3A_19 = tpu.sem_alloc : memref<2x!tpu.dma_semaphore, #tpu.memory_space<semaphore_mem>>
      %gt3A = arith.constant 0 : i32
      %gt3A_20 = arith.cmpi sgt, %mul3A_16, %gt3A : i32
      %convert_element_type3A = arith.extui %gt3A_20 : i1 to i32
      %cond3A = arith.constant 0 : i32
      %cond3A_21 = arith.cmpi ne, %convert_element_type3A, %cond3A : i32
      scf.if %cond3A_21 {
        %mul3A_22 = arith.constant 1 : i32
        %mul3A_23 = arith.muli %mul3A_22, %select_n3A : i32
        %sub3A = arith.constant 1 : i32
        %sub3A_24 = arith.subi %mul3A_23, %sub3A : i32
        %eq3A = arith.constant 0 : i32
        %eq3A_25 = arith.cmpi eq, %sub3A_24, %eq3A : i32
        %add3A_26 = arith.constant 0 : i32
        %add3A_27 = arith.addi %add3A_26, %select_n3A_14 : i32
        %select_n3A_28 = arith.constant true
        %select_n3A_29 = arith.constant 0 : i32
        %select_n3A_30 = arith.constant -1 : i32
        %select_n3A_31 = arith.select %select_n3A_28, %select_n3A_30, %select_n3A_29 : i32
        %eq3A_32 = arith.constant -1 : i32
        %eq3A_33 = arith.cmpi eq, %select_n3A_31, %eq3A_32 : i32
        %sub3A_34 = arith.constant 1 : i32
        %sub3A_35 = arith.subi %select_n3A, %sub3A_34 : i32
        %select_n3A_36 = arith.select %eq3A_33, %sub3A_35, %select_n3A_31 : i32
        %add3A_37 = arith.addi %select_n3A_36, %select_n3A_14 : i32
        %select_n3A_38 = arith.constant true
        %select_n3A_39 = arith.constant 0 : i32
        %select_n3A_40 = arith.constant 1 : i32
        %select_n3A_41 = arith.select %select_n3A_38, %select_n3A_40, %select_n3A_39 : i32
        %eq3A_42 = arith.cmpi eq, %select_n3A_41, %select_n3A : i32
        %select_n3A_43 = arith.constant 0 : i32
        %select_n3A_44 = arith.select %eq3A_42, %select_n3A_43, %select_n3A_41 : i32
        %add3A_45 = arith.addi %select_n3A_44, %select_n3A_14 : i32
        %add3A_46 = arith.constant 1 : i32
        %add3A_47 = arith.addi %select_n3A_44, %add3A_46 : i32
        %select_n3A_48 = arith.constant true
        %select_n3A_49 = arith.select %select_n3A_48, %add3A_47, %select_n3A_44 : i32
        %eq3A_50 = arith.cmpi eq, %select_n3A_49, %select_n3A : i32
        %select_n3A_51 = arith.constant 0 : i32
        %select_n3A_52 = arith.select %eq3A_50, %select_n3A_51, %select_n3A_49 : i32
        %add3A_53 = arith.addi %select_n3A_52, %select_n3A_14 : i32
        "tpu.trace_start"() <{level = 10 : i32, message = "ep_initialize_0"}> : () -> ()
        %rem3A = arith.constant 0 : i32
        %rem3A_54 = arith.constant 2 : i32
        %rem3A_55 = arith.remui %rem3A, %rem3A_54 : i32
        %mul3A_56 = arith.constant 128 : i32
        %mul3A_57 = arith.muli %mul3A_56, %add3A_27 : i32
        %dma_start3A = arith.constant 0 : i32
        %dma_start3A_58 = arith.constant 0 : i32
        %dma_start3A_59 = tpu.memref_slice %run_scoped3A[%rem3A_55, %dma_start3A, %dma_start3A_58] : memref<2x1x128xi32, #tpu.memory_space<vmem>> -> memref<1x1x128xi32, #tpu.memory_space<vmem>>
        %dma_start3A_60 = tpu.memref_squeeze %dma_start3A_59 : memref<1x1x128xi32, #tpu.memory_space<vmem>> -> memref<1x128xi32, #tpu.memory_space<vmem>>
        %dma_start3A_61 = arith.constant 0 : i32
        %dma_start3A_62 = tpu.memref_slice %arg3[%dma_start3A_61, %mul3A_57] : memref<1x256000xi32, #tpu.memory_space<hbm>> -> memref<1x128xi32, #tpu.memory_space<hbm>>
        %dma_start3A_63 = tpu.memref_slice %run_scoped3A_17[%rem3A_55] : memref<2x!tpu.dma_semaphore, #tpu.memory_space<semaphore_mem>> -> memref<1x!tpu.dma_semaphore, #tpu.memory_space<semaphore_mem>>
        %dma_start3A_64 = tpu.memref_squeeze %dma_start3A_63 : memref<1x!tpu.dma_semaphore, #tpu.memory_space<semaphore_mem>> -> memref<!tpu.dma_semaphore, #tpu.memory_space<semaphore_mem>>
        %dma_start3A_65 = arith.constant 0 : i32
        %dma_start3A_66 = arith.constant 0 : i32
        %dma_start3A_67 = tpu.memref_slice %run_scoped3A[%rem3A_55, %dma_start3A_65, %dma_start3A_66] : memref<2x1x128xi32, #tpu.memory_space<vmem>> -> memref<1x1x128xi32, #tpu.memory_space<vmem>>
        %dma_start3A_68 = tpu.memref_squeeze %dma_start3A_67 : memref<1x1x128xi32, #tpu.memory_space<vmem>> -> memref<1x128xi32, #tpu.memory_space<vmem>>
        %dma_start3A_69 = arith.constant 0 : i32
        %dma_start3A_70 = tpu.memref_slice %arg3[%dma_start3A_69, %mul3A_57] : memref<1x256000xi32, #tpu.memory_space<hbm>> -> memref<1x128xi32, #tpu.memory_space<hbm>>
        tpu.enqueue_dma source(%dma_start3A_70 : memref<1x128xi32, #tpu.memory_space<hbm>>) target(%dma_start3A_68 : memref<1x128xi32, #tpu.memory_space<vmem>>) target_semaphore(%dma_start3A_64 : memref<!tpu.dma_semaphore, #tpu.memory_space<semaphore_mem>>)
        %add3A_71 = arith.constant 0 : i32
        %add3A_72 = arith.constant 1 : i32
        %add3A_73 = arith.addi %add3A_71, %add3A_72 : i32
        %select_n3A_74 = arith.constant true
        %select_n3A_75 = arith.constant 0 : i32
        %select_n3A_76 = arith.select %select_n3A_74, %add3A_73, %select_n3A_75 : i32
        %while3A = arith.constant 0 : i32
        %while3A_77 = arith.constant 0 : i32
        %while3A_78 = arith.constant 0 : i32
        %while3A_79 = arith.constant 0 : i32
        %while3A_80 = arith.constant 0 : i32
        "tpu.trace_stop"() : () -> ()
        %while3A_81 = arith.subi %mul3A_16, %while3A : i32
        %while3A_82 = arith.addi %while3A, %while3A_81 : i32
        %while3A_83 = arith.constant 1 : i32
        %while3A_84 = arith.divsi %while3A_81, %while3A_83 : i32
        %while3A_85 = arith.muli %while3A_84, %while3A_83 : i32
        %while3A_86 = arith.addi %while3A, %while3A_85 : i32
        %while3A_87 = arith.constant 1 : i32
        %while3A_88:5 = scf.for %while3A_142 = %while3A to %while3A_86 step %while3A_87 iter_args(%while3A_143 = %select_n3A_76, %while3A_144 = %while3A_77, %while3A_145 = %while3A_78, %while3A_146 = %while3A_79, %while3A_147 = %while3A_80) -> (i32, i32, i32, i32, i32)  : i32 {
          %mul3A_148 = arith.constant 1 : i32
          %mul3A_149 = arith.muli %mul3A_148, %select_n3A : i32
          %eq3A_150 = arith.constant 0 : i32
          %eq3A_151 = arith.cmpi eq, %while3A_142, %eq3A_150 : i32
          %sub3A_152 = arith.constant 1 : i32
          %sub3A_153 = arith.subi %mul3A_149, %sub3A_152 : i32
          %eq3A_154 = arith.cmpi eq, %while3A_142, %sub3A_153 : i32
          %add3A_155 = arith.addi %while3A_147, %select_n3A_14 : i32
          %sub3A_156 = arith.constant 1 : i32
          %sub3A_157 = arith.subi %while3A_147, %sub3A_156 : i32
          %select_n3A_158 = arith.constant true
          %select_n3A_159 = arith.select %select_n3A_158, %sub3A_157, %while3A_147 : i32
          %eq3A_160 = arith.constant -1 : i32
          %eq3A_161 = arith.cmpi eq, %select_n3A_159, %eq3A_160 : i32
          %sub3A_162 = arith.constant 1 : i32
          %sub3A_163 = arith.subi %select_n3A, %sub3A_162 : i32
          %select_n3A_164 = arith.select %eq3A_161, %sub3A_163, %select_n3A_159 : i32
          %add3A_165 = arith.addi %select_n3A_164, %select_n3A_14 : i32
          %add3A_166 = arith.constant 1 : i32
          %add3A_167 = arith.addi %while3A_147, %add3A_166 : i32
          %select_n3A_168 = arith.constant true
          %select_n3A_169 = arith.select %select_n3A_168, %add3A_167, %while3A_147 : i32
          %eq3A_170 = arith.cmpi eq, %select_n3A_169, %select_n3A : i32
          %select_n3A_171 = arith.constant 0 : i32
          %select_n3A_172 = arith.select %eq3A_170, %select_n3A_171, %select_n3A_169 : i32
          %add3A_173 = arith.addi %select_n3A_172, %select_n3A_14 : i32
          %add3A_174 = arith.constant 1 : i32
          %add3A_175 = arith.addi %select_n3A_172, %add3A_174 : i32
          %select_n3A_176 = arith.constant true
          %select_n3A_177 = arith.select %select_n3A_176, %add3A_175, %select_n3A_172 : i32
          %eq3A_178 = arith.cmpi eq, %select_n3A_177, %select_n3A : i32
          %select_n3A_179 = arith.constant 0 : i32
          %select_n3A_180 = arith.select %eq3A_178, %select_n3A_179, %select_n3A_177 : i32
          %add3A_181 = arith.addi %select_n3A_180, %select_n3A_14 : i32
          %ne3A = arith.cmpi ne, %add3A_155, %add3A_173 : i32
          %or3A = arith.constant false
          %or3A_182 = arith.ori %or3A, %ne3A : i1
          %sub3A_183 = arith.constant 2 : i32
          %sub3A_184 = arith.subi %mul3A_149, %sub3A_183 : i32
          %add3A_185 = arith.constant 1 : i32
          %add3A_186 = arith.addi %sub3A_184, %add3A_185 : i32
          %ge3A = arith.cmpi sge, %while3A_142, %add3A_186 : i32
          %not3A = arith.constant true
          %not3A_187 = arith.xori %ge3A, %not3A : i1
          %and3A = arith.andi %or3A_182, %not3A_187 : i1
          %convert_element_type3A_188 = arith.extui %and3A : i1 to i32
          %cond3A_189 = arith.constant 0 : i32
          %cond3A_190 = arith.cmpi ne, %convert_element_type3A_188, %cond3A_189 : i32
          scf.if %cond3A_190 {
            "tpu.trace_start"() <{level = 10 : i32, message = "ep_copy_in"}> : () -> ()
            %rem3A_294 = arith.constant 2 : i32
            %rem3A_295 = arith.remui %while3A_143, %rem3A_294 : i32
            %mul3A_296 = arith.constant 128 : i32
            %mul3A_297 = arith.muli %mul3A_296, %add3A_173 : i32
            %dma_start3A_298 = arith.constant 0 : i32
            %dma_start3A_299 = arith.constant 0 : i32
            %dma_start3A_300 = tpu.memref_slice %run_scoped3A[%rem3A_295, %dma_start3A_298, %dma_start3A_299] : memref<2x1x128xi32, #tpu.memory_space<vmem>> -> memref<1x1x128xi32, #tpu.memory_space<vmem>>
            %dma_start3A_301 = tpu.memref_squeeze %dma_start3A_300 : memref<1x1x128xi32, #tpu.memory_space<vmem>> -> memref<1x128xi32, #tpu.memory_space<vmem>>
            %dma_start3A_302 = arith.constant 0 : i32
            %dma_start3A_303 = tpu.memref_slice %arg3[%dma_start3A_302, %mul3A_297] : memref<1x256000xi32, #tpu.memory_space<hbm>> -> memref<1x128xi32, #tpu.memory_space<hbm>>
            %dma_start3A_304 = tpu.memref_slice %run_scoped3A_17[%rem3A_295] : memref<2x!tpu.dma_semaphore, #tpu.memory_space<semaphore_mem>> -> memref<1x!tpu.dma_semaphore, #tpu.memory_space<semaphore_mem>>
            %dma_start3A_305 = tpu.memref_squeeze %dma_start3A_304 : memref<1x!tpu.dma_semaphore, #tpu.memory_space<semaphore_mem>> -> memref<!tpu.dma_semaphore, #tpu.memory_space<semaphore_mem>>
            %dma_start3A_306 = arith.constant 0 : i32
            %dma_start3A_307 = arith.constant 0 : i32
            %dma_start3A_308 = tpu.memref_slice %run_scoped3A[%rem3A_295, %dma_start3A_306, %dma_start3A_307] : memref<2x1x128xi32, #tpu.memory_space<vmem>> -> memref<1x1x128xi32, #tpu.memory_space<vmem>>
            %dma_start3A_309 = tpu.memref_squeeze %dma_start3A_308 : memref<1x1x128xi32, #tpu.memory_space<vmem>> -> memref<1x128xi32, #tpu.memory_space<vmem>>
            %dma_start3A_310 = arith.constant 0 : i32
            %dma_start3A_311 = tpu.memref_slice %arg3[%dma_start3A_310, %mul3A_297] : memref<1x256000xi32, #tpu.memory_space<hbm>> -> memref<1x128xi32, #tpu.memory_space<hbm>>
            tpu.enqueue_dma source(%dma_start3A_311 : memref<1x128xi32, #tpu.memory_space<hbm>>) target(%dma_start3A_309 : memref<1x128xi32, #tpu.memory_space<vmem>>) target_semaphore(%dma_start3A_305 : memref<!tpu.dma_semaphore, #tpu.memory_space<semaphore_mem>>)
            "tpu.trace_stop"() : () -> ()
          } else {
          }
          %and3A_191 = arith.constant true
          %and3A_192 = arith.andi %and3A, %and3A_191 : i1
          %add3A_193 = arith.constant 1 : i32
          %add3A_194 = arith.addi %while3A_143, %add3A_193 : i32
          %select_n3A_195 = arith.select %and3A_192, %add3A_194, %while3A_143 : i32
          %ne3A_196 = arith.cmpi ne, %add3A_155, %add3A_173 : i32
          %or3A_197 = arith.constant false
          %or3A_198 = arith.ori %or3A_197, %ne3A_196 : i1
          %or3A_199 = arith.constant false
          %or3A_200 = arith.ori %or3A_198, %or3A_199 : i1
          %sub3A_201 = arith.constant 2 : i32
          %sub3A_202 = arith.subi %mul3A_149, %sub3A_201 : i32
          %add3A_203 = arith.constant 1 : i32
          %add3A_204 = arith.addi %sub3A_202, %add3A_203 : i32
          %ge3A_205 = arith.cmpi sge, %while3A_142, %add3A_204 : i32
          %not3A_206 = arith.constant true
          %not3A_207 = arith.xori %ge3A_205, %not3A_206 : i1
          %and3A_208 = arith.andi %or3A_200, %not3A_207 : i1
          %ne3A_209 = arith.cmpi ne, %add3A_155, %add3A_165 : i32
          %or3A_210 = arith.constant false
          %or3A_211 = arith.ori %or3A_210, %ne3A_209 : i1
          %or3A_212 = arith.ori %or3A_211, %eq3A_151 : i1
          %convert_element_type3A_213 = arith.extui %or3A_212 : i1 to i32
          %cond3A_214 = arith.constant 0 : i32
          %cond3A_215 = arith.cmpi ne, %convert_element_type3A_213, %cond3A_214 : i32
          scf.if %cond3A_215 {
            "tpu.trace_start"() <{level = 10 : i32, message = "ep_wait_in"}> : () -> ()
            %mul3A_294 = arith.constant 128 : i32
            %mul3A_295 = arith.muli %mul3A_294, %add3A_155 : i32
            %rem3A_296 = arith.constant 2 : i32
            %rem3A_297 = arith.remui %while3A_144, %rem3A_296 : i32
            %dma_wait3A = arith.constant 0 : i32
            %dma_wait3A_298 = arith.constant 0 : i32
            %dma_wait3A_299 = tpu.memref_slice %run_scoped3A[%rem3A_297, %dma_wait3A, %dma_wait3A_298] : memref<2x1x128xi32, #tpu.memory_space<vmem>> -> memref<1x1x128xi32, #tpu.memory_space<vmem>>
            %dma_wait3A_300 = tpu.memref_squeeze %dma_wait3A_299 : memref<1x1x128xi32, #tpu.memory_space<vmem>> -> memref<1x128xi32, #tpu.memory_space<vmem>>
            %dma_wait3A_301 = arith.constant 0 : i32
            %dma_wait3A_302 = tpu.memref_slice %arg3[%dma_wait3A_301, %mul3A_295] : memref<1x256000xi32, #tpu.memory_space<hbm>> -> memref<1x128xi32, #tpu.memory_space<hbm>>
            %dma_wait3A_303 = tpu.memref_slice %run_scoped3A_17[%rem3A_297] : memref<2x!tpu.dma_semaphore, #tpu.memory_space<semaphore_mem>> -> memref<1x!tpu.dma_semaphore, #tpu.memory_space<semaphore_mem>>
            %dma_wait3A_304 = tpu.memref_squeeze %dma_wait3A_303 : memref<1x!tpu.dma_semaphore, #tpu.memory_space<semaphore_mem>> -> memref<!tpu.dma_semaphore, #tpu.memory_space<semaphore_mem>>
            %dma_wait3A_305 = arith.constant 0 : i32
            %dma_wait3A_306 = arith.constant 0 : i32
            %dma_wait3A_307 = tpu.memref_slice %run_scoped3A[%rem3A_297, %dma_wait3A_305, %dma_wait3A_306] : memref<2x1x128xi32, #tpu.memory_space<vmem>> -> memref<1x1x128xi32, #tpu.memory_space<vmem>>
            %dma_wait3A_308 = tpu.memref_squeeze %dma_wait3A_307 : memref<1x1x128xi32, #tpu.memory_space<vmem>> -> memref<1x128xi32, #tpu.memory_space<vmem>>
            %dma_wait3A_309 = arith.constant 0 : i32
            %dma_wait3A_310 = tpu.memref_slice %arg3[%dma_wait3A_309, %mul3A_295] : memref<1x256000xi32, #tpu.memory_space<hbm>> -> memref<1x128xi32, #tpu.memory_space<hbm>>
            tpu.wait_dma2 semaphore(%dma_wait3A_304 : memref<!tpu.dma_semaphore, #tpu.memory_space<semaphore_mem>>) src(%dma_wait3A_310 : memref<1x128xi32, #tpu.memory_space<hbm>>) dst(%dma_wait3A_308 : memref<1x128xi32, #tpu.memory_space<vmem>>)
            "tpu.trace_stop"() : () -> ()
          } else {
          }
          %ne3A_216 = arith.cmpi ne, %add3A_155, %add3A_165 : i32
          %or3A_217 = arith.constant false
          %or3A_218 = arith.ori %or3A_217, %ne3A_216 : i1
          %or3A_219 = arith.constant false
          %or3A_220 = arith.ori %or3A_218, %or3A_219 : i1
          %or3A_221 = arith.ori %or3A_220, %eq3A_151 : i1
          %convert_element_type3A_222 = arith.extui %or3A_221 : i1 to i32
          %cond3A_223 = arith.constant 0 : i32
          %cond3A_224 = arith.cmpi ne, %convert_element_type3A_222, %cond3A_223 : i32
          scf.if %cond3A_224 {
          } else {
          }
          %rem3A_225 = arith.constant 2 : i32
          %rem3A_226 = arith.remui %while3A_144, %rem3A_225 : i32
          %rem3A_227 = arith.constant 2 : i32
          %rem3A_228 = arith.remui %while3A_145, %rem3A_227 : i32
          %run_scoped3A_229 = arith.constant 0 : i32
          "tpu.trace_start"() <{level = 10 : i32, message = "ep_run_kernel"}> : () -> ()
          "tpu.region"() ({
            %run_scoped3A_294 = tpu.sem_alloc : memref<!tpu.dma_semaphore, #tpu.memory_space<semaphore_mem>>
            %dma_start3A_295 = arith.constant 0 : i32
            %dma_start3A_296 = arith.constant 0 : i32
            %dma_start3A_297 = tpu.memref_slice %run_scoped3A_18[%rem3A_228, %dma_start3A_295, %dma_start3A_296] : memref<2x128x32xf32, #tpu.memory_space<vmem>> -> memref<1x128x32xf32, #tpu.memory_space<vmem>>
            %dma_start3A_298 = tpu.memref_squeeze %dma_start3A_297 : memref<1x128x32xf32, #tpu.memory_space<vmem>> -> memref<128x32xf32, #tpu.memory_space<vmem>>
            %dma_start3A_299 = arith.constant 0 : i32
            %dma_start3A_300 = arith.constant 0 : i32
            %dma_start3A_301 = tpu.memref_slice %run_scoped3A[%rem3A_226, %dma_start3A_299, %dma_start3A_300] : memref<2x1x128xi32, #tpu.memory_space<vmem>> -> memref<1x1x128xi32, #tpu.memory_space<vmem>>
            %dma_start3A_302 = tpu.memref_squeeze %dma_start3A_301 : memref<1x1x128xi32, #tpu.memory_space<vmem>> -> memref<1x128xi32, #tpu.memory_space<vmem>>
            %dma_start3A_303 = arith.constant 0 : i32
            %dma_start3A_304 = tpu.memref_slice %dma_start3A_302[%run_scoped3A_229, %dma_start3A_303] : memref<1x128xi32, #tpu.memory_space<vmem>> -> memref<1x128xi32, #tpu.memory_space<vmem>>
            %dma_start3A_305 = tpu.memref_squeeze %dma_start3A_304 : memref<1x128xi32, #tpu.memory_space<vmem>> -> memref<128xi32, #tpu.memory_space<vmem>>
            %dma_start3A_306 = arith.constant 0 : i32
            %dma_start3A_307 = arith.constant 0 : i32
            %dma_start3A_308 = tpu.memref_slice %arg2[%dma_start3A_306, %dma_start3A_307] : memref<8000x32xf32, #tpu.memory_space<hbm>> -> memref<8000x32xf32, #tpu.memory_space<hbm>>
            tpu.enqueue_indirect_dma source(%dma_start3A_308 : memref<8000x32xf32, #tpu.memory_space<hbm>>) target(%dma_start3A_298 : memref<128x32xf32, #tpu.memory_space<vmem>>) offsets(%dma_start3A_305 : memref<128xi32, #tpu.memory_space<vmem>>) semaphore(%run_scoped3A_294 : memref<!tpu.dma_semaphore, #tpu.memory_space<semaphore_mem>>)
            %dma_wait3A = arith.constant 0 : i32
            %dma_wait3A_309 = arith.constant 0 : i32
            %dma_wait3A_310 = tpu.memref_slice %run_scoped3A_18[%rem3A_228, %dma_wait3A, %dma_wait3A_309] : memref<2x128x32xf32, #tpu.memory_space<vmem>> -> memref<1x128x32xf32, #tpu.memory_space<vmem>>
            %dma_wait3A_311 = tpu.memref_squeeze %dma_wait3A_310 : memref<1x128x32xf32, #tpu.memory_space<vmem>> -> memref<128x32xf32, #tpu.memory_space<vmem>>
            %dma_wait3A_312 = arith.constant 0 : i32
            %dma_wait3A_313 = arith.constant 0 : i32
            %dma_wait3A_314 = tpu.memref_slice %run_scoped3A[%rem3A_226, %dma_wait3A_312, %dma_wait3A_313] : memref<2x1x128xi32, #tpu.memory_space<vmem>> -> memref<1x1x128xi32, #tpu.memory_space<vmem>>
            %dma_wait3A_315 = tpu.memref_squeeze %dma_wait3A_314 : memref<1x1x128xi32, #tpu.memory_space<vmem>> -> memref<1x128xi32, #tpu.memory_space<vmem>>
            %dma_wait3A_316 = arith.constant 0 : i32
            %dma_wait3A_317 = tpu.memref_slice %dma_wait3A_315[%run_scoped3A_229, %dma_wait3A_316] : memref<1x128xi32, #tpu.memory_space<vmem>> -> memref<1x128xi32, #tpu.memory_space<vmem>>
            %dma_wait3A_318 = tpu.memref_squeeze %dma_wait3A_317 : memref<1x128xi32, #tpu.memory_space<vmem>> -> memref<128xi32, #tpu.memory_space<vmem>>
            %dma_wait3A_319 = arith.constant 0 : i32
            %dma_wait3A_320 = arith.constant 0 : i32
            %dma_wait3A_321 = tpu.memref_slice %arg2[%dma_wait3A_319, %dma_wait3A_320] : memref<8000x32xf32, #tpu.memory_space<hbm>> -> memref<8000x32xf32, #tpu.memory_space<hbm>>
            tpu.wait_indirect_dma semaphore(%run_scoped3A_294 : memref<!tpu.dma_semaphore, #tpu.memory_space<semaphore_mem>>) src(%dma_wait3A_321 : memref<8000x32xf32, #tpu.memory_space<hbm>>) dst(%dma_wait3A_311 : memref<128x32xf32, #tpu.memory_space<vmem>>)
            tpu.yield
          }) : () -> ()
          "tpu.trace_stop"() : () -> ()
          %ne3A_230 = arith.cmpi ne, %add3A_155, %add3A_173 : i32
          %or3A_231 = arith.constant false
          %or3A_232 = arith.ori %or3A_231, %ne3A_230 : i1
          %or3A_233 = arith.ori %or3A_232, %eq3A_154 : i1
          %convert_element_type3A_234 = arith.extui %or3A_233 : i1 to i32
          %cond3A_235 = arith.constant 0 : i32
          %cond3A_236 = arith.cmpi ne, %convert_element_type3A_234, %cond3A_235 : i32
          scf.if %cond3A_236 {
          } else {
          }
          %and3A_237 = arith.constant false
          %and3A_238 = arith.andi %or3A_233, %and3A_237 : i1
          %ne3A_239 = arith.cmpi ne, %add3A_155, %add3A_173 : i32
          %or3A_240 = arith.constant false
          %or3A_241 = arith.ori %or3A_240, %ne3A_239 : i1
          %or3A_242 = arith.constant false
          %or3A_243 = arith.ori %or3A_241, %or3A_242 : i1
          %or3A_244 = arith.ori %or3A_243, %eq3A_154 : i1
          %convert_element_type3A_245 = arith.extui %or3A_244 : i1 to i32
          %cond3A_246 = arith.constant 0 : i32
          %cond3A_247 = arith.cmpi ne, %convert_element_type3A_245, %cond3A_246 : i32
          scf.if %cond3A_247 {
            "tpu.trace_start"() <{level = 10 : i32, message = "ep_copy_out"}> : () -> ()
            %rem3A_294 = arith.constant 2 : i32
            %rem3A_295 = arith.remui %while3A_145, %rem3A_294 : i32
            %mul3A_296 = arith.constant 128 : i32
            %mul3A_297 = arith.muli %mul3A_296, %add3A_155 : i32
            %dma_start3A_298 = arith.constant 0 : i32
            %dma_start3A_299 = arith.constant 0 : i32
            %dma_start3A_300 = tpu.memref_slice %run_scoped3A_18[%rem3A_295, %dma_start3A_298, %dma_start3A_299] : memref<2x128x32xf32, #tpu.memory_space<vmem>> -> memref<1x128x32xf32, #tpu.memory_space<vmem>>
            %dma_start3A_301 = tpu.memref_squeeze %dma_start3A_300 : memref<1x128x32xf32, #tpu.memory_space<vmem>> -> memref<128x32xf32, #tpu.memory_space<vmem>>
            %dma_start3A_302 = arith.constant 0 : i32
            %dma_start3A_303 = tpu.memref_slice %arg4[%mul3A_297, %dma_start3A_302] : memref<256000x32xf32, #tpu.memory_space<hbm>> -> memref<128x32xf32, #tpu.memory_space<hbm>>
            %dma_start3A_304 = tpu.memref_slice %run_scoped3A_19[%rem3A_295] : memref<2x!tpu.dma_semaphore, #tpu.memory_space<semaphore_mem>> -> memref<1x!tpu.dma_semaphore, #tpu.memory_space<semaphore_mem>>
            %dma_start3A_305 = tpu.memref_squeeze %dma_start3A_304 : memref<1x!tpu.dma_semaphore, #tpu.memory_space<semaphore_mem>> -> memref<!tpu.dma_semaphore, #tpu.memory_space<semaphore_mem>>
            %dma_start3A_306 = arith.constant 0 : i32
            %dma_start3A_307 = tpu.memref_slice %arg4[%mul3A_297, %dma_start3A_306] : memref<256000x32xf32, #tpu.memory_space<hbm>> -> memref<128x32xf32, #tpu.memory_space<hbm>>
            %dma_start3A_308 = arith.constant 0 : i32
            %dma_start3A_309 = arith.constant 0 : i32
            %dma_start3A_310 = tpu.memref_slice %run_scoped3A_18[%rem3A_295, %dma_start3A_308, %dma_start3A_309] : memref<2x128x32xf32, #tpu.memory_space<vmem>> -> memref<1x128x32xf32, #tpu.memory_space<vmem>>
            %dma_start3A_311 = tpu.memref_squeeze %dma_start3A_310 : memref<1x128x32xf32, #tpu.memory_space<vmem>> -> memref<128x32xf32, #tpu.memory_space<vmem>>
            tpu.enqueue_dma source(%dma_start3A_311 : memref<128x32xf32, #tpu.memory_space<vmem>>) target(%dma_start3A_307 : memref<128x32xf32, #tpu.memory_space<hbm>>) target_semaphore(%dma_start3A_305 : memref<!tpu.dma_semaphore, #tpu.memory_space<semaphore_mem>>)
            "tpu.trace_stop"() : () -> ()
          } else {
          }
          %and3A_248 = arith.constant true
          %and3A_249 = arith.andi %or3A_244, %and3A_248 : i1
          %add3A_250 = arith.constant 1 : i32
          %add3A_251 = arith.addi %while3A_145, %add3A_250 : i32
          %select_n3A_252 = arith.select %and3A_249, %add3A_251, %while3A_145 : i32
          %ne3A_253 = arith.cmpi ne, %add3A_155, %add3A_165 : i32
          %or3A_254 = arith.constant false
          %or3A_255 = arith.ori %or3A_254, %ne3A_253 : i1
          %not3A_256 = arith.constant true
          %not3A_257 = arith.xori %eq3A_151, %not3A_256 : i1
          %and3A_258 = arith.andi %or3A_255, %not3A_257 : i1
          %convert_element_type3A_259 = arith.extui %and3A_258 : i1 to i32
          %cond3A_260 = arith.constant 0 : i32
          %cond3A_261 = arith.cmpi ne, %convert_element_type3A_259, %cond3A_260 : i32
          scf.if %cond3A_261 {
          } else {
          }
          %and3A_262 = arith.constant false
          %and3A_263 = arith.andi %and3A_258, %and3A_262 : i1
          %ne3A_264 = arith.cmpi ne, %add3A_155, %add3A_165 : i32
          %or3A_265 = arith.constant false
          %or3A_266 = arith.ori %or3A_265, %ne3A_264 : i1
          %or3A_267 = arith.constant false
          %or3A_268 = arith.ori %or3A_266, %or3A_267 : i1
          %not3A_269 = arith.constant true
          %not3A_270 = arith.xori %eq3A_151, %not3A_269 : i1
          %and3A_271 = arith.andi %or3A_268, %not3A_270 : i1
          %convert_element_type3A_272 = arith.extui %and3A_271 : i1 to i32
          %cond3A_273 = arith.constant 0 : i32
          %cond3A_274 = arith.cmpi ne, %convert_element_type3A_272, %cond3A_273 : i32
          scf.if %cond3A_274 {
            "tpu.trace_start"() <{level = 10 : i32, message = "ep_wait_out"}> : () -> ()
            %rem3A_294 = arith.constant 2 : i32
            %rem3A_295 = arith.remui %while3A_146, %rem3A_294 : i32
            %mul3A_296 = arith.constant 128 : i32
            %mul3A_297 = arith.muli %mul3A_296, %add3A_165 : i32
            %dma_wait3A = arith.constant 0 : i32
            %dma_wait3A_298 = arith.constant 0 : i32
            %dma_wait3A_299 = tpu.memref_slice %run_scoped3A_18[%rem3A_295, %dma_wait3A, %dma_wait3A_298] : memref<2x128x32xf32, #tpu.memory_space<vmem>> -> memref<1x128x32xf32, #tpu.memory_space<vmem>>
            %dma_wait3A_300 = tpu.memref_squeeze %dma_wait3A_299 : memref<1x128x32xf32, #tpu.memory_space<vmem>> -> memref<128x32xf32, #tpu.memory_space<vmem>>
            %dma_wait3A_301 = arith.constant 0 : i32
            %dma_wait3A_302 = tpu.memref_slice %arg4[%mul3A_297, %dma_wait3A_301] : memref<256000x32xf32, #tpu.memory_space<hbm>> -> memref<128x32xf32, #tpu.memory_space<hbm>>
            %dma_wait3A_303 = tpu.memref_slice %run_scoped3A_19[%rem3A_295] : memref<2x!tpu.dma_semaphore, #tpu.memory_space<semaphore_mem>> -> memref<1x!tpu.dma_semaphore, #tpu.memory_space<semaphore_mem>>
            %dma_wait3A_304 = tpu.memref_squeeze %dma_wait3A_303 : memref<1x!tpu.dma_semaphore, #tpu.memory_space<semaphore_mem>> -> memref<!tpu.dma_semaphore, #tpu.memory_space<semaphore_mem>>
            %dma_wait3A_305 = arith.constant 0 : i32
            %dma_wait3A_306 = tpu.memref_slice %arg4[%mul3A_297, %dma_wait3A_305] : memref<256000x32xf32, #tpu.memory_space<hbm>> -> memref<128x32xf32, #tpu.memory_space<hbm>>
            %dma_wait3A_307 = arith.constant 0 : i32
            %dma_wait3A_308 = arith.constant 0 : i32
            %dma_wait3A_309 = tpu.memref_slice %run_scoped3A_18[%rem3A_295, %dma_wait3A_307, %dma_wait3A_308] : memref<2x128x32xf32, #tpu.memory_space<vmem>> -> memref<1x128x32xf32, #tpu.memory_space<vmem>>
            %dma_wait3A_310 = tpu.memref_squeeze %dma_wait3A_309 : memref<1x128x32xf32, #tpu.memory_space<vmem>> -> memref<128x32xf32, #tpu.memory_space<vmem>>
            tpu.wait_dma2 semaphore(%dma_wait3A_304 : memref<!tpu.dma_semaphore, #tpu.memory_space<semaphore_mem>>) src(%dma_wait3A_310 : memref<128x32xf32, #tpu.memory_space<vmem>>) dst(%dma_wait3A_306 : memref<128x32xf32, #tpu.memory_space<hbm>>)
            "tpu.trace_stop"() : () -> ()
          } else {
          }
          %and3A_275 = arith.constant true
          %and3A_276 = arith.andi %and3A_271, %and3A_275 : i1
          %add3A_277 = arith.constant 1 : i32
          %add3A_278 = arith.addi %while3A_146, %add3A_277 : i32
          %select_n3A_279 = arith.select %and3A_276, %add3A_278, %while3A_146 : i32
          %ne3A_280 = arith.cmpi ne, %add3A_155, %add3A_173 : i32
          %or3A_281 = arith.constant false
          %or3A_282 = arith.ori %or3A_281, %ne3A_280 : i1
          %or3A_283 = arith.ori %or3A_282, %eq3A_154 : i1
          %add3A_284 = arith.constant 1 : i32
          %add3A_285 = arith.addi %while3A_144, %add3A_284 : i32
          %select_n3A_286 = arith.select %or3A_283, %add3A_285, %while3A_144 : i32
          %add3A_287 = arith.constant 1 : i32
          %add3A_288 = arith.addi %while3A_147, %add3A_287 : i32
          %select_n3A_289 = arith.constant true
          %select_n3A_290 = arith.select %select_n3A_289, %add3A_288, %while3A_147 : i32
          %eq3A_291 = arith.cmpi eq, %select_n3A_290, %select_n3A : i32
          %select_n3A_292 = arith.constant 0 : i32
          %select_n3A_293 = arith.select %eq3A_291, %select_n3A_292, %select_n3A_290 : i32
          scf.yield %select_n3A_195, %select_n3A_286, %select_n3A_252, %select_n3A_279, %select_n3A_293 : i32, i32, i32, i32, i32
        }
        %while3A_89 = arith.constant 1 : i32
        %while3A_90:5 = scf.for %while3A_142 = %while3A_86 to %while3A_82 step %while3A_89 iter_args(%while3A_143 = %while3A_88#0, %while3A_144 = %while3A_88#1, %while3A_145 = %while3A_88#2, %while3A_146 = %while3A_88#3, %while3A_147 = %while3A_88#4) -> (i32, i32, i32, i32, i32)  : i32 {
          %mul3A_148 = arith.constant 1 : i32
          %mul3A_149 = arith.muli %mul3A_148, %select_n3A : i32
          %eq3A_150 = arith.constant 0 : i32
          %eq3A_151 = arith.cmpi eq, %while3A_142, %eq3A_150 : i32
          %sub3A_152 = arith.constant 1 : i32
          %sub3A_153 = arith.subi %mul3A_149, %sub3A_152 : i32
          %eq3A_154 = arith.cmpi eq, %while3A_142, %sub3A_153 : i32
          %add3A_155 = arith.addi %while3A_147, %select_n3A_14 : i32
          %sub3A_156 = arith.constant 1 : i32
          %sub3A_157 = arith.subi %while3A_147, %sub3A_156 : i32
          %select_n3A_158 = arith.constant true
          %select_n3A_159 = arith.select %select_n3A_158, %sub3A_157, %while3A_147 : i32
          %eq3A_160 = arith.constant -1 : i32
          %eq3A_161 = arith.cmpi eq, %select_n3A_159, %eq3A_160 : i32
          %sub3A_162 = arith.constant 1 : i32
          %sub3A_163 = arith.subi %select_n3A, %sub3A_162 : i32
          %select_n3A_164 = arith.select %eq3A_161, %sub3A_163, %select_n3A_159 : i32
          %add3A_165 = arith.addi %select_n3A_164, %select_n3A_14 : i32
          %add3A_166 = arith.constant 1 : i32
          %add3A_167 = arith.addi %while3A_147, %add3A_166 : i32
          %select_n3A_168 = arith.constant true
          %select_n3A_169 = arith.select %select_n3A_168, %add3A_167, %while3A_147 : i32
          %eq3A_170 = arith.cmpi eq, %select_n3A_169, %select_n3A : i32
          %select_n3A_171 = arith.constant 0 : i32
          %select_n3A_172 = arith.select %eq3A_170, %select_n3A_171, %select_n3A_169 : i32
          %add3A_173 = arith.addi %select_n3A_172, %select_n3A_14 : i32
          %add3A_174 = arith.constant 1 : i32
          %add3A_175 = arith.addi %select_n3A_172, %add3A_174 : i32
          %select_n3A_176 = arith.constant true
          %select_n3A_177 = arith.select %select_n3A_176, %add3A_175, %select_n3A_172 : i32
          %eq3A_178 = arith.cmpi eq, %select_n3A_177, %select_n3A : i32
          %select_n3A_179 = arith.constant 0 : i32
          %select_n3A_180 = arith.select %eq3A_178, %select_n3A_179, %select_n3A_177 : i32
          %add3A_181 = arith.addi %select_n3A_180, %select_n3A_14 : i32
          %ne3A = arith.cmpi ne, %add3A_155, %add3A_173 : i32
          %or3A = arith.constant false
          %or3A_182 = arith.ori %or3A, %ne3A : i1
          %sub3A_183 = arith.constant 2 : i32
          %sub3A_184 = arith.subi %mul3A_149, %sub3A_183 : i32
          %add3A_185 = arith.constant 1 : i32
          %add3A_186 = arith.addi %sub3A_184, %add3A_185 : i32
          %ge3A = arith.cmpi sge, %while3A_142, %add3A_186 : i32
          %not3A = arith.constant true
          %not3A_187 = arith.xori %ge3A, %not3A : i1
          %and3A = arith.andi %or3A_182, %not3A_187 : i1
          %convert_element_type3A_188 = arith.extui %and3A : i1 to i32
          %cond3A_189 = arith.constant 0 : i32
          %cond3A_190 = arith.cmpi ne, %convert_element_type3A_188, %cond3A_189 : i32
          scf.if %cond3A_190 {
            "tpu.trace_start"() <{level = 10 : i32, message = "ep_copy_in"}> : () -> ()
            %rem3A_294 = arith.constant 2 : i32
            %rem3A_295 = arith.remui %while3A_143, %rem3A_294 : i32
            %mul3A_296 = arith.constant 128 : i32
            %mul3A_297 = arith.muli %mul3A_296, %add3A_173 : i32
            %dma_start3A_298 = arith.constant 0 : i32
            %dma_start3A_299 = arith.constant 0 : i32
            %dma_start3A_300 = tpu.memref_slice %run_scoped3A[%rem3A_295, %dma_start3A_298, %dma_start3A_299] : memref<2x1x128xi32, #tpu.memory_space<vmem>> -> memref<1x1x128xi32, #tpu.memory_space<vmem>>
            %dma_start3A_301 = tpu.memref_squeeze %dma_start3A_300 : memref<1x1x128xi32, #tpu.memory_space<vmem>> -> memref<1x128xi32, #tpu.memory_space<vmem>>
            %dma_start3A_302 = arith.constant 0 : i32
            %dma_start3A_303 = tpu.memref_slice %arg3[%dma_start3A_302, %mul3A_297] : memref<1x256000xi32, #tpu.memory_space<hbm>> -> memref<1x128xi32, #tpu.memory_space<hbm>>
            %dma_start3A_304 = tpu.memref_slice %run_scoped3A_17[%rem3A_295] : memref<2x!tpu.dma_semaphore, #tpu.memory_space<semaphore_mem>> -> memref<1x!tpu.dma_semaphore, #tpu.memory_space<semaphore_mem>>
            %dma_start3A_305 = tpu.memref_squeeze %dma_start3A_304 : memref<1x!tpu.dma_semaphore, #tpu.memory_space<semaphore_mem>> -> memref<!tpu.dma_semaphore, #tpu.memory_space<semaphore_mem>>
            %dma_start3A_306 = arith.constant 0 : i32
            %dma_start3A_307 = arith.constant 0 : i32
            %dma_start3A_308 = tpu.memref_slice %run_scoped3A[%rem3A_295, %dma_start3A_306, %dma_start3A_307] : memref<2x1x128xi32, #tpu.memory_space<vmem>> -> memref<1x1x128xi32, #tpu.memory_space<vmem>>
            %dma_start3A_309 = tpu.memref_squeeze %dma_start3A_308 : memref<1x1x128xi32, #tpu.memory_space<vmem>> -> memref<1x128xi32, #tpu.memory_space<vmem>>
            %dma_start3A_310 = arith.constant 0 : i32
            %dma_start3A_311 = tpu.memref_slice %arg3[%dma_start3A_310, %mul3A_297] : memref<1x256000xi32, #tpu.memory_space<hbm>> -> memref<1x128xi32, #tpu.memory_space<hbm>>
            tpu.enqueue_dma source(%dma_start3A_311 : memref<1x128xi32, #tpu.memory_space<hbm>>) target(%dma_start3A_309 : memref<1x128xi32, #tpu.memory_space<vmem>>) target_semaphore(%dma_start3A_305 : memref<!tpu.dma_semaphore, #tpu.memory_space<semaphore_mem>>)
            "tpu.trace_stop"() : () -> ()
          } else {
          }
          %and3A_191 = arith.constant true
          %and3A_192 = arith.andi %and3A, %and3A_191 : i1
          %add3A_193 = arith.constant 1 : i32
          %add3A_194 = arith.addi %while3A_143, %add3A_193 : i32
          %select_n3A_195 = arith.select %and3A_192, %add3A_194, %while3A_143 : i32
          %ne3A_196 = arith.cmpi ne, %add3A_155, %add3A_173 : i32
          %or3A_197 = arith.constant false
          %or3A_198 = arith.ori %or3A_197, %ne3A_196 : i1
          %or3A_199 = arith.constant false
          %or3A_200 = arith.ori %or3A_198, %or3A_199 : i1
          %sub3A_201 = arith.constant 2 : i32
          %sub3A_202 = arith.subi %mul3A_149, %sub3A_201 : i32
          %add3A_203 = arith.constant 1 : i32
          %add3A_204 = arith.addi %sub3A_202, %add3A_203 : i32
          %ge3A_205 = arith.cmpi sge, %while3A_142, %add3A_204 : i32
          %not3A_206 = arith.constant true
          %not3A_207 = arith.xori %ge3A_205, %not3A_206 : i1
          %and3A_208 = arith.andi %or3A_200, %not3A_207 : i1
          %ne3A_209 = arith.cmpi ne, %add3A_155, %add3A_165 : i32
          %or3A_210 = arith.constant false
          %or3A_211 = arith.ori %or3A_210, %ne3A_209 : i1
          %or3A_212 = arith.ori %or3A_211, %eq3A_151 : i1
          %convert_element_type3A_213 = arith.extui %or3A_212 : i1 to i32
          %cond3A_214 = arith.constant 0 : i32
          %cond3A_215 = arith.cmpi ne, %convert_element_type3A_213, %cond3A_214 : i32
          scf.if %cond3A_215 {
            "tpu.trace_start"() <{level = 10 : i32, message = "ep_wait_in"}> : () -> ()
            %mul3A_294 = arith.constant 128 : i32
            %mul3A_295 = arith.muli %mul3A_294, %add3A_155 : i32
            %rem3A_296 = arith.constant 2 : i32
            %rem3A_297 = arith.remui %while3A_144, %rem3A_296 : i32
            %dma_wait3A = arith.constant 0 : i32
            %dma_wait3A_298 = arith.constant 0 : i32
            %dma_wait3A_299 = tpu.memref_slice %run_scoped3A[%rem3A_297, %dma_wait3A, %dma_wait3A_298] : memref<2x1x128xi32, #tpu.memory_space<vmem>> -> memref<1x1x128xi32, #tpu.memory_space<vmem>>
            %dma_wait3A_300 = tpu.memref_squeeze %dma_wait3A_299 : memref<1x1x128xi32, #tpu.memory_space<vmem>> -> memref<1x128xi32, #tpu.memory_space<vmem>>
            %dma_wait3A_301 = arith.constant 0 : i32
            %dma_wait3A_302 = tpu.memref_slice %arg3[%dma_wait3A_301, %mul3A_295] : memref<1x256000xi32, #tpu.memory_space<hbm>> -> memref<1x128xi32, #tpu.memory_space<hbm>>
            %dma_wait3A_303 = tpu.memref_slice %run_scoped3A_17[%rem3A_297] : memref<2x!tpu.dma_semaphore, #tpu.memory_space<semaphore_mem>> -> memref<1x!tpu.dma_semaphore, #tpu.memory_space<semaphore_mem>>
            %dma_wait3A_304 = tpu.memref_squeeze %dma_wait3A_303 : memref<1x!tpu.dma_semaphore, #tpu.memory_space<semaphore_mem>> -> memref<!tpu.dma_semaphore, #tpu.memory_space<semaphore_mem>>
            %dma_wait3A_305 = arith.constant 0 : i32
            %dma_wait3A_306 = arith.constant 0 : i32
            %dma_wait3A_307 = tpu.memref_slice %run_scoped3A[%rem3A_297, %dma_wait3A_305, %dma_wait3A_306] : memref<2x1x128xi32, #tpu.memory_space<vmem>> -> memref<1x1x128xi32, #tpu.memory_space<vmem>>
            %dma_wait3A_308 = tpu.memref_squeeze %dma_wait3A_307 : memref<1x1x128xi32, #tpu.memory_space<vmem>> -> memref<1x128xi32, #tpu.memory_space<vmem>>
            %dma_wait3A_309 = arith.constant 0 : i32
            %dma_wait3A_310 = tpu.memref_slice %arg3[%dma_wait3A_309, %mul3A_295] : memref<1x256000xi32, #tpu.memory_space<hbm>> -> memref<1x128xi32, #tpu.memory_space<hbm>>
            tpu.wait_dma2 semaphore(%dma_wait3A_304 : memref<!tpu.dma_semaphore, #tpu.memory_space<semaphore_mem>>) src(%dma_wait3A_310 : memref<1x128xi32, #tpu.memory_space<hbm>>) dst(%dma_wait3A_308 : memref<1x128xi32, #tpu.memory_space<vmem>>)
            "tpu.trace_stop"() : () -> ()
          } else {
          }
          %ne3A_216 = arith.cmpi ne, %add3A_155, %add3A_165 : i32
          %or3A_217 = arith.constant false
          %or3A_218 = arith.ori %or3A_217, %ne3A_216 : i1
          %or3A_219 = arith.constant false
          %or3A_220 = arith.ori %or3A_218, %or3A_219 : i1
          %or3A_221 = arith.ori %or3A_220, %eq3A_151 : i1
          %convert_element_type3A_222 = arith.extui %or3A_221 : i1 to i32
          %cond3A_223 = arith.constant 0 : i32
          %cond3A_224 = arith.cmpi ne, %convert_element_type3A_222, %cond3A_223 : i32
          scf.if %cond3A_224 {
          } else {
          }
          %rem3A_225 = arith.constant 2 : i32
          %rem3A_226 = arith.remui %while3A_144, %rem3A_225 : i32
          %rem3A_227 = arith.constant 2 : i32
          %rem3A_228 = arith.remui %while3A_145, %rem3A_227 : i32
          %run_scoped3A_229 = arith.constant 0 : i32
          "tpu.trace_start"() <{level = 10 : i32, message = "ep_run_kernel"}> : () -> ()
          "tpu.region"() ({
            %run_scoped3A_294 = tpu.sem_alloc : memref<!tpu.dma_semaphore, #tpu.memory_space<semaphore_mem>>
            %dma_start3A_295 = arith.constant 0 : i32
            %dma_start3A_296 = arith.constant 0 : i32
            %dma_start3A_297 = tpu.memref_slice %run_scoped3A_18[%rem3A_228, %dma_start3A_295, %dma_start3A_296] : memref<2x128x32xf32, #tpu.memory_space<vmem>> -> memref<1x128x32xf32, #tpu.memory_space<vmem>>
            %dma_start3A_298 = tpu.memref_squeeze %dma_start3A_297 : memref<1x128x32xf32, #tpu.memory_space<vmem>> -> memref<128x32xf32, #tpu.memory_space<vmem>>
            %dma_start3A_299 = arith.constant 0 : i32
            %dma_start3A_300 = arith.constant 0 : i32
            %dma_start3A_301 = tpu.memref_slice %run_scoped3A[%rem3A_226, %dma_start3A_299, %dma_start3A_300] : memref<2x1x128xi32, #tpu.memory_space<vmem>> -> memref<1x1x128xi32, #tpu.memory_space<vmem>>
            %dma_start3A_302 = tpu.memref_squeeze %dma_start3A_301 : memref<1x1x128xi32, #tpu.memory_space<vmem>> -> memref<1x128xi32, #tpu.memory_space<vmem>>
            %dma_start3A_303 = arith.constant 0 : i32
            %dma_start3A_304 = tpu.memref_slice %dma_start3A_302[%run_scoped3A_229, %dma_start3A_303] : memref<1x128xi32, #tpu.memory_space<vmem>> -> memref<1x128xi32, #tpu.memory_space<vmem>>
            %dma_start3A_305 = tpu.memref_squeeze %dma_start3A_304 : memref<1x128xi32, #tpu.memory_space<vmem>> -> memref<128xi32, #tpu.memory_space<vmem>>
            %dma_start3A_306 = arith.constant 0 : i32
            %dma_start3A_307 = arith.constant 0 : i32
            %dma_start3A_308 = tpu.memref_slice %arg2[%dma_start3A_306, %dma_start3A_307] : memref<8000x32xf32, #tpu.memory_space<hbm>> -> memref<8000x32xf32, #tpu.memory_space<hbm>>
            tpu.enqueue_indirect_dma source(%dma_start3A_308 : memref<8000x32xf32, #tpu.memory_space<hbm>>) target(%dma_start3A_298 : memref<128x32xf32, #tpu.memory_space<vmem>>) offsets(%dma_start3A_305 : memref<128xi32, #tpu.memory_space<vmem>>) semaphore(%run_scoped3A_294 : memref<!tpu.dma_semaphore, #tpu.memory_space<semaphore_mem>>)
            %dma_wait3A = arith.constant 0 : i32
            %dma_wait3A_309 = arith.constant 0 : i32
            %dma_wait3A_310 = tpu.memref_slice %run_scoped3A_18[%rem3A_228, %dma_wait3A, %dma_wait3A_309] : memref<2x128x32xf32, #tpu.memory_space<vmem>> -> memref<1x128x32xf32, #tpu.memory_space<vmem>>
            %dma_wait3A_311 = tpu.memref_squeeze %dma_wait3A_310 : memref<1x128x32xf32, #tpu.memory_space<vmem>> -> memref<128x32xf32, #tpu.memory_space<vmem>>
            %dma_wait3A_312 = arith.constant 0 : i32
            %dma_wait3A_313 = arith.constant 0 : i32
            %dma_wait3A_314 = tpu.memref_slice %run_scoped3A[%rem3A_226, %dma_wait3A_312, %dma_wait3A_313] : memref<2x1x128xi32, #tpu.memory_space<vmem>> -> memref<1x1x128xi32, #tpu.memory_space<vmem>>
            %dma_wait3A_315 = tpu.memref_squeeze %dma_wait3A_314 : memref<1x1x128xi32, #tpu.memory_space<vmem>> -> memref<1x128xi32, #tpu.memory_space<vmem>>
            %dma_wait3A_316 = arith.constant 0 : i32
            %dma_wait3A_317 = tpu.memref_slice %dma_wait3A_315[%run_scoped3A_229, %dma_wait3A_316] : memref<1x128xi32, #tpu.memory_space<vmem>> -> memref<1x128xi32, #tpu.memory_space<vmem>>
            %dma_wait3A_318 = tpu.memref_squeeze %dma_wait3A_317 : memref<1x128xi32, #tpu.memory_space<vmem>> -> memref<128xi32, #tpu.memory_space<vmem>>
            %dma_wait3A_319 = arith.constant 0 : i32
            %dma_wait3A_320 = arith.constant 0 : i32
            %dma_wait3A_321 = tpu.memref_slice %arg2[%dma_wait3A_319, %dma_wait3A_320] : memref<8000x32xf32, #tpu.memory_space<hbm>> -> memref<8000x32xf32, #tpu.memory_space<hbm>>
            tpu.wait_indirect_dma semaphore(%run_scoped3A_294 : memref<!tpu.dma_semaphore, #tpu.memory_space<semaphore_mem>>) src(%dma_wait3A_321 : memref<8000x32xf32, #tpu.memory_space<hbm>>) dst(%dma_wait3A_311 : memref<128x32xf32, #tpu.memory_space<vmem>>)
            tpu.yield
          }) : () -> ()
          "tpu.trace_stop"() : () -> ()
          %ne3A_230 = arith.cmpi ne, %add3A_155, %add3A_173 : i32
          %or3A_231 = arith.constant false
          %or3A_232 = arith.ori %or3A_231, %ne3A_230 : i1
          %or3A_233 = arith.ori %or3A_232, %eq3A_154 : i1
          %convert_element_type3A_234 = arith.extui %or3A_233 : i1 to i32
          %cond3A_235 = arith.constant 0 : i32
          %cond3A_236 = arith.cmpi ne, %convert_element_type3A_234, %cond3A_235 : i32
          scf.if %cond3A_236 {
          } else {
          }
          %and3A_237 = arith.constant false
          %and3A_238 = arith.andi %or3A_233, %and3A_237 : i1
          %ne3A_239 = arith.cmpi ne, %add3A_155, %add3A_173 : i32
          %or3A_240 = arith.constant false
          %or3A_241 = arith.ori %or3A_240, %ne3A_239 : i1
          %or3A_242 = arith.constant false
          %or3A_243 = arith.ori %or3A_241, %or3A_242 : i1
          %or3A_244 = arith.ori %or3A_243, %eq3A_154 : i1
          %convert_element_type3A_245 = arith.extui %or3A_244 : i1 to i32
          %cond3A_246 = arith.constant 0 : i32
          %cond3A_247 = arith.cmpi ne, %convert_element_type3A_245, %cond3A_246 : i32
          scf.if %cond3A_247 {
            "tpu.trace_start"() <{level = 10 : i32, message = "ep_copy_out"}> : () -> ()
            %rem3A_294 = arith.constant 2 : i32
            %rem3A_295 = arith.remui %while3A_145, %rem3A_294 : i32
            %mul3A_296 = arith.constant 128 : i32
            %mul3A_297 = arith.muli %mul3A_296, %add3A_155 : i32
            %dma_start3A_298 = arith.constant 0 : i32
            %dma_start3A_299 = arith.constant 0 : i32
            %dma_start3A_300 = tpu.memref_slice %run_scoped3A_18[%rem3A_295, %dma_start3A_298, %dma_start3A_299] : memref<2x128x32xf32, #tpu.memory_space<vmem>> -> memref<1x128x32xf32, #tpu.memory_space<vmem>>
            %dma_start3A_301 = tpu.memref_squeeze %dma_start3A_300 : memref<1x128x32xf32, #tpu.memory_space<vmem>> -> memref<128x32xf32, #tpu.memory_space<vmem>>
            %dma_start3A_302 = arith.constant 0 : i32
            %dma_start3A_303 = tpu.memref_slice %arg4[%mul3A_297, %dma_start3A_302] : memref<256000x32xf32, #tpu.memory_space<hbm>> -> memref<128x32xf32, #tpu.memory_space<hbm>>
            %dma_start3A_304 = tpu.memref_slice %run_scoped3A_19[%rem3A_295] : memref<2x!tpu.dma_semaphore, #tpu.memory_space<semaphore_mem>> -> memref<1x!tpu.dma_semaphore, #tpu.memory_space<semaphore_mem>>
            %dma_start3A_305 = tpu.memref_squeeze %dma_start3A_304 : memref<1x!tpu.dma_semaphore, #tpu.memory_space<semaphore_mem>> -> memref<!tpu.dma_semaphore, #tpu.memory_space<semaphore_mem>>
            %dma_start3A_306 = arith.constant 0 : i32
            %dma_start3A_307 = tpu.memref_slice %arg4[%mul3A_297, %dma_start3A_306] : memref<256000x32xf32, #tpu.memory_space<hbm>> -> memref<128x32xf32, #tpu.memory_space<hbm>>
            %dma_start3A_308 = arith.constant 0 : i32
            %dma_start3A_309 = arith.constant 0 : i32
            %dma_start3A_310 = tpu.memref_slice %run_scoped3A_18[%rem3A_295, %dma_start3A_308, %dma_start3A_309] : memref<2x128x32xf32, #tpu.memory_space<vmem>> -> memref<1x128x32xf32, #tpu.memory_space<vmem>>
            %dma_start3A_311 = tpu.memref_squeeze %dma_start3A_310 : memref<1x128x32xf32, #tpu.memory_space<vmem>> -> memref<128x32xf32, #tpu.memory_space<vmem>>
            tpu.enqueue_dma source(%dma_start3A_311 : memref<128x32xf32, #tpu.memory_space<vmem>>) target(%dma_start3A_307 : memref<128x32xf32, #tpu.memory_space<hbm>>) target_semaphore(%dma_start3A_305 : memref<!tpu.dma_semaphore, #tpu.memory_space<semaphore_mem>>)
            "tpu.trace_stop"() : () -> ()
          } else {
          }
          %and3A_248 = arith.constant true
          %and3A_249 = arith.andi %or3A_244, %and3A_248 : i1
          %add3A_250 = arith.constant 1 : i32
          %add3A_251 = arith.addi %while3A_145, %add3A_250 : i32
          %select_n3A_252 = arith.select %and3A_249, %add3A_251, %while3A_145 : i32
          %ne3A_253 = arith.cmpi ne, %add3A_155, %add3A_165 : i32
          %or3A_254 = arith.constant false
          %or3A_255 = arith.ori %or3A_254, %ne3A_253 : i1
          %not3A_256 = arith.constant true
          %not3A_257 = arith.xori %eq3A_151, %not3A_256 : i1
          %and3A_258 = arith.andi %or3A_255, %not3A_257 : i1
          %convert_element_type3A_259 = arith.extui %and3A_258 : i1 to i32
          %cond3A_260 = arith.constant 0 : i32
          %cond3A_261 = arith.cmpi ne, %convert_element_type3A_259, %cond3A_260 : i32
          scf.if %cond3A_261 {
          } else {
          }
          %and3A_262 = arith.constant false
          %and3A_263 = arith.andi %and3A_258, %and3A_262 : i1
          %ne3A_264 = arith.cmpi ne, %add3A_155, %add3A_165 : i32
          %or3A_265 = arith.constant false
          %or3A_266 = arith.ori %or3A_265, %ne3A_264 : i1
          %or3A_267 = arith.constant false
          %or3A_268 = arith.ori %or3A_266, %or3A_267 : i1
          %not3A_269 = arith.constant true
          %not3A_270 = arith.xori %eq3A_151, %not3A_269 : i1
          %and3A_271 = arith.andi %or3A_268, %not3A_270 : i1
          %convert_element_type3A_272 = arith.extui %and3A_271 : i1 to i32
          %cond3A_273 = arith.constant 0 : i32
          %cond3A_274 = arith.cmpi ne, %convert_element_type3A_272, %cond3A_273 : i32
          scf.if %cond3A_274 {
            "tpu.trace_start"() <{level = 10 : i32, message = "ep_wait_out"}> : () -> ()
            %rem3A_294 = arith.constant 2 : i32
            %rem3A_295 = arith.remui %while3A_146, %rem3A_294 : i32
            %mul3A_296 = arith.constant 128 : i32
            %mul3A_297 = arith.muli %mul3A_296, %add3A_165 : i32
            %dma_wait3A = arith.constant 0 : i32
            %dma_wait3A_298 = arith.constant 0 : i32
            %dma_wait3A_299 = tpu.memref_slice %run_scoped3A_18[%rem3A_295, %dma_wait3A, %dma_wait3A_298] : memref<2x128x32xf32, #tpu.memory_space<vmem>> -> memref<1x128x32xf32, #tpu.memory_space<vmem>>
            %dma_wait3A_300 = tpu.memref_squeeze %dma_wait3A_299 : memref<1x128x32xf32, #tpu.memory_space<vmem>> -> memref<128x32xf32, #tpu.memory_space<vmem>>
            %dma_wait3A_301 = arith.constant 0 : i32
            %dma_wait3A_302 = tpu.memref_slice %arg4[%mul3A_297, %dma_wait3A_301] : memref<256000x32xf32, #tpu.memory_space<hbm>> -> memref<128x32xf32, #tpu.memory_space<hbm>>
            %dma_wait3A_303 = tpu.memref_slice %run_scoped3A_19[%rem3A_295] : memref<2x!tpu.dma_semaphore, #tpu.memory_space<semaphore_mem>> -> memref<1x!tpu.dma_semaphore, #tpu.memory_space<semaphore_mem>>
            %dma_wait3A_304 = tpu.memref_squeeze %dma_wait3A_303 : memref<1x!tpu.dma_semaphore, #tpu.memory_space<semaphore_mem>> -> memref<!tpu.dma_semaphore, #tpu.memory_space<semaphore_mem>>
            %dma_wait3A_305 = arith.constant 0 : i32
            %dma_wait3A_306 = tpu.memref_slice %arg4[%mul3A_297, %dma_wait3A_305] : memref<256000x32xf32, #tpu.memory_space<hbm>> -> memref<128x32xf32, #tpu.memory_space<hbm>>
            %dma_wait3A_307 = arith.constant 0 : i32
            %dma_wait3A_308 = arith.constant 0 : i32
            %dma_wait3A_309 = tpu.memref_slice %run_scoped3A_18[%rem3A_295, %dma_wait3A_307, %dma_wait3A_308] : memref<2x128x32xf32, #tpu.memory_space<vmem>> -> memref<1x128x32xf32, #tpu.memory_space<vmem>>
            %dma_wait3A_310 = tpu.memref_squeeze %dma_wait3A_309 : memref<1x128x32xf32, #tpu.memory_space<vmem>> -> memref<128x32xf32, #tpu.memory_space<vmem>>
            tpu.wait_dma2 semaphore(%dma_wait3A_304 : memref<!tpu.dma_semaphore, #tpu.memory_space<semaphore_mem>>) src(%dma_wait3A_310 : memref<128x32xf32, #tpu.memory_space<vmem>>) dst(%dma_wait3A_306 : memref<128x32xf32, #tpu.memory_space<hbm>>)
            "tpu.trace_stop"() : () -> ()
          } else {
          }
          %and3A_275 = arith.constant true
          %and3A_276 = arith.andi %and3A_271, %and3A_275 : i1
          %add3A_277 = arith.constant 1 : i32
          %add3A_278 = arith.addi %while3A_146, %add3A_277 : i32
          %select_n3A_279 = arith.select %and3A_276, %add3A_278, %while3A_146 : i32
          %ne3A_280 = arith.cmpi ne, %add3A_155, %add3A_173 : i32
          %or3A_281 = arith.constant false
          %or3A_282 = arith.ori %or3A_281, %ne3A_280 : i1
          %or3A_283 = arith.ori %or3A_282, %eq3A_154 : i1
          %add3A_284 = arith.constant 1 : i32
          %add3A_285 = arith.addi %while3A_144, %add3A_284 : i32
          %select_n3A_286 = arith.select %or3A_283, %add3A_285, %while3A_144 : i32
          %add3A_287 = arith.constant 1 : i32
          %add3A_288 = arith.addi %while3A_147, %add3A_287 : i32
          %select_n3A_289 = arith.constant true
          %select_n3A_290 = arith.select %select_n3A_289, %add3A_288, %while3A_147 : i32
          %eq3A_291 = arith.cmpi eq, %select_n3A_290, %select_n3A : i32
          %select_n3A_292 = arith.constant 0 : i32
          %select_n3A_293 = arith.select %eq3A_291, %select_n3A_292, %select_n3A_290 : i32
          scf.yield %select_n3A_195, %select_n3A_286, %select_n3A_252, %select_n3A_279, %select_n3A_293 : i32, i32, i32, i32, i32
        }
        %sub3A_91 = arith.constant 1 : i32
        %sub3A_92 = arith.subi %while3A_90#4, %sub3A_91 : i32
        %select_n3A_93 = arith.constant true
        %select_n3A_94 = arith.select %select_n3A_93, %sub3A_92, %while3A_90#4 : i32
        %eq3A_95 = arith.constant -1 : i32
        %eq3A_96 = arith.cmpi eq, %select_n3A_94, %eq3A_95 : i32
        %sub3A_97 = arith.constant 1 : i32
        %sub3A_98 = arith.subi %select_n3A, %sub3A_97 : i32
        %select_n3A_99 = arith.select %eq3A_96, %sub3A_98, %select_n3A_94 : i32
        %sub3A_100 = arith.constant 1 : i32
        %sub3A_101 = arith.subi %mul3A_16, %sub3A_100 : i32
        %mul3A_102 = arith.constant 1 : i32
        %mul3A_103 = arith.muli %mul3A_102, %select_n3A : i32
        %eq3A_104 = arith.constant 0 : i32
        %eq3A_105 = arith.cmpi eq, %sub3A_101, %eq3A_104 : i32
        %sub3A_106 = arith.constant 1 : i32
        %sub3A_107 = arith.subi %mul3A_103, %sub3A_106 : i32
        %eq3A_108 = arith.cmpi eq, %sub3A_101, %sub3A_107 : i32
        %add3A_109 = arith.addi %select_n3A_99, %select_n3A_14 : i32
        %sub3A_110 = arith.constant 1 : i32
        %sub3A_111 = arith.subi %select_n3A_99, %sub3A_110 : i32
        %select_n3A_112 = arith.constant true
        %select_n3A_113 = arith.select %select_n3A_112, %sub3A_111, %select_n3A_99 : i32
        %eq3A_114 = arith.constant -1 : i32
        %eq3A_115 = arith.cmpi eq, %select_n3A_113, %eq3A_114 : i32
        %sub3A_116 = arith.constant 1 : i32
        %sub3A_117 = arith.subi %select_n3A, %sub3A_116 : i32
        %select_n3A_118 = arith.select %eq3A_115, %sub3A_117, %select_n3A_113 : i32
        %add3A_119 = arith.addi %select_n3A_118, %select_n3A_14 : i32
        %add3A_120 = arith.constant 1 : i32
        %add3A_121 = arith.addi %select_n3A_99, %add3A_120 : i32
        %select_n3A_122 = arith.constant true
        %select_n3A_123 = arith.select %select_n3A_122, %add3A_121, %select_n3A_99 : i32
        %eq3A_124 = arith.cmpi eq, %select_n3A_123, %select_n3A : i32
        %select_n3A_125 = arith.constant 0 : i32
        %select_n3A_126 = arith.select %eq3A_124, %select_n3A_125, %select_n3A_123 : i32
        %add3A_127 = arith.addi %select_n3A_126, %select_n3A_14 : i32
        %add3A_128 = arith.constant 1 : i32
        %add3A_129 = arith.addi %select_n3A_126, %add3A_128 : i32
        %select_n3A_130 = arith.constant true
        %select_n3A_131 = arith.select %select_n3A_130, %add3A_129, %select_n3A_126 : i32
        %eq3A_132 = arith.cmpi eq, %select_n3A_131, %select_n3A : i32
        %select_n3A_133 = arith.constant 0 : i32
        %select_n3A_134 = arith.select %eq3A_132, %select_n3A_133, %select_n3A_131 : i32
        %add3A_135 = arith.addi %select_n3A_134, %select_n3A_14 : i32
        %convert_element_type3A_136 = arith.extui %eq3A_108 : i1 to i32
        %cond3A_137 = arith.constant 0 : i32
        %cond3A_138 = arith.cmpi ne, %convert_element_type3A_136, %cond3A_137 : i32
        scf.if %cond3A_138 {
        } else {
        }
        %convert_element_type3A_139 = arith.extui %eq3A_108 : i1 to i32
        %cond3A_140 = arith.constant 0 : i32
        %cond3A_141 = arith.cmpi ne, %convert_element_type3A_139, %cond3A_140 : i32
        scf.if %cond3A_141 {
          "tpu.trace_start"() <{level = 10 : i32, message = "ep_finalize"}> : () -> ()
          %rem3A_142 = arith.constant 2 : i32
          %rem3A_143 = arith.remui %while3A_90#3, %rem3A_142 : i32
          %mul3A_144 = arith.constant 128 : i32
          %mul3A_145 = arith.muli %mul3A_144, %add3A_109 : i32
          %dma_wait3A = arith.constant 0 : i32
          %dma_wait3A_146 = arith.constant 0 : i32
          %dma_wait3A_147 = tpu.memref_slice %run_scoped3A_18[%rem3A_143, %dma_wait3A, %dma_wait3A_146] : memref<2x128x32xf32, #tpu.memory_space<vmem>> -> memref<1x128x32xf32, #tpu.memory_space<vmem>>
          %dma_wait3A_148 = tpu.memref_squeeze %dma_wait3A_147 : memref<1x128x32xf32, #tpu.memory_space<vmem>> -> memref<128x32xf32, #tpu.memory_space<vmem>>
          %dma_wait3A_149 = arith.constant 0 : i32
          %dma_wait3A_150 = tpu.memref_slice %arg4[%mul3A_145, %dma_wait3A_149] : memref<256000x32xf32, #tpu.memory_space<hbm>> -> memref<128x32xf32, #tpu.memory_space<hbm>>
          %dma_wait3A_151 = tpu.memref_slice %run_scoped3A_19[%rem3A_143] : memref<2x!tpu.dma_semaphore, #tpu.memory_space<semaphore_mem>> -> memref<1x!tpu.dma_semaphore, #tpu.memory_space<semaphore_mem>>
          %dma_wait3A_152 = tpu.memref_squeeze %dma_wait3A_151 : memref<1x!tpu.dma_semaphore, #tpu.memory_space<semaphore_mem>> -> memref<!tpu.dma_semaphore, #tpu.memory_space<semaphore_mem>>
          %dma_wait3A_153 = arith.constant 0 : i32
          %dma_wait3A_154 = tpu.memref_slice %arg4[%mul3A_145, %dma_wait3A_153] : memref<256000x32xf32, #tpu.memory_space<hbm>> -> memref<128x32xf32, #tpu.memory_space<hbm>>
          %dma_wait3A_155 = arith.constant 0 : i32
          %dma_wait3A_156 = arith.constant 0 : i32
          %dma_wait3A_157 = tpu.memref_slice %run_scoped3A_18[%rem3A_143, %dma_wait3A_155, %dma_wait3A_156] : memref<2x128x32xf32, #tpu.memory_space<vmem>> -> memref<1x128x32xf32, #tpu.memory_space<vmem>>
          %dma_wait3A_158 = tpu.memref_squeeze %dma_wait3A_157 : memref<1x128x32xf32, #tpu.memory_space<vmem>> -> memref<128x32xf32, #tpu.memory_space<vmem>>
          tpu.wait_dma2 semaphore(%dma_wait3A_152 : memref<!tpu.dma_semaphore, #tpu.memory_space<semaphore_mem>>) src(%dma_wait3A_158 : memref<128x32xf32, #tpu.memory_space<vmem>>) dst(%dma_wait3A_154 : memref<128x32xf32, #tpu.memory_space<hbm>>)
          "tpu.trace_stop"() : () -> ()
        } else {
        }
      } else {
      }
      tpu.yield
    }) : () -> ()
    return
  }
}

#map = affine_map<(d0, d1) -> (0, 0)>
module attributes {stable_mosaic.version = 14 : i64} {
  func.func @k(%arg0: i32, %arg1: i32, %arg2: memref<8000x32xf32, #tpu.memory_space<hbm>>, %arg3: memref<1x256000xi32, #tpu.memory_space<hbm>>, %arg4: memref<256000x32xf32, #tpu.memory_space<hbm>>) attributes {dimension_semantics = [#tpu.dimension_semantics<core_parallel>, #tpu.dimension_semantics<subcore_parallel>], iteration_bounds = array<i64: 2, 16>, scalar_prefetch = 0 : i64, scratch_operands = 0 : i64, tpu.core_type = #tpu.core_type<sc_vector_subcore>, window_params = [{transform_indices = #map}, {transform_indices = #map}, {transform_indices = #map}]} {
    %mul3A = arith.constant 1 : i32
    %mul3A_0 = arith.muli %arg1, %mul3A : i32
    %add3A = arith.constant 0 : i32
    %add3A_1 = arith.addi %add3A, %mul3A_0 : i32
    %mul3A_2 = arith.constant 16 : i32
    %mul3A_3 = arith.muli %arg0, %mul3A_2 : i32
    %add3A_4 = arith.addi %add3A_1, %mul3A_3 : i32
    %lt3A = arith.constant 16 : i32
    %lt3A_5 = arith.cmpi slt, %add3A_4, %lt3A : i32
    %jit3A = arith.constant 63 : i32
    %jit3A_6 = arith.constant 62 : i32
    %select_n3A = arith.select %lt3A_5, %jit3A, %jit3A_6 : i32
    %lt3A_7 = arith.constant 16 : i32
    %lt3A_8 = arith.cmpi slt, %add3A_4, %lt3A_7 : i32
    %mul3A_9 = arith.muli %add3A_4, %select_n3A : i32
    %mul3A_10 = arith.constant 62 : i32
    %mul3A_11 = arith.muli %add3A_4, %mul3A_10 : i32
    %add3A_12 = arith.constant 16 : i32
    %add3A_13 = arith.addi %mul3A_11, %add3A_12 : i32
    %select_n3A_14 = arith.select %lt3A_8, %mul3A_9, %add3A_13 : i32
    %mul3A_15 = arith.constant 1 : i32
    %mul3A_16 = arith.muli %mul3A_15, %select_n3A : i32
    "tpu.region"() ({
      %run_scoped3A = memref.alloca() : memref<2x1x128xi32, #tpu.memory_space<vmem>>
      %run_scoped3A_17 = tpu.sem_alloc : memref<2x!tpu.dma_semaphore, #tpu.memory_space<semaphore_mem>>
      %run_scoped3A_18 = memref.alloca() : memref<2x128x32xf32, #tpu.memory_space<vmem>>
      %run_scoped3A_19 = tpu.sem_alloc : memref<2x!tpu.dma_semaphore, #tpu.memory_space<semaphore_mem>>
      %gt3A = arith.constant 0 : i32
      %gt3A_20 = arith.cmpi sgt, %mul3A_16, %gt3A : i32
      %convert_element_type3A = arith.extui %gt3A_20 : i1 to i32
      %cond3A = arith.constant 0 : i32
      %cond3A_21 = arith.cmpi ne, %convert_element_type3A, %cond3A : i32
      scf.if %cond3A_21 {
        %mul3A_22 = arith.constant 1 : i32
        %mul3A_23 = arith.muli %mul3A_22, %select_n3A : i32
        %sub3A = arith.constant 1 : i32
        %sub3A_24 = arith.subi %mul3A_23, %sub3A : i32
        %eq3A = arith.constant 0 : i32
        %eq3A_25 = arith.cmpi eq, %sub3A_24, %eq3A : i32
        %add3A_26 = arith.constant 0 : i32
        %add3A_27 = arith.addi %add3A_26, %select_n3A_14 : i32
        %select_n3A_28 = arith.constant true
        %select_n3A_29 = arith.constant 0 : i32
        %select_n3A_30 = arith.constant -1 : i32
        %select_n3A_31 = arith.select %select_n3A_28, %select_n3A_30, %select_n3A_29 : i32
        %eq3A_32 = arith.constant -1 : i32
        %eq3A_33 = arith.cmpi eq, %select_n3A_31, %eq3A_32 : i32
        %sub3A_34 = arith.constant 1 : i32
        %sub3A_35 = arith.subi %select_n3A, %sub3A_34 : i32
        %select_n3A_36 = arith.select %eq3A_33, %sub3A_35, %select_n3A_31 : i32
        %add3A_37 = arith.addi %select_n3A_36, %select_n3A_14 : i32
        %select_n3A_38 = arith.constant true
        %select_n3A_39 = arith.constant 0 : i32
        %select_n3A_40 = arith.constant 1 : i32
        %select_n3A_41 = arith.select %select_n3A_38, %select_n3A_40, %select_n3A_39 : i32
        %eq3A_42 = arith.cmpi eq, %select_n3A_41, %select_n3A : i32
        %select_n3A_43 = arith.constant 0 : i32
        %select_n3A_44 = arith.select %eq3A_42, %select_n3A_43, %select_n3A_41 : i32
        %add3A_45 = arith.addi %select_n3A_44, %select_n3A_14 : i32
        %add3A_46 = arith.constant 1 : i32
        %add3A_47 = arith.addi %select_n3A_44, %add3A_46 : i32
        %select_n3A_48 = arith.constant true
        %select_n3A_49 = arith.select %select_n3A_48, %add3A_47, %select_n3A_44 : i32
        %eq3A_50 = arith.cmpi eq, %select_n3A_49, %select_n3A : i32
        %select_n3A_51 = arith.constant 0 : i32
        %select_n3A_52 = arith.select %eq3A_50, %select_n3A_51, %select_n3A_49 : i32
        %add3A_53 = arith.addi %select_n3A_52, %select_n3A_14 : i32
        "tpu.trace_start"() <{level = 10 : i32, message = "ep_initialize_0"}> : () -> ()
        %rem3A = arith.constant 0 : i32
        %rem3A_54 = arith.constant 2 : i32
        %rem3A_55 = arith.remui %rem3A, %rem3A_54 : i32
        %mul3A_56 = arith.constant 128 : i32
        %mul3A_57 = arith.muli %mul3A_56, %add3A_27 : i32
        %dma_start3A = arith.constant 0 : i32
        %dma_start3A_58 = arith.constant 0 : i32
        %dma_start3A_59 = tpu.memref_slice %run_scoped3A[%rem3A_55, %dma_start3A, %dma_start3A_58] : memref<2x1x128xi32, #tpu.memory_space<vmem>> -> memref<1x1x128xi32, #tpu.memory_space<vmem>>
        %dma_start3A_60 = tpu.memref_squeeze %dma_start3A_59 : memref<1x1x128xi32, #tpu.memory_space<vmem>> -> memref<1x128xi32, #tpu.memory_space<vmem>>
        %dma_start3A_61 = arith.constant 0 : i32
        %dma_start3A_62 = tpu.memref_slice %arg3[%dma_start3A_61, %mul3A_57] : memref<1x256000xi32, #tpu.memory_space<hbm>> -> memref<1x128xi32, #tpu.memory_space<hbm>>
        %dma_start3A_63 = tpu.memref_slice %run_scoped3A_17[%rem3A_55] : memref<2x!tpu.dma_semaphore, #tpu.memory_space<semaphore_mem>> -> memref<1x!tpu.dma_semaphore, #tpu.memory_space<semaphore_mem>>
        %dma_start3A_64 = tpu.memref_squeeze %dma_start3A_63 : memref<1x!tpu.dma_semaphore, #tpu.memory_space<semaphore_mem>> -> memref<!tpu.dma_semaphore, #tpu.memory_space<semaphore_mem>>
        %dma_start3A_65 = arith.constant 0 : i32
        %dma_start3A_66 = arith.constant 0 : i32
        %dma_start3A_67 = tpu.memref_slice %run_scoped3A[%rem3A_55, %dma_start3A_65, %dma_start3A_66] : memref<2x1x128xi32, #tpu.memory_space<vmem>> -> memref<1x1x128xi32, #tpu.memory_space<vmem>>
        %dma_start3A_68 = tpu.memref_squeeze %dma_start3A_67 : memref<1x1x128xi32, #tpu.memory_space<vmem>> -> memref<1x128xi32, #tpu.memory_space<vmem>>
        %dma_start3A_69 = arith.constant 0 : i32
        %dma_start3A_70 = tpu.memref_slice %arg3[%dma_start3A_69, %mul3A_57] : memref<1x256000xi32, #tpu.memory_space<hbm>> -> memref<1x128xi32, #tpu.memory_space<hbm>>
        tpu.enqueue_dma source(%dma_start3A_70 : memref<1x128xi32, #tpu.memory_space<hbm>>) target(%dma_start3A_68 : memref<1x128xi32, #tpu.memory_space<vmem>>) target_semaphore(%dma_start3A_64 : memref<!tpu.dma_semaphore, #tpu.memory_space<semaphore_mem>>)
        %add3A_71 = arith.constant 0 : i32
        %add3A_72 = arith.constant 1 : i32
        %add3A_73 = arith.addi %add3A_71, %add3A_72 : i32
        %select_n3A_74 = arith.constant true
        %select_n3A_75 = arith.constant 0 : i32
        %select_n3A_76 = arith.select %select_n3A_74, %add3A_73, %select_n3A_75 : i32
        %while3A = arith.constant 0 : i32
        %while3A_77 = arith.constant 0 : i32
        %while3A_78 = arith.constant 0 : i32
        %while3A_79 = arith.constant 0 : i32
        %while3A_80 = arith.constant 0 : i32
        "tpu.trace_stop"() : () -> ()
        %while3A_81 = arith.subi %mul3A_16, %while3A : i32
        %while3A_82 = arith.addi %while3A, %while3A_81 : i32
        %while3A_83 = arith.constant 1 : i32
        %while3A_84 = arith.divsi %while3A_81, %while3A_83 : i32
        %while3A_85 = arith.muli %while3A_84, %while3A_83 : i32
        %while3A_86 = arith.addi %while3A, %while3A_85 : i32
        %while3A_87 = arith.constant 1 : i32
        %while3A_88:5 = scf.for %while3A_142 = %while3A to %while3A_86 step %while3A_87 iter_args(%while3A_143 = %select_n3A_76, %while3A_144 = %while3A_77, %while3A_145 = %while3A_78, %while3A_146 = %while3A_79, %while3A_147 = %while3A_80) -> (i32, i32, i32, i32, i32)  : i32 {
          %mul3A_148 = arith.constant 1 : i32
          %mul3A_149 = arith.muli %mul3A_148, %select_n3A : i32
          %eq3A_150 = arith.constant 0 : i32
          %eq3A_151 = arith.cmpi eq, %while3A_142, %eq3A_150 : i32
          %sub3A_152 = arith.constant 1 : i32
          %sub3A_153 = arith.subi %mul3A_149, %sub3A_152 : i32
          %eq3A_154 = arith.cmpi eq, %while3A_142, %sub3A_153 : i32
          %add3A_155 = arith.addi %while3A_147, %select_n3A_14 : i32
          %sub3A_156 = arith.constant 1 : i32
          %sub3A_157 = arith.subi %while3A_147, %sub3A_156 : i32
          %select_n3A_158 = arith.constant true
          %select_n3A_159 = arith.select %select_n3A_158, %sub3A_157, %while3A_147 : i32
          %eq3A_160 = arith.constant -1 : i32
          %eq3A_161 = arith.cmpi eq, %select_n3A_159, %eq3A_160 : i32
          %sub3A_162 = arith.constant 1 : i32
          %sub3A_163 = arith.subi %select_n3A, %sub3A_162 : i32
          %select_n3A_164 = arith.select %eq3A_161, %sub3A_163, %select_n3A_159 : i32
          %add3A_165 = arith.addi %select_n3A_164, %select_n3A_14 : i32
          %add3A_166 = arith.constant 1 : i32
          %add3A_167 = arith.addi %while3A_147, %add3A_166 : i32
          %select_n3A_168 = arith.constant true
          %select_n3A_169 = arith.select %select_n3A_168, %add3A_167, %while3A_147 : i32
          %eq3A_170 = arith.cmpi eq, %select_n3A_169, %select_n3A : i32
          %select_n3A_171 = arith.constant 0 : i32
          %select_n3A_172 = arith.select %eq3A_170, %select_n3A_171, %select_n3A_169 : i32
          %add3A_173 = arith.addi %select_n3A_172, %select_n3A_14 : i32
          %add3A_174 = arith.constant 1 : i32
          %add3A_175 = arith.addi %select_n3A_172, %add3A_174 : i32
          %select_n3A_176 = arith.constant true
          %select_n3A_177 = arith.select %select_n3A_176, %add3A_175, %select_n3A_172 : i32
          %eq3A_178 = arith.cmpi eq, %select_n3A_177, %select_n3A : i32
          %select_n3A_179 = arith.constant 0 : i32
          %select_n3A_180 = arith.select %eq3A_178, %select_n3A_179, %select_n3A_177 : i32
          %add3A_181 = arith.addi %select_n3A_180, %select_n3A_14 : i32
          %ne3A = arith.cmpi ne, %add3A_155, %add3A_173 : i32
          %or3A = arith.constant false
          %or3A_182 = arith.ori %or3A, %ne3A : i1
          %sub3A_183 = arith.constant 2 : i32
          %sub3A_184 = arith.subi %mul3A_149, %sub3A_183 : i32
          %add3A_185 = arith.constant 1 : i32
          %add3A_186 = arith.addi %sub3A_184, %add3A_185 : i32
          %ge3A = arith.cmpi sge, %while3A_142, %add3A_186 : i32
          %not3A = arith.constant true
          %not3A_187 = arith.xori %ge3A, %not3A : i1
          %and3A = arith.andi %or3A_182, %not3A_187 : i1
          %convert_element_type3A_188 = arith.extui %and3A : i1 to i32
          %cond3A_189 = arith.constant 0 : i32
          %cond3A_190 = arith.cmpi ne, %convert_element_type3A_188, %cond3A_189 : i32
          scf.if %cond3A_190 {
            "tpu.trace_start"() <{level = 10 : i32, message = "ep_copy_in"}> : () -> ()
            %rem3A_294 = arith.constant 2 : i32
            %rem3A_295 = arith.remui %while3A_143, %rem3A_294 : i32
            %mul3A_296 = arith.constant 128 : i32
            %mul3A_297 = arith.muli %mul3A_296, %add3A_173 : i32
            %dma_start3A_298 = arith.constant 0 : i32
            %dma_start3A_299 = arith.constant 0 : i32
            %dma_start3A_300 = tpu.memref_slice %run_scoped3A[%rem3A_295, %dma_start3A_298, %dma_start3A_299] : memref<2x1x128xi32, #tpu.memory_space<vmem>> -> memref<1x1x128xi32, #tpu.memory_space<vmem>>
            %dma_start3A_301 = tpu.memref_squeeze %dma_start3A_300 : memref<1x1x128xi32, #tpu.memory_space<vmem>> -> memref<1x128xi32, #tpu.memory_space<vmem>>
            %dma_start3A_302 = arith.constant 0 : i32
            %dma_start3A_303 = tpu.memref_slice %arg3[%dma_start3A_302, %mul3A_297] : memref<1x256000xi32, #tpu.memory_space<hbm>> -> memref<1x128xi32, #tpu.memory_space<hbm>>
            %dma_start3A_304 = tpu.memref_slice %run_scoped3A_17[%rem3A_295] : memref<2x!tpu.dma_semaphore, #tpu.memory_space<semaphore_mem>> -> memref<1x!tpu.dma_semaphore, #tpu.memory_space<semaphore_mem>>
            %dma_start3A_305 = tpu.memref_squeeze %dma_start3A_304 : memref<1x!tpu.dma_semaphore, #tpu.memory_space<semaphore_mem>> -> memref<!tpu.dma_semaphore, #tpu.memory_space<semaphore_mem>>
            %dma_start3A_306 = arith.constant 0 : i32
            %dma_start3A_307 = arith.constant 0 : i32
            %dma_start3A_308 = tpu.memref_slice %run_scoped3A[%rem3A_295, %dma_start3A_306, %dma_start3A_307] : memref<2x1x128xi32, #tpu.memory_space<vmem>> -> memref<1x1x128xi32, #tpu.memory_space<vmem>>
            %dma_start3A_309 = tpu.memref_squeeze %dma_start3A_308 : memref<1x1x128xi32, #tpu.memory_space<vmem>> -> memref<1x128xi32, #tpu.memory_space<vmem>>
            %dma_start3A_310 = arith.constant 0 : i32
            %dma_start3A_311 = tpu.memref_slice %arg3[%dma_start3A_310, %mul3A_297] : memref<1x256000xi32, #tpu.memory_space<hbm>> -> memref<1x128xi32, #tpu.memory_space<hbm>>
            tpu.enqueue_dma source(%dma_start3A_311 : memref<1x128xi32, #tpu.memory_space<hbm>>) target(%dma_start3A_309 : memref<1x128xi32, #tpu.memory_space<vmem>>) target_semaphore(%dma_start3A_305 : memref<!tpu.dma_semaphore, #tpu.memory_space<semaphore_mem>>)
            "tpu.trace_stop"() : () -> ()
          } else {
          }
          %and3A_191 = arith.constant true
          %and3A_192 = arith.andi %and3A, %and3A_191 : i1
          %add3A_193 = arith.constant 1 : i32
          %add3A_194 = arith.addi %while3A_143, %add3A_193 : i32
          %select_n3A_195 = arith.select %and3A_192, %add3A_194, %while3A_143 : i32
          %ne3A_196 = arith.cmpi ne, %add3A_155, %add3A_173 : i32
          %or3A_197 = arith.constant false
          %or3A_198 = arith.ori %or3A_197, %ne3A_196 : i1
          %or3A_199 = arith.constant false
          %or3A_200 = arith.ori %or3A_198, %or3A_199 : i1
          %sub3A_201 = arith.constant 2 : i32
          %sub3A_202 = arith.subi %mul3A_149, %sub3A_201 : i32
          %add3A_203 = arith.constant 1 : i32
          %add3A_204 = arith.addi %sub3A_202, %add3A_203 : i32
          %ge3A_205 = arith.cmpi sge, %while3A_142, %add3A_204 : i32
          %not3A_206 = arith.constant true
          %not3A_207 = arith.xori %ge3A_205, %not3A_206 : i1
          %and3A_208 = arith.andi %or3A_200, %not3A_207 : i1
          %ne3A_209 = arith.cmpi ne, %add3A_155, %add3A_165 : i32
          %or3A_210 = arith.constant false
          %or3A_211 = arith.ori %or3A_210, %ne3A_209 : i1
          %or3A_212 = arith.ori %or3A_211, %eq3A_151 : i1
          %convert_element_type3A_213 = arith.extui %or3A_212 : i1 to i32
          %cond3A_214 = arith.constant 0 : i32
          %cond3A_215 = arith.cmpi ne, %convert_element_type3A_213, %cond3A_214 : i32
          scf.if %cond3A_215 {
            "tpu.trace_start"() <{level = 10 : i32, message = "ep_wait_in"}> : () -> ()
            %mul3A_294 = arith.constant 128 : i32
            %mul3A_295 = arith.muli %mul3A_294, %add3A_155 : i32
            %rem3A_296 = arith.constant 2 : i32
            %rem3A_297 = arith.remui %while3A_144, %rem3A_296 : i32
            %dma_wait3A = arith.constant 0 : i32
            %dma_wait3A_298 = arith.constant 0 : i32
            %dma_wait3A_299 = tpu.memref_slice %run_scoped3A[%rem3A_297, %dma_wait3A, %dma_wait3A_298] : memref<2x1x128xi32, #tpu.memory_space<vmem>> -> memref<1x1x128xi32, #tpu.memory_space<vmem>>
            %dma_wait3A_300 = tpu.memref_squeeze %dma_wait3A_299 : memref<1x1x128xi32, #tpu.memory_space<vmem>> -> memref<1x128xi32, #tpu.memory_space<vmem>>
            %dma_wait3A_301 = arith.constant 0 : i32
            %dma_wait3A_302 = tpu.memref_slice %arg3[%dma_wait3A_301, %mul3A_295] : memref<1x256000xi32, #tpu.memory_space<hbm>> -> memref<1x128xi32, #tpu.memory_space<hbm>>
            %dma_wait3A_303 = tpu.memref_slice %run_scoped3A_17[%rem3A_297] : memref<2x!tpu.dma_semaphore, #tpu.memory_space<semaphore_mem>> -> memref<1x!tpu.dma_semaphore, #tpu.memory_space<semaphore_mem>>
            %dma_wait3A_304 = tpu.memref_squeeze %dma_wait3A_303 : memref<1x!tpu.dma_semaphore, #tpu.memory_space<semaphore_mem>> -> memref<!tpu.dma_semaphore, #tpu.memory_space<semaphore_mem>>
            %dma_wait3A_305 = arith.constant 0 : i32
            %dma_wait3A_306 = arith.constant 0 : i32
            %dma_wait3A_307 = tpu.memref_slice %run_scoped3A[%rem3A_297, %dma_wait3A_305, %dma_wait3A_306] : memref<2x1x128xi32, #tpu.memory_space<vmem>> -> memref<1x1x128xi32, #tpu.memory_space<vmem>>
            %dma_wait3A_308 = tpu.memref_squeeze %dma_wait3A_307 : memref<1x1x128xi32, #tpu.memory_space<vmem>> -> memref<1x128xi32, #tpu.memory_space<vmem>>
            %dma_wait3A_309 = arith.constant 0 : i32
            %dma_wait3A_310 = tpu.memref_slice %arg3[%dma_wait3A_309, %mul3A_295] : memref<1x256000xi32, #tpu.memory_space<hbm>> -> memref<1x128xi32, #tpu.memory_space<hbm>>
            tpu.wait_dma2 semaphore(%dma_wait3A_304 : memref<!tpu.dma_semaphore, #tpu.memory_space<semaphore_mem>>) src(%dma_wait3A_310 : memref<1x128xi32, #tpu.memory_space<hbm>>) dst(%dma_wait3A_308 : memref<1x128xi32, #tpu.memory_space<vmem>>)
            "tpu.trace_stop"() : () -> ()
          } else {
          }
          %ne3A_216 = arith.cmpi ne, %add3A_155, %add3A_165 : i32
          %or3A_217 = arith.constant false
          %or3A_218 = arith.ori %or3A_217, %ne3A_216 : i1
          %or3A_219 = arith.constant false
          %or3A_220 = arith.ori %or3A_218, %or3A_219 : i1
          %or3A_221 = arith.ori %or3A_220, %eq3A_151 : i1
          %convert_element_type3A_222 = arith.extui %or3A_221 : i1 to i32
          %cond3A_223 = arith.constant 0 : i32
          %cond3A_224 = arith.cmpi ne, %convert_element_type3A_222, %cond3A_223 : i32
          scf.if %cond3A_224 {
          } else {
          }
          %rem3A_225 = arith.constant 2 : i32
          %rem3A_226 = arith.remui %while3A_144, %rem3A_225 : i32
          %rem3A_227 = arith.constant 2 : i32
          %rem3A_228 = arith.remui %while3A_145, %rem3A_227 : i32
          %run_scoped3A_229 = arith.constant 0 : i32
          "tpu.trace_start"() <{level = 10 : i32, message = "ep_run_kernel"}> : () -> ()
          "tpu.region"() ({
            %run_scoped3A_294 = tpu.sem_alloc : memref<!tpu.dma_semaphore, #tpu.memory_space<semaphore_mem>>
            %dma_start3A_295 = arith.constant 0 : i32
            %dma_start3A_296 = arith.constant 0 : i32
            %dma_start3A_297 = tpu.memref_slice %run_scoped3A_18[%rem3A_228, %dma_start3A_295, %dma_start3A_296] : memref<2x128x32xf32, #tpu.memory_space<vmem>> -> memref<1x128x32xf32, #tpu.memory_space<vmem>>
            %dma_start3A_298 = tpu.memref_squeeze %dma_start3A_297 : memref<1x128x32xf32, #tpu.memory_space<vmem>> -> memref<128x32xf32, #tpu.memory_space<vmem>>
            %dma_start3A_299 = arith.constant 0 : i32
            %dma_start3A_300 = arith.constant 0 : i32
            %dma_start3A_301 = tpu.memref_slice %run_scoped3A[%rem3A_226, %dma_start3A_299, %dma_start3A_300] : memref<2x1x128xi32, #tpu.memory_space<vmem>> -> memref<1x1x128xi32, #tpu.memory_space<vmem>>
            %dma_start3A_302 = tpu.memref_squeeze %dma_start3A_301 : memref<1x1x128xi32, #tpu.memory_space<vmem>> -> memref<1x128xi32, #tpu.memory_space<vmem>>
            %dma_start3A_303 = arith.constant 0 : i32
            %dma_start3A_304 = tpu.memref_slice %dma_start3A_302[%run_scoped3A_229, %dma_start3A_303] : memref<1x128xi32, #tpu.memory_space<vmem>> -> memref<1x128xi32, #tpu.memory_space<vmem>>
            %dma_start3A_305 = tpu.memref_squeeze %dma_start3A_304 : memref<1x128xi32, #tpu.memory_space<vmem>> -> memref<128xi32, #tpu.memory_space<vmem>>
            %dma_start3A_306 = arith.constant 0 : i32
            %dma_start3A_307 = arith.constant 0 : i32
            %dma_start3A_308 = tpu.memref_slice %arg2[%dma_start3A_306, %dma_start3A_307] : memref<8000x32xf32, #tpu.memory_space<hbm>> -> memref<8000x32xf32, #tpu.memory_space<hbm>>
            tpu.enqueue_indirect_dma source(%dma_start3A_308 : memref<8000x32xf32, #tpu.memory_space<hbm>>) target(%dma_start3A_298 : memref<128x32xf32, #tpu.memory_space<vmem>>) offsets(%dma_start3A_305 : memref<128xi32, #tpu.memory_space<vmem>>) semaphore(%run_scoped3A_294 : memref<!tpu.dma_semaphore, #tpu.memory_space<semaphore_mem>>)
            %dma_wait3A = arith.constant 0 : i32
            %dma_wait3A_309 = arith.constant 0 : i32
            %dma_wait3A_310 = tpu.memref_slice %run_scoped3A_18[%rem3A_228, %dma_wait3A, %dma_wait3A_309] : memref<2x128x32xf32, #tpu.memory_space<vmem>> -> memref<1x128x32xf32, #tpu.memory_space<vmem>>
            %dma_wait3A_311 = tpu.memref_squeeze %dma_wait3A_310 : memref<1x128x32xf32, #tpu.memory_space<vmem>> -> memref<128x32xf32, #tpu.memory_space<vmem>>
            %dma_wait3A_312 = arith.constant 0 : i32
            %dma_wait3A_313 = arith.constant 0 : i32
            %dma_wait3A_314 = tpu.memref_slice %run_scoped3A[%rem3A_226, %dma_wait3A_312, %dma_wait3A_313] : memref<2x1x128xi32, #tpu.memory_space<vmem>> -> memref<1x1x128xi32, #tpu.memory_space<vmem>>
            %dma_wait3A_315 = tpu.memref_squeeze %dma_wait3A_314 : memref<1x1x128xi32, #tpu.memory_space<vmem>> -> memref<1x128xi32, #tpu.memory_space<vmem>>
            %dma_wait3A_316 = arith.constant 0 : i32
            %dma_wait3A_317 = tpu.memref_slice %dma_wait3A_315[%run_scoped3A_229, %dma_wait3A_316] : memref<1x128xi32, #tpu.memory_space<vmem>> -> memref<1x128xi32, #tpu.memory_space<vmem>>
            %dma_wait3A_318 = tpu.memref_squeeze %dma_wait3A_317 : memref<1x128xi32, #tpu.memory_space<vmem>> -> memref<128xi32, #tpu.memory_space<vmem>>
            %dma_wait3A_319 = arith.constant 0 : i32
            %dma_wait3A_320 = arith.constant 0 : i32
            %dma_wait3A_321 = tpu.memref_slice %arg2[%dma_wait3A_319, %dma_wait3A_320] : memref<8000x32xf32, #tpu.memory_space<hbm>> -> memref<8000x32xf32, #tpu.memory_space<hbm>>
            tpu.wait_indirect_dma semaphore(%run_scoped3A_294 : memref<!tpu.dma_semaphore, #tpu.memory_space<semaphore_mem>>) src(%dma_wait3A_321 : memref<8000x32xf32, #tpu.memory_space<hbm>>) dst(%dma_wait3A_311 : memref<128x32xf32, #tpu.memory_space<vmem>>)
            tpu.yield
          }) : () -> ()
          "tpu.trace_stop"() : () -> ()
          %ne3A_230 = arith.cmpi ne, %add3A_155, %add3A_173 : i32
          %or3A_231 = arith.constant false
          %or3A_232 = arith.ori %or3A_231, %ne3A_230 : i1
          %or3A_233 = arith.ori %or3A_232, %eq3A_154 : i1
          %convert_element_type3A_234 = arith.extui %or3A_233 : i1 to i32
          %cond3A_235 = arith.constant 0 : i32
          %cond3A_236 = arith.cmpi ne, %convert_element_type3A_234, %cond3A_235 : i32
          scf.if %cond3A_236 {
          } else {
          }
          %and3A_237 = arith.constant false
          %and3A_238 = arith.andi %or3A_233, %and3A_237 : i1
          %ne3A_239 = arith.cmpi ne, %add3A_155, %add3A_173 : i32
          %or3A_240 = arith.constant false
          %or3A_241 = arith.ori %or3A_240, %ne3A_239 : i1
          %or3A_242 = arith.constant false
          %or3A_243 = arith.ori %or3A_241, %or3A_242 : i1
          %or3A_244 = arith.ori %or3A_243, %eq3A_154 : i1
          %convert_element_type3A_245 = arith.extui %or3A_244 : i1 to i32
          %cond3A_246 = arith.constant 0 : i32
          %cond3A_247 = arith.cmpi ne, %convert_element_type3A_245, %cond3A_246 : i32
          scf.if %cond3A_247 {
            "tpu.trace_start"() <{level = 10 : i32, message = "ep_copy_out"}> : () -> ()
            %rem3A_294 = arith.constant 2 : i32
            %rem3A_295 = arith.remui %while3A_145, %rem3A_294 : i32
            %mul3A_296 = arith.constant 128 : i32
            %mul3A_297 = arith.muli %mul3A_296, %add3A_155 : i32
            %dma_start3A_298 = arith.constant 0 : i32
            %dma_start3A_299 = arith.constant 0 : i32
            %dma_start3A_300 = tpu.memref_slice %run_scoped3A_18[%rem3A_295, %dma_start3A_298, %dma_start3A_299] : memref<2x128x32xf32, #tpu.memory_space<vmem>> -> memref<1x128x32xf32, #tpu.memory_space<vmem>>
            %dma_start3A_301 = tpu.memref_squeeze %dma_start3A_300 : memref<1x128x32xf32, #tpu.memory_space<vmem>> -> memref<128x32xf32, #tpu.memory_space<vmem>>
            %dma_start3A_302 = arith.constant 0 : i32
            %dma_start3A_303 = tpu.memref_slice %arg4[%mul3A_297, %dma_start3A_302] : memref<256000x32xf32, #tpu.memory_space<hbm>> -> memref<128x32xf32, #tpu.memory_space<hbm>>
            %dma_start3A_304 = tpu.memref_slice %run_scoped3A_19[%rem3A_295] : memref<2x!tpu.dma_semaphore, #tpu.memory_space<semaphore_mem>> -> memref<1x!tpu.dma_semaphore, #tpu.memory_space<semaphore_mem>>
            %dma_start3A_305 = tpu.memref_squeeze %dma_start3A_304 : memref<1x!tpu.dma_semaphore, #tpu.memory_space<semaphore_mem>> -> memref<!tpu.dma_semaphore, #tpu.memory_space<semaphore_mem>>
            %dma_start3A_306 = arith.constant 0 : i32
            %dma_start3A_307 = tpu.memref_slice %arg4[%mul3A_297, %dma_start3A_306] : memref<256000x32xf32, #tpu.memory_space<hbm>> -> memref<128x32xf32, #tpu.memory_space<hbm>>
            %dma_start3A_308 = arith.constant 0 : i32
            %dma_start3A_309 = arith.constant 0 : i32
            %dma_start3A_310 = tpu.memref_slice %run_scoped3A_18[%rem3A_295, %dma_start3A_308, %dma_start3A_309] : memref<2x128x32xf32, #tpu.memory_space<vmem>> -> memref<1x128x32xf32, #tpu.memory_space<vmem>>
            %dma_start3A_311 = tpu.memref_squeeze %dma_start3A_310 : memref<1x128x32xf32, #tpu.memory_space<vmem>> -> memref<128x32xf32, #tpu.memory_space<vmem>>
            tpu.enqueue_dma source(%dma_start3A_311 : memref<128x32xf32, #tpu.memory_space<vmem>>) target(%dma_start3A_307 : memref<128x32xf32, #tpu.memory_space<hbm>>) target_semaphore(%dma_start3A_305 : memref<!tpu.dma_semaphore, #tpu.memory_space<semaphore_mem>>)
            "tpu.trace_stop"() : () -> ()
          } else {
          }
          %and3A_248 = arith.constant true
          %and3A_249 = arith.andi %or3A_244, %and3A_248 : i1
          %add3A_250 = arith.constant 1 : i32
          %add3A_251 = arith.addi %while3A_145, %add3A_250 : i32
          %select_n3A_252 = arith.select %and3A_249, %add3A_251, %while3A_145 : i32
          %ne3A_253 = arith.cmpi ne, %add3A_155, %add3A_165 : i32
          %or3A_254 = arith.constant false
          %or3A_255 = arith.ori %or3A_254, %ne3A_253 : i1
          %not3A_256 = arith.constant true
          %not3A_257 = arith.xori %eq3A_151, %not3A_256 : i1
          %and3A_258 = arith.andi %or3A_255, %not3A_257 : i1
          %convert_element_type3A_259 = arith.extui %and3A_258 : i1 to i32
          %cond3A_260 = arith.constant 0 : i32
          %cond3A_261 = arith.cmpi ne, %convert_element_type3A_259, %cond3A_260 : i32
          scf.if %cond3A_261 {
          } else {
          }
          %and3A_262 = arith.constant false
          %and3A_263 = arith.andi %and3A_258, %and3A_262 : i1
          %ne3A_264 = arith.cmpi ne, %add3A_155, %add3A_165 : i32
          %or3A_265 = arith.constant false
          %or3A_266 = arith.ori %or3A_265, %ne3A_264 : i1
          %or3A_267 = arith.constant false
          %or3A_268 = arith.ori %or3A_266, %or3A_267 : i1
          %not3A_269 = arith.constant true
          %not3A_270 = arith.xori %eq3A_151, %not3A_269 : i1
          %and3A_271 = arith.andi %or3A_268, %not3A_270 : i1
          %convert_element_type3A_272 = arith.extui %and3A_271 : i1 to i32
          %cond3A_273 = arith.constant 0 : i32
          %cond3A_274 = arith.cmpi ne, %convert_element_type3A_272, %cond3A_273 : i32
          scf.if %cond3A_274 {
            "tpu.trace_start"() <{level = 10 : i32, message = "ep_wait_out"}> : () -> ()
            %rem3A_294 = arith.constant 2 : i32
            %rem3A_295 = arith.remui %while3A_146, %rem3A_294 : i32
            %mul3A_296 = arith.constant 128 : i32
            %mul3A_297 = arith.muli %mul3A_296, %add3A_165 : i32
            %dma_wait3A = arith.constant 0 : i32
            %dma_wait3A_298 = arith.constant 0 : i32
            %dma_wait3A_299 = tpu.memref_slice %run_scoped3A_18[%rem3A_295, %dma_wait3A, %dma_wait3A_298] : memref<2x128x32xf32, #tpu.memory_space<vmem>> -> memref<1x128x32xf32, #tpu.memory_space<vmem>>
            %dma_wait3A_300 = tpu.memref_squeeze %dma_wait3A_299 : memref<1x128x32xf32, #tpu.memory_space<vmem>> -> memref<128x32xf32, #tpu.memory_space<vmem>>
            %dma_wait3A_301 = arith.constant 0 : i32
            %dma_wait3A_302 = tpu.memref_slice %arg4[%mul3A_297, %dma_wait3A_301] : memref<256000x32xf32, #tpu.memory_space<hbm>> -> memref<128x32xf32, #tpu.memory_space<hbm>>
            %dma_wait3A_303 = tpu.memref_slice %run_scoped3A_19[%rem3A_295] : memref<2x!tpu.dma_semaphore, #tpu.memory_space<semaphore_mem>> -> memref<1x!tpu.dma_semaphore, #tpu.memory_space<semaphore_mem>>
            %dma_wait3A_304 = tpu.memref_squeeze %dma_wait3A_303 : memref<1x!tpu.dma_semaphore, #tpu.memory_space<semaphore_mem>> -> memref<!tpu.dma_semaphore, #tpu.memory_space<semaphore_mem>>
            %dma_wait3A_305 = arith.constant 0 : i32
            %dma_wait3A_306 = tpu.memref_slice %arg4[%mul3A_297, %dma_wait3A_305] : memref<256000x32xf32, #tpu.memory_space<hbm>> -> memref<128x32xf32, #tpu.memory_space<hbm>>
            %dma_wait3A_307 = arith.constant 0 : i32
            %dma_wait3A_308 = arith.constant 0 : i32
            %dma_wait3A_309 = tpu.memref_slice %run_scoped3A_18[%rem3A_295, %dma_wait3A_307, %dma_wait3A_308] : memref<2x128x32xf32, #tpu.memory_space<vmem>> -> memref<1x128x32xf32, #tpu.memory_space<vmem>>
            %dma_wait3A_310 = tpu.memref_squeeze %dma_wait3A_309 : memref<1x128x32xf32, #tpu.memory_space<vmem>> -> memref<128x32xf32, #tpu.memory_space<vmem>>
            tpu.wait_dma2 semaphore(%dma_wait3A_304 : memref<!tpu.dma_semaphore, #tpu.memory_space<semaphore_mem>>) src(%dma_wait3A_310 : memref<128x32xf32, #tpu.memory_space<vmem>>) dst(%dma_wait3A_306 : memref<128x32xf32, #tpu.memory_space<hbm>>)
            "tpu.trace_stop"() : () -> ()
          } else {
          }
          %and3A_275 = arith.constant true
          %and3A_276 = arith.andi %and3A_271, %and3A_275 : i1
          %add3A_277 = arith.constant 1 : i32
          %add3A_278 = arith.addi %while3A_146, %add3A_277 : i32
          %select_n3A_279 = arith.select %and3A_276, %add3A_278, %while3A_146 : i32
          %ne3A_280 = arith.cmpi ne, %add3A_155, %add3A_173 : i32
          %or3A_281 = arith.constant false
          %or3A_282 = arith.ori %or3A_281, %ne3A_280 : i1
          %or3A_283 = arith.ori %or3A_282, %eq3A_154 : i1
          %add3A_284 = arith.constant 1 : i32
          %add3A_285 = arith.addi %while3A_144, %add3A_284 : i32
          %select_n3A_286 = arith.select %or3A_283, %add3A_285, %while3A_144 : i32
          %add3A_287 = arith.constant 1 : i32
          %add3A_288 = arith.addi %while3A_147, %add3A_287 : i32
          %select_n3A_289 = arith.constant true
          %select_n3A_290 = arith.select %select_n3A_289, %add3A_288, %while3A_147 : i32
          %eq3A_291 = arith.cmpi eq, %select_n3A_290, %select_n3A : i32
          %select_n3A_292 = arith.constant 0 : i32
          %select_n3A_293 = arith.select %eq3A_291, %select_n3A_292, %select_n3A_290 : i32
          scf.yield %select_n3A_195, %select_n3A_286, %select_n3A_252, %select_n3A_279, %select_n3A_293 : i32, i32, i32, i32, i32
        }
        %while3A_89 = arith.constant 1 : i32
        %while3A_90:5 = scf.for %while3A_142 = %while3A_86 to %while3A_82 step %while3A_89 iter_args(%while3A_143 = %while3A_88#0, %while3A_144 = %while3A_88#1, %while3A_145 = %while3A_88#2, %while3A_146 = %while3A_88#3, %while3A_147 = %while3A_88#4) -> (i32, i32, i32, i32, i32)  : i32 {
          %mul3A_148 = arith.constant 1 : i32
          %mul3A_149 = arith.muli %mul3A_148, %select_n3A : i32
          %eq3A_150 = arith.constant 0 : i32
          %eq3A_151 = arith.cmpi eq, %while3A_142, %eq3A_150 : i32
          %sub3A_152 = arith.constant 1 : i32
          %sub3A_153 = arith.subi %mul3A_149, %sub3A_152 : i32
          %eq3A_154 = arith.cmpi eq, %while3A_142, %sub3A_153 : i32
          %add3A_155 = arith.addi %while3A_147, %select_n3A_14 : i32
          %sub3A_156 = arith.constant 1 : i32
          %sub3A_157 = arith.subi %while3A_147, %sub3A_156 : i32
          %select_n3A_158 = arith.constant true
          %select_n3A_159 = arith.select %select_n3A_158, %sub3A_157, %while3A_147 : i32
          %eq3A_160 = arith.constant -1 : i32
          %eq3A_161 = arith.cmpi eq, %select_n3A_159, %eq3A_160 : i32
          %sub3A_162 = arith.constant 1 : i32
          %sub3A_163 = arith.subi %select_n3A, %sub3A_162 : i32
          %select_n3A_164 = arith.select %eq3A_161, %sub3A_163, %select_n3A_159 : i32
          %add3A_165 = arith.addi %select_n3A_164, %select_n3A_14 : i32
          %add3A_166 = arith.constant 1 : i32
          %add3A_167 = arith.addi %while3A_147, %add3A_166 : i32
          %select_n3A_168 = arith.constant true
          %select_n3A_169 = arith.select %select_n3A_168, %add3A_167, %while3A_147 : i32
          %eq3A_170 = arith.cmpi eq, %select_n3A_169, %select_n3A : i32
          %select_n3A_171 = arith.constant 0 : i32
          %select_n3A_172 = arith.select %eq3A_170, %select_n3A_171, %select_n3A_169 : i32
          %add3A_173 = arith.addi %select_n3A_172, %select_n3A_14 : i32
          %add3A_174 = arith.constant 1 : i32
          %add3A_175 = arith.addi %select_n3A_172, %add3A_174 : i32
          %select_n3A_176 = arith.constant true
          %select_n3A_177 = arith.select %select_n3A_176, %add3A_175, %select_n3A_172 : i32
          %eq3A_178 = arith.cmpi eq, %select_n3A_177, %select_n3A : i32
          %select_n3A_179 = arith.constant 0 : i32
          %select_n3A_180 = arith.select %eq3A_178, %select_n3A_179, %select_n3A_177 : i32
          %add3A_181 = arith.addi %select_n3A_180, %select_n3A_14 : i32
          %ne3A = arith.cmpi ne, %add3A_155, %add3A_173 : i32
          %or3A = arith.constant false
          %or3A_182 = arith.ori %or3A, %ne3A : i1
          %sub3A_183 = arith.constant 2 : i32
          %sub3A_184 = arith.subi %mul3A_149, %sub3A_183 : i32
          %add3A_185 = arith.constant 1 : i32
          %add3A_186 = arith.addi %sub3A_184, %add3A_185 : i32
          %ge3A = arith.cmpi sge, %while3A_142, %add3A_186 : i32
          %not3A = arith.constant true
          %not3A_187 = arith.xori %ge3A, %not3A : i1
          %and3A = arith.andi %or3A_182, %not3A_187 : i1
          %convert_element_type3A_188 = arith.extui %and3A : i1 to i32
          %cond3A_189 = arith.constant 0 : i32
          %cond3A_190 = arith.cmpi ne, %convert_element_type3A_188, %cond3A_189 : i32
          scf.if %cond3A_190 {
            "tpu.trace_start"() <{level = 10 : i32, message = "ep_copy_in"}> : () -> ()
            %rem3A_294 = arith.constant 2 : i32
            %rem3A_295 = arith.remui %while3A_143, %rem3A_294 : i32
            %mul3A_296 = arith.constant 128 : i32
            %mul3A_297 = arith.muli %mul3A_296, %add3A_173 : i32
            %dma_start3A_298 = arith.constant 0 : i32
            %dma_start3A_299 = arith.constant 0 : i32
            %dma_start3A_300 = tpu.memref_slice %run_scoped3A[%rem3A_295, %dma_start3A_298, %dma_start3A_299] : memref<2x1x128xi32, #tpu.memory_space<vmem>> -> memref<1x1x128xi32, #tpu.memory_space<vmem>>
            %dma_start3A_301 = tpu.memref_squeeze %dma_start3A_300 : memref<1x1x128xi32, #tpu.memory_space<vmem>> -> memref<1x128xi32, #tpu.memory_space<vmem>>
            %dma_start3A_302 = arith.constant 0 : i32
            %dma_start3A_303 = tpu.memref_slice %arg3[%dma_start3A_302, %mul3A_297] : memref<1x256000xi32, #tpu.memory_space<hbm>> -> memref<1x128xi32, #tpu.memory_space<hbm>>
            %dma_start3A_304 = tpu.memref_slice %run_scoped3A_17[%rem3A_295] : memref<2x!tpu.dma_semaphore, #tpu.memory_space<semaphore_mem>> -> memref<1x!tpu.dma_semaphore, #tpu.memory_space<semaphore_mem>>
            %dma_start3A_305 = tpu.memref_squeeze %dma_start3A_304 : memref<1x!tpu.dma_semaphore, #tpu.memory_space<semaphore_mem>> -> memref<!tpu.dma_semaphore, #tpu.memory_space<semaphore_mem>>
            %dma_start3A_306 = arith.constant 0 : i32
            %dma_start3A_307 = arith.constant 0 : i32
            %dma_start3A_308 = tpu.memref_slice %run_scoped3A[%rem3A_295, %dma_start3A_306, %dma_start3A_307] : memref<2x1x128xi32, #tpu.memory_space<vmem>> -> memref<1x1x128xi32, #tpu.memory_space<vmem>>
            %dma_start3A_309 = tpu.memref_squeeze %dma_start3A_308 : memref<1x1x128xi32, #tpu.memory_space<vmem>> -> memref<1x128xi32, #tpu.memory_space<vmem>>
            %dma_start3A_310 = arith.constant 0 : i32
            %dma_start3A_311 = tpu.memref_slice %arg3[%dma_start3A_310, %mul3A_297] : memref<1x256000xi32, #tpu.memory_space<hbm>> -> memref<1x128xi32, #tpu.memory_space<hbm>>
            tpu.enqueue_dma source(%dma_start3A_311 : memref<1x128xi32, #tpu.memory_space<hbm>>) target(%dma_start3A_309 : memref<1x128xi32, #tpu.memory_space<vmem>>) target_semaphore(%dma_start3A_305 : memref<!tpu.dma_semaphore, #tpu.memory_space<semaphore_mem>>)
            "tpu.trace_stop"() : () -> ()
          } else {
          }
          %and3A_191 = arith.constant true
          %and3A_192 = arith.andi %and3A, %and3A_191 : i1
          %add3A_193 = arith.constant 1 : i32
          %add3A_194 = arith.addi %while3A_143, %add3A_193 : i32
          %select_n3A_195 = arith.select %and3A_192, %add3A_194, %while3A_143 : i32
          %ne3A_196 = arith.cmpi ne, %add3A_155, %add3A_173 : i32
          %or3A_197 = arith.constant false
          %or3A_198 = arith.ori %or3A_197, %ne3A_196 : i1
          %or3A_199 = arith.constant false
          %or3A_200 = arith.ori %or3A_198, %or3A_199 : i1
          %sub3A_201 = arith.constant 2 : i32
          %sub3A_202 = arith.subi %mul3A_149, %sub3A_201 : i32
          %add3A_203 = arith.constant 1 : i32
          %add3A_204 = arith.addi %sub3A_202, %add3A_203 : i32
          %ge3A_205 = arith.cmpi sge, %while3A_142, %add3A_204 : i32
          %not3A_206 = arith.constant true
          %not3A_207 = arith.xori %ge3A_205, %not3A_206 : i1
          %and3A_208 = arith.andi %or3A_200, %not3A_207 : i1
          %ne3A_209 = arith.cmpi ne, %add3A_155, %add3A_165 : i32
          %or3A_210 = arith.constant false
          %or3A_211 = arith.ori %or3A_210, %ne3A_209 : i1
          %or3A_212 = arith.ori %or3A_211, %eq3A_151 : i1
          %convert_element_type3A_213 = arith.extui %or3A_212 : i1 to i32
          %cond3A_214 = arith.constant 0 : i32
          %cond3A_215 = arith.cmpi ne, %convert_element_type3A_213, %cond3A_214 : i32
          scf.if %cond3A_215 {
            "tpu.trace_start"() <{level = 10 : i32, message = "ep_wait_in"}> : () -> ()
            %mul3A_294 = arith.constant 128 : i32
            %mul3A_295 = arith.muli %mul3A_294, %add3A_155 : i32
            %rem3A_296 = arith.constant 2 : i32
            %rem3A_297 = arith.remui %while3A_144, %rem3A_296 : i32
            %dma_wait3A = arith.constant 0 : i32
            %dma_wait3A_298 = arith.constant 0 : i32
            %dma_wait3A_299 = tpu.memref_slice %run_scoped3A[%rem3A_297, %dma_wait3A, %dma_wait3A_298] : memref<2x1x128xi32, #tpu.memory_space<vmem>> -> memref<1x1x128xi32, #tpu.memory_space<vmem>>
            %dma_wait3A_300 = tpu.memref_squeeze %dma_wait3A_299 : memref<1x1x128xi32, #tpu.memory_space<vmem>> -> memref<1x128xi32, #tpu.memory_space<vmem>>
            %dma_wait3A_301 = arith.constant 0 : i32
            %dma_wait3A_302 = tpu.memref_slice %arg3[%dma_wait3A_301, %mul3A_295] : memref<1x256000xi32, #tpu.memory_space<hbm>> -> memref<1x128xi32, #tpu.memory_space<hbm>>
            %dma_wait3A_303 = tpu.memref_slice %run_scoped3A_17[%rem3A_297] : memref<2x!tpu.dma_semaphore, #tpu.memory_space<semaphore_mem>> -> memref<1x!tpu.dma_semaphore, #tpu.memory_space<semaphore_mem>>
            %dma_wait3A_304 = tpu.memref_squeeze %dma_wait3A_303 : memref<1x!tpu.dma_semaphore, #tpu.memory_space<semaphore_mem>> -> memref<!tpu.dma_semaphore, #tpu.memory_space<semaphore_mem>>
            %dma_wait3A_305 = arith.constant 0 : i32
            %dma_wait3A_306 = arith.constant 0 : i32
            %dma_wait3A_307 = tpu.memref_slice %run_scoped3A[%rem3A_297, %dma_wait3A_305, %dma_wait3A_306] : memref<2x1x128xi32, #tpu.memory_space<vmem>> -> memref<1x1x128xi32, #tpu.memory_space<vmem>>
            %dma_wait3A_308 = tpu.memref_squeeze %dma_wait3A_307 : memref<1x1x128xi32, #tpu.memory_space<vmem>> -> memref<1x128xi32, #tpu.memory_space<vmem>>
            %dma_wait3A_309 = arith.constant 0 : i32
            %dma_wait3A_310 = tpu.memref_slice %arg3[%dma_wait3A_309, %mul3A_295] : memref<1x256000xi32, #tpu.memory_space<hbm>> -> memref<1x128xi32, #tpu.memory_space<hbm>>
            tpu.wait_dma2 semaphore(%dma_wait3A_304 : memref<!tpu.dma_semaphore, #tpu.memory_space<semaphore_mem>>) src(%dma_wait3A_310 : memref<1x128xi32, #tpu.memory_space<hbm>>) dst(%dma_wait3A_308 : memref<1x128xi32, #tpu.memory_space<vmem>>)
            "tpu.trace_stop"() : () -> ()
          } else {
          }
          %ne3A_216 = arith.cmpi ne, %add3A_155, %add3A_165 : i32
          %or3A_217 = arith.constant false
          %or3A_218 = arith.ori %or3A_217, %ne3A_216 : i1
          %or3A_219 = arith.constant false
          %or3A_220 = arith.ori %or3A_218, %or3A_219 : i1
          %or3A_221 = arith.ori %or3A_220, %eq3A_151 : i1
          %convert_element_type3A_222 = arith.extui %or3A_221 : i1 to i32
          %cond3A_223 = arith.constant 0 : i32
          %cond3A_224 = arith.cmpi ne, %convert_element_type3A_222, %cond3A_223 : i32
          scf.if %cond3A_224 {
          } else {
          }
          %rem3A_225 = arith.constant 2 : i32
          %rem3A_226 = arith.remui %while3A_144, %rem3A_225 : i32
          %rem3A_227 = arith.constant 2 : i32
          %rem3A_228 = arith.remui %while3A_145, %rem3A_227 : i32
          %run_scoped3A_229 = arith.constant 0 : i32
          "tpu.trace_start"() <{level = 10 : i32, message = "ep_run_kernel"}> : () -> ()
          "tpu.region"() ({
            %run_scoped3A_294 = tpu.sem_alloc : memref<!tpu.dma_semaphore, #tpu.memory_space<semaphore_mem>>
            %dma_start3A_295 = arith.constant 0 : i32
            %dma_start3A_296 = arith.constant 0 : i32
            %dma_start3A_297 = tpu.memref_slice %run_scoped3A_18[%rem3A_228, %dma_start3A_295, %dma_start3A_296] : memref<2x128x32xf32, #tpu.memory_space<vmem>> -> memref<1x128x32xf32, #tpu.memory_space<vmem>>
            %dma_start3A_298 = tpu.memref_squeeze %dma_start3A_297 : memref<1x128x32xf32, #tpu.memory_space<vmem>> -> memref<128x32xf32, #tpu.memory_space<vmem>>
            %dma_start3A_299 = arith.constant 0 : i32
            %dma_start3A_300 = arith.constant 0 : i32
            %dma_start3A_301 = tpu.memref_slice %run_scoped3A[%rem3A_226, %dma_start3A_299, %dma_start3A_300] : memref<2x1x128xi32, #tpu.memory_space<vmem>> -> memref<1x1x128xi32, #tpu.memory_space<vmem>>
            %dma_start3A_302 = tpu.memref_squeeze %dma_start3A_301 : memref<1x1x128xi32, #tpu.memory_space<vmem>> -> memref<1x128xi32, #tpu.memory_space<vmem>>
            %dma_start3A_303 = arith.constant 0 : i32
            %dma_start3A_304 = tpu.memref_slice %dma_start3A_302[%run_scoped3A_229, %dma_start3A_303] : memref<1x128xi32, #tpu.memory_space<vmem>> -> memref<1x128xi32, #tpu.memory_space<vmem>>
            %dma_start3A_305 = tpu.memref_squeeze %dma_start3A_304 : memref<1x128xi32, #tpu.memory_space<vmem>> -> memref<128xi32, #tpu.memory_space<vmem>>
            %dma_start3A_306 = arith.constant 0 : i32
            %dma_start3A_307 = arith.constant 0 : i32
            %dma_start3A_308 = tpu.memref_slice %arg2[%dma_start3A_306, %dma_start3A_307] : memref<8000x32xf32, #tpu.memory_space<hbm>> -> memref<8000x32xf32, #tpu.memory_space<hbm>>
            tpu.enqueue_indirect_dma source(%dma_start3A_308 : memref<8000x32xf32, #tpu.memory_space<hbm>>) target(%dma_start3A_298 : memref<128x32xf32, #tpu.memory_space<vmem>>) offsets(%dma_start3A_305 : memref<128xi32, #tpu.memory_space<vmem>>) semaphore(%run_scoped3A_294 : memref<!tpu.dma_semaphore, #tpu.memory_space<semaphore_mem>>)
            %dma_wait3A = arith.constant 0 : i32
            %dma_wait3A_309 = arith.constant 0 : i32
            %dma_wait3A_310 = tpu.memref_slice %run_scoped3A_18[%rem3A_228, %dma_wait3A, %dma_wait3A_309] : memref<2x128x32xf32, #tpu.memory_space<vmem>> -> memref<1x128x32xf32, #tpu.memory_space<vmem>>
            %dma_wait3A_311 = tpu.memref_squeeze %dma_wait3A_310 : memref<1x128x32xf32, #tpu.memory_space<vmem>> -> memref<128x32xf32, #tpu.memory_space<vmem>>
            %dma_wait3A_312 = arith.constant 0 : i32
            %dma_wait3A_313 = arith.constant 0 : i32
            %dma_wait3A_314 = tpu.memref_slice %run_scoped3A[%rem3A_226, %dma_wait3A_312, %dma_wait3A_313] : memref<2x1x128xi32, #tpu.memory_space<vmem>> -> memref<1x1x128xi32, #tpu.memory_space<vmem>>
            %dma_wait3A_315 = tpu.memref_squeeze %dma_wait3A_314 : memref<1x1x128xi32, #tpu.memory_space<vmem>> -> memref<1x128xi32, #tpu.memory_space<vmem>>
            %dma_wait3A_316 = arith.constant 0 : i32
            %dma_wait3A_317 = tpu.memref_slice %dma_wait3A_315[%run_scoped3A_229, %dma_wait3A_316] : memref<1x128xi32, #tpu.memory_space<vmem>> -> memref<1x128xi32, #tpu.memory_space<vmem>>
            %dma_wait3A_318 = tpu.memref_squeeze %dma_wait3A_317 : memref<1x128xi32, #tpu.memory_space<vmem>> -> memref<128xi32, #tpu.memory_space<vmem>>
            %dma_wait3A_319 = arith.constant 0 : i32
            %dma_wait3A_320 = arith.constant 0 : i32
            %dma_wait3A_321 = tpu.memref_slice %arg2[%dma_wait3A_319, %dma_wait3A_320] : memref<8000x32xf32, #tpu.memory_space<hbm>> -> memref<8000x32xf32, #tpu.memory_space<hbm>>
            tpu.wait_indirect_dma semaphore(%run_scoped3A_294 : memref<!tpu.dma_semaphore, #tpu.memory_space<semaphore_mem>>) src(%dma_wait3A_321 : memref<8000x32xf32, #tpu.memory_space<hbm>>) dst(%dma_wait3A_311 : memref<128x32xf32, #tpu.memory_space<vmem>>)
            tpu.yield
          }) : () -> ()
          "tpu.trace_stop"() : () -> ()
          %ne3A_230 = arith.cmpi ne, %add3A_155, %add3A_173 : i32
          %or3A_231 = arith.constant false
          %or3A_232 = arith.ori %or3A_231, %ne3A_230 : i1
          %or3A_233 = arith.ori %or3A_232, %eq3A_154 : i1
          %convert_element_type3A_234 = arith.extui %or3A_233 : i1 to i32
          %cond3A_235 = arith.constant 0 : i32
          %cond3A_236 = arith.cmpi ne, %convert_element_type3A_234, %cond3A_235 : i32
          scf.if %cond3A_236 {
          } else {
          }
          %and3A_237 = arith.constant false
          %and3A_238 = arith.andi %or3A_233, %and3A_237 : i1
          %ne3A_239 = arith.cmpi ne, %add3A_155, %add3A_173 : i32
          %or3A_240 = arith.constant false
          %or3A_241 = arith.ori %or3A_240, %ne3A_239 : i1
          %or3A_242 = arith.constant false
          %or3A_243 = arith.ori %or3A_241, %or3A_242 : i1
          %or3A_244 = arith.ori %or3A_243, %eq3A_154 : i1
          %convert_element_type3A_245 = arith.extui %or3A_244 : i1 to i32
          %cond3A_246 = arith.constant 0 : i32
          %cond3A_247 = arith.cmpi ne, %convert_element_type3A_245, %cond3A_246 : i32
          scf.if %cond3A_247 {
            "tpu.trace_start"() <{level = 10 : i32, message = "ep_copy_out"}> : () -> ()
            %rem3A_294 = arith.constant 2 : i32
            %rem3A_295 = arith.remui %while3A_145, %rem3A_294 : i32
            %mul3A_296 = arith.constant 128 : i32
            %mul3A_297 = arith.muli %mul3A_296, %add3A_155 : i32
            %dma_start3A_298 = arith.constant 0 : i32
            %dma_start3A_299 = arith.constant 0 : i32
            %dma_start3A_300 = tpu.memref_slice %run_scoped3A_18[%rem3A_295, %dma_start3A_298, %dma_start3A_299] : memref<2x128x32xf32, #tpu.memory_space<vmem>> -> memref<1x128x32xf32, #tpu.memory_space<vmem>>
            %dma_start3A_301 = tpu.memref_squeeze %dma_start3A_300 : memref<1x128x32xf32, #tpu.memory_space<vmem>> -> memref<128x32xf32, #tpu.memory_space<vmem>>
            %dma_start3A_302 = arith.constant 0 : i32
            %dma_start3A_303 = tpu.memref_slice %arg4[%mul3A_297, %dma_start3A_302] : memref<256000x32xf32, #tpu.memory_space<hbm>> -> memref<128x32xf32, #tpu.memory_space<hbm>>
            %dma_start3A_304 = tpu.memref_slice %run_scoped3A_19[%rem3A_295] : memref<2x!tpu.dma_semaphore, #tpu.memory_space<semaphore_mem>> -> memref<1x!tpu.dma_semaphore, #tpu.memory_space<semaphore_mem>>
            %dma_start3A_305 = tpu.memref_squeeze %dma_start3A_304 : memref<1x!tpu.dma_semaphore, #tpu.memory_space<semaphore_mem>> -> memref<!tpu.dma_semaphore, #tpu.memory_space<semaphore_mem>>
            %dma_start3A_306 = arith.constant 0 : i32
            %dma_start3A_307 = tpu.memref_slice %arg4[%mul3A_297, %dma_start3A_306] : memref<256000x32xf32, #tpu.memory_space<hbm>> -> memref<128x32xf32, #tpu.memory_space<hbm>>
            %dma_start3A_308 = arith.constant 0 : i32
            %dma_start3A_309 = arith.constant 0 : i32
            %dma_start3A_310 = tpu.memref_slice %run_scoped3A_18[%rem3A_295, %dma_start3A_308, %dma_start3A_309] : memref<2x128x32xf32, #tpu.memory_space<vmem>> -> memref<1x128x32xf32, #tpu.memory_space<vmem>>
            %dma_start3A_311 = tpu.memref_squeeze %dma_start3A_310 : memref<1x128x32xf32, #tpu.memory_space<vmem>> -> memref<128x32xf32, #tpu.memory_space<vmem>>
            tpu.enqueue_dma source(%dma_start3A_311 : memref<128x32xf32, #tpu.memory_space<vmem>>) target(%dma_start3A_307 : memref<128x32xf32, #tpu.memory_space<hbm>>) target_semaphore(%dma_start3A_305 : memref<!tpu.dma_semaphore, #tpu.memory_space<semaphore_mem>>)
            "tpu.trace_stop"() : () -> ()
          } else {
          }
          %and3A_248 = arith.constant true
          %and3A_249 = arith.andi %or3A_244, %and3A_248 : i1
          %add3A_250 = arith.constant 1 : i32
          %add3A_251 = arith.addi %while3A_145, %add3A_250 : i32
          %select_n3A_252 = arith.select %and3A_249, %add3A_251, %while3A_145 : i32
          %ne3A_253 = arith.cmpi ne, %add3A_155, %add3A_165 : i32
          %or3A_254 = arith.constant false
          %or3A_255 = arith.ori %or3A_254, %ne3A_253 : i1
          %not3A_256 = arith.constant true
          %not3A_257 = arith.xori %eq3A_151, %not3A_256 : i1
          %and3A_258 = arith.andi %or3A_255, %not3A_257 : i1
          %convert_element_type3A_259 = arith.extui %and3A_258 : i1 to i32
          %cond3A_260 = arith.constant 0 : i32
          %cond3A_261 = arith.cmpi ne, %convert_element_type3A_259, %cond3A_260 : i32
          scf.if %cond3A_261 {
          } else {
          }
          %and3A_262 = arith.constant false
          %and3A_263 = arith.andi %and3A_258, %and3A_262 : i1
          %ne3A_264 = arith.cmpi ne, %add3A_155, %add3A_165 : i32
          %or3A_265 = arith.constant false
          %or3A_266 = arith.ori %or3A_265, %ne3A_264 : i1
          %or3A_267 = arith.constant false
          %or3A_268 = arith.ori %or3A_266, %or3A_267 : i1
          %not3A_269 = arith.constant true
          %not3A_270 = arith.xori %eq3A_151, %not3A_269 : i1
          %and3A_271 = arith.andi %or3A_268, %not3A_270 : i1
          %convert_element_type3A_272 = arith.extui %and3A_271 : i1 to i32
          %cond3A_273 = arith.constant 0 : i32
          %cond3A_274 = arith.cmpi ne, %convert_element_type3A_272, %cond3A_273 : i32
          scf.if %cond3A_274 {
            "tpu.trace_start"() <{level = 10 : i32, message = "ep_wait_out"}> : () -> ()
            %rem3A_294 = arith.constant 2 : i32
            %rem3A_295 = arith.remui %while3A_146, %rem3A_294 : i32
            %mul3A_296 = arith.constant 128 : i32
            %mul3A_297 = arith.muli %mul3A_296, %add3A_165 : i32
            %dma_wait3A = arith.constant 0 : i32
            %dma_wait3A_298 = arith.constant 0 : i32
            %dma_wait3A_299 = tpu.memref_slice %run_scoped3A_18[%rem3A_295, %dma_wait3A, %dma_wait3A_298] : memref<2x128x32xf32, #tpu.memory_space<vmem>> -> memref<1x128x32xf32, #tpu.memory_space<vmem>>
            %dma_wait3A_300 = tpu.memref_squeeze %dma_wait3A_299 : memref<1x128x32xf32, #tpu.memory_space<vmem>> -> memref<128x32xf32, #tpu.memory_space<vmem>>
            %dma_wait3A_301 = arith.constant 0 : i32
            %dma_wait3A_302 = tpu.memref_slice %arg4[%mul3A_297, %dma_wait3A_301] : memref<256000x32xf32, #tpu.memory_space<hbm>> -> memref<128x32xf32, #tpu.memory_space<hbm>>
            %dma_wait3A_303 = tpu.memref_slice %run_scoped3A_19[%rem3A_295] : memref<2x!tpu.dma_semaphore, #tpu.memory_space<semaphore_mem>> -> memref<1x!tpu.dma_semaphore, #tpu.memory_space<semaphore_mem>>
            %dma_wait3A_304 = tpu.memref_squeeze %dma_wait3A_303 : memref<1x!tpu.dma_semaphore, #tpu.memory_space<semaphore_mem>> -> memref<!tpu.dma_semaphore, #tpu.memory_space<semaphore_mem>>
            %dma_wait3A_305 = arith.constant 0 : i32
            %dma_wait3A_306 = tpu.memref_slice %arg4[%mul3A_297, %dma_wait3A_305] : memref<256000x32xf32, #tpu.memory_space<hbm>> -> memref<128x32xf32, #tpu.memory_space<hbm>>
            %dma_wait3A_307 = arith.constant 0 : i32
            %dma_wait3A_308 = arith.constant 0 : i32
            %dma_wait3A_309 = tpu.memref_slice %run_scoped3A_18[%rem3A_295, %dma_wait3A_307, %dma_wait3A_308] : memref<2x128x32xf32, #tpu.memory_space<vmem>> -> memref<1x128x32xf32, #tpu.memory_space<vmem>>
            %dma_wait3A_310 = tpu.memref_squeeze %dma_wait3A_309 : memref<1x128x32xf32, #tpu.memory_space<vmem>> -> memref<128x32xf32, #tpu.memory_space<vmem>>
            tpu.wait_dma2 semaphore(%dma_wait3A_304 : memref<!tpu.dma_semaphore, #tpu.memory_space<semaphore_mem>>) src(%dma_wait3A_310 : memref<128x32xf32, #tpu.memory_space<vmem>>) dst(%dma_wait3A_306 : memref<128x32xf32, #tpu.memory_space<hbm>>)
            "tpu.trace_stop"() : () -> ()
          } else {
          }
          %and3A_275 = arith.constant true
          %and3A_276 = arith.andi %and3A_271, %and3A_275 : i1
          %add3A_277 = arith.constant 1 : i32
          %add3A_278 = arith.addi %while3A_146, %add3A_277 : i32
          %select_n3A_279 = arith.select %and3A_276, %add3A_278, %while3A_146 : i32
          %ne3A_280 = arith.cmpi ne, %add3A_155, %add3A_173 : i32
          %or3A_281 = arith.constant false
          %or3A_282 = arith.ori %or3A_281, %ne3A_280 : i1
          %or3A_283 = arith.ori %or3A_282, %eq3A_154 : i1
          %add3A_284 = arith.constant 1 : i32
          %add3A_285 = arith.addi %while3A_144, %add3A_284 : i32
          %select_n3A_286 = arith.select %or3A_283, %add3A_285, %while3A_144 : i32
          %add3A_287 = arith.constant 1 : i32
          %add3A_288 = arith.addi %while3A_147, %add3A_287 : i32
          %select_n3A_289 = arith.constant true
          %select_n3A_290 = arith.select %select_n3A_289, %add3A_288, %while3A_147 : i32
          %eq3A_291 = arith.cmpi eq, %select_n3A_290, %select_n3A : i32
          %select_n3A_292 = arith.constant 0 : i32
          %select_n3A_293 = arith.select %eq3A_291, %select_n3A_292, %select_n3A_290 : i32
          scf.yield %select_n3A_195, %select_n3A_286, %select_n3A_252, %select_n3A_279, %select_n3A_293 : i32, i32, i32, i32, i32
        }
        %sub3A_91 = arith.constant 1 : i32
        %sub3A_92 = arith.subi %while3A_90#4, %sub3A_91 : i32
        %select_n3A_93 = arith.constant true
        %select_n3A_94 = arith.select %select_n3A_93, %sub3A_92, %while3A_90#4 : i32
        %eq3A_95 = arith.constant -1 : i32
        %eq3A_96 = arith.cmpi eq, %select_n3A_94, %eq3A_95 : i32
        %sub3A_97 = arith.constant 1 : i32
        %sub3A_98 = arith.subi %select_n3A, %sub3A_97 : i32
        %select_n3A_99 = arith.select %eq3A_96, %sub3A_98, %select_n3A_94 : i32
        %sub3A_100 = arith.constant 1 : i32
        %sub3A_101 = arith.subi %mul3A_16, %sub3A_100 : i32
        %mul3A_102 = arith.constant 1 : i32
        %mul3A_103 = arith.muli %mul3A_102, %select_n3A : i32
        %eq3A_104 = arith.constant 0 : i32
        %eq3A_105 = arith.cmpi eq, %sub3A_101, %eq3A_104 : i32
        %sub3A_106 = arith.constant 1 : i32
        %sub3A_107 = arith.subi %mul3A_103, %sub3A_106 : i32
        %eq3A_108 = arith.cmpi eq, %sub3A_101, %sub3A_107 : i32
        %add3A_109 = arith.addi %select_n3A_99, %select_n3A_14 : i32
        %sub3A_110 = arith.constant 1 : i32
        %sub3A_111 = arith.subi %select_n3A_99, %sub3A_110 : i32
        %select_n3A_112 = arith.constant true
        %select_n3A_113 = arith.select %select_n3A_112, %sub3A_111, %select_n3A_99 : i32
        %eq3A_114 = arith.constant -1 : i32
        %eq3A_115 = arith.cmpi eq, %select_n3A_113, %eq3A_114 : i32
        %sub3A_116 = arith.constant 1 : i32
        %sub3A_117 = arith.subi %select_n3A, %sub3A_116 : i32
        %select_n3A_118 = arith.select %eq3A_115, %sub3A_117, %select_n3A_113 : i32
        %add3A_119 = arith.addi %select_n3A_118, %select_n3A_14 : i32
        %add3A_120 = arith.constant 1 : i32
        %add3A_121 = arith.addi %select_n3A_99, %add3A_120 : i32
        %select_n3A_122 = arith.constant true
        %select_n3A_123 = arith.select %select_n3A_122, %add3A_121, %select_n3A_99 : i32
        %eq3A_124 = arith.cmpi eq, %select_n3A_123, %select_n3A : i32
        %select_n3A_125 = arith.constant 0 : i32
        %select_n3A_126 = arith.select %eq3A_124, %select_n3A_125, %select_n3A_123 : i32
        %add3A_127 = arith.addi %select_n3A_126, %select_n3A_14 : i32
        %add3A_128 = arith.constant 1 : i32
        %add3A_129 = arith.addi %select_n3A_126, %add3A_128 : i32
        %select_n3A_130 = arith.constant true
        %select_n3A_131 = arith.select %select_n3A_130, %add3A_129, %select_n3A_126 : i32
        %eq3A_132 = arith.cmpi eq, %select_n3A_131, %select_n3A : i32
        %select_n3A_133 = arith.constant 0 : i32
        %select_n3A_134 = arith.select %eq3A_132, %select_n3A_133, %select_n3A_131 : i32
        %add3A_135 = arith.addi %select_n3A_134, %select_n3A_14 : i32
        %convert_element_type3A_136 = arith.extui %eq3A_108 : i1 to i32
        %cond3A_137 = arith.constant 0 : i32
        %cond3A_138 = arith.cmpi ne, %convert_element_type3A_136, %cond3A_137 : i32
        scf.if %cond3A_138 {
        } else {
        }
        %convert_element_type3A_139 = arith.extui %eq3A_108 : i1 to i32
        %cond3A_140 = arith.constant 0 : i32
        %cond3A_141 = arith.cmpi ne, %convert_element_type3A_139, %cond3A_140 : i32
        scf.if %cond3A_141 {
          "tpu.trace_start"() <{level = 10 : i32, message = "ep_finalize"}> : () -> ()
          %rem3A_142 = arith.constant 2 : i32
          %rem3A_143 = arith.remui %while3A_90#3, %rem3A_142 : i32
          %mul3A_144 = arith.constant 128 : i32
          %mul3A_145 = arith.muli %mul3A_144, %add3A_109 : i32
          %dma_wait3A = arith.constant 0 : i32
          %dma_wait3A_146 = arith.constant 0 : i32
          %dma_wait3A_147 = tpu.memref_slice %run_scoped3A_18[%rem3A_143, %dma_wait3A, %dma_wait3A_146] : memref<2x128x32xf32, #tpu.memory_space<vmem>> -> memref<1x128x32xf32, #tpu.memory_space<vmem>>
          %dma_wait3A_148 = tpu.memref_squeeze %dma_wait3A_147 : memref<1x128x32xf32, #tpu.memory_space<vmem>> -> memref<128x32xf32, #tpu.memory_space<vmem>>
          %dma_wait3A_149 = arith.constant 0 : i32
          %dma_wait3A_150 = tpu.memref_slice %arg4[%mul3A_145, %dma_wait3A_149] : memref<256000x32xf32, #tpu.memory_space<hbm>> -> memref<128x32xf32, #tpu.memory_space<hbm>>
          %dma_wait3A_151 = tpu.memref_slice %run_scoped3A_19[%rem3A_143] : memref<2x!tpu.dma_semaphore, #tpu.memory_space<semaphore_mem>> -> memref<1x!tpu.dma_semaphore, #tpu.memory_space<semaphore_mem>>
          %dma_wait3A_152 = tpu.memref_squeeze %dma_wait3A_151 : memref<1x!tpu.dma_semaphore, #tpu.memory_space<semaphore_mem>> -> memref<!tpu.dma_semaphore, #tpu.memory_space<semaphore_mem>>
          %dma_wait3A_153 = arith.constant 0 : i32
          %dma_wait3A_154 = tpu.memref_slice %arg4[%mul3A_145, %dma_wait3A_153] : memref<256000x32xf32, #tpu.memory_space<hbm>> -> memref<128x32xf32, #tpu.memory_space<hbm>>
          %dma_wait3A_155 = arith.constant 0 : i32
          %dma_wait3A_156 = arith.constant 0 : i32
          %dma_wait3A_157 = tpu.memref_slice %run_scoped3A_18[%rem3A_143, %dma_wait3A_155, %dma_wait3A_156] : memref<2x128x32xf32, #tpu.memory_space<vmem>> -> memref<1x128x32xf32, #tpu.memory_space<vmem>>
          %dma_wait3A_158 = tpu.memref_squeeze %dma_wait3A_157 : memref<1x128x32xf32, #tpu.memory_space<vmem>> -> memref<128x32xf32, #tpu.memory_space<vmem>>
          tpu.wait_dma2 semaphore(%dma_wait3A_152 : memref<!tpu.dma_semaphore, #tpu.memory_space<semaphore_mem>>) src(%dma_wait3A_158 : memref<128x32xf32, #tpu.memory_space<vmem>>) dst(%dma_wait3A_154 : memref<128x32xf32, #tpu.memory_space<hbm>>)
          "tpu.trace_stop"() : () -> ()
        } else {
        }
      } else {
      }
      tpu.yield
    }) : () -> ()
    return
  }
}

module attributes {stable_mosaic.version = 14 : i64} {
  func.func @body(%arg0: i32, %arg1: memref<1x1000x32xf32, #tpu.memory_space<vmem>>, %arg2: memref<128x384xbf16, #tpu.memory_space<vmem>>, %arg3: memref<1x16x1000x128xbf16, #tpu.memory_space<vmem>>, %arg4: memref<1x16x1000x128xbf16, #tpu.memory_space<vmem>>, %arg5: memref<1x16x1000x128xbf16, #tpu.memory_space<vmem>>) attributes {dimension_semantics = [#tpu.dimension_semantics<arbitrary>], iteration_bounds = array<i64: 8>, scalar_prefetch = 0 : i64, scratch_operands = 0 : i64, tpu.core_type = #tpu.core_type<tc>, window_params = [{transform_indices = @transform_0, window_bounds = array<i64: 1, 1000, 32>}, {pipeline_mode = #tpu.pipeline_mode<synchronous>, transform_indices = @transform_1, window_bounds = array<i64: 128, 384>}, {transform_indices = @transform_2, window_bounds = array<i64: 1, 16, 1000, 128>}, {transform_indices = @transform_3, window_bounds = array<i64: 1, 16, 1000, 128>}, {transform_indices = @transform_4, window_bounds = array<i64: 1, 16, 1000, 128>}]} {
    %iota3A = tpu.iota {dimensions = array<i32: 1>} : vector<1x128xi32>
    %lt3A = arith.constant 64 : i32
    %lt3A_0 = vector.broadcast %lt3A : i32 to vector<1x128xi32>
    %lt3A_1 = arith.cmpi slt, %iota3A, %lt3A_0 : vector<1x128xi32>
    %sub3A = arith.constant 64 : i32
    %sub3A_2 = vector.broadcast %sub3A : i32 to vector<1x128xi32>
    %sub3A_3 = arith.subi %iota3A, %sub3A_2 : vector<1x128xi32>
    %select_n3A = arith.select %lt3A_1, %iota3A, %sub3A_3 : vector<1x128xi1>, vector<1x128xi32>
    %convert_element_type3A = arith.sitofp %select_n3A : vector<1x128xi32> to vector<1x128xf32>
    %mul3A = arith.constant 2.000000e-01 : f32
    %mul3A_4 = vector.broadcast %mul3A : f32 to vector<1x128xf32>
    %mul3A_5 = arith.mulf %convert_element_type3A, %mul3A_4 : vector<1x128xf32>
    %get3A = arith.constant 0 : index
    %get3A_6 = arith.constant 0 : index
    %get3A_7 = arith.constant 0 : index
    %get3A_8 = vector.load %arg1[%get3A, %get3A_6, %get3A_7] : memref<1x1000x32xf32, #tpu.memory_space<vmem>>, vector<1x1000x1xf32>
    %get3A_9 = vector.shape_cast %get3A_8 : vector<1x1000x1xf32> to vector<1000x1xf32>
    %get3A_10 = arith.constant 0 : index
    %get3A_11 = arith.constant 0 : index
    %get3A_12 = arith.constant 1 : index
    %get3A_13 = vector.load %arg1[%get3A_10, %get3A_11, %get3A_12] : memref<1x1000x32xf32, #tpu.memory_space<vmem>>, vector<1x1000x1xf32>
    %get3A_14 = vector.shape_cast %get3A_13 : vector<1x1000x1xf32> to vector<1000x1xf32>
    %broadcast_in_dim3A = vector.shape_cast %get3A_9 : vector<1000x1xf32> to vector<1000x1xf32>
    %broadcast_in_dim3A_15 = vector.broadcast %broadcast_in_dim3A : vector<1000x1xf32> to vector<1000x64xf32>
    %broadcast_in_dim3A_16 = vector.shape_cast %get3A_14 : vector<1000x1xf32> to vector<1000x1xf32>
    %broadcast_in_dim3A_17 = vector.broadcast %broadcast_in_dim3A_16 : vector<1000x1xf32> to vector<1000x64xf32>
    %concatenate3A = tpu.concatenate %broadcast_in_dim3A_15, %broadcast_in_dim3A_17 in 1 : vector<1000x64xf32>, vector<1000x64xf32> -> vector<1000x128xf32>
    %sub3A_18 = vector.broadcast %mul3A_5 : vector<1x128xf32> to vector<1000x128xf32>
    %sub3A_19 = arith.subf %concatenate3A, %sub3A_18 : vector<1000x128xf32>
    %integer_pow3A = arith.mulf %sub3A_19, %sub3A_19 : vector<1000x128xf32>
    %neg3A = arith.constant 0.000000e+00 : f32
    %neg3A_20 = vector.broadcast %neg3A : f32 to vector<1000x128xf32>
    %neg3A_21 = arith.subf %neg3A_20, %integer_pow3A : vector<1000x128xf32>
    %mul3A_22 = arith.constant 2.500000e+01 : f32
    %mul3A_23 = vector.broadcast %mul3A_22 : f32 to vector<1000x128xf32>
    %mul3A_24 = arith.mulf %neg3A_21, %mul3A_23 : vector<1000x128xf32>
    %exp3A = math.exp %mul3A_24 : vector<1000x128xf32>
    %convert_element_type3A_25 = arith.truncf %exp3A : vector<1000x128xf32> to vector<1000x128xbf16>
    %get3A_26 = arith.constant 0 : index
    %get3A_27 = arith.constant 0 : index
    %get3A_28 = vector.load %arg2[%get3A_26, %get3A_27] : memref<128x384xbf16, #tpu.memory_space<vmem>>, vector<128x384xbf16>
    %dot_general3A = arith.constant dense<0.000000e+00> : vector<1000x384xf32>
    %dot_general3A_29 = tpu.matmul %convert_element_type3A_25, %get3A_28, %dot_general3A {dimension_numbers = #tpu.dot_dimension_numbers<[1], [0], [0], [1], [0, 0, 1, 1], [], []>, transpose_lhs_hint = false} : vector<1000x128xbf16>, vector<128x384xbf16>, vector<1000x384xf32> -> vector<1000x384xf32>
    %slice3A = vector.extract_strided_slice %dot_general3A_29 {offsets = [0, 0], sizes = [1000, 128], strides = [1, 1]} : vector<1000x384xf32> to vector<1000x128xf32>
    %convert_element_type3A_30 = arith.truncf %slice3A : vector<1000x128xf32> to vector<1000x128xbf16>
    %swap3A = arith.constant 0 : index
    %swap3A_31 = arith.constant 0 : index
    %swap3A_32 = arith.constant 0 : index
    %swap3A_33 = arith.constant 0 : index
    %swap3A_34 = vector.load %arg3[%swap3A, %swap3A_31, %swap3A_32, %swap3A_33] : memref<1x16x1000x128xbf16, #tpu.memory_space<vmem>>, vector<1x1x1000x128xbf16>
    %swap3A_35 = vector.shape_cast %swap3A_34 : vector<1x1x1000x128xbf16> to vector<1000x128xbf16>
    %swap3A_36 = vector.shape_cast %convert_element_type3A_30 : vector<1000x128xbf16> to vector<1x1x1000x128xbf16>
    tpu.vector_store %arg3[%swap3A, %swap3A_31, %swap3A_32, %swap3A_33], %swap3A_36 {strides = array<i32>} : memref<1x16x1000x128xbf16, #tpu.memory_space<vmem>>, vector<1x1x1000x128xbf16>,
    %slice3A_37 = vector.extract_strided_slice %dot_general3A_29 {offsets = [0, 128], sizes = [1000, 128], strides = [1, 1]} : vector<1000x384xf32> to vector<1000x128xf32>
    %convert_element_type3A_38 = arith.truncf %slice3A_37 : vector<1000x128xf32> to vector<1000x128xbf16>
    %swap3A_39 = arith.constant 0 : index
    %swap3A_40 = arith.constant 0 : index
    %swap3A_41 = arith.constant 0 : index
    %swap3A_42 = arith.constant 0 : index
    %swap3A_43 = vector.load %arg4[%swap3A_39, %swap3A_40, %swap3A_41, %swap3A_42] : memref<1x16x1000x128xbf16, #tpu.memory_space<vmem>>, vector<1x1x1000x128xbf16>
    %swap3A_44 = vector.shape_cast %swap3A_43 : vector<1x1x1000x128xbf16> to vector<1000x128xbf16>
    %swap3A_45 = vector.shape_cast %convert_element_type3A_38 : vector<1000x128xbf16> to vector<1x1x1000x128xbf16>
    tpu.vector_store %arg4[%swap3A_39, %swap3A_40, %swap3A_41, %swap3A_42], %swap3A_45 {strides = array<i32>} : memref<1x16x1000x128xbf16, #tpu.memory_space<vmem>>, vector<1x1x1000x128xbf16>,
    %slice3A_46 = vector.extract_strided_slice %dot_general3A_29 {offsets = [0, 256], sizes = [1000, 128], strides = [1, 1]} : vector<1000x384xf32> to vector<1000x128xf32>
    %convert_element_type3A_47 = arith.truncf %slice3A_46 : vector<1000x128xf32> to vector<1000x128xbf16>
    %swap3A_48 = arith.constant 0 : index
    %swap3A_49 = arith.constant 0 : index
    %swap3A_50 = arith.constant 0 : index
    %swap3A_51 = arith.constant 0 : index
    %swap3A_52 = vector.load %arg5[%swap3A_48, %swap3A_49, %swap3A_50, %swap3A_51] : memref<1x16x1000x128xbf16, #tpu.memory_space<vmem>>, vector<1x1x1000x128xbf16>
    %swap3A_53 = vector.shape_cast %swap3A_52 : vector<1x1x1000x128xbf16> to vector<1000x128xbf16>
    %swap3A_54 = vector.shape_cast %convert_element_type3A_47 : vector<1000x128xbf16> to vector<1x1x1000x128xbf16>
    tpu.vector_store %arg5[%swap3A_48, %swap3A_49, %swap3A_50, %swap3A_51], %swap3A_54 {strides = array<i32>} : memref<1x16x1000x128xbf16, #tpu.memory_space<vmem>>, vector<1x1x1000x128xbf16>,
    %get3A_55 = arith.constant 0 : index
    %get3A_56 = arith.constant 0 : index
    %get3A_57 = arith.constant 2 : index
    %get3A_58 = vector.load %arg1[%get3A_55, %get3A_56, %get3A_57] : memref<1x1000x32xf32, #tpu.memory_space<vmem>>, vector<1x1000x1xf32>
    %get3A_59 = vector.shape_cast %get3A_58 : vector<1x1000x1xf32> to vector<1000x1xf32>
    %get3A_60 = arith.constant 0 : index
    %get3A_61 = arith.constant 0 : index
    %get3A_62 = arith.constant 3 : index
    %get3A_63 = vector.load %arg1[%get3A_60, %get3A_61, %get3A_62] : memref<1x1000x32xf32, #tpu.memory_space<vmem>>, vector<1x1000x1xf32>
    %get3A_64 = vector.shape_cast %get3A_63 : vector<1x1000x1xf32> to vector<1000x1xf32>
    %broadcast_in_dim3A_65 = vector.shape_cast %get3A_59 : vector<1000x1xf32> to vector<1000x1xf32>
    %broadcast_in_dim3A_66 = vector.broadcast %broadcast_in_dim3A_65 : vector<1000x1xf32> to vector<1000x64xf32>
    %broadcast_in_dim3A_67 = vector.shape_cast %get3A_64 : vector<1000x1xf32> to vector<1000x1xf32>
    %broadcast_in_dim3A_68 = vector.broadcast %broadcast_in_dim3A_67 : vector<1000x1xf32> to vector<1000x64xf32>
    %concatenate3A_69 = tpu.concatenate %broadcast_in_dim3A_66, %broadcast_in_dim3A_68 in 1 : vector<1000x64xf32>, vector<1000x64xf32> -> vector<1000x128xf32>
    %sub3A_70 = vector.broadcast %mul3A_5 : vector<1x128xf32> to vector<1000x128xf32>
    %sub3A_71 = arith.subf %concatenate3A_69, %sub3A_70 : vector<1000x128xf32>
    %integer_pow3A_72 = arith.mulf %sub3A_71, %sub3A_71 : vector<1000x128xf32>
    %neg3A_73 = arith.constant 0.000000e+00 : f32
    %neg3A_74 = vector.broadcast %neg3A_73 : f32 to vector<1000x128xf32>
    %neg3A_75 = arith.subf %neg3A_74, %integer_pow3A_72 : vector<1000x128xf32>
    %mul3A_76 = arith.constant 2.500000e+01 : f32
    %mul3A_77 = vector.broadcast %mul3A_76 : f32 to vector<1000x128xf32>
    %mul3A_78 = arith.mulf %neg3A_75, %mul3A_77 : vector<1000x128xf32>
    %exp3A_79 = math.exp %mul3A_78 : vector<1000x128xf32>
    %convert_element_type3A_80 = arith.truncf %exp3A_79 : vector<1000x128xf32> to vector<1000x128xbf16>
    %get3A_81 = arith.constant 0 : index
    %get3A_82 = arith.constant 0 : index
    %get3A_83 = vector.load %arg2[%get3A_81, %get3A_82] : memref<128x384xbf16, #tpu.memory_space<vmem>>, vector<128x384xbf16>
    %dot_general3A_84 = arith.constant dense<0.000000e+00> : vector<1000x384xf32>
    %dot_general3A_85 = tpu.matmul %convert_element_type3A_80, %get3A_83, %dot_general3A_84 {dimension_numbers = #tpu.dot_dimension_numbers<[1], [0], [0], [1], [0, 0, 1, 1], [], []>, transpose_lhs_hint = false} : vector<1000x128xbf16>, vector<128x384xbf16>, vector<1000x384xf32> -> vector<1000x384xf32>
    %slice3A_86 = vector.extract_strided_slice %dot_general3A_85 {offsets = [0, 0], sizes = [1000, 128], strides = [1, 1]} : vector<1000x384xf32> to vector<1000x128xf32>
    %convert_element_type3A_87 = arith.truncf %slice3A_86 : vector<1000x128xf32> to vector<1000x128xbf16>
    %swap3A_88 = arith.constant 0 : index
    %swap3A_89 = arith.constant 1 : index
    %swap3A_90 = arith.constant 0 : index
    %swap3A_91 = arith.constant 0 : index
    %swap3A_92 = vector.load %arg3[%swap3A_88, %swap3A_89, %swap3A_90, %swap3A_91] : memref<1x16x1000x128xbf16, #tpu.memory_space<vmem>>, vector<1x1x1000x128xbf16>
    %swap3A_93 = vector.shape_cast %swap3A_92 : vector<1x1x1000x128xbf16> to vector<1000x128xbf16>
    %swap3A_94 = vector.shape_cast %convert_element_type3A_87 : vector<1000x128xbf16> to vector<1x1x1000x128xbf16>
    tpu.vector_store %arg3[%swap3A_88, %swap3A_89, %swap3A_90, %swap3A_91], %swap3A_94 {strides = array<i32>} : memref<1x16x1000x128xbf16, #tpu.memory_space<vmem>>, vector<1x1x1000x128xbf16>,
    %slice3A_95 = vector.extract_strided_slice %dot_general3A_85 {offsets = [0, 128], sizes = [1000, 128], strides = [1, 1]} : vector<1000x384xf32> to vector<1000x128xf32>
    %convert_element_type3A_96 = arith.truncf %slice3A_95 : vector<1000x128xf32> to vector<1000x128xbf16>
    %swap3A_97 = arith.constant 0 : index
    %swap3A_98 = arith.constant 1 : index
    %swap3A_99 = arith.constant 0 : index
    %swap3A_100 = arith.constant 0 : index
    %swap3A_101 = vector.load %arg4[%swap3A_97, %swap3A_98, %swap3A_99, %swap3A_100] : memref<1x16x1000x128xbf16, #tpu.memory_space<vmem>>, vector<1x1x1000x128xbf16>
    %swap3A_102 = vector.shape_cast %swap3A_101 : vector<1x1x1000x128xbf16> to vector<1000x128xbf16>
    %swap3A_103 = vector.shape_cast %convert_element_type3A_96 : vector<1000x128xbf16> to vector<1x1x1000x128xbf16>
    tpu.vector_store %arg4[%swap3A_97, %swap3A_98, %swap3A_99, %swap3A_100], %swap3A_103 {strides = array<i32>} : memref<1x16x1000x128xbf16, #tpu.memory_space<vmem>>, vector<1x1x1000x128xbf16>,
    %slice3A_104 = vector.extract_strided_slice %dot_general3A_85 {offsets = [0, 256], sizes = [1000, 128], strides = [1, 1]} : vector<1000x384xf32> to vector<1000x128xf32>
    %convert_element_type3A_105 = arith.truncf %slice3A_104 : vector<1000x128xf32> to vector<1000x128xbf16>
    %swap3A_106 = arith.constant 0 : index
    %swap3A_107 = arith.constant 1 : index
    %swap3A_108 = arith.constant 0 : index
    %swap3A_109 = arith.constant 0 : index
    %swap3A_110 = vector.load %arg5[%swap3A_106, %swap3A_107, %swap3A_108, %swap3A_109] : memref<1x16x1000x128xbf16, #tpu.memory_space<vmem>>, vector<1x1x1000x128xbf16>
    %swap3A_111 = vector.shape_cast %swap3A_110 : vector<1x1x1000x128xbf16> to vector<1000x128xbf16>
    %swap3A_112 = vector.shape_cast %convert_element_type3A_105 : vector<1000x128xbf16> to vector<1x1x1000x128xbf16>
    tpu.vector_store %arg5[%swap3A_106, %swap3A_107, %swap3A_108, %swap3A_109], %swap3A_112 {strides = array<i32>} : memref<1x16x1000x128xbf16, #tpu.memory_space<vmem>>, vector<1x1x1000x128xbf16>,
    %get3A_113 = arith.constant 0 : index
    %get3A_114 = arith.constant 0 : index
    %get3A_115 = arith.constant 4 : index
    %get3A_116 = vector.load %arg1[%get3A_113, %get3A_114, %get3A_115] : memref<1x1000x32xf32, #tpu.memory_space<vmem>>, vector<1x1000x1xf32>
    %get3A_117 = vector.shape_cast %get3A_116 : vector<1x1000x1xf32> to vector<1000x1xf32>
    %get3A_118 = arith.constant 0 : index
    %get3A_119 = arith.constant 0 : index
    %get3A_120 = arith.constant 5 : index
    %get3A_121 = vector.load %arg1[%get3A_118, %get3A_119, %get3A_120] : memref<1x1000x32xf32, #tpu.memory_space<vmem>>, vector<1x1000x1xf32>
    %get3A_122 = vector.shape_cast %get3A_121 : vector<1x1000x1xf32> to vector<1000x1xf32>
    %broadcast_in_dim3A_123 = vector.shape_cast %get3A_117 : vector<1000x1xf32> to vector<1000x1xf32>
    %broadcast_in_dim3A_124 = vector.broadcast %broadcast_in_dim3A_123 : vector<1000x1xf32> to vector<1000x64xf32>
    %broadcast_in_dim3A_125 = vector.shape_cast %get3A_122 : vector<1000x1xf32> to vector<1000x1xf32>
    %broadcast_in_dim3A_126 = vector.broadcast %broadcast_in_dim3A_125 : vector<1000x1xf32> to vector<1000x64xf32>
    %concatenate3A_127 = tpu.concatenate %broadcast_in_dim3A_124, %broadcast_in_dim3A_126 in 1 : vector<1000x64xf32>, vector<1000x64xf32> -> vector<1000x128xf32>
    %sub3A_128 = vector.broadcast %mul3A_5 : vector<1x128xf32> to vector<1000x128xf32>
    %sub3A_129 = arith.subf %concatenate3A_127, %sub3A_128 : vector<1000x128xf32>
    %integer_pow3A_130 = arith.mulf %sub3A_129, %sub3A_129 : vector<1000x128xf32>
    %neg3A_131 = arith.constant 0.000000e+00 : f32
    %neg3A_132 = vector.broadcast %neg3A_131 : f32 to vector<1000x128xf32>
    %neg3A_133 = arith.subf %neg3A_132, %integer_pow3A_130 : vector<1000x128xf32>
    %mul3A_134 = arith.constant 2.500000e+01 : f32
    %mul3A_135 = vector.broadcast %mul3A_134 : f32 to vector<1000x128xf32>
    %mul3A_136 = arith.mulf %neg3A_133, %mul3A_135 : vector<1000x128xf32>
    %exp3A_137 = math.exp %mul3A_136 : vector<1000x128xf32>
    %convert_element_type3A_138 = arith.truncf %exp3A_137 : vector<1000x128xf32> to vector<1000x128xbf16>
    %get3A_139 = arith.constant 0 : index
    %get3A_140 = arith.constant 0 : index
    %get3A_141 = vector.load %arg2[%get3A_139, %get3A_140] : memref<128x384xbf16, #tpu.memory_space<vmem>>, vector<128x384xbf16>
    %dot_general3A_142 = arith.constant dense<0.000000e+00> : vector<1000x384xf32>
    %dot_general3A_143 = tpu.matmul %convert_element_type3A_138, %get3A_141, %dot_general3A_142 {dimension_numbers = #tpu.dot_dimension_numbers<[1], [0], [0], [1], [0, 0, 1, 1], [], []>, transpose_lhs_hint = false} : vector<1000x128xbf16>, vector<128x384xbf16>, vector<1000x384xf32> -> vector<1000x384xf32>
    %slice3A_144 = vector.extract_strided_slice %dot_general3A_143 {offsets = [0, 0], sizes = [1000, 128], strides = [1, 1]} : vector<1000x384xf32> to vector<1000x128xf32>
    %convert_element_type3A_145 = arith.truncf %slice3A_144 : vector<1000x128xf32> to vector<1000x128xbf16>
    %swap3A_146 = arith.constant 0 : index
    %swap3A_147 = arith.constant 2 : index
    %swap3A_148 = arith.constant 0 : index
    %swap3A_149 = arith.constant 0 : index
    %swap3A_150 = vector.load %arg3[%swap3A_146, %swap3A_147, %swap3A_148, %swap3A_149] : memref<1x16x1000x128xbf16, #tpu.memory_space<vmem>>, vector<1x1x1000x128xbf16>
    %swap3A_151 = vector.shape_cast %swap3A_150 : vector<1x1x1000x128xbf16> to vector<1000x128xbf16>
    %swap3A_152 = vector.shape_cast %convert_element_type3A_145 : vector<1000x128xbf16> to vector<1x1x1000x128xbf16>
    tpu.vector_store %arg3[%swap3A_146, %swap3A_147, %swap3A_148, %swap3A_149], %swap3A_152 {strides = array<i32>} : memref<1x16x1000x128xbf16, #tpu.memory_space<vmem>>, vector<1x1x1000x128xbf16>,
    %slice3A_153 = vector.extract_strided_slice %dot_general3A_143 {offsets = [0, 128], sizes = [1000, 128], strides = [1, 1]} : vector<1000x384xf32> to vector<1000x128xf32>
    %convert_element_type3A_154 = arith.truncf %slice3A_153 : vector<1000x128xf32> to vector<1000x128xbf16>
    %swap3A_155 = arith.constant 0 : index
    %swap3A_156 = arith.constant 2 : index
    %swap3A_157 = arith.constant 0 : index
    %swap3A_158 = arith.constant 0 : index
    %swap3A_159 = vector.load %arg4[%swap3A_155, %swap3A_156, %swap3A_157, %swap3A_158] : memref<1x16x1000x128xbf16, #tpu.memory_space<vmem>>, vector<1x1x1000x128xbf16>
    %swap3A_160 = vector.shape_cast %swap3A_159 : vector<1x1x1000x128xbf16> to vector<1000x128xbf16>
    %swap3A_161 = vector.shape_cast %convert_element_type3A_154 : vector<1000x128xbf16> to vector<1x1x1000x128xbf16>
    tpu.vector_store %arg4[%swap3A_155, %swap3A_156, %swap3A_157, %swap3A_158], %swap3A_161 {strides = array<i32>} : memref<1x16x1000x128xbf16, #tpu.memory_space<vmem>>, vector<1x1x1000x128xbf16>,
    %slice3A_162 = vector.extract_strided_slice %dot_general3A_143 {offsets = [0, 256], sizes = [1000, 128], strides = [1, 1]} : vector<1000x384xf32> to vector<1000x128xf32>
    %convert_element_type3A_163 = arith.truncf %slice3A_162 : vector<1000x128xf32> to vector<1000x128xbf16>
    %swap3A_164 = arith.constant 0 : index
    %swap3A_165 = arith.constant 2 : index
    %swap3A_166 = arith.constant 0 : index
    %swap3A_167 = arith.constant 0 : index
    %swap3A_168 = vector.load %arg5[%swap3A_164, %swap3A_165, %swap3A_166, %swap3A_167] : memref<1x16x1000x128xbf16, #tpu.memory_space<vmem>>, vector<1x1x1000x128xbf16>
    %swap3A_169 = vector.shape_cast %swap3A_168 : vector<1x1x1000x128xbf16> to vector<1000x128xbf16>
    %swap3A_170 = vector.shape_cast %convert_element_type3A_163 : vector<1000x128xbf16> to vector<1x1x1000x128xbf16>
    tpu.vector_store %arg5[%swap3A_164, %swap3A_165, %swap3A_166, %swap3A_167], %swap3A_170 {strides = array<i32>} : memref<1x16x1000x128xbf16, #tpu.memory_space<vmem>>, vector<1x1x1000x128xbf16>,
    %get3A_171 = arith.constant 0 : index
    %get3A_172 = arith.constant 0 : index
    %get3A_173 = arith.constant 6 : index
    %get3A_174 = vector.load %arg1[%get3A_171, %get3A_172, %get3A_173] : memref<1x1000x32xf32, #tpu.memory_space<vmem>>, vector<1x1000x1xf32>
    %get3A_175 = vector.shape_cast %get3A_174 : vector<1x1000x1xf32> to vector<1000x1xf32>
    %get3A_176 = arith.constant 0 : index
    %get3A_177 = arith.constant 0 : index
    %get3A_178 = arith.constant 7 : index
    %get3A_179 = vector.load %arg1[%get3A_176, %get3A_177, %get3A_178] : memref<1x1000x32xf32, #tpu.memory_space<vmem>>, vector<1x1000x1xf32>
    %get3A_180 = vector.shape_cast %get3A_179 : vector<1x1000x1xf32> to vector<1000x1xf32>
    %broadcast_in_dim3A_181 = vector.shape_cast %get3A_175 : vector<1000x1xf32> to vector<1000x1xf32>
    %broadcast_in_dim3A_182 = vector.broadcast %broadcast_in_dim3A_181 : vector<1000x1xf32> to vector<1000x64xf32>
    %broadcast_in_dim3A_183 = vector.shape_cast %get3A_180 : vector<1000x1xf32> to vector<1000x1xf32>
    %broadcast_in_dim3A_184 = vector.broadcast %broadcast_in_dim3A_183 : vector<1000x1xf32> to vector<1000x64xf32>
    %concatenate3A_185 = tpu.concatenate %broadcast_in_dim3A_182, %broadcast_in_dim3A_184 in 1 : vector<1000x64xf32>, vector<1000x64xf32> -> vector<1000x128xf32>
    %sub3A_186 = vector.broadcast %mul3A_5 : vector<1x128xf32> to vector<1000x128xf32>
    %sub3A_187 = arith.subf %concatenate3A_185, %sub3A_186 : vector<1000x128xf32>
    %integer_pow3A_188 = arith.mulf %sub3A_187, %sub3A_187 : vector<1000x128xf32>
    %neg3A_189 = arith.constant 0.000000e+00 : f32
    %neg3A_190 = vector.broadcast %neg3A_189 : f32 to vector<1000x128xf32>
    %neg3A_191 = arith.subf %neg3A_190, %integer_pow3A_188 : vector<1000x128xf32>
    %mul3A_192 = arith.constant 2.500000e+01 : f32
    %mul3A_193 = vector.broadcast %mul3A_192 : f32 to vector<1000x128xf32>
    %mul3A_194 = arith.mulf %neg3A_191, %mul3A_193 : vector<1000x128xf32>
    %exp3A_195 = math.exp %mul3A_194 : vector<1000x128xf32>
    %convert_element_type3A_196 = arith.truncf %exp3A_195 : vector<1000x128xf32> to vector<1000x128xbf16>
    %get3A_197 = arith.constant 0 : index
    %get3A_198 = arith.constant 0 : index
    %get3A_199 = vector.load %arg2[%get3A_197, %get3A_198] : memref<128x384xbf16, #tpu.memory_space<vmem>>, vector<128x384xbf16>
    %dot_general3A_200 = arith.constant dense<0.000000e+00> : vector<1000x384xf32>
    %dot_general3A_201 = tpu.matmul %convert_element_type3A_196, %get3A_199, %dot_general3A_200 {dimension_numbers = #tpu.dot_dimension_numbers<[1], [0], [0], [1], [0, 0, 1, 1], [], []>, transpose_lhs_hint = false} : vector<1000x128xbf16>, vector<128x384xbf16>, vector<1000x384xf32> -> vector<1000x384xf32>
    %slice3A_202 = vector.extract_strided_slice %dot_general3A_201 {offsets = [0, 0], sizes = [1000, 128], strides = [1, 1]} : vector<1000x384xf32> to vector<1000x128xf32>
    %convert_element_type3A_203 = arith.truncf %slice3A_202 : vector<1000x128xf32> to vector<1000x128xbf16>
    %swap3A_204 = arith.constant 0 : index
    %swap3A_205 = arith.constant 3 : index
    %swap3A_206 = arith.constant 0 : index
    %swap3A_207 = arith.constant 0 : index
    %swap3A_208 = vector.load %arg3[%swap3A_204, %swap3A_205, %swap3A_206, %swap3A_207] : memref<1x16x1000x128xbf16, #tpu.memory_space<vmem>>, vector<1x1x1000x128xbf16>
    %swap3A_209 = vector.shape_cast %swap3A_208 : vector<1x1x1000x128xbf16> to vector<1000x128xbf16>
    %swap3A_210 = vector.shape_cast %convert_element_type3A_203 : vector<1000x128xbf16> to vector<1x1x1000x128xbf16>
    tpu.vector_store %arg3[%swap3A_204, %swap3A_205, %swap3A_206, %swap3A_207], %swap3A_210 {strides = array<i32>} : memref<1x16x1000x128xbf16, #tpu.memory_space<vmem>>, vector<1x1x1000x128xbf16>,
    %slice3A_211 = vector.extract_strided_slice %dot_general3A_201 {offsets = [0, 128], sizes = [1000, 128], strides = [1, 1]} : vector<1000x384xf32> to vector<1000x128xf32>
    %convert_element_type3A_212 = arith.truncf %slice3A_211 : vector<1000x128xf32> to vector<1000x128xbf16>
    %swap3A_213 = arith.constant 0 : index
    %swap3A_214 = arith.constant 3 : index
    %swap3A_215 = arith.constant 0 : index
    %swap3A_216 = arith.constant 0 : index
    %swap3A_217 = vector.load %arg4[%swap3A_213, %swap3A_214, %swap3A_215, %swap3A_216] : memref<1x16x1000x128xbf16, #tpu.memory_space<vmem>>, vector<1x1x1000x128xbf16>
    %swap3A_218 = vector.shape_cast %swap3A_217 : vector<1x1x1000x128xbf16> to vector<1000x128xbf16>
    %swap3A_219 = vector.shape_cast %convert_element_type3A_212 : vector<1000x128xbf16> to vector<1x1x1000x128xbf16>
    tpu.vector_store %arg4[%swap3A_213, %swap3A_214, %swap3A_215, %swap3A_216], %swap3A_219 {strides = array<i32>} : memref<1x16x1000x128xbf16, #tpu.memory_space<vmem>>, vector<1x1x1000x128xbf16>,
    %slice3A_220 = vector.extract_strided_slice %dot_general3A_201 {offsets = [0, 256], sizes = [1000, 128], strides = [1, 1]} : vector<1000x384xf32> to vector<1000x128xf32>
    %convert_element_type3A_221 = arith.truncf %slice3A_220 : vector<1000x128xf32> to vector<1000x128xbf16>
    %swap3A_222 = arith.constant 0 : index
    %swap3A_223 = arith.constant 3 : index
    %swap3A_224 = arith.constant 0 : index
    %swap3A_225 = arith.constant 0 : index
    %swap3A_226 = vector.load %arg5[%swap3A_222, %swap3A_223, %swap3A_224, %swap3A_225] : memref<1x16x1000x128xbf16, #tpu.memory_space<vmem>>, vector<1x1x1000x128xbf16>
    %swap3A_227 = vector.shape_cast %swap3A_226 : vector<1x1x1000x128xbf16> to vector<1000x128xbf16>
    %swap3A_228 = vector.shape_cast %convert_element_type3A_221 : vector<1000x128xbf16> to vector<1x1x1000x128xbf16>
    tpu.vector_store %arg5[%swap3A_222, %swap3A_223, %swap3A_224, %swap3A_225], %swap3A_228 {strides = array<i32>} : memref<1x16x1000x128xbf16, #tpu.memory_space<vmem>>, vector<1x1x1000x128xbf16>,
    %get3A_229 = arith.constant 0 : index
    %get3A_230 = arith.constant 0 : index
    %get3A_231 = arith.constant 8 : index
    %get3A_232 = vector.load %arg1[%get3A_229, %get3A_230, %get3A_231] : memref<1x1000x32xf32, #tpu.memory_space<vmem>>, vector<1x1000x1xf32>
    %get3A_233 = vector.shape_cast %get3A_232 : vector<1x1000x1xf32> to vector<1000x1xf32>
    %get3A_234 = arith.constant 0 : index
    %get3A_235 = arith.constant 0 : index
    %get3A_236 = arith.constant 9 : index
    %get3A_237 = vector.load %arg1[%get3A_234, %get3A_235, %get3A_236] : memref<1x1000x32xf32, #tpu.memory_space<vmem>>, vector<1x1000x1xf32>
    %get3A_238 = vector.shape_cast %get3A_237 : vector<1x1000x1xf32> to vector<1000x1xf32>
    %broadcast_in_dim3A_239 = vector.shape_cast %get3A_233 : vector<1000x1xf32> to vector<1000x1xf32>
    %broadcast_in_dim3A_240 = vector.broadcast %broadcast_in_dim3A_239 : vector<1000x1xf32> to vector<1000x64xf32>
    %broadcast_in_dim3A_241 = vector.shape_cast %get3A_238 : vector<1000x1xf32> to vector<1000x1xf32>
    %broadcast_in_dim3A_242 = vector.broadcast %broadcast_in_dim3A_241 : vector<1000x1xf32> to vector<1000x64xf32>
    %concatenate3A_243 = tpu.concatenate %broadcast_in_dim3A_240, %broadcast_in_dim3A_242 in 1 : vector<1000x64xf32>, vector<1000x64xf32> -> vector<1000x128xf32>
    %sub3A_244 = vector.broadcast %mul3A_5 : vector<1x128xf32> to vector<1000x128xf32>
    %sub3A_245 = arith.subf %concatenate3A_243, %sub3A_244 : vector<1000x128xf32>
    %integer_pow3A_246 = arith.mulf %sub3A_245, %sub3A_245 : vector<1000x128xf32>
    %neg3A_247 = arith.constant 0.000000e+00 : f32
    %neg3A_248 = vector.broadcast %neg3A_247 : f32 to vector<1000x128xf32>
    %neg3A_249 = arith.subf %neg3A_248, %integer_pow3A_246 : vector<1000x128xf32>
    %mul3A_250 = arith.constant 2.500000e+01 : f32
    %mul3A_251 = vector.broadcast %mul3A_250 : f32 to vector<1000x128xf32>
    %mul3A_252 = arith.mulf %neg3A_249, %mul3A_251 : vector<1000x128xf32>
    %exp3A_253 = math.exp %mul3A_252 : vector<1000x128xf32>
    %convert_element_type3A_254 = arith.truncf %exp3A_253 : vector<1000x128xf32> to vector<1000x128xbf16>
    %get3A_255 = arith.constant 0 : index
    %get3A_256 = arith.constant 0 : index
    %get3A_257 = vector.load %arg2[%get3A_255, %get3A_256] : memref<128x384xbf16, #tpu.memory_space<vmem>>, vector<128x384xbf16>
    %dot_general3A_258 = arith.constant dense<0.000000e+00> : vector<1000x384xf32>
    %dot_general3A_259 = tpu.matmul %convert_element_type3A_254, %get3A_257, %dot_general3A_258 {dimension_numbers = #tpu.dot_dimension_numbers<[1], [0], [0], [1], [0, 0, 1, 1], [], []>, transpose_lhs_hint = false} : vector<1000x128xbf16>, vector<128x384xbf16>, vector<1000x384xf32> -> vector<1000x384xf32>
    %slice3A_260 = vector.extract_strided_slice %dot_general3A_259 {offsets = [0, 0], sizes = [1000, 128], strides = [1, 1]} : vector<1000x384xf32> to vector<1000x128xf32>
    %convert_element_type3A_261 = arith.truncf %slice3A_260 : vector<1000x128xf32> to vector<1000x128xbf16>
    %swap3A_262 = arith.constant 0 : index
    %swap3A_263 = arith.constant 4 : index
    %swap3A_264 = arith.constant 0 : index
    %swap3A_265 = arith.constant 0 : index
    %swap3A_266 = vector.load %arg3[%swap3A_262, %swap3A_263, %swap3A_264, %swap3A_265] : memref<1x16x1000x128xbf16, #tpu.memory_space<vmem>>, vector<1x1x1000x128xbf16>
    %swap3A_267 = vector.shape_cast %swap3A_266 : vector<1x1x1000x128xbf16> to vector<1000x128xbf16>
    %swap3A_268 = vector.shape_cast %convert_element_type3A_261 : vector<1000x128xbf16> to vector<1x1x1000x128xbf16>
    tpu.vector_store %arg3[%swap3A_262, %swap3A_263, %swap3A_264, %swap3A_265], %swap3A_268 {strides = array<i32>} : memref<1x16x1000x128xbf16, #tpu.memory_space<vmem>>, vector<1x1x1000x128xbf16>,
    %slice3A_269 = vector.extract_strided_slice %dot_general3A_259 {offsets = [0, 128], sizes = [1000, 128], strides = [1, 1]} : vector<1000x384xf32> to vector<1000x128xf32>
    %convert_element_type3A_270 = arith.truncf %slice3A_269 : vector<1000x128xf32> to vector<1000x128xbf16>
    %swap3A_271 = arith.constant 0 : index
    %swap3A_272 = arith.constant 4 : index
    %swap3A_273 = arith.constant 0 : index
    %swap3A_274 = arith.constant 0 : index
    %swap3A_275 = vector.load %arg4[%swap3A_271, %swap3A_272, %swap3A_273, %swap3A_274] : memref<1x16x1000x128xbf16, #tpu.memory_space<vmem>>, vector<1x1x1000x128xbf16>
    %swap3A_276 = vector.shape_cast %swap3A_275 : vector<1x1x1000x128xbf16> to vector<1000x128xbf16>
    %swap3A_277 = vector.shape_cast %convert_element_type3A_270 : vector<1000x128xbf16> to vector<1x1x1000x128xbf16>
    tpu.vector_store %arg4[%swap3A_271, %swap3A_272, %swap3A_273, %swap3A_274], %swap3A_277 {strides = array<i32>} : memref<1x16x1000x128xbf16, #tpu.memory_space<vmem>>, vector<1x1x1000x128xbf16>,
    %slice3A_278 = vector.extract_strided_slice %dot_general3A_259 {offsets = [0, 256], sizes = [1000, 128], strides = [1, 1]} : vector<1000x384xf32> to vector<1000x128xf32>
    %convert_element_type3A_279 = arith.truncf %slice3A_278 : vector<1000x128xf32> to vector<1000x128xbf16>
    %swap3A_280 = arith.constant 0 : index
    %swap3A_281 = arith.constant 4 : index
    %swap3A_282 = arith.constant 0 : index
    %swap3A_283 = arith.constant 0 : index
    %swap3A_284 = vector.load %arg5[%swap3A_280, %swap3A_281, %swap3A_282, %swap3A_283] : memref<1x16x1000x128xbf16, #tpu.memory_space<vmem>>, vector<1x1x1000x128xbf16>
    %swap3A_285 = vector.shape_cast %swap3A_284 : vector<1x1x1000x128xbf16> to vector<1000x128xbf16>
    %swap3A_286 = vector.shape_cast %convert_element_type3A_279 : vector<1000x128xbf16> to vector<1x1x1000x128xbf16>
    tpu.vector_store %arg5[%swap3A_280, %swap3A_281, %swap3A_282, %swap3A_283], %swap3A_286 {strides = array<i32>} : memref<1x16x1000x128xbf16, #tpu.memory_space<vmem>>, vector<1x1x1000x128xbf16>,
    %get3A_287 = arith.constant 0 : index
    %get3A_288 = arith.constant 0 : index
    %get3A_289 = arith.constant 10 : index
    %get3A_290 = vector.load %arg1[%get3A_287, %get3A_288, %get3A_289] : memref<1x1000x32xf32, #tpu.memory_space<vmem>>, vector<1x1000x1xf32>
    %get3A_291 = vector.shape_cast %get3A_290 : vector<1x1000x1xf32> to vector<1000x1xf32>
    %get3A_292 = arith.constant 0 : index
    %get3A_293 = arith.constant 0 : index
    %get3A_294 = arith.constant 11 : index
    %get3A_295 = vector.load %arg1[%get3A_292, %get3A_293, %get3A_294] : memref<1x1000x32xf32, #tpu.memory_space<vmem>>, vector<1x1000x1xf32>
    %get3A_296 = vector.shape_cast %get3A_295 : vector<1x1000x1xf32> to vector<1000x1xf32>
    %broadcast_in_dim3A_297 = vector.shape_cast %get3A_291 : vector<1000x1xf32> to vector<1000x1xf32>
    %broadcast_in_dim3A_298 = vector.broadcast %broadcast_in_dim3A_297 : vector<1000x1xf32> to vector<1000x64xf32>
    %broadcast_in_dim3A_299 = vector.shape_cast %get3A_296 : vector<1000x1xf32> to vector<1000x1xf32>
    %broadcast_in_dim3A_300 = vector.broadcast %broadcast_in_dim3A_299 : vector<1000x1xf32> to vector<1000x64xf32>
    %concatenate3A_301 = tpu.concatenate %broadcast_in_dim3A_298, %broadcast_in_dim3A_300 in 1 : vector<1000x64xf32>, vector<1000x64xf32> -> vector<1000x128xf32>
    %sub3A_302 = vector.broadcast %mul3A_5 : vector<1x128xf32> to vector<1000x128xf32>
    %sub3A_303 = arith.subf %concatenate3A_301, %sub3A_302 : vector<1000x128xf32>
    %integer_pow3A_304 = arith.mulf %sub3A_303, %sub3A_303 : vector<1000x128xf32>
    %neg3A_305 = arith.constant 0.000000e+00 : f32
    %neg3A_306 = vector.broadcast %neg3A_305 : f32 to vector<1000x128xf32>
    %neg3A_307 = arith.subf %neg3A_306, %integer_pow3A_304 : vector<1000x128xf32>
    %mul3A_308 = arith.constant 2.500000e+01 : f32
    %mul3A_309 = vector.broadcast %mul3A_308 : f32 to vector<1000x128xf32>
    %mul3A_310 = arith.mulf %neg3A_307, %mul3A_309 : vector<1000x128xf32>
    %exp3A_311 = math.exp %mul3A_310 : vector<1000x128xf32>
    %convert_element_type3A_312 = arith.truncf %exp3A_311 : vector<1000x128xf32> to vector<1000x128xbf16>
    %get3A_313 = arith.constant 0 : index
    %get3A_314 = arith.constant 0 : index
    %get3A_315 = vector.load %arg2[%get3A_313, %get3A_314] : memref<128x384xbf16, #tpu.memory_space<vmem>>, vector<128x384xbf16>
    %dot_general3A_316 = arith.constant dense<0.000000e+00> : vector<1000x384xf32>
    %dot_general3A_317 = tpu.matmul %convert_element_type3A_312, %get3A_315, %dot_general3A_316 {dimension_numbers = #tpu.dot_dimension_numbers<[1], [0], [0], [1], [0, 0, 1, 1], [], []>, transpose_lhs_hint = false} : vector<1000x128xbf16>, vector<128x384xbf16>, vector<1000x384xf32> -> vector<1000x384xf32>
    %slice3A_318 = vector.extract_strided_slice %dot_general3A_317 {offsets = [0, 0], sizes = [1000, 128], strides = [1, 1]} : vector<1000x384xf32> to vector<1000x128xf32>
    %convert_element_type3A_319 = arith.truncf %slice3A_318 : vector<1000x128xf32> to vector<1000x128xbf16>
    %swap3A_320 = arith.constant 0 : index
    %swap3A_321 = arith.constant 5 : index
    %swap3A_322 = arith.constant 0 : index
    %swap3A_323 = arith.constant 0 : index
    %swap3A_324 = vector.load %arg3[%swap3A_320, %swap3A_321, %swap3A_322, %swap3A_323] : memref<1x16x1000x128xbf16, #tpu.memory_space<vmem>>, vector<1x1x1000x128xbf16>
    %swap3A_325 = vector.shape_cast %swap3A_324 : vector<1x1x1000x128xbf16> to vector<1000x128xbf16>
    %swap3A_326 = vector.shape_cast %convert_element_type3A_319 : vector<1000x128xbf16> to vector<1x1x1000x128xbf16>
    tpu.vector_store %arg3[%swap3A_320, %swap3A_321, %swap3A_322, %swap3A_323], %swap3A_326 {strides = array<i32>} : memref<1x16x1000x128xbf16, #tpu.memory_space<vmem>>, vector<1x1x1000x128xbf16>,
    %slice3A_327 = vector.extract_strided_slice %dot_general3A_317 {offsets = [0, 128], sizes = [1000, 128], strides = [1, 1]} : vector<1000x384xf32> to vector<1000x128xf32>
    %convert_element_type3A_328 = arith.truncf %slice3A_327 : vector<1000x128xf32> to vector<1000x128xbf16>
    %swap3A_329 = arith.constant 0 : index
    %swap3A_330 = arith.constant 5 : index
    %swap3A_331 = arith.constant 0 : index
    %swap3A_332 = arith.constant 0 : index
    %swap3A_333 = vector.load %arg4[%swap3A_329, %swap3A_330, %swap3A_331, %swap3A_332] : memref<1x16x1000x128xbf16, #tpu.memory_space<vmem>>, vector<1x1x1000x128xbf16>
    %swap3A_334 = vector.shape_cast %swap3A_333 : vector<1x1x1000x128xbf16> to vector<1000x128xbf16>
    %swap3A_335 = vector.shape_cast %convert_element_type3A_328 : vector<1000x128xbf16> to vector<1x1x1000x128xbf16>
    tpu.vector_store %arg4[%swap3A_329, %swap3A_330, %swap3A_331, %swap3A_332], %swap3A_335 {strides = array<i32>} : memref<1x16x1000x128xbf16, #tpu.memory_space<vmem>>, vector<1x1x1000x128xbf16>,
    %slice3A_336 = vector.extract_strided_slice %dot_general3A_317 {offsets = [0, 256], sizes = [1000, 128], strides = [1, 1]} : vector<1000x384xf32> to vector<1000x128xf32>
    %convert_element_type3A_337 = arith.truncf %slice3A_336 : vector<1000x128xf32> to vector<1000x128xbf16>
    %swap3A_338 = arith.constant 0 : index
    %swap3A_339 = arith.constant 5 : index
    %swap3A_340 = arith.constant 0 : index
    %swap3A_341 = arith.constant 0 : index
    %swap3A_342 = vector.load %arg5[%swap3A_338, %swap3A_339, %swap3A_340, %swap3A_341] : memref<1x16x1000x128xbf16, #tpu.memory_space<vmem>>, vector<1x1x1000x128xbf16>
    %swap3A_343 = vector.shape_cast %swap3A_342 : vector<1x1x1000x128xbf16> to vector<1000x128xbf16>
    %swap3A_344 = vector.shape_cast %convert_element_type3A_337 : vector<1000x128xbf16> to vector<1x1x1000x128xbf16>
    tpu.vector_store %arg5[%swap3A_338, %swap3A_339, %swap3A_340, %swap3A_341], %swap3A_344 {strides = array<i32>} : memref<1x16x1000x128xbf16, #tpu.memory_space<vmem>>, vector<1x1x1000x128xbf16>,
    %get3A_345 = arith.constant 0 : index
    %get3A_346 = arith.constant 0 : index
    %get3A_347 = arith.constant 12 : index
    %get3A_348 = vector.load %arg1[%get3A_345, %get3A_346, %get3A_347] : memref<1x1000x32xf32, #tpu.memory_space<vmem>>, vector<1x1000x1xf32>
    %get3A_349 = vector.shape_cast %get3A_348 : vector<1x1000x1xf32> to vector<1000x1xf32>
    %get3A_350 = arith.constant 0 : index
    %get3A_351 = arith.constant 0 : index
    %get3A_352 = arith.constant 13 : index
    %get3A_353 = vector.load %arg1[%get3A_350, %get3A_351, %get3A_352] : memref<1x1000x32xf32, #tpu.memory_space<vmem>>, vector<1x1000x1xf32>
    %get3A_354 = vector.shape_cast %get3A_353 : vector<1x1000x1xf32> to vector<1000x1xf32>
    %broadcast_in_dim3A_355 = vector.shape_cast %get3A_349 : vector<1000x1xf32> to vector<1000x1xf32>
    %broadcast_in_dim3A_356 = vector.broadcast %broadcast_in_dim3A_355 : vector<1000x1xf32> to vector<1000x64xf32>
    %broadcast_in_dim3A_357 = vector.shape_cast %get3A_354 : vector<1000x1xf32> to vector<1000x1xf32>
    %broadcast_in_dim3A_358 = vector.broadcast %broadcast_in_dim3A_357 : vector<1000x1xf32> to vector<1000x64xf32>
    %concatenate3A_359 = tpu.concatenate %broadcast_in_dim3A_356, %broadcast_in_dim3A_358 in 1 : vector<1000x64xf32>, vector<1000x64xf32> -> vector<1000x128xf32>
    %sub3A_360 = vector.broadcast %mul3A_5 : vector<1x128xf32> to vector<1000x128xf32>
    %sub3A_361 = arith.subf %concatenate3A_359, %sub3A_360 : vector<1000x128xf32>
    %integer_pow3A_362 = arith.mulf %sub3A_361, %sub3A_361 : vector<1000x128xf32>
    %neg3A_363 = arith.constant 0.000000e+00 : f32
    %neg3A_364 = vector.broadcast %neg3A_363 : f32 to vector<1000x128xf32>
    %neg3A_365 = arith.subf %neg3A_364, %integer_pow3A_362 : vector<1000x128xf32>
    %mul3A_366 = arith.constant 2.500000e+01 : f32
    %mul3A_367 = vector.broadcast %mul3A_366 : f32 to vector<1000x128xf32>
    %mul3A_368 = arith.mulf %neg3A_365, %mul3A_367 : vector<1000x128xf32>
    %exp3A_369 = math.exp %mul3A_368 : vector<1000x128xf32>
    %convert_element_type3A_370 = arith.truncf %exp3A_369 : vector<1000x128xf32> to vector<1000x128xbf16>
    %get3A_371 = arith.constant 0 : index
    %get3A_372 = arith.constant 0 : index
    %get3A_373 = vector.load %arg2[%get3A_371, %get3A_372] : memref<128x384xbf16, #tpu.memory_space<vmem>>, vector<128x384xbf16>
    %dot_general3A_374 = arith.constant dense<0.000000e+00> : vector<1000x384xf32>
    %dot_general3A_375 = tpu.matmul %convert_element_type3A_370, %get3A_373, %dot_general3A_374 {dimension_numbers = #tpu.dot_dimension_numbers<[1], [0], [0], [1], [0, 0, 1, 1], [], []>, transpose_lhs_hint = false} : vector<1000x128xbf16>, vector<128x384xbf16>, vector<1000x384xf32> -> vector<1000x384xf32>
    %slice3A_376 = vector.extract_strided_slice %dot_general3A_375 {offsets = [0, 0], sizes = [1000, 128], strides = [1, 1]} : vector<1000x384xf32> to vector<1000x128xf32>
    %convert_element_type3A_377 = arith.truncf %slice3A_376 : vector<1000x128xf32> to vector<1000x128xbf16>
    %swap3A_378 = arith.constant 0 : index
    %swap3A_379 = arith.constant 6 : index
    %swap3A_380 = arith.constant 0 : index
    %swap3A_381 = arith.constant 0 : index
    %swap3A_382 = vector.load %arg3[%swap3A_378, %swap3A_379, %swap3A_380, %swap3A_381] : memref<1x16x1000x128xbf16, #tpu.memory_space<vmem>>, vector<1x1x1000x128xbf16>
    %swap3A_383 = vector.shape_cast %swap3A_382 : vector<1x1x1000x128xbf16> to vector<1000x128xbf16>
    %swap3A_384 = vector.shape_cast %convert_element_type3A_377 : vector<1000x128xbf16> to vector<1x1x1000x128xbf16>
    tpu.vector_store %arg3[%swap3A_378, %swap3A_379, %swap3A_380, %swap3A_381], %swap3A_384 {strides = array<i32>} : memref<1x16x1000x128xbf16, #tpu.memory_space<vmem>>, vector<1x1x1000x128xbf16>,
    %slice3A_385 = vector.extract_strided_slice %dot_general3A_375 {offsets = [0, 128], sizes = [1000, 128], strides = [1, 1]} : vector<1000x384xf32> to vector<1000x128xf32>
    %convert_element_type3A_386 = arith.truncf %slice3A_385 : vector<1000x128xf32> to vector<1000x128xbf16>
    %swap3A_387 = arith.constant 0 : index
    %swap3A_388 = arith.constant 6 : index
    %swap3A_389 = arith.constant 0 : index
    %swap3A_390 = arith.constant 0 : index
    %swap3A_391 = vector.load %arg4[%swap3A_387, %swap3A_388, %swap3A_389, %swap3A_390] : memref<1x16x1000x128xbf16, #tpu.memory_space<vmem>>, vector<1x1x1000x128xbf16>
    %swap3A_392 = vector.shape_cast %swap3A_391 : vector<1x1x1000x128xbf16> to vector<1000x128xbf16>
    %swap3A_393 = vector.shape_cast %convert_element_type3A_386 : vector<1000x128xbf16> to vector<1x1x1000x128xbf16>
    tpu.vector_store %arg4[%swap3A_387, %swap3A_388, %swap3A_389, %swap3A_390], %swap3A_393 {strides = array<i32>} : memref<1x16x1000x128xbf16, #tpu.memory_space<vmem>>, vector<1x1x1000x128xbf16>,
    %slice3A_394 = vector.extract_strided_slice %dot_general3A_375 {offsets = [0, 256], sizes = [1000, 128], strides = [1, 1]} : vector<1000x384xf32> to vector<1000x128xf32>
    %convert_element_type3A_395 = arith.truncf %slice3A_394 : vector<1000x128xf32> to vector<1000x128xbf16>
    %swap3A_396 = arith.constant 0 : index
    %swap3A_397 = arith.constant 6 : index
    %swap3A_398 = arith.constant 0 : index
    %swap3A_399 = arith.constant 0 : index
    %swap3A_400 = vector.load %arg5[%swap3A_396, %swap3A_397, %swap3A_398, %swap3A_399] : memref<1x16x1000x128xbf16, #tpu.memory_space<vmem>>, vector<1x1x1000x128xbf16>
    %swap3A_401 = vector.shape_cast %swap3A_400 : vector<1x1x1000x128xbf16> to vector<1000x128xbf16>
    %swap3A_402 = vector.shape_cast %convert_element_type3A_395 : vector<1000x128xbf16> to vector<1x1x1000x128xbf16>
    tpu.vector_store %arg5[%swap3A_396, %swap3A_397, %swap3A_398, %swap3A_399], %swap3A_402 {strides = array<i32>} : memref<1x16x1000x128xbf16, #tpu.memory_space<vmem>>, vector<1x1x1000x128xbf16>,
    %get3A_403 = arith.constant 0 : index
    %get3A_404 = arith.constant 0 : index
    %get3A_405 = arith.constant 14 : index
    %get3A_406 = vector.load %arg1[%get3A_403, %get3A_404, %get3A_405] : memref<1x1000x32xf32, #tpu.memory_space<vmem>>, vector<1x1000x1xf32>
    %get3A_407 = vector.shape_cast %get3A_406 : vector<1x1000x1xf32> to vector<1000x1xf32>
    %get3A_408 = arith.constant 0 : index
    %get3A_409 = arith.constant 0 : index
    %get3A_410 = arith.constant 15 : index
    %get3A_411 = vector.load %arg1[%get3A_408, %get3A_409, %get3A_410] : memref<1x1000x32xf32, #tpu.memory_space<vmem>>, vector<1x1000x1xf32>
    %get3A_412 = vector.shape_cast %get3A_411 : vector<1x1000x1xf32> to vector<1000x1xf32>
    %broadcast_in_dim3A_413 = vector.shape_cast %get3A_407 : vector<1000x1xf32> to vector<1000x1xf32>
    %broadcast_in_dim3A_414 = vector.broadcast %broadcast_in_dim3A_413 : vector<1000x1xf32> to vector<1000x64xf32>
    %broadcast_in_dim3A_415 = vector.shape_cast %get3A_412 : vector<1000x1xf32> to vector<1000x1xf32>
    %broadcast_in_dim3A_416 = vector.broadcast %broadcast_in_dim3A_415 : vector<1000x1xf32> to vector<1000x64xf32>
    %concatenate3A_417 = tpu.concatenate %broadcast_in_dim3A_414, %broadcast_in_dim3A_416 in 1 : vector<1000x64xf32>, vector<1000x64xf32> -> vector<1000x128xf32>
    %sub3A_418 = vector.broadcast %mul3A_5 : vector<1x128xf32> to vector<1000x128xf32>
    %sub3A_419 = arith.subf %concatenate3A_417, %sub3A_418 : vector<1000x128xf32>
    %integer_pow3A_420 = arith.mulf %sub3A_419, %sub3A_419 : vector<1000x128xf32>
    %neg3A_421 = arith.constant 0.000000e+00 : f32
    %neg3A_422 = vector.broadcast %neg3A_421 : f32 to vector<1000x128xf32>
    %neg3A_423 = arith.subf %neg3A_422, %integer_pow3A_420 : vector<1000x128xf32>
    %mul3A_424 = arith.constant 2.500000e+01 : f32
    %mul3A_425 = vector.broadcast %mul3A_424 : f32 to vector<1000x128xf32>
    %mul3A_426 = arith.mulf %neg3A_423, %mul3A_425 : vector<1000x128xf32>
    %exp3A_427 = math.exp %mul3A_426 : vector<1000x128xf32>
    %convert_element_type3A_428 = arith.truncf %exp3A_427 : vector<1000x128xf32> to vector<1000x128xbf16>
    %get3A_429 = arith.constant 0 : index
    %get3A_430 = arith.constant 0 : index
    %get3A_431 = vector.load %arg2[%get3A_429, %get3A_430] : memref<128x384xbf16, #tpu.memory_space<vmem>>, vector<128x384xbf16>
    %dot_general3A_432 = arith.constant dense<0.000000e+00> : vector<1000x384xf32>
    %dot_general3A_433 = tpu.matmul %convert_element_type3A_428, %get3A_431, %dot_general3A_432 {dimension_numbers = #tpu.dot_dimension_numbers<[1], [0], [0], [1], [0, 0, 1, 1], [], []>, transpose_lhs_hint = false} : vector<1000x128xbf16>, vector<128x384xbf16>, vector<1000x384xf32> -> vector<1000x384xf32>
    %slice3A_434 = vector.extract_strided_slice %dot_general3A_433 {offsets = [0, 0], sizes = [1000, 128], strides = [1, 1]} : vector<1000x384xf32> to vector<1000x128xf32>
    %convert_element_type3A_435 = arith.truncf %slice3A_434 : vector<1000x128xf32> to vector<1000x128xbf16>
    %swap3A_436 = arith.constant 0 : index
    %swap3A_437 = arith.constant 7 : index
    %swap3A_438 = arith.constant 0 : index
    %swap3A_439 = arith.constant 0 : index
    %swap3A_440 = vector.load %arg3[%swap3A_436, %swap3A_437, %swap3A_438, %swap3A_439] : memref<1x16x1000x128xbf16, #tpu.memory_space<vmem>>, vector<1x1x1000x128xbf16>
    %swap3A_441 = vector.shape_cast %swap3A_440 : vector<1x1x1000x128xbf16> to vector<1000x128xbf16>
    %swap3A_442 = vector.shape_cast %convert_element_type3A_435 : vector<1000x128xbf16> to vector<1x1x1000x128xbf16>
    tpu.vector_store %arg3[%swap3A_436, %swap3A_437, %swap3A_438, %swap3A_439], %swap3A_442 {strides = array<i32>} : memref<1x16x1000x128xbf16, #tpu.memory_space<vmem>>, vector<1x1x1000x128xbf16>,
    %slice3A_443 = vector.extract_strided_slice %dot_general3A_433 {offsets = [0, 128], sizes = [1000, 128], strides = [1, 1]} : vector<1000x384xf32> to vector<1000x128xf32>
    %convert_element_type3A_444 = arith.truncf %slice3A_443 : vector<1000x128xf32> to vector<1000x128xbf16>
    %swap3A_445 = arith.constant 0 : index
    %swap3A_446 = arith.constant 7 : index
    %swap3A_447 = arith.constant 0 : index
    %swap3A_448 = arith.constant 0 : index
    %swap3A_449 = vector.load %arg4[%swap3A_445, %swap3A_446, %swap3A_447, %swap3A_448] : memref<1x16x1000x128xbf16, #tpu.memory_space<vmem>>, vector<1x1x1000x128xbf16>
    %swap3A_450 = vector.shape_cast %swap3A_449 : vector<1x1x1000x128xbf16> to vector<1000x128xbf16>
    %swap3A_451 = vector.shape_cast %convert_element_type3A_444 : vector<1000x128xbf16> to vector<1x1x1000x128xbf16>
    tpu.vector_store %arg4[%swap3A_445, %swap3A_446, %swap3A_447, %swap3A_448], %swap3A_451 {strides = array<i32>} : memref<1x16x1000x128xbf16, #tpu.memory_space<vmem>>, vector<1x1x1000x128xbf16>,
    %slice3A_452 = vector.extract_strided_slice %dot_general3A_433 {offsets = [0, 256], sizes = [1000, 128], strides = [1, 1]} : vector<1000x384xf32> to vector<1000x128xf32>
    %convert_element_type3A_453 = arith.truncf %slice3A_452 : vector<1000x128xf32> to vector<1000x128xbf16>
    %swap3A_454 = arith.constant 0 : index
    %swap3A_455 = arith.constant 7 : index
    %swap3A_456 = arith.constant 0 : index
    %swap3A_457 = arith.constant 0 : index
    %swap3A_458 = vector.load %arg5[%swap3A_454, %swap3A_455, %swap3A_456, %swap3A_457] : memref<1x16x1000x128xbf16, #tpu.memory_space<vmem>>, vector<1x1x1000x128xbf16>
    %swap3A_459 = vector.shape_cast %swap3A_458 : vector<1x1x1000x128xbf16> to vector<1000x128xbf16>
    %swap3A_460 = vector.shape_cast %convert_element_type3A_453 : vector<1000x128xbf16> to vector<1x1x1000x128xbf16>
    tpu.vector_store %arg5[%swap3A_454, %swap3A_455, %swap3A_456, %swap3A_457], %swap3A_460 {strides = array<i32>} : memref<1x16x1000x128xbf16, #tpu.memory_space<vmem>>, vector<1x1x1000x128xbf16>,
    %get3A_461 = arith.constant 0 : index
    %get3A_462 = arith.constant 0 : index
    %get3A_463 = arith.constant 16 : index
    %get3A_464 = vector.load %arg1[%get3A_461, %get3A_462, %get3A_463] : memref<1x1000x32xf32, #tpu.memory_space<vmem>>, vector<1x1000x1xf32>
    %get3A_465 = vector.shape_cast %get3A_464 : vector<1x1000x1xf32> to vector<1000x1xf32>
    %get3A_466 = arith.constant 0 : index
    %get3A_467 = arith.constant 0 : index
    %get3A_468 = arith.constant 17 : index
    %get3A_469 = vector.load %arg1[%get3A_466, %get3A_467, %get3A_468] : memref<1x1000x32xf32, #tpu.memory_space<vmem>>, vector<1x1000x1xf32>
    %get3A_470 = vector.shape_cast %get3A_469 : vector<1x1000x1xf32> to vector<1000x1xf32>
    %broadcast_in_dim3A_471 = vector.shape_cast %get3A_465 : vector<1000x1xf32> to vector<1000x1xf32>
    %broadcast_in_dim3A_472 = vector.broadcast %broadcast_in_dim3A_471 : vector<1000x1xf32> to vector<1000x64xf32>
    %broadcast_in_dim3A_473 = vector.shape_cast %get3A_470 : vector<1000x1xf32> to vector<1000x1xf32>
    %broadcast_in_dim3A_474 = vector.broadcast %broadcast_in_dim3A_473 : vector<1000x1xf32> to vector<1000x64xf32>
    %concatenate3A_475 = tpu.concatenate %broadcast_in_dim3A_472, %broadcast_in_dim3A_474 in 1 : vector<1000x64xf32>, vector<1000x64xf32> -> vector<1000x128xf32>
    %sub3A_476 = vector.broadcast %mul3A_5 : vector<1x128xf32> to vector<1000x128xf32>
    %sub3A_477 = arith.subf %concatenate3A_475, %sub3A_476 : vector<1000x128xf32>
    %integer_pow3A_478 = arith.mulf %sub3A_477, %sub3A_477 : vector<1000x128xf32>
    %neg3A_479 = arith.constant 0.000000e+00 : f32
    %neg3A_480 = vector.broadcast %neg3A_479 : f32 to vector<1000x128xf32>
    %neg3A_481 = arith.subf %neg3A_480, %integer_pow3A_478 : vector<1000x128xf32>
    %mul3A_482 = arith.constant 2.500000e+01 : f32
    %mul3A_483 = vector.broadcast %mul3A_482 : f32 to vector<1000x128xf32>
    %mul3A_484 = arith.mulf %neg3A_481, %mul3A_483 : vector<1000x128xf32>
    %exp3A_485 = math.exp %mul3A_484 : vector<1000x128xf32>
    %convert_element_type3A_486 = arith.truncf %exp3A_485 : vector<1000x128xf32> to vector<1000x128xbf16>
    %get3A_487 = arith.constant 0 : index
    %get3A_488 = arith.constant 0 : index
    %get3A_489 = vector.load %arg2[%get3A_487, %get3A_488] : memref<128x384xbf16, #tpu.memory_space<vmem>>, vector<128x384xbf16>
    %dot_general3A_490 = arith.constant dense<0.000000e+00> : vector<1000x384xf32>
    %dot_general3A_491 = tpu.matmul %convert_element_type3A_486, %get3A_489, %dot_general3A_490 {dimension_numbers = #tpu.dot_dimension_numbers<[1], [0], [0], [1], [0, 0, 1, 1], [], []>, transpose_lhs_hint = false} : vector<1000x128xbf16>, vector<128x384xbf16>, vector<1000x384xf32> -> vector<1000x384xf32>
    %slice3A_492 = vector.extract_strided_slice %dot_general3A_491 {offsets = [0, 0], sizes = [1000, 128], strides = [1, 1]} : vector<1000x384xf32> to vector<1000x128xf32>
    %convert_element_type3A_493 = arith.truncf %slice3A_492 : vector<1000x128xf32> to vector<1000x128xbf16>
    %swap3A_494 = arith.constant 0 : index
    %swap3A_495 = arith.constant 8 : index
    %swap3A_496 = arith.constant 0 : index
    %swap3A_497 = arith.constant 0 : index
    %swap3A_498 = vector.load %arg3[%swap3A_494, %swap3A_495, %swap3A_496, %swap3A_497] : memref<1x16x1000x128xbf16, #tpu.memory_space<vmem>>, vector<1x1x1000x128xbf16>
    %swap3A_499 = vector.shape_cast %swap3A_498 : vector<1x1x1000x128xbf16> to vector<1000x128xbf16>
    %swap3A_500 = vector.shape_cast %convert_element_type3A_493 : vector<1000x128xbf16> to vector<1x1x1000x128xbf16>
    tpu.vector_store %arg3[%swap3A_494, %swap3A_495, %swap3A_496, %swap3A_497], %swap3A_500 {strides = array<i32>} : memref<1x16x1000x128xbf16, #tpu.memory_space<vmem>>, vector<1x1x1000x128xbf16>,
    %slice3A_501 = vector.extract_strided_slice %dot_general3A_491 {offsets = [0, 128], sizes = [1000, 128], strides = [1, 1]} : vector<1000x384xf32> to vector<1000x128xf32>
    %convert_element_type3A_502 = arith.truncf %slice3A_501 : vector<1000x128xf32> to vector<1000x128xbf16>
    %swap3A_503 = arith.constant 0 : index
    %swap3A_504 = arith.constant 8 : index
    %swap3A_505 = arith.constant 0 : index
    %swap3A_506 = arith.constant 0 : index
    %swap3A_507 = vector.load %arg4[%swap3A_503, %swap3A_504, %swap3A_505, %swap3A_506] : memref<1x16x1000x128xbf16, #tpu.memory_space<vmem>>, vector<1x1x1000x128xbf16>
    %swap3A_508 = vector.shape_cast %swap3A_507 : vector<1x1x1000x128xbf16> to vector<1000x128xbf16>
    %swap3A_509 = vector.shape_cast %convert_element_type3A_502 : vector<1000x128xbf16> to vector<1x1x1000x128xbf16>
    tpu.vector_store %arg4[%swap3A_503, %swap3A_504, %swap3A_505, %swap3A_506], %swap3A_509 {strides = array<i32>} : memref<1x16x1000x128xbf16, #tpu.memory_space<vmem>>, vector<1x1x1000x128xbf16>,
    %slice3A_510 = vector.extract_strided_slice %dot_general3A_491 {offsets = [0, 256], sizes = [1000, 128], strides = [1, 1]} : vector<1000x384xf32> to vector<1000x128xf32>
    %convert_element_type3A_511 = arith.truncf %slice3A_510 : vector<1000x128xf32> to vector<1000x128xbf16>
    %swap3A_512 = arith.constant 0 : index
    %swap3A_513 = arith.constant 8 : index
    %swap3A_514 = arith.constant 0 : index
    %swap3A_515 = arith.constant 0 : index
    %swap3A_516 = vector.load %arg5[%swap3A_512, %swap3A_513, %swap3A_514, %swap3A_515] : memref<1x16x1000x128xbf16, #tpu.memory_space<vmem>>, vector<1x1x1000x128xbf16>
    %swap3A_517 = vector.shape_cast %swap3A_516 : vector<1x1x1000x128xbf16> to vector<1000x128xbf16>
    %swap3A_518 = vector.shape_cast %convert_element_type3A_511 : vector<1000x128xbf16> to vector<1x1x1000x128xbf16>
    tpu.vector_store %arg5[%swap3A_512, %swap3A_513, %swap3A_514, %swap3A_515], %swap3A_518 {strides = array<i32>} : memref<1x16x1000x128xbf16, #tpu.memory_space<vmem>>, vector<1x1x1000x128xbf16>,
    %get3A_519 = arith.constant 0 : index
    %get3A_520 = arith.constant 0 : index
    %get3A_521 = arith.constant 18 : index
    %get3A_522 = vector.load %arg1[%get3A_519, %get3A_520, %get3A_521] : memref<1x1000x32xf32, #tpu.memory_space<vmem>>, vector<1x1000x1xf32>
    %get3A_523 = vector.shape_cast %get3A_522 : vector<1x1000x1xf32> to vector<1000x1xf32>
    %get3A_524 = arith.constant 0 : index
    %get3A_525 = arith.constant 0 : index
    %get3A_526 = arith.constant 19 : index
    %get3A_527 = vector.load %arg1[%get3A_524, %get3A_525, %get3A_526] : memref<1x1000x32xf32, #tpu.memory_space<vmem>>, vector<1x1000x1xf32>
    %get3A_528 = vector.shape_cast %get3A_527 : vector<1x1000x1xf32> to vector<1000x1xf32>
    %broadcast_in_dim3A_529 = vector.shape_cast %get3A_523 : vector<1000x1xf32> to vector<1000x1xf32>
    %broadcast_in_dim3A_530 = vector.broadcast %broadcast_in_dim3A_529 : vector<1000x1xf32> to vector<1000x64xf32>
    %broadcast_in_dim3A_531 = vector.shape_cast %get3A_528 : vector<1000x1xf32> to vector<1000x1xf32>
    %broadcast_in_dim3A_532 = vector.broadcast %broadcast_in_dim3A_531 : vector<1000x1xf32> to vector<1000x64xf32>
    %concatenate3A_533 = tpu.concatenate %broadcast_in_dim3A_530, %broadcast_in_dim3A_532 in 1 : vector<1000x64xf32>, vector<1000x64xf32> -> vector<1000x128xf32>
    %sub3A_534 = vector.broadcast %mul3A_5 : vector<1x128xf32> to vector<1000x128xf32>
    %sub3A_535 = arith.subf %concatenate3A_533, %sub3A_534 : vector<1000x128xf32>
    %integer_pow3A_536 = arith.mulf %sub3A_535, %sub3A_535 : vector<1000x128xf32>
    %neg3A_537 = arith.constant 0.000000e+00 : f32
    %neg3A_538 = vector.broadcast %neg3A_537 : f32 to vector<1000x128xf32>
    %neg3A_539 = arith.subf %neg3A_538, %integer_pow3A_536 : vector<1000x128xf32>
    %mul3A_540 = arith.constant 2.500000e+01 : f32
    %mul3A_541 = vector.broadcast %mul3A_540 : f32 to vector<1000x128xf32>
    %mul3A_542 = arith.mulf %neg3A_539, %mul3A_541 : vector<1000x128xf32>
    %exp3A_543 = math.exp %mul3A_542 : vector<1000x128xf32>
    %convert_element_type3A_544 = arith.truncf %exp3A_543 : vector<1000x128xf32> to vector<1000x128xbf16>
    %get3A_545 = arith.constant 0 : index
    %get3A_546 = arith.constant 0 : index
    %get3A_547 = vector.load %arg2[%get3A_545, %get3A_546] : memref<128x384xbf16, #tpu.memory_space<vmem>>, vector<128x384xbf16>
    %dot_general3A_548 = arith.constant dense<0.000000e+00> : vector<1000x384xf32>
    %dot_general3A_549 = tpu.matmul %convert_element_type3A_544, %get3A_547, %dot_general3A_548 {dimension_numbers = #tpu.dot_dimension_numbers<[1], [0], [0], [1], [0, 0, 1, 1], [], []>, transpose_lhs_hint = false} : vector<1000x128xbf16>, vector<128x384xbf16>, vector<1000x384xf32> -> vector<1000x384xf32>
    %slice3A_550 = vector.extract_strided_slice %dot_general3A_549 {offsets = [0, 0], sizes = [1000, 128], strides = [1, 1]} : vector<1000x384xf32> to vector<1000x128xf32>
    %convert_element_type3A_551 = arith.truncf %slice3A_550 : vector<1000x128xf32> to vector<1000x128xbf16>
    %swap3A_552 = arith.constant 0 : index
    %swap3A_553 = arith.constant 9 : index
    %swap3A_554 = arith.constant 0 : index
    %swap3A_555 = arith.constant 0 : index
    %swap3A_556 = vector.load %arg3[%swap3A_552, %swap3A_553, %swap3A_554, %swap3A_555] : memref<1x16x1000x128xbf16, #tpu.memory_space<vmem>>, vector<1x1x1000x128xbf16>
    %swap3A_557 = vector.shape_cast %swap3A_556 : vector<1x1x1000x128xbf16> to vector<1000x128xbf16>
    %swap3A_558 = vector.shape_cast %convert_element_type3A_551 : vector<1000x128xbf16> to vector<1x1x1000x128xbf16>
    tpu.vector_store %arg3[%swap3A_552, %swap3A_553, %swap3A_554, %swap3A_555], %swap3A_558 {strides = array<i32>} : memref<1x16x1000x128xbf16, #tpu.memory_space<vmem>>, vector<1x1x1000x128xbf16>,
    %slice3A_559 = vector.extract_strided_slice %dot_general3A_549 {offsets = [0, 128], sizes = [1000, 128], strides = [1, 1]} : vector<1000x384xf32> to vector<1000x128xf32>
    %convert_element_type3A_560 = arith.truncf %slice3A_559 : vector<1000x128xf32> to vector<1000x128xbf16>
    %swap3A_561 = arith.constant 0 : index
    %swap3A_562 = arith.constant 9 : index
    %swap3A_563 = arith.constant 0 : index
    %swap3A_564 = arith.constant 0 : index
    %swap3A_565 = vector.load %arg4[%swap3A_561, %swap3A_562, %swap3A_563, %swap3A_564] : memref<1x16x1000x128xbf16, #tpu.memory_space<vmem>>, vector<1x1x1000x128xbf16>
    %swap3A_566 = vector.shape_cast %swap3A_565 : vector<1x1x1000x128xbf16> to vector<1000x128xbf16>
    %swap3A_567 = vector.shape_cast %convert_element_type3A_560 : vector<1000x128xbf16> to vector<1x1x1000x128xbf16>
    tpu.vector_store %arg4[%swap3A_561, %swap3A_562, %swap3A_563, %swap3A_564], %swap3A_567 {strides = array<i32>} : memref<1x16x1000x128xbf16, #tpu.memory_space<vmem>>, vector<1x1x1000x128xbf16>,
    %slice3A_568 = vector.extract_strided_slice %dot_general3A_549 {offsets = [0, 256], sizes = [1000, 128], strides = [1, 1]} : vector<1000x384xf32> to vector<1000x128xf32>
    %convert_element_type3A_569 = arith.truncf %slice3A_568 : vector<1000x128xf32> to vector<1000x128xbf16>
    %swap3A_570 = arith.constant 0 : index
    %swap3A_571 = arith.constant 9 : index
    %swap3A_572 = arith.constant 0 : index
    %swap3A_573 = arith.constant 0 : index
    %swap3A_574 = vector.load %arg5[%swap3A_570, %swap3A_571, %swap3A_572, %swap3A_573] : memref<1x16x1000x128xbf16, #tpu.memory_space<vmem>>, vector<1x1x1000x128xbf16>
    %swap3A_575 = vector.shape_cast %swap3A_574 : vector<1x1x1000x128xbf16> to vector<1000x128xbf16>
    %swap3A_576 = vector.shape_cast %convert_element_type3A_569 : vector<1000x128xbf16> to vector<1x1x1000x128xbf16>
    tpu.vector_store %arg5[%swap3A_570, %swap3A_571, %swap3A_572, %swap3A_573], %swap3A_576 {strides = array<i32>} : memref<1x16x1000x128xbf16, #tpu.memory_space<vmem>>, vector<1x1x1000x128xbf16>,
    %get3A_577 = arith.constant 0 : index
    %get3A_578 = arith.constant 0 : index
    %get3A_579 = arith.constant 20 : index
    %get3A_580 = vector.load %arg1[%get3A_577, %get3A_578, %get3A_579] : memref<1x1000x32xf32, #tpu.memory_space<vmem>>, vector<1x1000x1xf32>
    %get3A_581 = vector.shape_cast %get3A_580 : vector<1x1000x1xf32> to vector<1000x1xf32>
    %get3A_582 = arith.constant 0 : index
    %get3A_583 = arith.constant 0 : index
    %get3A_584 = arith.constant 21 : index
    %get3A_585 = vector.load %arg1[%get3A_582, %get3A_583, %get3A_584] : memref<1x1000x32xf32, #tpu.memory_space<vmem>>, vector<1x1000x1xf32>
    %get3A_586 = vector.shape_cast %get3A_585 : vector<1x1000x1xf32> to vector<1000x1xf32>
    %broadcast_in_dim3A_587 = vector.shape_cast %get3A_581 : vector<1000x1xf32> to vector<1000x1xf32>
    %broadcast_in_dim3A_588 = vector.broadcast %broadcast_in_dim3A_587 : vector<1000x1xf32> to vector<1000x64xf32>
    %broadcast_in_dim3A_589 = vector.shape_cast %get3A_586 : vector<1000x1xf32> to vector<1000x1xf32>
    %broadcast_in_dim3A_590 = vector.broadcast %broadcast_in_dim3A_589 : vector<1000x1xf32> to vector<1000x64xf32>
    %concatenate3A_591 = tpu.concatenate %broadcast_in_dim3A_588, %broadcast_in_dim3A_590 in 1 : vector<1000x64xf32>, vector<1000x64xf32> -> vector<1000x128xf32>
    %sub3A_592 = vector.broadcast %mul3A_5 : vector<1x128xf32> to vector<1000x128xf32>
    %sub3A_593 = arith.subf %concatenate3A_591, %sub3A_592 : vector<1000x128xf32>
    %integer_pow3A_594 = arith.mulf %sub3A_593, %sub3A_593 : vector<1000x128xf32>
    %neg3A_595 = arith.constant 0.000000e+00 : f32
    %neg3A_596 = vector.broadcast %neg3A_595 : f32 to vector<1000x128xf32>
    %neg3A_597 = arith.subf %neg3A_596, %integer_pow3A_594 : vector<1000x128xf32>
    %mul3A_598 = arith.constant 2.500000e+01 : f32
    %mul3A_599 = vector.broadcast %mul3A_598 : f32 to vector<1000x128xf32>
    %mul3A_600 = arith.mulf %neg3A_597, %mul3A_599 : vector<1000x128xf32>
    %exp3A_601 = math.exp %mul3A_600 : vector<1000x128xf32>
    %convert_element_type3A_602 = arith.truncf %exp3A_601 : vector<1000x128xf32> to vector<1000x128xbf16>
    %get3A_603 = arith.constant 0 : index
    %get3A_604 = arith.constant 0 : index
    %get3A_605 = vector.load %arg2[%get3A_603, %get3A_604] : memref<128x384xbf16, #tpu.memory_space<vmem>>, vector<128x384xbf16>
    %dot_general3A_606 = arith.constant dense<0.000000e+00> : vector<1000x384xf32>
    %dot_general3A_607 = tpu.matmul %convert_element_type3A_602, %get3A_605, %dot_general3A_606 {dimension_numbers = #tpu.dot_dimension_numbers<[1], [0], [0], [1], [0, 0, 1, 1], [], []>, transpose_lhs_hint = false} : vector<1000x128xbf16>, vector<128x384xbf16>, vector<1000x384xf32> -> vector<1000x384xf32>
    %slice3A_608 = vector.extract_strided_slice %dot_general3A_607 {offsets = [0, 0], sizes = [1000, 128], strides = [1, 1]} : vector<1000x384xf32> to vector<1000x128xf32>
    %convert_element_type3A_609 = arith.truncf %slice3A_608 : vector<1000x128xf32> to vector<1000x128xbf16>
    %swap3A_610 = arith.constant 0 : index
    %swap3A_611 = arith.constant 10 : index
    %swap3A_612 = arith.constant 0 : index
    %swap3A_613 = arith.constant 0 : index
    %swap3A_614 = vector.load %arg3[%swap3A_610, %swap3A_611, %swap3A_612, %swap3A_613] : memref<1x16x1000x128xbf16, #tpu.memory_space<vmem>>, vector<1x1x1000x128xbf16>
    %swap3A_615 = vector.shape_cast %swap3A_614 : vector<1x1x1000x128xbf16> to vector<1000x128xbf16>
    %swap3A_616 = vector.shape_cast %convert_element_type3A_609 : vector<1000x128xbf16> to vector<1x1x1000x128xbf16>
    tpu.vector_store %arg3[%swap3A_610, %swap3A_611, %swap3A_612, %swap3A_613], %swap3A_616 {strides = array<i32>} : memref<1x16x1000x128xbf16, #tpu.memory_space<vmem>>, vector<1x1x1000x128xbf16>,
    %slice3A_617 = vector.extract_strided_slice %dot_general3A_607 {offsets = [0, 128], sizes = [1000, 128], strides = [1, 1]} : vector<1000x384xf32> to vector<1000x128xf32>
    %convert_element_type3A_618 = arith.truncf %slice3A_617 : vector<1000x128xf32> to vector<1000x128xbf16>
    %swap3A_619 = arith.constant 0 : index
    %swap3A_620 = arith.constant 10 : index
    %swap3A_621 = arith.constant 0 : index
    %swap3A_622 = arith.constant 0 : index
    %swap3A_623 = vector.load %arg4[%swap3A_619, %swap3A_620, %swap3A_621, %swap3A_622] : memref<1x16x1000x128xbf16, #tpu.memory_space<vmem>>, vector<1x1x1000x128xbf16>
    %swap3A_624 = vector.shape_cast %swap3A_623 : vector<1x1x1000x128xbf16> to vector<1000x128xbf16>
    %swap3A_625 = vector.shape_cast %convert_element_type3A_618 : vector<1000x128xbf16> to vector<1x1x1000x128xbf16>
    tpu.vector_store %arg4[%swap3A_619, %swap3A_620, %swap3A_621, %swap3A_622], %swap3A_625 {strides = array<i32>} : memref<1x16x1000x128xbf16, #tpu.memory_space<vmem>>, vector<1x1x1000x128xbf16>,
    %slice3A_626 = vector.extract_strided_slice %dot_general3A_607 {offsets = [0, 256], sizes = [1000, 128], strides = [1, 1]} : vector<1000x384xf32> to vector<1000x128xf32>
    %convert_element_type3A_627 = arith.truncf %slice3A_626 : vector<1000x128xf32> to vector<1000x128xbf16>
    %swap3A_628 = arith.constant 0 : index
    %swap3A_629 = arith.constant 10 : index
    %swap3A_630 = arith.constant 0 : index
    %swap3A_631 = arith.constant 0 : index
    %swap3A_632 = vector.load %arg5[%swap3A_628, %swap3A_629, %swap3A_630, %swap3A_631] : memref<1x16x1000x128xbf16, #tpu.memory_space<vmem>>, vector<1x1x1000x128xbf16>
    %swap3A_633 = vector.shape_cast %swap3A_632 : vector<1x1x1000x128xbf16> to vector<1000x128xbf16>
    %swap3A_634 = vector.shape_cast %convert_element_type3A_627 : vector<1000x128xbf16> to vector<1x1x1000x128xbf16>
    tpu.vector_store %arg5[%swap3A_628, %swap3A_629, %swap3A_630, %swap3A_631], %swap3A_634 {strides = array<i32>} : memref<1x16x1000x128xbf16, #tpu.memory_space<vmem>>, vector<1x1x1000x128xbf16>,
    %get3A_635 = arith.constant 0 : index
    %get3A_636 = arith.constant 0 : index
    %get3A_637 = arith.constant 22 : index
    %get3A_638 = vector.load %arg1[%get3A_635, %get3A_636, %get3A_637] : memref<1x1000x32xf32, #tpu.memory_space<vmem>>, vector<1x1000x1xf32>
    %get3A_639 = vector.shape_cast %get3A_638 : vector<1x1000x1xf32> to vector<1000x1xf32>
    %get3A_640 = arith.constant 0 : index
    %get3A_641 = arith.constant 0 : index
    %get3A_642 = arith.constant 23 : index
    %get3A_643 = vector.load %arg1[%get3A_640, %get3A_641, %get3A_642] : memref<1x1000x32xf32, #tpu.memory_space<vmem>>, vector<1x1000x1xf32>
    %get3A_644 = vector.shape_cast %get3A_643 : vector<1x1000x1xf32> to vector<1000x1xf32>
    %broadcast_in_dim3A_645 = vector.shape_cast %get3A_639 : vector<1000x1xf32> to vector<1000x1xf32>
    %broadcast_in_dim3A_646 = vector.broadcast %broadcast_in_dim3A_645 : vector<1000x1xf32> to vector<1000x64xf32>
    %broadcast_in_dim3A_647 = vector.shape_cast %get3A_644 : vector<1000x1xf32> to vector<1000x1xf32>
    %broadcast_in_dim3A_648 = vector.broadcast %broadcast_in_dim3A_647 : vector<1000x1xf32> to vector<1000x64xf32>
    %concatenate3A_649 = tpu.concatenate %broadcast_in_dim3A_646, %broadcast_in_dim3A_648 in 1 : vector<1000x64xf32>, vector<1000x64xf32> -> vector<1000x128xf32>
    %sub3A_650 = vector.broadcast %mul3A_5 : vector<1x128xf32> to vector<1000x128xf32>
    %sub3A_651 = arith.subf %concatenate3A_649, %sub3A_650 : vector<1000x128xf32>
    %integer_pow3A_652 = arith.mulf %sub3A_651, %sub3A_651 : vector<1000x128xf32>
    %neg3A_653 = arith.constant 0.000000e+00 : f32
    %neg3A_654 = vector.broadcast %neg3A_653 : f32 to vector<1000x128xf32>
    %neg3A_655 = arith.subf %neg3A_654, %integer_pow3A_652 : vector<1000x128xf32>
    %mul3A_656 = arith.constant 2.500000e+01 : f32
    %mul3A_657 = vector.broadcast %mul3A_656 : f32 to vector<1000x128xf32>
    %mul3A_658 = arith.mulf %neg3A_655, %mul3A_657 : vector<1000x128xf32>
    %exp3A_659 = math.exp %mul3A_658 : vector<1000x128xf32>
    %convert_element_type3A_660 = arith.truncf %exp3A_659 : vector<1000x128xf32> to vector<1000x128xbf16>
    %get3A_661 = arith.constant 0 : index
    %get3A_662 = arith.constant 0 : index
    %get3A_663 = vector.load %arg2[%get3A_661, %get3A_662] : memref<128x384xbf16, #tpu.memory_space<vmem>>, vector<128x384xbf16>
    %dot_general3A_664 = arith.constant dense<0.000000e+00> : vector<1000x384xf32>
    %dot_general3A_665 = tpu.matmul %convert_element_type3A_660, %get3A_663, %dot_general3A_664 {dimension_numbers = #tpu.dot_dimension_numbers<[1], [0], [0], [1], [0, 0, 1, 1], [], []>, transpose_lhs_hint = false} : vector<1000x128xbf16>, vector<128x384xbf16>, vector<1000x384xf32> -> vector<1000x384xf32>
    %slice3A_666 = vector.extract_strided_slice %dot_general3A_665 {offsets = [0, 0], sizes = [1000, 128], strides = [1, 1]} : vector<1000x384xf32> to vector<1000x128xf32>
    %convert_element_type3A_667 = arith.truncf %slice3A_666 : vector<1000x128xf32> to vector<1000x128xbf16>
    %swap3A_668 = arith.constant 0 : index
    %swap3A_669 = arith.constant 11 : index
    %swap3A_670 = arith.constant 0 : index
    %swap3A_671 = arith.constant 0 : index
    %swap3A_672 = vector.load %arg3[%swap3A_668, %swap3A_669, %swap3A_670, %swap3A_671] : memref<1x16x1000x128xbf16, #tpu.memory_space<vmem>>, vector<1x1x1000x128xbf16>
    %swap3A_673 = vector.shape_cast %swap3A_672 : vector<1x1x1000x128xbf16> to vector<1000x128xbf16>
    %swap3A_674 = vector.shape_cast %convert_element_type3A_667 : vector<1000x128xbf16> to vector<1x1x1000x128xbf16>
    tpu.vector_store %arg3[%swap3A_668, %swap3A_669, %swap3A_670, %swap3A_671], %swap3A_674 {strides = array<i32>} : memref<1x16x1000x128xbf16, #tpu.memory_space<vmem>>, vector<1x1x1000x128xbf16>,
    %slice3A_675 = vector.extract_strided_slice %dot_general3A_665 {offsets = [0, 128], sizes = [1000, 128], strides = [1, 1]} : vector<1000x384xf32> to vector<1000x128xf32>
    %convert_element_type3A_676 = arith.truncf %slice3A_675 : vector<1000x128xf32> to vector<1000x128xbf16>
    %swap3A_677 = arith.constant 0 : index
    %swap3A_678 = arith.constant 11 : index
    %swap3A_679 = arith.constant 0 : index
    %swap3A_680 = arith.constant 0 : index
    %swap3A_681 = vector.load %arg4[%swap3A_677, %swap3A_678, %swap3A_679, %swap3A_680] : memref<1x16x1000x128xbf16, #tpu.memory_space<vmem>>, vector<1x1x1000x128xbf16>
    %swap3A_682 = vector.shape_cast %swap3A_681 : vector<1x1x1000x128xbf16> to vector<1000x128xbf16>
    %swap3A_683 = vector.shape_cast %convert_element_type3A_676 : vector<1000x128xbf16> to vector<1x1x1000x128xbf16>
    tpu.vector_store %arg4[%swap3A_677, %swap3A_678, %swap3A_679, %swap3A_680], %swap3A_683 {strides = array<i32>} : memref<1x16x1000x128xbf16, #tpu.memory_space<vmem>>, vector<1x1x1000x128xbf16>,
    %slice3A_684 = vector.extract_strided_slice %dot_general3A_665 {offsets = [0, 256], sizes = [1000, 128], strides = [1, 1]} : vector<1000x384xf32> to vector<1000x128xf32>
    %convert_element_type3A_685 = arith.truncf %slice3A_684 : vector<1000x128xf32> to vector<1000x128xbf16>
    %swap3A_686 = arith.constant 0 : index
    %swap3A_687 = arith.constant 11 : index
    %swap3A_688 = arith.constant 0 : index
    %swap3A_689 = arith.constant 0 : index
    %swap3A_690 = vector.load %arg5[%swap3A_686, %swap3A_687, %swap3A_688, %swap3A_689] : memref<1x16x1000x128xbf16, #tpu.memory_space<vmem>>, vector<1x1x1000x128xbf16>
    %swap3A_691 = vector.shape_cast %swap3A_690 : vector<1x1x1000x128xbf16> to vector<1000x128xbf16>
    %swap3A_692 = vector.shape_cast %convert_element_type3A_685 : vector<1000x128xbf16> to vector<1x1x1000x128xbf16>
    tpu.vector_store %arg5[%swap3A_686, %swap3A_687, %swap3A_688, %swap3A_689], %swap3A_692 {strides = array<i32>} : memref<1x16x1000x128xbf16, #tpu.memory_space<vmem>>, vector<1x1x1000x128xbf16>,
    %get3A_693 = arith.constant 0 : index
    %get3A_694 = arith.constant 0 : index
    %get3A_695 = arith.constant 24 : index
    %get3A_696 = vector.load %arg1[%get3A_693, %get3A_694, %get3A_695] : memref<1x1000x32xf32, #tpu.memory_space<vmem>>, vector<1x1000x1xf32>
    %get3A_697 = vector.shape_cast %get3A_696 : vector<1x1000x1xf32> to vector<1000x1xf32>
    %get3A_698 = arith.constant 0 : index
    %get3A_699 = arith.constant 0 : index
    %get3A_700 = arith.constant 25 : index
    %get3A_701 = vector.load %arg1[%get3A_698, %get3A_699, %get3A_700] : memref<1x1000x32xf32, #tpu.memory_space<vmem>>, vector<1x1000x1xf32>
    %get3A_702 = vector.shape_cast %get3A_701 : vector<1x1000x1xf32> to vector<1000x1xf32>
    %broadcast_in_dim3A_703 = vector.shape_cast %get3A_697 : vector<1000x1xf32> to vector<1000x1xf32>
    %broadcast_in_dim3A_704 = vector.broadcast %broadcast_in_dim3A_703 : vector<1000x1xf32> to vector<1000x64xf32>
    %broadcast_in_dim3A_705 = vector.shape_cast %get3A_702 : vector<1000x1xf32> to vector<1000x1xf32>
    %broadcast_in_dim3A_706 = vector.broadcast %broadcast_in_dim3A_705 : vector<1000x1xf32> to vector<1000x64xf32>
    %concatenate3A_707 = tpu.concatenate %broadcast_in_dim3A_704, %broadcast_in_dim3A_706 in 1 : vector<1000x64xf32>, vector<1000x64xf32> -> vector<1000x128xf32>
    %sub3A_708 = vector.broadcast %mul3A_5 : vector<1x128xf32> to vector<1000x128xf32>
    %sub3A_709 = arith.subf %concatenate3A_707, %sub3A_708 : vector<1000x128xf32>
    %integer_pow3A_710 = arith.mulf %sub3A_709, %sub3A_709 : vector<1000x128xf32>
    %neg3A_711 = arith.constant 0.000000e+00 : f32
    %neg3A_712 = vector.broadcast %neg3A_711 : f32 to vector<1000x128xf32>
    %neg3A_713 = arith.subf %neg3A_712, %integer_pow3A_710 : vector<1000x128xf32>
    %mul3A_714 = arith.constant 2.500000e+01 : f32
    %mul3A_715 = vector.broadcast %mul3A_714 : f32 to vector<1000x128xf32>
    %mul3A_716 = arith.mulf %neg3A_713, %mul3A_715 : vector<1000x128xf32>
    %exp3A_717 = math.exp %mul3A_716 : vector<1000x128xf32>
    %convert_element_type3A_718 = arith.truncf %exp3A_717 : vector<1000x128xf32> to vector<1000x128xbf16>
    %get3A_719 = arith.constant 0 : index
    %get3A_720 = arith.constant 0 : index
    %get3A_721 = vector.load %arg2[%get3A_719, %get3A_720] : memref<128x384xbf16, #tpu.memory_space<vmem>>, vector<128x384xbf16>
    %dot_general3A_722 = arith.constant dense<0.000000e+00> : vector<1000x384xf32>
    %dot_general3A_723 = tpu.matmul %convert_element_type3A_718, %get3A_721, %dot_general3A_722 {dimension_numbers = #tpu.dot_dimension_numbers<[1], [0], [0], [1], [0, 0, 1, 1], [], []>, transpose_lhs_hint = false} : vector<1000x128xbf16>, vector<128x384xbf16>, vector<1000x384xf32> -> vector<1000x384xf32>
    %slice3A_724 = vector.extract_strided_slice %dot_general3A_723 {offsets = [0, 0], sizes = [1000, 128], strides = [1, 1]} : vector<1000x384xf32> to vector<1000x128xf32>
    %convert_element_type3A_725 = arith.truncf %slice3A_724 : vector<1000x128xf32> to vector<1000x128xbf16>
    %swap3A_726 = arith.constant 0 : index
    %swap3A_727 = arith.constant 12 : index
    %swap3A_728 = arith.constant 0 : index
    %swap3A_729 = arith.constant 0 : index
    %swap3A_730 = vector.load %arg3[%swap3A_726, %swap3A_727, %swap3A_728, %swap3A_729] : memref<1x16x1000x128xbf16, #tpu.memory_space<vmem>>, vector<1x1x1000x128xbf16>
    %swap3A_731 = vector.shape_cast %swap3A_730 : vector<1x1x1000x128xbf16> to vector<1000x128xbf16>
    %swap3A_732 = vector.shape_cast %convert_element_type3A_725 : vector<1000x128xbf16> to vector<1x1x1000x128xbf16>
    tpu.vector_store %arg3[%swap3A_726, %swap3A_727, %swap3A_728, %swap3A_729], %swap3A_732 {strides = array<i32>} : memref<1x16x1000x128xbf16, #tpu.memory_space<vmem>>, vector<1x1x1000x128xbf16>,
    %slice3A_733 = vector.extract_strided_slice %dot_general3A_723 {offsets = [0, 128], sizes = [1000, 128], strides = [1, 1]} : vector<1000x384xf32> to vector<1000x128xf32>
    %convert_element_type3A_734 = arith.truncf %slice3A_733 : vector<1000x128xf32> to vector<1000x128xbf16>
    %swap3A_735 = arith.constant 0 : index
    %swap3A_736 = arith.constant 12 : index
    %swap3A_737 = arith.constant 0 : index
    %swap3A_738 = arith.constant 0 : index
    %swap3A_739 = vector.load %arg4[%swap3A_735, %swap3A_736, %swap3A_737, %swap3A_738] : memref<1x16x1000x128xbf16, #tpu.memory_space<vmem>>, vector<1x1x1000x128xbf16>
    %swap3A_740 = vector.shape_cast %swap3A_739 : vector<1x1x1000x128xbf16> to vector<1000x128xbf16>
    %swap3A_741 = vector.shape_cast %convert_element_type3A_734 : vector<1000x128xbf16> to vector<1x1x1000x128xbf16>
    tpu.vector_store %arg4[%swap3A_735, %swap3A_736, %swap3A_737, %swap3A_738], %swap3A_741 {strides = array<i32>} : memref<1x16x1000x128xbf16, #tpu.memory_space<vmem>>, vector<1x1x1000x128xbf16>,
    %slice3A_742 = vector.extract_strided_slice %dot_general3A_723 {offsets = [0, 256], sizes = [1000, 128], strides = [1, 1]} : vector<1000x384xf32> to vector<1000x128xf32>
    %convert_element_type3A_743 = arith.truncf %slice3A_742 : vector<1000x128xf32> to vector<1000x128xbf16>
    %swap3A_744 = arith.constant 0 : index
    %swap3A_745 = arith.constant 12 : index
    %swap3A_746 = arith.constant 0 : index
    %swap3A_747 = arith.constant 0 : index
    %swap3A_748 = vector.load %arg5[%swap3A_744, %swap3A_745, %swap3A_746, %swap3A_747] : memref<1x16x1000x128xbf16, #tpu.memory_space<vmem>>, vector<1x1x1000x128xbf16>
    %swap3A_749 = vector.shape_cast %swap3A_748 : vector<1x1x1000x128xbf16> to vector<1000x128xbf16>
    %swap3A_750 = vector.shape_cast %convert_element_type3A_743 : vector<1000x128xbf16> to vector<1x1x1000x128xbf16>
    tpu.vector_store %arg5[%swap3A_744, %swap3A_745, %swap3A_746, %swap3A_747], %swap3A_750 {strides = array<i32>} : memref<1x16x1000x128xbf16, #tpu.memory_space<vmem>>, vector<1x1x1000x128xbf16>,
    %get3A_751 = arith.constant 0 : index
    %get3A_752 = arith.constant 0 : index
    %get3A_753 = arith.constant 26 : index
    %get3A_754 = vector.load %arg1[%get3A_751, %get3A_752, %get3A_753] : memref<1x1000x32xf32, #tpu.memory_space<vmem>>, vector<1x1000x1xf32>
    %get3A_755 = vector.shape_cast %get3A_754 : vector<1x1000x1xf32> to vector<1000x1xf32>
    %get3A_756 = arith.constant 0 : index
    %get3A_757 = arith.constant 0 : index
    %get3A_758 = arith.constant 27 : index
    %get3A_759 = vector.load %arg1[%get3A_756, %get3A_757, %get3A_758] : memref<1x1000x32xf32, #tpu.memory_space<vmem>>, vector<1x1000x1xf32>
    %get3A_760 = vector.shape_cast %get3A_759 : vector<1x1000x1xf32> to vector<1000x1xf32>
    %broadcast_in_dim3A_761 = vector.shape_cast %get3A_755 : vector<1000x1xf32> to vector<1000x1xf32>
    %broadcast_in_dim3A_762 = vector.broadcast %broadcast_in_dim3A_761 : vector<1000x1xf32> to vector<1000x64xf32>
    %broadcast_in_dim3A_763 = vector.shape_cast %get3A_760 : vector<1000x1xf32> to vector<1000x1xf32>
    %broadcast_in_dim3A_764 = vector.broadcast %broadcast_in_dim3A_763 : vector<1000x1xf32> to vector<1000x64xf32>
    %concatenate3A_765 = tpu.concatenate %broadcast_in_dim3A_762, %broadcast_in_dim3A_764 in 1 : vector<1000x64xf32>, vector<1000x64xf32> -> vector<1000x128xf32>
    %sub3A_766 = vector.broadcast %mul3A_5 : vector<1x128xf32> to vector<1000x128xf32>
    %sub3A_767 = arith.subf %concatenate3A_765, %sub3A_766 : vector<1000x128xf32>
    %integer_pow3A_768 = arith.mulf %sub3A_767, %sub3A_767 : vector<1000x128xf32>
    %neg3A_769 = arith.constant 0.000000e+00 : f32
    %neg3A_770 = vector.broadcast %neg3A_769 : f32 to vector<1000x128xf32>
    %neg3A_771 = arith.subf %neg3A_770, %integer_pow3A_768 : vector<1000x128xf32>
    %mul3A_772 = arith.constant 2.500000e+01 : f32
    %mul3A_773 = vector.broadcast %mul3A_772 : f32 to vector<1000x128xf32>
    %mul3A_774 = arith.mulf %neg3A_771, %mul3A_773 : vector<1000x128xf32>
    %exp3A_775 = math.exp %mul3A_774 : vector<1000x128xf32>
    %convert_element_type3A_776 = arith.truncf %exp3A_775 : vector<1000x128xf32> to vector<1000x128xbf16>
    %get3A_777 = arith.constant 0 : index
    %get3A_778 = arith.constant 0 : index
    %get3A_779 = vector.load %arg2[%get3A_777, %get3A_778] : memref<128x384xbf16, #tpu.memory_space<vmem>>, vector<128x384xbf16>
    %dot_general3A_780 = arith.constant dense<0.000000e+00> : vector<1000x384xf32>
    %dot_general3A_781 = tpu.matmul %convert_element_type3A_776, %get3A_779, %dot_general3A_780 {dimension_numbers = #tpu.dot_dimension_numbers<[1], [0], [0], [1], [0, 0, 1, 1], [], []>, transpose_lhs_hint = false} : vector<1000x128xbf16>, vector<128x384xbf16>, vector<1000x384xf32> -> vector<1000x384xf32>
    %slice3A_782 = vector.extract_strided_slice %dot_general3A_781 {offsets = [0, 0], sizes = [1000, 128], strides = [1, 1]} : vector<1000x384xf32> to vector<1000x128xf32>
    %convert_element_type3A_783 = arith.truncf %slice3A_782 : vector<1000x128xf32> to vector<1000x128xbf16>
    %swap3A_784 = arith.constant 0 : index
    %swap3A_785 = arith.constant 13 : index
    %swap3A_786 = arith.constant 0 : index
    %swap3A_787 = arith.constant 0 : index
    %swap3A_788 = vector.load %arg3[%swap3A_784, %swap3A_785, %swap3A_786, %swap3A_787] : memref<1x16x1000x128xbf16, #tpu.memory_space<vmem>>, vector<1x1x1000x128xbf16>
    %swap3A_789 = vector.shape_cast %swap3A_788 : vector<1x1x1000x128xbf16> to vector<1000x128xbf16>
    %swap3A_790 = vector.shape_cast %convert_element_type3A_783 : vector<1000x128xbf16> to vector<1x1x1000x128xbf16>
    tpu.vector_store %arg3[%swap3A_784, %swap3A_785, %swap3A_786, %swap3A_787], %swap3A_790 {strides = array<i32>} : memref<1x16x1000x128xbf16, #tpu.memory_space<vmem>>, vector<1x1x1000x128xbf16>,
    %slice3A_791 = vector.extract_strided_slice %dot_general3A_781 {offsets = [0, 128], sizes = [1000, 128], strides = [1, 1]} : vector<1000x384xf32> to vector<1000x128xf32>
    %convert_element_type3A_792 = arith.truncf %slice3A_791 : vector<1000x128xf32> to vector<1000x128xbf16>
    %swap3A_793 = arith.constant 0 : index
    %swap3A_794 = arith.constant 13 : index
    %swap3A_795 = arith.constant 0 : index
    %swap3A_796 = arith.constant 0 : index
    %swap3A_797 = vector.load %arg4[%swap3A_793, %swap3A_794, %swap3A_795, %swap3A_796] : memref<1x16x1000x128xbf16, #tpu.memory_space<vmem>>, vector<1x1x1000x128xbf16>
    %swap3A_798 = vector.shape_cast %swap3A_797 : vector<1x1x1000x128xbf16> to vector<1000x128xbf16>
    %swap3A_799 = vector.shape_cast %convert_element_type3A_792 : vector<1000x128xbf16> to vector<1x1x1000x128xbf16>
    tpu.vector_store %arg4[%swap3A_793, %swap3A_794, %swap3A_795, %swap3A_796], %swap3A_799 {strides = array<i32>} : memref<1x16x1000x128xbf16, #tpu.memory_space<vmem>>, vector<1x1x1000x128xbf16>,
    %slice3A_800 = vector.extract_strided_slice %dot_general3A_781 {offsets = [0, 256], sizes = [1000, 128], strides = [1, 1]} : vector<1000x384xf32> to vector<1000x128xf32>
    %convert_element_type3A_801 = arith.truncf %slice3A_800 : vector<1000x128xf32> to vector<1000x128xbf16>
    %swap3A_802 = arith.constant 0 : index
    %swap3A_803 = arith.constant 13 : index
    %swap3A_804 = arith.constant 0 : index
    %swap3A_805 = arith.constant 0 : index
    %swap3A_806 = vector.load %arg5[%swap3A_802, %swap3A_803, %swap3A_804, %swap3A_805] : memref<1x16x1000x128xbf16, #tpu.memory_space<vmem>>, vector<1x1x1000x128xbf16>
    %swap3A_807 = vector.shape_cast %swap3A_806 : vector<1x1x1000x128xbf16> to vector<1000x128xbf16>
    %swap3A_808 = vector.shape_cast %convert_element_type3A_801 : vector<1000x128xbf16> to vector<1x1x1000x128xbf16>
    tpu.vector_store %arg5[%swap3A_802, %swap3A_803, %swap3A_804, %swap3A_805], %swap3A_808 {strides = array<i32>} : memref<1x16x1000x128xbf16, #tpu.memory_space<vmem>>, vector<1x1x1000x128xbf16>,
    %get3A_809 = arith.constant 0 : index
    %get3A_810 = arith.constant 0 : index
    %get3A_811 = arith.constant 28 : index
    %get3A_812 = vector.load %arg1[%get3A_809, %get3A_810, %get3A_811] : memref<1x1000x32xf32, #tpu.memory_space<vmem>>, vector<1x1000x1xf32>
    %get3A_813 = vector.shape_cast %get3A_812 : vector<1x1000x1xf32> to vector<1000x1xf32>
    %get3A_814 = arith.constant 0 : index
    %get3A_815 = arith.constant 0 : index
    %get3A_816 = arith.constant 29 : index
    %get3A_817 = vector.load %arg1[%get3A_814, %get3A_815, %get3A_816] : memref<1x1000x32xf32, #tpu.memory_space<vmem>>, vector<1x1000x1xf32>
    %get3A_818 = vector.shape_cast %get3A_817 : vector<1x1000x1xf32> to vector<1000x1xf32>
    %broadcast_in_dim3A_819 = vector.shape_cast %get3A_813 : vector<1000x1xf32> to vector<1000x1xf32>
    %broadcast_in_dim3A_820 = vector.broadcast %broadcast_in_dim3A_819 : vector<1000x1xf32> to vector<1000x64xf32>
    %broadcast_in_dim3A_821 = vector.shape_cast %get3A_818 : vector<1000x1xf32> to vector<1000x1xf32>
    %broadcast_in_dim3A_822 = vector.broadcast %broadcast_in_dim3A_821 : vector<1000x1xf32> to vector<1000x64xf32>
    %concatenate3A_823 = tpu.concatenate %broadcast_in_dim3A_820, %broadcast_in_dim3A_822 in 1 : vector<1000x64xf32>, vector<1000x64xf32> -> vector<1000x128xf32>
    %sub3A_824 = vector.broadcast %mul3A_5 : vector<1x128xf32> to vector<1000x128xf32>
    %sub3A_825 = arith.subf %concatenate3A_823, %sub3A_824 : vector<1000x128xf32>
    %integer_pow3A_826 = arith.mulf %sub3A_825, %sub3A_825 : vector<1000x128xf32>
    %neg3A_827 = arith.constant 0.000000e+00 : f32
    %neg3A_828 = vector.broadcast %neg3A_827 : f32 to vector<1000x128xf32>
    %neg3A_829 = arith.subf %neg3A_828, %integer_pow3A_826 : vector<1000x128xf32>
    %mul3A_830 = arith.constant 2.500000e+01 : f32
    %mul3A_831 = vector.broadcast %mul3A_830 : f32 to vector<1000x128xf32>
    %mul3A_832 = arith.mulf %neg3A_829, %mul3A_831 : vector<1000x128xf32>
    %exp3A_833 = math.exp %mul3A_832 : vector<1000x128xf32>
    %convert_element_type3A_834 = arith.truncf %exp3A_833 : vector<1000x128xf32> to vector<1000x128xbf16>
    %get3A_835 = arith.constant 0 : index
    %get3A_836 = arith.constant 0 : index
    %get3A_837 = vector.load %arg2[%get3A_835, %get3A_836] : memref<128x384xbf16, #tpu.memory_space<vmem>>, vector<128x384xbf16>
    %dot_general3A_838 = arith.constant dense<0.000000e+00> : vector<1000x384xf32>
    %dot_general3A_839 = tpu.matmul %convert_element_type3A_834, %get3A_837, %dot_general3A_838 {dimension_numbers = #tpu.dot_dimension_numbers<[1], [0], [0], [1], [0, 0, 1, 1], [], []>, transpose_lhs_hint = false} : vector<1000x128xbf16>, vector<128x384xbf16>, vector<1000x384xf32> -> vector<1000x384xf32>
    %slice3A_840 = vector.extract_strided_slice %dot_general3A_839 {offsets = [0, 0], sizes = [1000, 128], strides = [1, 1]} : vector<1000x384xf32> to vector<1000x128xf32>
    %convert_element_type3A_841 = arith.truncf %slice3A_840 : vector<1000x128xf32> to vector<1000x128xbf16>
    %swap3A_842 = arith.constant 0 : index
    %swap3A_843 = arith.constant 14 : index
    %swap3A_844 = arith.constant 0 : index
    %swap3A_845 = arith.constant 0 : index
    %swap3A_846 = vector.load %arg3[%swap3A_842, %swap3A_843, %swap3A_844, %swap3A_845] : memref<1x16x1000x128xbf16, #tpu.memory_space<vmem>>, vector<1x1x1000x128xbf16>
    %swap3A_847 = vector.shape_cast %swap3A_846 : vector<1x1x1000x128xbf16> to vector<1000x128xbf16>
    %swap3A_848 = vector.shape_cast %convert_element_type3A_841 : vector<1000x128xbf16> to vector<1x1x1000x128xbf16>
    tpu.vector_store %arg3[%swap3A_842, %swap3A_843, %swap3A_844, %swap3A_845], %swap3A_848 {strides = array<i32>} : memref<1x16x1000x128xbf16, #tpu.memory_space<vmem>>, vector<1x1x1000x128xbf16>,
    %slice3A_849 = vector.extract_strided_slice %dot_general3A_839 {offsets = [0, 128], sizes = [1000, 128], strides = [1, 1]} : vector<1000x384xf32> to vector<1000x128xf32>
    %convert_element_type3A_850 = arith.truncf %slice3A_849 : vector<1000x128xf32> to vector<1000x128xbf16>
    %swap3A_851 = arith.constant 0 : index
    %swap3A_852 = arith.constant 14 : index
    %swap3A_853 = arith.constant 0 : index
    %swap3A_854 = arith.constant 0 : index
    %swap3A_855 = vector.load %arg4[%swap3A_851, %swap3A_852, %swap3A_853, %swap3A_854] : memref<1x16x1000x128xbf16, #tpu.memory_space<vmem>>, vector<1x1x1000x128xbf16>
    %swap3A_856 = vector.shape_cast %swap3A_855 : vector<1x1x1000x128xbf16> to vector<1000x128xbf16>
    %swap3A_857 = vector.shape_cast %convert_element_type3A_850 : vector<1000x128xbf16> to vector<1x1x1000x128xbf16>
    tpu.vector_store %arg4[%swap3A_851, %swap3A_852, %swap3A_853, %swap3A_854], %swap3A_857 {strides = array<i32>} : memref<1x16x1000x128xbf16, #tpu.memory_space<vmem>>, vector<1x1x1000x128xbf16>,
    %slice3A_858 = vector.extract_strided_slice %dot_general3A_839 {offsets = [0, 256], sizes = [1000, 128], strides = [1, 1]} : vector<1000x384xf32> to vector<1000x128xf32>
    %convert_element_type3A_859 = arith.truncf %slice3A_858 : vector<1000x128xf32> to vector<1000x128xbf16>
    %swap3A_860 = arith.constant 0 : index
    %swap3A_861 = arith.constant 14 : index
    %swap3A_862 = arith.constant 0 : index
    %swap3A_863 = arith.constant 0 : index
    %swap3A_864 = vector.load %arg5[%swap3A_860, %swap3A_861, %swap3A_862, %swap3A_863] : memref<1x16x1000x128xbf16, #tpu.memory_space<vmem>>, vector<1x1x1000x128xbf16>
    %swap3A_865 = vector.shape_cast %swap3A_864 : vector<1x1x1000x128xbf16> to vector<1000x128xbf16>
    %swap3A_866 = vector.shape_cast %convert_element_type3A_859 : vector<1000x128xbf16> to vector<1x1x1000x128xbf16>
    tpu.vector_store %arg5[%swap3A_860, %swap3A_861, %swap3A_862, %swap3A_863], %swap3A_866 {strides = array<i32>} : memref<1x16x1000x128xbf16, #tpu.memory_space<vmem>>, vector<1x1x1000x128xbf16>,
    %get3A_867 = arith.constant 0 : index
    %get3A_868 = arith.constant 0 : index
    %get3A_869 = arith.constant 30 : index
    %get3A_870 = vector.load %arg1[%get3A_867, %get3A_868, %get3A_869] : memref<1x1000x32xf32, #tpu.memory_space<vmem>>, vector<1x1000x1xf32>
    %get3A_871 = vector.shape_cast %get3A_870 : vector<1x1000x1xf32> to vector<1000x1xf32>
    %get3A_872 = arith.constant 0 : index
    %get3A_873 = arith.constant 0 : index
    %get3A_874 = arith.constant 31 : index
    %get3A_875 = vector.load %arg1[%get3A_872, %get3A_873, %get3A_874] : memref<1x1000x32xf32, #tpu.memory_space<vmem>>, vector<1x1000x1xf32>
    %get3A_876 = vector.shape_cast %get3A_875 : vector<1x1000x1xf32> to vector<1000x1xf32>
    %broadcast_in_dim3A_877 = vector.shape_cast %get3A_871 : vector<1000x1xf32> to vector<1000x1xf32>
    %broadcast_in_dim3A_878 = vector.broadcast %broadcast_in_dim3A_877 : vector<1000x1xf32> to vector<1000x64xf32>
    %broadcast_in_dim3A_879 = vector.shape_cast %get3A_876 : vector<1000x1xf32> to vector<1000x1xf32>
    %broadcast_in_dim3A_880 = vector.broadcast %broadcast_in_dim3A_879 : vector<1000x1xf32> to vector<1000x64xf32>
    %concatenate3A_881 = tpu.concatenate %broadcast_in_dim3A_878, %broadcast_in_dim3A_880 in 1 : vector<1000x64xf32>, vector<1000x64xf32> -> vector<1000x128xf32>
    %sub3A_882 = vector.broadcast %mul3A_5 : vector<1x128xf32> to vector<1000x128xf32>
    %sub3A_883 = arith.subf %concatenate3A_881, %sub3A_882 : vector<1000x128xf32>
    %integer_pow3A_884 = arith.mulf %sub3A_883, %sub3A_883 : vector<1000x128xf32>
    %neg3A_885 = arith.constant 0.000000e+00 : f32
    %neg3A_886 = vector.broadcast %neg3A_885 : f32 to vector<1000x128xf32>
    %neg3A_887 = arith.subf %neg3A_886, %integer_pow3A_884 : vector<1000x128xf32>
    %mul3A_888 = arith.constant 2.500000e+01 : f32
    %mul3A_889 = vector.broadcast %mul3A_888 : f32 to vector<1000x128xf32>
    %mul3A_890 = arith.mulf %neg3A_887, %mul3A_889 : vector<1000x128xf32>
    %exp3A_891 = math.exp %mul3A_890 : vector<1000x128xf32>
    %convert_element_type3A_892 = arith.truncf %exp3A_891 : vector<1000x128xf32> to vector<1000x128xbf16>
    %get3A_893 = arith.constant 0 : index
    %get3A_894 = arith.constant 0 : index
    %get3A_895 = vector.load %arg2[%get3A_893, %get3A_894] : memref<128x384xbf16, #tpu.memory_space<vmem>>, vector<128x384xbf16>
    %dot_general3A_896 = arith.constant dense<0.000000e+00> : vector<1000x384xf32>
    %dot_general3A_897 = tpu.matmul %convert_element_type3A_892, %get3A_895, %dot_general3A_896 {dimension_numbers = #tpu.dot_dimension_numbers<[1], [0], [0], [1], [0, 0, 1, 1], [], []>, transpose_lhs_hint = false} : vector<1000x128xbf16>, vector<128x384xbf16>, vector<1000x384xf32> -> vector<1000x384xf32>
    %slice3A_898 = vector.extract_strided_slice %dot_general3A_897 {offsets = [0, 0], sizes = [1000, 128], strides = [1, 1]} : vector<1000x384xf32> to vector<1000x128xf32>
    %convert_element_type3A_899 = arith.truncf %slice3A_898 : vector<1000x128xf32> to vector<1000x128xbf16>
    %swap3A_900 = arith.constant 0 : index
    %swap3A_901 = arith.constant 15 : index
    %swap3A_902 = arith.constant 0 : index
    %swap3A_903 = arith.constant 0 : index
    %swap3A_904 = vector.load %arg3[%swap3A_900, %swap3A_901, %swap3A_902, %swap3A_903] : memref<1x16x1000x128xbf16, #tpu.memory_space<vmem>>, vector<1x1x1000x128xbf16>
    %swap3A_905 = vector.shape_cast %swap3A_904 : vector<1x1x1000x128xbf16> to vector<1000x128xbf16>
    %swap3A_906 = vector.shape_cast %convert_element_type3A_899 : vector<1000x128xbf16> to vector<1x1x1000x128xbf16>
    tpu.vector_store %arg3[%swap3A_900, %swap3A_901, %swap3A_902, %swap3A_903], %swap3A_906 {strides = array<i32>} : memref<1x16x1000x128xbf16, #tpu.memory_space<vmem>>, vector<1x1x1000x128xbf16>,
    %slice3A_907 = vector.extract_strided_slice %dot_general3A_897 {offsets = [0, 128], sizes = [1000, 128], strides = [1, 1]} : vector<1000x384xf32> to vector<1000x128xf32>
    %convert_element_type3A_908 = arith.truncf %slice3A_907 : vector<1000x128xf32> to vector<1000x128xbf16>
    %swap3A_909 = arith.constant 0 : index
    %swap3A_910 = arith.constant 15 : index
    %swap3A_911 = arith.constant 0 : index
    %swap3A_912 = arith.constant 0 : index
    %swap3A_913 = vector.load %arg4[%swap3A_909, %swap3A_910, %swap3A_911, %swap3A_912] : memref<1x16x1000x128xbf16, #tpu.memory_space<vmem>>, vector<1x1x1000x128xbf16>
    %swap3A_914 = vector.shape_cast %swap3A_913 : vector<1x1x1000x128xbf16> to vector<1000x128xbf16>
    %swap3A_915 = vector.shape_cast %convert_element_type3A_908 : vector<1000x128xbf16> to vector<1x1x1000x128xbf16>
    tpu.vector_store %arg4[%swap3A_909, %swap3A_910, %swap3A_911, %swap3A_912], %swap3A_915 {strides = array<i32>} : memref<1x16x1000x128xbf16, #tpu.memory_space<vmem>>, vector<1x1x1000x128xbf16>,
    %slice3A_916 = vector.extract_strided_slice %dot_general3A_897 {offsets = [0, 256], sizes = [1000, 128], strides = [1, 1]} : vector<1000x384xf32> to vector<1000x128xf32>
    %convert_element_type3A_917 = arith.truncf %slice3A_916 : vector<1000x128xf32> to vector<1000x128xbf16>
    %swap3A_918 = arith.constant 0 : index
    %swap3A_919 = arith.constant 15 : index
    %swap3A_920 = arith.constant 0 : index
    %swap3A_921 = arith.constant 0 : index
    %swap3A_922 = vector.load %arg5[%swap3A_918, %swap3A_919, %swap3A_920, %swap3A_921] : memref<1x16x1000x128xbf16, #tpu.memory_space<vmem>>, vector<1x1x1000x128xbf16>
    %swap3A_923 = vector.shape_cast %swap3A_922 : vector<1x1x1000x128xbf16> to vector<1000x128xbf16>
    %swap3A_924 = vector.shape_cast %convert_element_type3A_917 : vector<1000x128xbf16> to vector<1x1x1000x128xbf16>
    tpu.vector_store %arg5[%swap3A_918, %swap3A_919, %swap3A_920, %swap3A_921], %swap3A_924 {strides = array<i32>} : memref<1x16x1000x128xbf16, #tpu.memory_space<vmem>>, vector<1x1x1000x128xbf16>,
    return
  }
  func.func @transform_0(%arg0: i32) -> (i32, i32, i32) {
    %c0_i32 = arith.constant 0 : i32
    %c0_i32_0 = arith.constant 0 : i32
    %c0_i32_1 = arith.constant 0 : i32
    return %arg0, %c0_i32, %c0_i32_0 : i32, i32, i32
  }
  func.func @transform_1(%arg0: i32) -> (i32, i32) {
    %c0_i32 = arith.constant 0 : i32
    %c0_i32_0 = arith.constant 0 : i32
    %c0_i32_1 = arith.constant 0 : i32
    return %c0_i32, %c0_i32_0 : i32, i32
  }
  func.func @transform_2(%arg0: i32) -> (i32, i32, i32, i32) {
    %c0_i32 = arith.constant 0 : i32
    %c0_i32_0 = arith.constant 0 : i32
    %c0_i32_1 = arith.constant 0 : i32
    %c0_i32_2 = arith.constant 0 : i32
    return %arg0, %c0_i32, %c0_i32_0, %c0_i32_1 : i32, i32, i32, i32
  }
  func.func @transform_3(%arg0: i32) -> (i32, i32, i32, i32) {
    %c0_i32 = arith.constant 0 : i32
    %c0_i32_0 = arith.constant 0 : i32
    %c0_i32_1 = arith.constant 0 : i32
    %c0_i32_2 = arith.constant 0 : i32
    return %arg0, %c0_i32, %c0_i32_0, %c0_i32_1 : i32, i32, i32, i32
  }
  func.func @transform_4(%arg0: i32) -> (i32, i32, i32, i32) {
    %c0_i32 = arith.constant 0 : i32
    %c0_i32_0 = arith.constant 0 : i32
    %c0_i32_1 = arith.constant 0 : i32
    %c0_i32_2 = arith.constant 0 : i32
    return %arg0, %c0_i32, %c0_i32_0, %c0_i32_1 : i32, i32, i32, i32
  }
}

module attributes {stable_mosaic.version = 14 : i64} {
  func.func @body(%arg0: i32, %arg1: memref<1x8x1000x128xf32, #tpu.memory_space<vmem>>, %arg2: memref<1x1000x32xf32, #tpu.memory_space<vmem>>, %arg3: memref<1x16x1000x128xbf16, #tpu.memory_space<vmem>>, %arg4: memref<128x256xbf16, #tpu.memory_space<vmem>>, %arg5: memref<32x64xf32, #tpu.memory_space<vmem>>, %arg6: memref<1x64xf32, #tpu.memory_space<vmem>>, %arg7: memref<1x8x1000x256xbf16, #tpu.memory_space<vmem>>, %arg8: memref<8x64xf32, #tpu.memory_space<vmem>>, %arg9: memref<1000x128xf32, #tpu.memory_space<vmem>>, %arg10: memref<8x64xf32, #tpu.memory_space<vmem>>, %arg11: memref<8x64xf32, #tpu.memory_space<vmem>>) attributes {dimension_semantics = [#tpu.dimension_semantics<arbitrary>], iteration_bounds = array<i64: 8>, scalar_prefetch = 0 : i64, scratch_operands = 3 : i64, tpu.core_type = #tpu.core_type<tc>, window_params = [{transform_indices = @transform_0, window_bounds = array<i64: 1, 8, 1000, 128>}, {transform_indices = @transform_1, window_bounds = array<i64: 1, 1000, 32>}, {transform_indices = @transform_2, window_bounds = array<i64: 1, 16, 1000, 128>}, {pipeline_mode = #tpu.pipeline_mode<synchronous>, transform_indices = @transform_3, window_bounds = array<i64: 128, 256>}, {pipeline_mode = #tpu.pipeline_mode<synchronous>, transform_indices = @transform_4, window_bounds = array<i64: 32, 64>}, {pipeline_mode = #tpu.pipeline_mode<synchronous>, transform_indices = @transform_5, window_bounds = array<i64: 1, 64>}, {transform_indices = @transform_6, window_bounds = array<i64: 1, 8, 1000, 256>}, {pipeline_mode = #tpu.pipeline_mode<synchronous>, transform_indices = @transform_7, window_bounds = array<i64: 8, 64>}]} {
    %eq3A = arith.constant 0 : i32
    %eq3A_0 = arith.cmpi eq, %arg0, %eq3A : i32
    %convert_element_type3A = arith.extui %eq3A_0 : i1 to i32
    %cond3A = arith.constant 0 : i32
    %cond3A_1 = arith.cmpi ne, %convert_element_type3A, %cond3A : i32
    scf.if %cond3A_1 {
      %broadcast_in_dim3A_604 = arith.constant 0.000000e+00 : f32
      %broadcast_in_dim3A_605 = vector.broadcast %broadcast_in_dim3A_604 : f32 to vector<8x64xf32>
      %swap3A_606 = arith.constant 0 : index
      %swap3A_607 = arith.constant 0 : index
      %swap3A_608 = vector.load %arg10[%swap3A_606, %swap3A_607] : memref<8x64xf32, #tpu.memory_space<vmem>>, vector<8x64xf32>
      tpu.vector_store %arg10[%swap3A_606, %swap3A_607], %broadcast_in_dim3A_605 {strides = array<i32>} : memref<8x64xf32, #tpu.memory_space<vmem>>, vector<8x64xf32>,
      %broadcast_in_dim3A_609 = arith.constant 0.000000e+00 : f32
      %broadcast_in_dim3A_610 = vector.broadcast %broadcast_in_dim3A_609 : f32 to vector<8x64xf32>
      %swap3A_611 = arith.constant 0 : index
      %swap3A_612 = arith.constant 0 : index
      %swap3A_613 = vector.load %arg11[%swap3A_611, %swap3A_612] : memref<8x64xf32, #tpu.memory_space<vmem>>, vector<8x64xf32>
      tpu.vector_store %arg11[%swap3A_611, %swap3A_612], %broadcast_in_dim3A_610 {strides = array<i32>} : memref<8x64xf32, #tpu.memory_space<vmem>>, vector<8x64xf32>,
    } else {
    }
    %get3A = arith.constant 0 : index
    %get3A_2 = arith.constant 0 : index
    %get3A_3 = arith.constant 0 : index
    %get3A_4 = vector.load %arg2[%get3A, %get3A_2, %get3A_3] : memref<1x1000x32xf32, #tpu.memory_space<vmem>>, vector<1x1000x32xf32>
    %get3A_5 = vector.shape_cast %get3A_4 : vector<1x1000x32xf32> to vector<1000x32xf32>
    %get3A_6 = arith.constant 0 : index
    %get3A_7 = arith.constant 0 : index
    %get3A_8 = vector.load %arg5[%get3A_6, %get3A_7] : memref<32x64xf32, #tpu.memory_space<vmem>>, vector<32x64xf32>
    %dot_general3A = arith.constant dense<0.000000e+00> : vector<1000x64xf32>
    %dot_general3A_9 = tpu.matmul %get3A_5, %get3A_8, %dot_general3A {dimension_numbers = #tpu.dot_dimension_numbers<[1], [0], [0], [1], [0, 0, 1, 1], [], []>, transpose_lhs_hint = false} : vector<1000x32xf32>, vector<32x64xf32>, vector<1000x64xf32> -> vector<1000x64xf32>
    %get3A_10 = arith.constant 0 : index
    %get3A_11 = arith.constant 0 : index
    %get3A_12 = vector.load %arg6[%get3A_10, %get3A_11] : memref<1x64xf32, #tpu.memory_space<vmem>>, vector<1x64xf32>
    %add3A = vector.broadcast %get3A_12 : vector<1x64xf32> to vector<1000x64xf32>
    %add3A_13 = arith.addf %dot_general3A_9, %add3A : vector<1000x64xf32>
    %concatenate3A = tpu.concatenate %add3A_13, %add3A_13 in 1 : vector<1000x64xf32>, vector<1000x64xf32> -> vector<1000x128xf32>
    %swap3A = arith.constant 0 : index
    %swap3A_14 = arith.constant 0 : index
    %swap3A_15 = vector.load %arg9[%swap3A, %swap3A_14] : memref<1000x128xf32, #tpu.memory_space<vmem>>, vector<1000x128xf32>
    tpu.vector_store %arg9[%swap3A, %swap3A_14], %concatenate3A {strides = array<i32>} : memref<1000x128xf32, #tpu.memory_space<vmem>>, vector<1000x128xf32>,
    %broadcast_in_dim3A = arith.constant 1.000000e+00 : bf16
    %broadcast_in_dim3A_16 = vector.broadcast %broadcast_in_dim3A : bf16 to vector<1x1000xbf16>
    %broadcast_in_dim3A_17 = arith.constant 0.000000e+00 : f32
    %broadcast_in_dim3A_18 = vector.broadcast %broadcast_in_dim3A_17 : f32 to vector<1x128xf32>
    %broadcast_in_dim3A_19 = arith.constant 0.000000e+00 : f32
    %broadcast_in_dim3A_20 = vector.broadcast %broadcast_in_dim3A_19 : f32 to vector<1x128xf32>
    %get3A_21 = arith.constant 0 : index
    %get3A_22 = arith.constant 0 : index
    %get3A_23 = arith.constant 0 : index
    %get3A_24 = arith.constant 0 : index
    %get3A_25 = vector.load %arg1[%get3A_21, %get3A_22, %get3A_23, %get3A_24] : memref<1x8x1000x128xf32, #tpu.memory_space<vmem>>, vector<1x1x1000x128xf32>
    %get3A_26 = vector.shape_cast %get3A_25 : vector<1x1x1000x128xf32> to vector<1000x128xf32>
    %convert_element_type3A_27 = arith.truncf %get3A_26 : vector<1000x128xf32> to vector<1000x128xbf16>
    %get3A_28 = arith.constant 0 : index
    %get3A_29 = arith.constant 0 : index
    %get3A_30 = vector.load %arg4[%get3A_28, %get3A_29] : memref<128x256xbf16, #tpu.memory_space<vmem>>, vector<128x256xbf16>
    %dot_general3A_31 = arith.constant dense<0.000000e+00> : vector<1000x256xf32>
    %dot_general3A_32 = tpu.matmul %convert_element_type3A_27, %get3A_30, %dot_general3A_31 {dimension_numbers = #tpu.dot_dimension_numbers<[1], [0], [0], [1], [0, 0, 1, 1], [], []>, transpose_lhs_hint = false} : vector<1000x128xbf16>, vector<128x256xbf16>, vector<1000x256xf32> -> vector<1000x256xf32>
    %get3A_33 = arith.constant 0 : index
    %get3A_34 = arith.constant 0 : index
    %get3A_35 = arith.constant 0 : index
    %get3A_36 = arith.constant 0 : index
    %get3A_37 = vector.load %arg3[%get3A_33, %get3A_34, %get3A_35, %get3A_36] : memref<1x16x1000x128xbf16, #tpu.memory_space<vmem>>, vector<1x1x1000x128xbf16>
    %get3A_38 = vector.shape_cast %get3A_37 : vector<1x1x1000x128xbf16> to vector<1000x128xbf16>
    %get3A_39 = arith.constant 0 : index
    %get3A_40 = arith.constant 0 : index
    %get3A_41 = vector.load %arg9[%get3A_39, %get3A_40] : memref<1000x128xf32, #tpu.memory_space<vmem>>, vector<1000x128xf32>
    %slice3A = vector.extract_strided_slice %dot_general3A_32 {offsets = [0, 0], sizes = [1000, 128], strides = [1, 1]} : vector<1000x256xf32> to vector<1000x128xf32>
    %add3A_42 = arith.addf %get3A_41, %slice3A : vector<1000x128xf32>
    %convert_element_type3A_43 = arith.extf %get3A_38 : vector<1000x128xbf16> to vector<1000x128xf32>
    %add3A_44 = arith.addf %add3A_42, %convert_element_type3A_43 : vector<1000x128xf32>
    %convert_element_type3A_45 = arith.truncf %add3A_44 : vector<1000x128xf32> to vector<1000x128xbf16>
    %swap3A_46 = arith.constant 0 : index
    %swap3A_47 = arith.constant 0 : index
    %swap3A_48 = arith.constant 0 : index
    %swap3A_49 = arith.constant 0 : index
    %swap3A_50 = vector.load %arg7[%swap3A_46, %swap3A_47, %swap3A_48, %swap3A_49] : memref<1x8x1000x256xbf16, #tpu.memory_space<vmem>>, vector<1x1x1000x128xbf16>
    %swap3A_51 = vector.shape_cast %swap3A_50 : vector<1x1x1000x128xbf16> to vector<1000x128xbf16>
    %swap3A_52 = vector.shape_cast %convert_element_type3A_45 : vector<1000x128xbf16> to vector<1x1x1000x128xbf16>
    tpu.vector_store %arg7[%swap3A_46, %swap3A_47, %swap3A_48, %swap3A_49], %swap3A_52 {strides = array<i32>} : memref<1x8x1000x256xbf16, #tpu.memory_space<vmem>>, vector<1x1x1000x128xbf16>,
    %dot_general3A_53 = arith.constant dense<0.000000e+00> : vector<1x128xf32>
    %dot_general3A_54 = tpu.matmul %broadcast_in_dim3A_16, %convert_element_type3A_45, %dot_general3A_53 {dimension_numbers = #tpu.dot_dimension_numbers<[1], [0], [0], [1], [0, 0, 1, 1], [], []>, transpose_lhs_hint = false} : vector<1x1000xbf16>, vector<1000x128xbf16>, vector<1x128xf32> -> vector<1x128xf32>
    %add3A_55 = arith.addf %broadcast_in_dim3A_18, %dot_general3A_54 : vector<1x128xf32>
    %mul3A = arith.mulf %add3A_44, %add3A_44 : vector<1000x128xf32>
    %convert_element_type3A_56 = arith.truncf %mul3A : vector<1000x128xf32> to vector<1000x128xbf16>
    %dot_general3A_57 = arith.constant dense<0.000000e+00> : vector<1x128xf32>
    %dot_general3A_58 = tpu.matmul %broadcast_in_dim3A_16, %convert_element_type3A_56, %dot_general3A_57 {dimension_numbers = #tpu.dot_dimension_numbers<[1], [0], [0], [1], [0, 0, 1, 1], [], []>, transpose_lhs_hint = false} : vector<1x1000xbf16>, vector<1000x128xbf16>, vector<1x128xf32> -> vector<1x128xf32>
    %add3A_59 = arith.addf %broadcast_in_dim3A_20, %dot_general3A_58 : vector<1x128xf32>
    %get3A_60 = arith.constant 0 : index
    %get3A_61 = arith.constant 1 : index
    %get3A_62 = arith.constant 0 : index
    %get3A_63 = arith.constant 0 : index
    %get3A_64 = vector.load %arg3[%get3A_60, %get3A_61, %get3A_62, %get3A_63] : memref<1x16x1000x128xbf16, #tpu.memory_space<vmem>>, vector<1x1x1000x128xbf16>
    %get3A_65 = vector.shape_cast %get3A_64 : vector<1x1x1000x128xbf16> to vector<1000x128xbf16>
    %get3A_66 = arith.constant 0 : index
    %get3A_67 = arith.constant 0 : index
    %get3A_68 = vector.load %arg9[%get3A_66, %get3A_67] : memref<1000x128xf32, #tpu.memory_space<vmem>>, vector<1000x128xf32>
    %slice3A_69 = vector.extract_strided_slice %dot_general3A_32 {offsets = [0, 128], sizes = [1000, 128], strides = [1, 1]} : vector<1000x256xf32> to vector<1000x128xf32>
    %add3A_70 = arith.addf %get3A_68, %slice3A_69 : vector<1000x128xf32>
    %convert_element_type3A_71 = arith.extf %get3A_65 : vector<1000x128xbf16> to vector<1000x128xf32>
    %add3A_72 = arith.addf %add3A_70, %convert_element_type3A_71 : vector<1000x128xf32>
    %convert_element_type3A_73 = arith.truncf %add3A_72 : vector<1000x128xf32> to vector<1000x128xbf16>
    %swap3A_74 = arith.constant 0 : index
    %swap3A_75 = arith.constant 0 : index
    %swap3A_76 = arith.constant 0 : index
    %swap3A_77 = arith.constant 128 : index
    %swap3A_78 = vector.load %arg7[%swap3A_74, %swap3A_75, %swap3A_76, %swap3A_77] : memref<1x8x1000x256xbf16, #tpu.memory_space<vmem>>, vector<1x1x1000x128xbf16>
    %swap3A_79 = vector.shape_cast %swap3A_78 : vector<1x1x1000x128xbf16> to vector<1000x128xbf16>
    %swap3A_80 = vector.shape_cast %convert_element_type3A_73 : vector<1000x128xbf16> to vector<1x1x1000x128xbf16>
    tpu.vector_store %arg7[%swap3A_74, %swap3A_75, %swap3A_76, %swap3A_77], %swap3A_80 {strides = array<i32>} : memref<1x8x1000x256xbf16, #tpu.memory_space<vmem>>, vector<1x1x1000x128xbf16>,
    %dot_general3A_81 = arith.constant dense<0.000000e+00> : vector<1x128xf32>
    %dot_general3A_82 = tpu.matmul %broadcast_in_dim3A_16, %convert_element_type3A_73, %dot_general3A_81 {dimension_numbers = #tpu.dot_dimension_numbers<[1], [0], [0], [1], [0, 0, 1, 1], [], []>, transpose_lhs_hint = false} : vector<1x1000xbf16>, vector<1000x128xbf16>, vector<1x128xf32> -> vector<1x128xf32>
    %add3A_83 = arith.addf %add3A_55, %dot_general3A_82 : vector<1x128xf32>
    %mul3A_84 = arith.mulf %add3A_72, %add3A_72 : vector<1000x128xf32>
    %convert_element_type3A_85 = arith.truncf %mul3A_84 : vector<1000x128xf32> to vector<1000x128xbf16>
    %dot_general3A_86 = arith.constant dense<0.000000e+00> : vector<1x128xf32>
    %dot_general3A_87 = tpu.matmul %broadcast_in_dim3A_16, %convert_element_type3A_85, %dot_general3A_86 {dimension_numbers = #tpu.dot_dimension_numbers<[1], [0], [0], [1], [0, 0, 1, 1], [], []>, transpose_lhs_hint = false} : vector<1x1000xbf16>, vector<1000x128xbf16>, vector<1x128xf32> -> vector<1x128xf32>
    %add3A_88 = arith.addf %add3A_59, %dot_general3A_87 : vector<1x128xf32>
    %get3A_89 = arith.constant 0 : index
    %get3A_90 = arith.constant 1 : index
    %get3A_91 = arith.constant 0 : index
    %get3A_92 = arith.constant 0 : index
    %get3A_93 = vector.load %arg1[%get3A_89, %get3A_90, %get3A_91, %get3A_92] : memref<1x8x1000x128xf32, #tpu.memory_space<vmem>>, vector<1x1x1000x128xf32>
    %get3A_94 = vector.shape_cast %get3A_93 : vector<1x1x1000x128xf32> to vector<1000x128xf32>
    %convert_element_type3A_95 = arith.truncf %get3A_94 : vector<1000x128xf32> to vector<1000x128xbf16>
    %get3A_96 = arith.constant 0 : index
    %get3A_97 = arith.constant 0 : index
    %get3A_98 = vector.load %arg4[%get3A_96, %get3A_97] : memref<128x256xbf16, #tpu.memory_space<vmem>>, vector<128x256xbf16>
    %dot_general3A_99 = arith.constant dense<0.000000e+00> : vector<1000x256xf32>
    %dot_general3A_100 = tpu.matmul %convert_element_type3A_95, %get3A_98, %dot_general3A_99 {dimension_numbers = #tpu.dot_dimension_numbers<[1], [0], [0], [1], [0, 0, 1, 1], [], []>, transpose_lhs_hint = false} : vector<1000x128xbf16>, vector<128x256xbf16>, vector<1000x256xf32> -> vector<1000x256xf32>
    %get3A_101 = arith.constant 0 : index
    %get3A_102 = arith.constant 2 : index
    %get3A_103 = arith.constant 0 : index
    %get3A_104 = arith.constant 0 : index
    %get3A_105 = vector.load %arg3[%get3A_101, %get3A_102, %get3A_103, %get3A_104] : memref<1x16x1000x128xbf16, #tpu.memory_space<vmem>>, vector<1x1x1000x128xbf16>
    %get3A_106 = vector.shape_cast %get3A_105 : vector<1x1x1000x128xbf16> to vector<1000x128xbf16>
    %get3A_107 = arith.constant 0 : index
    %get3A_108 = arith.constant 0 : index
    %get3A_109 = vector.load %arg9[%get3A_107, %get3A_108] : memref<1000x128xf32, #tpu.memory_space<vmem>>, vector<1000x128xf32>
    %slice3A_110 = vector.extract_strided_slice %dot_general3A_100 {offsets = [0, 0], sizes = [1000, 128], strides = [1, 1]} : vector<1000x256xf32> to vector<1000x128xf32>
    %add3A_111 = arith.addf %get3A_109, %slice3A_110 : vector<1000x128xf32>
    %convert_element_type3A_112 = arith.extf %get3A_106 : vector<1000x128xbf16> to vector<1000x128xf32>
    %add3A_113 = arith.addf %add3A_111, %convert_element_type3A_112 : vector<1000x128xf32>
    %convert_element_type3A_114 = arith.truncf %add3A_113 : vector<1000x128xf32> to vector<1000x128xbf16>
    %swap3A_115 = arith.constant 0 : index
    %swap3A_116 = arith.constant 1 : index
    %swap3A_117 = arith.constant 0 : index
    %swap3A_118 = arith.constant 0 : index
    %swap3A_119 = vector.load %arg7[%swap3A_115, %swap3A_116, %swap3A_117, %swap3A_118] : memref<1x8x1000x256xbf16, #tpu.memory_space<vmem>>, vector<1x1x1000x128xbf16>
    %swap3A_120 = vector.shape_cast %swap3A_119 : vector<1x1x1000x128xbf16> to vector<1000x128xbf16>
    %swap3A_121 = vector.shape_cast %convert_element_type3A_114 : vector<1000x128xbf16> to vector<1x1x1000x128xbf16>
    tpu.vector_store %arg7[%swap3A_115, %swap3A_116, %swap3A_117, %swap3A_118], %swap3A_121 {strides = array<i32>} : memref<1x8x1000x256xbf16, #tpu.memory_space<vmem>>, vector<1x1x1000x128xbf16>,
    %dot_general3A_122 = arith.constant dense<0.000000e+00> : vector<1x128xf32>
    %dot_general3A_123 = tpu.matmul %broadcast_in_dim3A_16, %convert_element_type3A_114, %dot_general3A_122 {dimension_numbers = #tpu.dot_dimension_numbers<[1], [0], [0], [1], [0, 0, 1, 1], [], []>, transpose_lhs_hint = false} : vector<1x1000xbf16>, vector<1000x128xbf16>, vector<1x128xf32> -> vector<1x128xf32>
    %add3A_124 = arith.addf %add3A_83, %dot_general3A_123 : vector<1x128xf32>
    %mul3A_125 = arith.mulf %add3A_113, %add3A_113 : vector<1000x128xf32>
    %convert_element_type3A_126 = arith.truncf %mul3A_125 : vector<1000x128xf32> to vector<1000x128xbf16>
    %dot_general3A_127 = arith.constant dense<0.000000e+00> : vector<1x128xf32>
    %dot_general3A_128 = tpu.matmul %broadcast_in_dim3A_16, %convert_element_type3A_126, %dot_general3A_127 {dimension_numbers = #tpu.dot_dimension_numbers<[1], [0], [0], [1], [0, 0, 1, 1], [], []>, transpose_lhs_hint = false} : vector<1x1000xbf16>, vector<1000x128xbf16>, vector<1x128xf32> -> vector<1x128xf32>
    %add3A_129 = arith.addf %add3A_88, %dot_general3A_128 : vector<1x128xf32>
    %get3A_130 = arith.constant 0 : index
    %get3A_131 = arith.constant 3 : index
    %get3A_132 = arith.constant 0 : index
    %get3A_133 = arith.constant 0 : index
    %get3A_134 = vector.load %arg3[%get3A_130, %get3A_131, %get3A_132, %get3A_133] : memref<1x16x1000x128xbf16, #tpu.memory_space<vmem>>, vector<1x1x1000x128xbf16>
    %get3A_135 = vector.shape_cast %get3A_134 : vector<1x1x1000x128xbf16> to vector<1000x128xbf16>
    %get3A_136 = arith.constant 0 : index
    %get3A_137 = arith.constant 0 : index
    %get3A_138 = vector.load %arg9[%get3A_136, %get3A_137] : memref<1000x128xf32, #tpu.memory_space<vmem>>, vector<1000x128xf32>
    %slice3A_139 = vector.extract_strided_slice %dot_general3A_100 {offsets = [0, 128], sizes = [1000, 128], strides = [1, 1]} : vector<1000x256xf32> to vector<1000x128xf32>
    %add3A_140 = arith.addf %get3A_138, %slice3A_139 : vector<1000x128xf32>
    %convert_element_type3A_141 = arith.extf %get3A_135 : vector<1000x128xbf16> to vector<1000x128xf32>
    %add3A_142 = arith.addf %add3A_140, %convert_element_type3A_141 : vector<1000x128xf32>
    %convert_element_type3A_143 = arith.truncf %add3A_142 : vector<1000x128xf32> to vector<1000x128xbf16>
    %swap3A_144 = arith.constant 0 : index
    %swap3A_145 = arith.constant 1 : index
    %swap3A_146 = arith.constant 0 : index
    %swap3A_147 = arith.constant 128 : index
    %swap3A_148 = vector.load %arg7[%swap3A_144, %swap3A_145, %swap3A_146, %swap3A_147] : memref<1x8x1000x256xbf16, #tpu.memory_space<vmem>>, vector<1x1x1000x128xbf16>
    %swap3A_149 = vector.shape_cast %swap3A_148 : vector<1x1x1000x128xbf16> to vector<1000x128xbf16>
    %swap3A_150 = vector.shape_cast %convert_element_type3A_143 : vector<1000x128xbf16> to vector<1x1x1000x128xbf16>
    tpu.vector_store %arg7[%swap3A_144, %swap3A_145, %swap3A_146, %swap3A_147], %swap3A_150 {strides = array<i32>} : memref<1x8x1000x256xbf16, #tpu.memory_space<vmem>>, vector<1x1x1000x128xbf16>,
    %dot_general3A_151 = arith.constant dense<0.000000e+00> : vector<1x128xf32>
    %dot_general3A_152 = tpu.matmul %broadcast_in_dim3A_16, %convert_element_type3A_143, %dot_general3A_151 {dimension_numbers = #tpu.dot_dimension_numbers<[1], [0], [0], [1], [0, 0, 1, 1], [], []>, transpose_lhs_hint = false} : vector<1x1000xbf16>, vector<1000x128xbf16>, vector<1x128xf32> -> vector<1x128xf32>
    %add3A_153 = arith.addf %add3A_124, %dot_general3A_152 : vector<1x128xf32>
    %mul3A_154 = arith.mulf %add3A_142, %add3A_142 : vector<1000x128xf32>
    %convert_element_type3A_155 = arith.truncf %mul3A_154 : vector<1000x128xf32> to vector<1000x128xbf16>
    %dot_general3A_156 = arith.constant dense<0.000000e+00> : vector<1x128xf32>
    %dot_general3A_157 = tpu.matmul %broadcast_in_dim3A_16, %convert_element_type3A_155, %dot_general3A_156 {dimension_numbers = #tpu.dot_dimension_numbers<[1], [0], [0], [1], [0, 0, 1, 1], [], []>, transpose_lhs_hint = false} : vector<1x1000xbf16>, vector<1000x128xbf16>, vector<1x128xf32> -> vector<1x128xf32>
    %add3A_158 = arith.addf %add3A_129, %dot_general3A_157 : vector<1x128xf32>
    %get3A_159 = arith.constant 0 : index
    %get3A_160 = arith.constant 2 : index
    %get3A_161 = arith.constant 0 : index
    %get3A_162 = arith.constant 0 : index
    %get3A_163 = vector.load %arg1[%get3A_159, %get3A_160, %get3A_161, %get3A_162] : memref<1x8x1000x128xf32, #tpu.memory_space<vmem>>, vector<1x1x1000x128xf32>
    %get3A_164 = vector.shape_cast %get3A_163 : vector<1x1x1000x128xf32> to vector<1000x128xf32>
    %convert_element_type3A_165 = arith.truncf %get3A_164 : vector<1000x128xf32> to vector<1000x128xbf16>
    %get3A_166 = arith.constant 0 : index
    %get3A_167 = arith.constant 0 : index
    %get3A_168 = vector.load %arg4[%get3A_166, %get3A_167] : memref<128x256xbf16, #tpu.memory_space<vmem>>, vector<128x256xbf16>
    %dot_general3A_169 = arith.constant dense<0.000000e+00> : vector<1000x256xf32>
    %dot_general3A_170 = tpu.matmul %convert_element_type3A_165, %get3A_168, %dot_general3A_169 {dimension_numbers = #tpu.dot_dimension_numbers<[1], [0], [0], [1], [0, 0, 1, 1], [], []>, transpose_lhs_hint = false} : vector<1000x128xbf16>, vector<128x256xbf16>, vector<1000x256xf32> -> vector<1000x256xf32>
    %get3A_171 = arith.constant 0 : index
    %get3A_172 = arith.constant 4 : index
    %get3A_173 = arith.constant 0 : index
    %get3A_174 = arith.constant 0 : index
    %get3A_175 = vector.load %arg3[%get3A_171, %get3A_172, %get3A_173, %get3A_174] : memref<1x16x1000x128xbf16, #tpu.memory_space<vmem>>, vector<1x1x1000x128xbf16>
    %get3A_176 = vector.shape_cast %get3A_175 : vector<1x1x1000x128xbf16> to vector<1000x128xbf16>
    %get3A_177 = arith.constant 0 : index
    %get3A_178 = arith.constant 0 : index
    %get3A_179 = vector.load %arg9[%get3A_177, %get3A_178] : memref<1000x128xf32, #tpu.memory_space<vmem>>, vector<1000x128xf32>
    %slice3A_180 = vector.extract_strided_slice %dot_general3A_170 {offsets = [0, 0], sizes = [1000, 128], strides = [1, 1]} : vector<1000x256xf32> to vector<1000x128xf32>
    %add3A_181 = arith.addf %get3A_179, %slice3A_180 : vector<1000x128xf32>
    %convert_element_type3A_182 = arith.extf %get3A_176 : vector<1000x128xbf16> to vector<1000x128xf32>
    %add3A_183 = arith.addf %add3A_181, %convert_element_type3A_182 : vector<1000x128xf32>
    %convert_element_type3A_184 = arith.truncf %add3A_183 : vector<1000x128xf32> to vector<1000x128xbf16>
    %swap3A_185 = arith.constant 0 : index
    %swap3A_186 = arith.constant 2 : index
    %swap3A_187 = arith.constant 0 : index
    %swap3A_188 = arith.constant 0 : index
    %swap3A_189 = vector.load %arg7[%swap3A_185, %swap3A_186, %swap3A_187, %swap3A_188] : memref<1x8x1000x256xbf16, #tpu.memory_space<vmem>>, vector<1x1x1000x128xbf16>
    %swap3A_190 = vector.shape_cast %swap3A_189 : vector<1x1x1000x128xbf16> to vector<1000x128xbf16>
    %swap3A_191 = vector.shape_cast %convert_element_type3A_184 : vector<1000x128xbf16> to vector<1x1x1000x128xbf16>
    tpu.vector_store %arg7[%swap3A_185, %swap3A_186, %swap3A_187, %swap3A_188], %swap3A_191 {strides = array<i32>} : memref<1x8x1000x256xbf16, #tpu.memory_space<vmem>>, vector<1x1x1000x128xbf16>,
    %dot_general3A_192 = arith.constant dense<0.000000e+00> : vector<1x128xf32>
    %dot_general3A_193 = tpu.matmul %broadcast_in_dim3A_16, %convert_element_type3A_184, %dot_general3A_192 {dimension_numbers = #tpu.dot_dimension_numbers<[1], [0], [0], [1], [0, 0, 1, 1], [], []>, transpose_lhs_hint = false} : vector<1x1000xbf16>, vector<1000x128xbf16>, vector<1x128xf32> -> vector<1x128xf32>
    %add3A_194 = arith.addf %add3A_153, %dot_general3A_193 : vector<1x128xf32>
    %mul3A_195 = arith.mulf %add3A_183, %add3A_183 : vector<1000x128xf32>
    %convert_element_type3A_196 = arith.truncf %mul3A_195 : vector<1000x128xf32> to vector<1000x128xbf16>
    %dot_general3A_197 = arith.constant dense<0.000000e+00> : vector<1x128xf32>
    %dot_general3A_198 = tpu.matmul %broadcast_in_dim3A_16, %convert_element_type3A_196, %dot_general3A_197 {dimension_numbers = #tpu.dot_dimension_numbers<[1], [0], [0], [1], [0, 0, 1, 1], [], []>, transpose_lhs_hint = false} : vector<1x1000xbf16>, vector<1000x128xbf16>, vector<1x128xf32> -> vector<1x128xf32>
    %add3A_199 = arith.addf %add3A_158, %dot_general3A_198 : vector<1x128xf32>
    %get3A_200 = arith.constant 0 : index
    %get3A_201 = arith.constant 5 : index
    %get3A_202 = arith.constant 0 : index
    %get3A_203 = arith.constant 0 : index
    %get3A_204 = vector.load %arg3[%get3A_200, %get3A_201, %get3A_202, %get3A_203] : memref<1x16x1000x128xbf16, #tpu.memory_space<vmem>>, vector<1x1x1000x128xbf16>
    %get3A_205 = vector.shape_cast %get3A_204 : vector<1x1x1000x128xbf16> to vector<1000x128xbf16>
    %get3A_206 = arith.constant 0 : index
    %get3A_207 = arith.constant 0 : index
    %get3A_208 = vector.load %arg9[%get3A_206, %get3A_207] : memref<1000x128xf32, #tpu.memory_space<vmem>>, vector<1000x128xf32>
    %slice3A_209 = vector.extract_strided_slice %dot_general3A_170 {offsets = [0, 128], sizes = [1000, 128], strides = [1, 1]} : vector<1000x256xf32> to vector<1000x128xf32>
    %add3A_210 = arith.addf %get3A_208, %slice3A_209 : vector<1000x128xf32>
    %convert_element_type3A_211 = arith.extf %get3A_205 : vector<1000x128xbf16> to vector<1000x128xf32>
    %add3A_212 = arith.addf %add3A_210, %convert_element_type3A_211 : vector<1000x128xf32>
    %convert_element_type3A_213 = arith.truncf %add3A_212 : vector<1000x128xf32> to vector<1000x128xbf16>
    %swap3A_214 = arith.constant 0 : index
    %swap3A_215 = arith.constant 2 : index
    %swap3A_216 = arith.constant 0 : index
    %swap3A_217 = arith.constant 128 : index
    %swap3A_218 = vector.load %arg7[%swap3A_214, %swap3A_215, %swap3A_216, %swap3A_217] : memref<1x8x1000x256xbf16, #tpu.memory_space<vmem>>, vector<1x1x1000x128xbf16>
    %swap3A_219 = vector.shape_cast %swap3A_218 : vector<1x1x1000x128xbf16> to vector<1000x128xbf16>
    %swap3A_220 = vector.shape_cast %convert_element_type3A_213 : vector<1000x128xbf16> to vector<1x1x1000x128xbf16>
    tpu.vector_store %arg7[%swap3A_214, %swap3A_215, %swap3A_216, %swap3A_217], %swap3A_220 {strides = array<i32>} : memref<1x8x1000x256xbf16, #tpu.memory_space<vmem>>, vector<1x1x1000x128xbf16>,
    %dot_general3A_221 = arith.constant dense<0.000000e+00> : vector<1x128xf32>
    %dot_general3A_222 = tpu.matmul %broadcast_in_dim3A_16, %convert_element_type3A_213, %dot_general3A_221 {dimension_numbers = #tpu.dot_dimension_numbers<[1], [0], [0], [1], [0, 0, 1, 1], [], []>, transpose_lhs_hint = false} : vector<1x1000xbf16>, vector<1000x128xbf16>, vector<1x128xf32> -> vector<1x128xf32>
    %add3A_223 = arith.addf %add3A_194, %dot_general3A_222 : vector<1x128xf32>
    %mul3A_224 = arith.mulf %add3A_212, %add3A_212 : vector<1000x128xf32>
    %convert_element_type3A_225 = arith.truncf %mul3A_224 : vector<1000x128xf32> to vector<1000x128xbf16>
    %dot_general3A_226 = arith.constant dense<0.000000e+00> : vector<1x128xf32>
    %dot_general3A_227 = tpu.matmul %broadcast_in_dim3A_16, %convert_element_type3A_225, %dot_general3A_226 {dimension_numbers = #tpu.dot_dimension_numbers<[1], [0], [0], [1], [0, 0, 1, 1], [], []>, transpose_lhs_hint = false} : vector<1x1000xbf16>, vector<1000x128xbf16>, vector<1x128xf32> -> vector<1x128xf32>
    %add3A_228 = arith.addf %add3A_199, %dot_general3A_227 : vector<1x128xf32>
    %get3A_229 = arith.constant 0 : index
    %get3A_230 = arith.constant 3 : index
    %get3A_231 = arith.constant 0 : index
    %get3A_232 = arith.constant 0 : index
    %get3A_233 = vector.load %arg1[%get3A_229, %get3A_230, %get3A_231, %get3A_232] : memref<1x8x1000x128xf32, #tpu.memory_space<vmem>>, vector<1x1x1000x128xf32>
    %get3A_234 = vector.shape_cast %get3A_233 : vector<1x1x1000x128xf32> to vector<1000x128xf32>
    %convert_element_type3A_235 = arith.truncf %get3A_234 : vector<1000x128xf32> to vector<1000x128xbf16>
    %get3A_236 = arith.constant 0 : index
    %get3A_237 = arith.constant 0 : index
    %get3A_238 = vector.load %arg4[%get3A_236, %get3A_237] : memref<128x256xbf16, #tpu.memory_space<vmem>>, vector<128x256xbf16>
    %dot_general3A_239 = arith.constant dense<0.000000e+00> : vector<1000x256xf32>
    %dot_general3A_240 = tpu.matmul %convert_element_type3A_235, %get3A_238, %dot_general3A_239 {dimension_numbers = #tpu.dot_dimension_numbers<[1], [0], [0], [1], [0, 0, 1, 1], [], []>, transpose_lhs_hint = false} : vector<1000x128xbf16>, vector<128x256xbf16>, vector<1000x256xf32> -> vector<1000x256xf32>
    %get3A_241 = arith.constant 0 : index
    %get3A_242 = arith.constant 6 : index
    %get3A_243 = arith.constant 0 : index
    %get3A_244 = arith.constant 0 : index
    %get3A_245 = vector.load %arg3[%get3A_241, %get3A_242, %get3A_243, %get3A_244] : memref<1x16x1000x128xbf16, #tpu.memory_space<vmem>>, vector<1x1x1000x128xbf16>
    %get3A_246 = vector.shape_cast %get3A_245 : vector<1x1x1000x128xbf16> to vector<1000x128xbf16>
    %get3A_247 = arith.constant 0 : index
    %get3A_248 = arith.constant 0 : index
    %get3A_249 = vector.load %arg9[%get3A_247, %get3A_248] : memref<1000x128xf32, #tpu.memory_space<vmem>>, vector<1000x128xf32>
    %slice3A_250 = vector.extract_strided_slice %dot_general3A_240 {offsets = [0, 0], sizes = [1000, 128], strides = [1, 1]} : vector<1000x256xf32> to vector<1000x128xf32>
    %add3A_251 = arith.addf %get3A_249, %slice3A_250 : vector<1000x128xf32>
    %convert_element_type3A_252 = arith.extf %get3A_246 : vector<1000x128xbf16> to vector<1000x128xf32>
    %add3A_253 = arith.addf %add3A_251, %convert_element_type3A_252 : vector<1000x128xf32>
    %convert_element_type3A_254 = arith.truncf %add3A_253 : vector<1000x128xf32> to vector<1000x128xbf16>
    %swap3A_255 = arith.constant 0 : index
    %swap3A_256 = arith.constant 3 : index
    %swap3A_257 = arith.constant 0 : index
    %swap3A_258 = arith.constant 0 : index
    %swap3A_259 = vector.load %arg7[%swap3A_255, %swap3A_256, %swap3A_257, %swap3A_258] : memref<1x8x1000x256xbf16, #tpu.memory_space<vmem>>, vector<1x1x1000x128xbf16>
    %swap3A_260 = vector.shape_cast %swap3A_259 : vector<1x1x1000x128xbf16> to vector<1000x128xbf16>
    %swap3A_261 = vector.shape_cast %convert_element_type3A_254 : vector<1000x128xbf16> to vector<1x1x1000x128xbf16>
    tpu.vector_store %arg7[%swap3A_255, %swap3A_256, %swap3A_257, %swap3A_258], %swap3A_261 {strides = array<i32>} : memref<1x8x1000x256xbf16, #tpu.memory_space<vmem>>, vector<1x1x1000x128xbf16>,
    %dot_general3A_262 = arith.constant dense<0.000000e+00> : vector<1x128xf32>
    %dot_general3A_263 = tpu.matmul %broadcast_in_dim3A_16, %convert_element_type3A_254, %dot_general3A_262 {dimension_numbers = #tpu.dot_dimension_numbers<[1], [0], [0], [1], [0, 0, 1, 1], [], []>, transpose_lhs_hint = false} : vector<1x1000xbf16>, vector<1000x128xbf16>, vector<1x128xf32> -> vector<1x128xf32>
    %add3A_264 = arith.addf %add3A_223, %dot_general3A_263 : vector<1x128xf32>
    %mul3A_265 = arith.mulf %add3A_253, %add3A_253 : vector<1000x128xf32>
    %convert_element_type3A_266 = arith.truncf %mul3A_265 : vector<1000x128xf32> to vector<1000x128xbf16>
    %dot_general3A_267 = arith.constant dense<0.000000e+00> : vector<1x128xf32>
    %dot_general3A_268 = tpu.matmul %broadcast_in_dim3A_16, %convert_element_type3A_266, %dot_general3A_267 {dimension_numbers = #tpu.dot_dimension_numbers<[1], [0], [0], [1], [0, 0, 1, 1], [], []>, transpose_lhs_hint = false} : vector<1x1000xbf16>, vector<1000x128xbf16>, vector<1x128xf32> -> vector<1x128xf32>
    %add3A_269 = arith.addf %add3A_228, %dot_general3A_268 : vector<1x128xf32>
    %get3A_270 = arith.constant 0 : index
    %get3A_271 = arith.constant 7 : index
    %get3A_272 = arith.constant 0 : index
    %get3A_273 = arith.constant 0 : index
    %get3A_274 = vector.load %arg3[%get3A_270, %get3A_271, %get3A_272, %get3A_273] : memref<1x16x1000x128xbf16, #tpu.memory_space<vmem>>, vector<1x1x1000x128xbf16>
    %get3A_275 = vector.shape_cast %get3A_274 : vector<1x1x1000x128xbf16> to vector<1000x128xbf16>
    %get3A_276 = arith.constant 0 : index
    %get3A_277 = arith.constant 0 : index
    %get3A_278 = vector.load %arg9[%get3A_276, %get3A_277] : memref<1000x128xf32, #tpu.memory_space<vmem>>, vector<1000x128xf32>
    %slice3A_279 = vector.extract_strided_slice %dot_general3A_240 {offsets = [0, 128], sizes = [1000, 128], strides = [1, 1]} : vector<1000x256xf32> to vector<1000x128xf32>
    %add3A_280 = arith.addf %get3A_278, %slice3A_279 : vector<1000x128xf32>
    %convert_element_type3A_281 = arith.extf %get3A_275 : vector<1000x128xbf16> to vector<1000x128xf32>
    %add3A_282 = arith.addf %add3A_280, %convert_element_type3A_281 : vector<1000x128xf32>
    %convert_element_type3A_283 = arith.truncf %add3A_282 : vector<1000x128xf32> to vector<1000x128xbf16>
    %swap3A_284 = arith.constant 0 : index
    %swap3A_285 = arith.constant 3 : index
    %swap3A_286 = arith.constant 0 : index
    %swap3A_287 = arith.constant 128 : index
    %swap3A_288 = vector.load %arg7[%swap3A_284, %swap3A_285, %swap3A_286, %swap3A_287] : memref<1x8x1000x256xbf16, #tpu.memory_space<vmem>>, vector<1x1x1000x128xbf16>
    %swap3A_289 = vector.shape_cast %swap3A_288 : vector<1x1x1000x128xbf16> to vector<1000x128xbf16>
    %swap3A_290 = vector.shape_cast %convert_element_type3A_283 : vector<1000x128xbf16> to vector<1x1x1000x128xbf16>
    tpu.vector_store %arg7[%swap3A_284, %swap3A_285, %swap3A_286, %swap3A_287], %swap3A_290 {strides = array<i32>} : memref<1x8x1000x256xbf16, #tpu.memory_space<vmem>>, vector<1x1x1000x128xbf16>,
    %dot_general3A_291 = arith.constant dense<0.000000e+00> : vector<1x128xf32>
    %dot_general3A_292 = tpu.matmul %broadcast_in_dim3A_16, %convert_element_type3A_283, %dot_general3A_291 {dimension_numbers = #tpu.dot_dimension_numbers<[1], [0], [0], [1], [0, 0, 1, 1], [], []>, transpose_lhs_hint = false} : vector<1x1000xbf16>, vector<1000x128xbf16>, vector<1x128xf32> -> vector<1x128xf32>
    %add3A_293 = arith.addf %add3A_264, %dot_general3A_292 : vector<1x128xf32>
    %mul3A_294 = arith.mulf %add3A_282, %add3A_282 : vector<1000x128xf32>
    %convert_element_type3A_295 = arith.truncf %mul3A_294 : vector<1000x128xf32> to vector<1000x128xbf16>
    %dot_general3A_296 = arith.constant dense<0.000000e+00> : vector<1x128xf32>
    %dot_general3A_297 = tpu.matmul %broadcast_in_dim3A_16, %convert_element_type3A_295, %dot_general3A_296 {dimension_numbers = #tpu.dot_dimension_numbers<[1], [0], [0], [1], [0, 0, 1, 1], [], []>, transpose_lhs_hint = false} : vector<1x1000xbf16>, vector<1000x128xbf16>, vector<1x128xf32> -> vector<1x128xf32>
    %add3A_298 = arith.addf %add3A_269, %dot_general3A_297 : vector<1x128xf32>
    %get3A_299 = arith.constant 0 : index
    %get3A_300 = arith.constant 4 : index
    %get3A_301 = arith.constant 0 : index
    %get3A_302 = arith.constant 0 : index
    %get3A_303 = vector.load %arg1[%get3A_299, %get3A_300, %get3A_301, %get3A_302] : memref<1x8x1000x128xf32, #tpu.memory_space<vmem>>, vector<1x1x1000x128xf32>
    %get3A_304 = vector.shape_cast %get3A_303 : vector<1x1x1000x128xf32> to vector<1000x128xf32>
    %convert_element_type3A_305 = arith.truncf %get3A_304 : vector<1000x128xf32> to vector<1000x128xbf16>
    %get3A_306 = arith.constant 0 : index
    %get3A_307 = arith.constant 0 : index
    %get3A_308 = vector.load %arg4[%get3A_306, %get3A_307] : memref<128x256xbf16, #tpu.memory_space<vmem>>, vector<128x256xbf16>
    %dot_general3A_309 = arith.constant dense<0.000000e+00> : vector<1000x256xf32>
    %dot_general3A_310 = tpu.matmul %convert_element_type3A_305, %get3A_308, %dot_general3A_309 {dimension_numbers = #tpu.dot_dimension_numbers<[1], [0], [0], [1], [0, 0, 1, 1], [], []>, transpose_lhs_hint = false} : vector<1000x128xbf16>, vector<128x256xbf16>, vector<1000x256xf32> -> vector<1000x256xf32>
    %get3A_311 = arith.constant 0 : index
    %get3A_312 = arith.constant 8 : index
    %get3A_313 = arith.constant 0 : index
    %get3A_314 = arith.constant 0 : index
    %get3A_315 = vector.load %arg3[%get3A_311, %get3A_312, %get3A_313, %get3A_314] : memref<1x16x1000x128xbf16, #tpu.memory_space<vmem>>, vector<1x1x1000x128xbf16>
    %get3A_316 = vector.shape_cast %get3A_315 : vector<1x1x1000x128xbf16> to vector<1000x128xbf16>
    %get3A_317 = arith.constant 0 : index
    %get3A_318 = arith.constant 0 : index
    %get3A_319 = vector.load %arg9[%get3A_317, %get3A_318] : memref<1000x128xf32, #tpu.memory_space<vmem>>, vector<1000x128xf32>
    %slice3A_320 = vector.extract_strided_slice %dot_general3A_310 {offsets = [0, 0], sizes = [1000, 128], strides = [1, 1]} : vector<1000x256xf32> to vector<1000x128xf32>
    %add3A_321 = arith.addf %get3A_319, %slice3A_320 : vector<1000x128xf32>
    %convert_element_type3A_322 = arith.extf %get3A_316 : vector<1000x128xbf16> to vector<1000x128xf32>
    %add3A_323 = arith.addf %add3A_321, %convert_element_type3A_322 : vector<1000x128xf32>
    %convert_element_type3A_324 = arith.truncf %add3A_323 : vector<1000x128xf32> to vector<1000x128xbf16>
    %swap3A_325 = arith.constant 0 : index
    %swap3A_326 = arith.constant 4 : index
    %swap3A_327 = arith.constant 0 : index
    %swap3A_328 = arith.constant 0 : index
    %swap3A_329 = vector.load %arg7[%swap3A_325, %swap3A_326, %swap3A_327, %swap3A_328] : memref<1x8x1000x256xbf16, #tpu.memory_space<vmem>>, vector<1x1x1000x128xbf16>
    %swap3A_330 = vector.shape_cast %swap3A_329 : vector<1x1x1000x128xbf16> to vector<1000x128xbf16>
    %swap3A_331 = vector.shape_cast %convert_element_type3A_324 : vector<1000x128xbf16> to vector<1x1x1000x128xbf16>
    tpu.vector_store %arg7[%swap3A_325, %swap3A_326, %swap3A_327, %swap3A_328], %swap3A_331 {strides = array<i32>} : memref<1x8x1000x256xbf16, #tpu.memory_space<vmem>>, vector<1x1x1000x128xbf16>,
    %dot_general3A_332 = arith.constant dense<0.000000e+00> : vector<1x128xf32>
    %dot_general3A_333 = tpu.matmul %broadcast_in_dim3A_16, %convert_element_type3A_324, %dot_general3A_332 {dimension_numbers = #tpu.dot_dimension_numbers<[1], [0], [0], [1], [0, 0, 1, 1], [], []>, transpose_lhs_hint = false} : vector<1x1000xbf16>, vector<1000x128xbf16>, vector<1x128xf32> -> vector<1x128xf32>
    %add3A_334 = arith.addf %add3A_293, %dot_general3A_333 : vector<1x128xf32>
    %mul3A_335 = arith.mulf %add3A_323, %add3A_323 : vector<1000x128xf32>
    %convert_element_type3A_336 = arith.truncf %mul3A_335 : vector<1000x128xf32> to vector<1000x128xbf16>
    %dot_general3A_337 = arith.constant dense<0.000000e+00> : vector<1x128xf32>
    %dot_general3A_338 = tpu.matmul %broadcast_in_dim3A_16, %convert_element_type3A_336, %dot_general3A_337 {dimension_numbers = #tpu.dot_dimension_numbers<[1], [0], [0], [1], [0, 0, 1, 1], [], []>, transpose_lhs_hint = false} : vector<1x1000xbf16>, vector<1000x128xbf16>, vector<1x128xf32> -> vector<1x128xf32>
    %add3A_339 = arith.addf %add3A_298, %dot_general3A_338 : vector<1x128xf32>
    %get3A_340 = arith.constant 0 : index
    %get3A_341 = arith.constant 9 : index
    %get3A_342 = arith.constant 0 : index
    %get3A_343 = arith.constant 0 : index
    %get3A_344 = vector.load %arg3[%get3A_340, %get3A_341, %get3A_342, %get3A_343] : memref<1x16x1000x128xbf16, #tpu.memory_space<vmem>>, vector<1x1x1000x128xbf16>
    %get3A_345 = vector.shape_cast %get3A_344 : vector<1x1x1000x128xbf16> to vector<1000x128xbf16>
    %get3A_346 = arith.constant 0 : index
    %get3A_347 = arith.constant 0 : index
    %get3A_348 = vector.load %arg9[%get3A_346, %get3A_347] : memref<1000x128xf32, #tpu.memory_space<vmem>>, vector<1000x128xf32>
    %slice3A_349 = vector.extract_strided_slice %dot_general3A_310 {offsets = [0, 128], sizes = [1000, 128], strides = [1, 1]} : vector<1000x256xf32> to vector<1000x128xf32>
    %add3A_350 = arith.addf %get3A_348, %slice3A_349 : vector<1000x128xf32>
    %convert_element_type3A_351 = arith.extf %get3A_345 : vector<1000x128xbf16> to vector<1000x128xf32>
    %add3A_352 = arith.addf %add3A_350, %convert_element_type3A_351 : vector<1000x128xf32>
    %convert_element_type3A_353 = arith.truncf %add3A_352 : vector<1000x128xf32> to vector<1000x128xbf16>
    %swap3A_354 = arith.constant 0 : index
    %swap3A_355 = arith.constant 4 : index
    %swap3A_356 = arith.constant 0 : index
    %swap3A_357 = arith.constant 128 : index
    %swap3A_358 = vector.load %arg7[%swap3A_354, %swap3A_355, %swap3A_356, %swap3A_357] : memref<1x8x1000x256xbf16, #tpu.memory_space<vmem>>, vector<1x1x1000x128xbf16>
    %swap3A_359 = vector.shape_cast %swap3A_358 : vector<1x1x1000x128xbf16> to vector<1000x128xbf16>
    %swap3A_360 = vector.shape_cast %convert_element_type3A_353 : vector<1000x128xbf16> to vector<1x1x1000x128xbf16>
    tpu.vector_store %arg7[%swap3A_354, %swap3A_355, %swap3A_356, %swap3A_357], %swap3A_360 {strides = array<i32>} : memref<1x8x1000x256xbf16, #tpu.memory_space<vmem>>, vector<1x1x1000x128xbf16>,
    %dot_general3A_361 = arith.constant dense<0.000000e+00> : vector<1x128xf32>
    %dot_general3A_362 = tpu.matmul %broadcast_in_dim3A_16, %convert_element_type3A_353, %dot_general3A_361 {dimension_numbers = #tpu.dot_dimension_numbers<[1], [0], [0], [1], [0, 0, 1, 1], [], []>, transpose_lhs_hint = false} : vector<1x1000xbf16>, vector<1000x128xbf16>, vector<1x128xf32> -> vector<1x128xf32>
    %add3A_363 = arith.addf %add3A_334, %dot_general3A_362 : vector<1x128xf32>
    %mul3A_364 = arith.mulf %add3A_352, %add3A_352 : vector<1000x128xf32>
    %convert_element_type3A_365 = arith.truncf %mul3A_364 : vector<1000x128xf32> to vector<1000x128xbf16>
    %dot_general3A_366 = arith.constant dense<0.000000e+00> : vector<1x128xf32>
    %dot_general3A_367 = tpu.matmul %broadcast_in_dim3A_16, %convert_element_type3A_365, %dot_general3A_366 {dimension_numbers = #tpu.dot_dimension_numbers<[1], [0], [0], [1], [0, 0, 1, 1], [], []>, transpose_lhs_hint = false} : vector<1x1000xbf16>, vector<1000x128xbf16>, vector<1x128xf32> -> vector<1x128xf32>
    %add3A_368 = arith.addf %add3A_339, %dot_general3A_367 : vector<1x128xf32>
    %get3A_369 = arith.constant 0 : index
    %get3A_370 = arith.constant 5 : index
    %get3A_371 = arith.constant 0 : index
    %get3A_372 = arith.constant 0 : index
    %get3A_373 = vector.load %arg1[%get3A_369, %get3A_370, %get3A_371, %get3A_372] : memref<1x8x1000x128xf32, #tpu.memory_space<vmem>>, vector<1x1x1000x128xf32>
    %get3A_374 = vector.shape_cast %get3A_373 : vector<1x1x1000x128xf32> to vector<1000x128xf32>
    %convert_element_type3A_375 = arith.truncf %get3A_374 : vector<1000x128xf32> to vector<1000x128xbf16>
    %get3A_376 = arith.constant 0 : index
    %get3A_377 = arith.constant 0 : index
    %get3A_378 = vector.load %arg4[%get3A_376, %get3A_377] : memref<128x256xbf16, #tpu.memory_space<vmem>>, vector<128x256xbf16>
    %dot_general3A_379 = arith.constant dense<0.000000e+00> : vector<1000x256xf32>
    %dot_general3A_380 = tpu.matmul %convert_element_type3A_375, %get3A_378, %dot_general3A_379 {dimension_numbers = #tpu.dot_dimension_numbers<[1], [0], [0], [1], [0, 0, 1, 1], [], []>, transpose_lhs_hint = false} : vector<1000x128xbf16>, vector<128x256xbf16>, vector<1000x256xf32> -> vector<1000x256xf32>
    %get3A_381 = arith.constant 0 : index
    %get3A_382 = arith.constant 10 : index
    %get3A_383 = arith.constant 0 : index
    %get3A_384 = arith.constant 0 : index
    %get3A_385 = vector.load %arg3[%get3A_381, %get3A_382, %get3A_383, %get3A_384] : memref<1x16x1000x128xbf16, #tpu.memory_space<vmem>>, vector<1x1x1000x128xbf16>
    %get3A_386 = vector.shape_cast %get3A_385 : vector<1x1x1000x128xbf16> to vector<1000x128xbf16>
    %get3A_387 = arith.constant 0 : index
    %get3A_388 = arith.constant 0 : index
    %get3A_389 = vector.load %arg9[%get3A_387, %get3A_388] : memref<1000x128xf32, #tpu.memory_space<vmem>>, vector<1000x128xf32>
    %slice3A_390 = vector.extract_strided_slice %dot_general3A_380 {offsets = [0, 0], sizes = [1000, 128], strides = [1, 1]} : vector<1000x256xf32> to vector<1000x128xf32>
    %add3A_391 = arith.addf %get3A_389, %slice3A_390 : vector<1000x128xf32>
    %convert_element_type3A_392 = arith.extf %get3A_386 : vector<1000x128xbf16> to vector<1000x128xf32>
    %add3A_393 = arith.addf %add3A_391, %convert_element_type3A_392 : vector<1000x128xf32>
    %convert_element_type3A_394 = arith.truncf %add3A_393 : vector<1000x128xf32> to vector<1000x128xbf16>
    %swap3A_395 = arith.constant 0 : index
    %swap3A_396 = arith.constant 5 : index
    %swap3A_397 = arith.constant 0 : index
    %swap3A_398 = arith.constant 0 : index
    %swap3A_399 = vector.load %arg7[%swap3A_395, %swap3A_396, %swap3A_397, %swap3A_398] : memref<1x8x1000x256xbf16, #tpu.memory_space<vmem>>, vector<1x1x1000x128xbf16>
    %swap3A_400 = vector.shape_cast %swap3A_399 : vector<1x1x1000x128xbf16> to vector<1000x128xbf16>
    %swap3A_401 = vector.shape_cast %convert_element_type3A_394 : vector<1000x128xbf16> to vector<1x1x1000x128xbf16>
    tpu.vector_store %arg7[%swap3A_395, %swap3A_396, %swap3A_397, %swap3A_398], %swap3A_401 {strides = array<i32>} : memref<1x8x1000x256xbf16, #tpu.memory_space<vmem>>, vector<1x1x1000x128xbf16>,
    %dot_general3A_402 = arith.constant dense<0.000000e+00> : vector<1x128xf32>
    %dot_general3A_403 = tpu.matmul %broadcast_in_dim3A_16, %convert_element_type3A_394, %dot_general3A_402 {dimension_numbers = #tpu.dot_dimension_numbers<[1], [0], [0], [1], [0, 0, 1, 1], [], []>, transpose_lhs_hint = false} : vector<1x1000xbf16>, vector<1000x128xbf16>, vector<1x128xf32> -> vector<1x128xf32>
    %add3A_404 = arith.addf %add3A_363, %dot_general3A_403 : vector<1x128xf32>
    %mul3A_405 = arith.mulf %add3A_393, %add3A_393 : vector<1000x128xf32>
    %convert_element_type3A_406 = arith.truncf %mul3A_405 : vector<1000x128xf32> to vector<1000x128xbf16>
    %dot_general3A_407 = arith.constant dense<0.000000e+00> : vector<1x128xf32>
    %dot_general3A_408 = tpu.matmul %broadcast_in_dim3A_16, %convert_element_type3A_406, %dot_general3A_407 {dimension_numbers = #tpu.dot_dimension_numbers<[1], [0], [0], [1], [0, 0, 1, 1], [], []>, transpose_lhs_hint = false} : vector<1x1000xbf16>, vector<1000x128xbf16>, vector<1x128xf32> -> vector<1x128xf32>
    %add3A_409 = arith.addf %add3A_368, %dot_general3A_408 : vector<1x128xf32>
    %get3A_410 = arith.constant 0 : index
    %get3A_411 = arith.constant 11 : index
    %get3A_412 = arith.constant 0 : index
    %get3A_413 = arith.constant 0 : index
    %get3A_414 = vector.load %arg3[%get3A_410, %get3A_411, %get3A_412, %get3A_413] : memref<1x16x1000x128xbf16, #tpu.memory_space<vmem>>, vector<1x1x1000x128xbf16>
    %get3A_415 = vector.shape_cast %get3A_414 : vector<1x1x1000x128xbf16> to vector<1000x128xbf16>
    %get3A_416 = arith.constant 0 : index
    %get3A_417 = arith.constant 0 : index
    %get3A_418 = vector.load %arg9[%get3A_416, %get3A_417] : memref<1000x128xf32, #tpu.memory_space<vmem>>, vector<1000x128xf32>
    %slice3A_419 = vector.extract_strided_slice %dot_general3A_380 {offsets = [0, 128], sizes = [1000, 128], strides = [1, 1]} : vector<1000x256xf32> to vector<1000x128xf32>
    %add3A_420 = arith.addf %get3A_418, %slice3A_419 : vector<1000x128xf32>
    %convert_element_type3A_421 = arith.extf %get3A_415 : vector<1000x128xbf16> to vector<1000x128xf32>
    %add3A_422 = arith.addf %add3A_420, %convert_element_type3A_421 : vector<1000x128xf32>
    %convert_element_type3A_423 = arith.truncf %add3A_422 : vector<1000x128xf32> to vector<1000x128xbf16>
    %swap3A_424 = arith.constant 0 : index
    %swap3A_425 = arith.constant 5 : index
    %swap3A_426 = arith.constant 0 : index
    %swap3A_427 = arith.constant 128 : index
    %swap3A_428 = vector.load %arg7[%swap3A_424, %swap3A_425, %swap3A_426, %swap3A_427] : memref<1x8x1000x256xbf16, #tpu.memory_space<vmem>>, vector<1x1x1000x128xbf16>
    %swap3A_429 = vector.shape_cast %swap3A_428 : vector<1x1x1000x128xbf16> to vector<1000x128xbf16>
    %swap3A_430 = vector.shape_cast %convert_element_type3A_423 : vector<1000x128xbf16> to vector<1x1x1000x128xbf16>
    tpu.vector_store %arg7[%swap3A_424, %swap3A_425, %swap3A_426, %swap3A_427], %swap3A_430 {strides = array<i32>} : memref<1x8x1000x256xbf16, #tpu.memory_space<vmem>>, vector<1x1x1000x128xbf16>,
    %dot_general3A_431 = arith.constant dense<0.000000e+00> : vector<1x128xf32>
    %dot_general3A_432 = tpu.matmul %broadcast_in_dim3A_16, %convert_element_type3A_423, %dot_general3A_431 {dimension_numbers = #tpu.dot_dimension_numbers<[1], [0], [0], [1], [0, 0, 1, 1], [], []>, transpose_lhs_hint = false} : vector<1x1000xbf16>, vector<1000x128xbf16>, vector<1x128xf32> -> vector<1x128xf32>
    %add3A_433 = arith.addf %add3A_404, %dot_general3A_432 : vector<1x128xf32>
    %mul3A_434 = arith.mulf %add3A_422, %add3A_422 : vector<1000x128xf32>
    %convert_element_type3A_435 = arith.truncf %mul3A_434 : vector<1000x128xf32> to vector<1000x128xbf16>
    %dot_general3A_436 = arith.constant dense<0.000000e+00> : vector<1x128xf32>
    %dot_general3A_437 = tpu.matmul %broadcast_in_dim3A_16, %convert_element_type3A_435, %dot_general3A_436 {dimension_numbers = #tpu.dot_dimension_numbers<[1], [0], [0], [1], [0, 0, 1, 1], [], []>, transpose_lhs_hint = false} : vector<1x1000xbf16>, vector<1000x128xbf16>, vector<1x128xf32> -> vector<1x128xf32>
    %add3A_438 = arith.addf %add3A_409, %dot_general3A_437 : vector<1x128xf32>
    %get3A_439 = arith.constant 0 : index
    %get3A_440 = arith.constant 6 : index
    %get3A_441 = arith.constant 0 : index
    %get3A_442 = arith.constant 0 : index
    %get3A_443 = vector.load %arg1[%get3A_439, %get3A_440, %get3A_441, %get3A_442] : memref<1x8x1000x128xf32, #tpu.memory_space<vmem>>, vector<1x1x1000x128xf32>
    %get3A_444 = vector.shape_cast %get3A_443 : vector<1x1x1000x128xf32> to vector<1000x128xf32>
    %convert_element_type3A_445 = arith.truncf %get3A_444 : vector<1000x128xf32> to vector<1000x128xbf16>
    %get3A_446 = arith.constant 0 : index
    %get3A_447 = arith.constant 0 : index
    %get3A_448 = vector.load %arg4[%get3A_446, %get3A_447] : memref<128x256xbf16, #tpu.memory_space<vmem>>, vector<128x256xbf16>
    %dot_general3A_449 = arith.constant dense<0.000000e+00> : vector<1000x256xf32>
    %dot_general3A_450 = tpu.matmul %convert_element_type3A_445, %get3A_448, %dot_general3A_449 {dimension_numbers = #tpu.dot_dimension_numbers<[1], [0], [0], [1], [0, 0, 1, 1], [], []>, transpose_lhs_hint = false} : vector<1000x128xbf16>, vector<128x256xbf16>, vector<1000x256xf32> -> vector<1000x256xf32>
    %get3A_451 = arith.constant 0 : index
    %get3A_452 = arith.constant 12 : index
    %get3A_453 = arith.constant 0 : index
    %get3A_454 = arith.constant 0 : index
    %get3A_455 = vector.load %arg3[%get3A_451, %get3A_452, %get3A_453, %get3A_454] : memref<1x16x1000x128xbf16, #tpu.memory_space<vmem>>, vector<1x1x1000x128xbf16>
    %get3A_456 = vector.shape_cast %get3A_455 : vector<1x1x1000x128xbf16> to vector<1000x128xbf16>
    %get3A_457 = arith.constant 0 : index
    %get3A_458 = arith.constant 0 : index
    %get3A_459 = vector.load %arg9[%get3A_457, %get3A_458] : memref<1000x128xf32, #tpu.memory_space<vmem>>, vector<1000x128xf32>
    %slice3A_460 = vector.extract_strided_slice %dot_general3A_450 {offsets = [0, 0], sizes = [1000, 128], strides = [1, 1]} : vector<1000x256xf32> to vector<1000x128xf32>
    %add3A_461 = arith.addf %get3A_459, %slice3A_460 : vector<1000x128xf32>
    %convert_element_type3A_462 = arith.extf %get3A_456 : vector<1000x128xbf16> to vector<1000x128xf32>
    %add3A_463 = arith.addf %add3A_461, %convert_element_type3A_462 : vector<1000x128xf32>
    %convert_element_type3A_464 = arith.truncf %add3A_463 : vector<1000x128xf32> to vector<1000x128xbf16>
    %swap3A_465 = arith.constant 0 : index
    %swap3A_466 = arith.constant 6 : index
    %swap3A_467 = arith.constant 0 : index
    %swap3A_468 = arith.constant 0 : index
    %swap3A_469 = vector.load %arg7[%swap3A_465, %swap3A_466, %swap3A_467, %swap3A_468] : memref<1x8x1000x256xbf16, #tpu.memory_space<vmem>>, vector<1x1x1000x128xbf16>
    %swap3A_470 = vector.shape_cast %swap3A_469 : vector<1x1x1000x128xbf16> to vector<1000x128xbf16>
    %swap3A_471 = vector.shape_cast %convert_element_type3A_464 : vector<1000x128xbf16> to vector<1x1x1000x128xbf16>
    tpu.vector_store %arg7[%swap3A_465, %swap3A_466, %swap3A_467, %swap3A_468], %swap3A_471 {strides = array<i32>} : memref<1x8x1000x256xbf16, #tpu.memory_space<vmem>>, vector<1x1x1000x128xbf16>,
    %dot_general3A_472 = arith.constant dense<0.000000e+00> : vector<1x128xf32>
    %dot_general3A_473 = tpu.matmul %broadcast_in_dim3A_16, %convert_element_type3A_464, %dot_general3A_472 {dimension_numbers = #tpu.dot_dimension_numbers<[1], [0], [0], [1], [0, 0, 1, 1], [], []>, transpose_lhs_hint = false} : vector<1x1000xbf16>, vector<1000x128xbf16>, vector<1x128xf32> -> vector<1x128xf32>
    %add3A_474 = arith.addf %add3A_433, %dot_general3A_473 : vector<1x128xf32>
    %mul3A_475 = arith.mulf %add3A_463, %add3A_463 : vector<1000x128xf32>
    %convert_element_type3A_476 = arith.truncf %mul3A_475 : vector<1000x128xf32> to vector<1000x128xbf16>
    %dot_general3A_477 = arith.constant dense<0.000000e+00> : vector<1x128xf32>
    %dot_general3A_478 = tpu.matmul %broadcast_in_dim3A_16, %convert_element_type3A_476, %dot_general3A_477 {dimension_numbers = #tpu.dot_dimension_numbers<[1], [0], [0], [1], [0, 0, 1, 1], [], []>, transpose_lhs_hint = false} : vector<1x1000xbf16>, vector<1000x128xbf16>, vector<1x128xf32> -> vector<1x128xf32>
    %add3A_479 = arith.addf %add3A_438, %dot_general3A_478 : vector<1x128xf32>
    %get3A_480 = arith.constant 0 : index
    %get3A_481 = arith.constant 13 : index
    %get3A_482 = arith.constant 0 : index
    %get3A_483 = arith.constant 0 : index
    %get3A_484 = vector.load %arg3[%get3A_480, %get3A_481, %get3A_482, %get3A_483] : memref<1x16x1000x128xbf16, #tpu.memory_space<vmem>>, vector<1x1x1000x128xbf16>
    %get3A_485 = vector.shape_cast %get3A_484 : vector<1x1x1000x128xbf16> to vector<1000x128xbf16>
    %get3A_486 = arith.constant 0 : index
    %get3A_487 = arith.constant 0 : index
    %get3A_488 = vector.load %arg9[%get3A_486, %get3A_487] : memref<1000x128xf32, #tpu.memory_space<vmem>>, vector<1000x128xf32>
    %slice3A_489 = vector.extract_strided_slice %dot_general3A_450 {offsets = [0, 128], sizes = [1000, 128], strides = [1, 1]} : vector<1000x256xf32> to vector<1000x128xf32>
    %add3A_490 = arith.addf %get3A_488, %slice3A_489 : vector<1000x128xf32>
    %convert_element_type3A_491 = arith.extf %get3A_485 : vector<1000x128xbf16> to vector<1000x128xf32>
    %add3A_492 = arith.addf %add3A_490, %convert_element_type3A_491 : vector<1000x128xf32>
    %convert_element_type3A_493 = arith.truncf %add3A_492 : vector<1000x128xf32> to vector<1000x128xbf16>
    %swap3A_494 = arith.constant 0 : index
    %swap3A_495 = arith.constant 6 : index
    %swap3A_496 = arith.constant 0 : index
    %swap3A_497 = arith.constant 128 : index
    %swap3A_498 = vector.load %arg7[%swap3A_494, %swap3A_495, %swap3A_496, %swap3A_497] : memref<1x8x1000x256xbf16, #tpu.memory_space<vmem>>, vector<1x1x1000x128xbf16>
    %swap3A_499 = vector.shape_cast %swap3A_498 : vector<1x1x1000x128xbf16> to vector<1000x128xbf16>
    %swap3A_500 = vector.shape_cast %convert_element_type3A_493 : vector<1000x128xbf16> to vector<1x1x1000x128xbf16>
    tpu.vector_store %arg7[%swap3A_494, %swap3A_495, %swap3A_496, %swap3A_497], %swap3A_500 {strides = array<i32>} : memref<1x8x1000x256xbf16, #tpu.memory_space<vmem>>, vector<1x1x1000x128xbf16>,
    %dot_general3A_501 = arith.constant dense<0.000000e+00> : vector<1x128xf32>
    %dot_general3A_502 = tpu.matmul %broadcast_in_dim3A_16, %convert_element_type3A_493, %dot_general3A_501 {dimension_numbers = #tpu.dot_dimension_numbers<[1], [0], [0], [1], [0, 0, 1, 1], [], []>, transpose_lhs_hint = false} : vector<1x1000xbf16>, vector<1000x128xbf16>, vector<1x128xf32> -> vector<1x128xf32>
    %add3A_503 = arith.addf %add3A_474, %dot_general3A_502 : vector<1x128xf32>
    %mul3A_504 = arith.mulf %add3A_492, %add3A_492 : vector<1000x128xf32>
    %convert_element_type3A_505 = arith.truncf %mul3A_504 : vector<1000x128xf32> to vector<1000x128xbf16>
    %dot_general3A_506 = arith.constant dense<0.000000e+00> : vector<1x128xf32>
    %dot_general3A_507 = tpu.matmul %broadcast_in_dim3A_16, %convert_element_type3A_505, %dot_general3A_506 {dimension_numbers = #tpu.dot_dimension_numbers<[1], [0], [0], [1], [0, 0, 1, 1], [], []>, transpose_lhs_hint = false} : vector<1x1000xbf16>, vector<1000x128xbf16>, vector<1x128xf32> -> vector<1x128xf32>
    %add3A_508 = arith.addf %add3A_479, %dot_general3A_507 : vector<1x128xf32>
    %get3A_509 = arith.constant 0 : index
    %get3A_510 = arith.constant 7 : index
    %get3A_511 = arith.constant 0 : index
    %get3A_512 = arith.constant 0 : index
    %get3A_513 = vector.load %arg1[%get3A_509, %get3A_510, %get3A_511, %get3A_512] : memref<1x8x1000x128xf32, #tpu.memory_space<vmem>>, vector<1x1x1000x128xf32>
    %get3A_514 = vector.shape_cast %get3A_513 : vector<1x1x1000x128xf32> to vector<1000x128xf32>
    %convert_element_type3A_515 = arith.truncf %get3A_514 : vector<1000x128xf32> to vector<1000x128xbf16>
    %get3A_516 = arith.constant 0 : index
    %get3A_517 = arith.constant 0 : index
    %get3A_518 = vector.load %arg4[%get3A_516, %get3A_517] : memref<128x256xbf16, #tpu.memory_space<vmem>>, vector<128x256xbf16>
    %dot_general3A_519 = arith.constant dense<0.000000e+00> : vector<1000x256xf32>
    %dot_general3A_520 = tpu.matmul %convert_element_type3A_515, %get3A_518, %dot_general3A_519 {dimension_numbers = #tpu.dot_dimension_numbers<[1], [0], [0], [1], [0, 0, 1, 1], [], []>, transpose_lhs_hint = false} : vector<1000x128xbf16>, vector<128x256xbf16>, vector<1000x256xf32> -> vector<1000x256xf32>
    %get3A_521 = arith.constant 0 : index
    %get3A_522 = arith.constant 14 : index
    %get3A_523 = arith.constant 0 : index
    %get3A_524 = arith.constant 0 : index
    %get3A_525 = vector.load %arg3[%get3A_521, %get3A_522, %get3A_523, %get3A_524] : memref<1x16x1000x128xbf16, #tpu.memory_space<vmem>>, vector<1x1x1000x128xbf16>
    %get3A_526 = vector.shape_cast %get3A_525 : vector<1x1x1000x128xbf16> to vector<1000x128xbf16>
    %get3A_527 = arith.constant 0 : index
    %get3A_528 = arith.constant 0 : index
    %get3A_529 = vector.load %arg9[%get3A_527, %get3A_528] : memref<1000x128xf32, #tpu.memory_space<vmem>>, vector<1000x128xf32>
    %slice3A_530 = vector.extract_strided_slice %dot_general3A_520 {offsets = [0, 0], sizes = [1000, 128], strides = [1, 1]} : vector<1000x256xf32> to vector<1000x128xf32>
    %add3A_531 = arith.addf %get3A_529, %slice3A_530 : vector<1000x128xf32>
    %convert_element_type3A_532 = arith.extf %get3A_526 : vector<1000x128xbf16> to vector<1000x128xf32>
    %add3A_533 = arith.addf %add3A_531, %convert_element_type3A_532 : vector<1000x128xf32>
    %convert_element_type3A_534 = arith.truncf %add3A_533 : vector<1000x128xf32> to vector<1000x128xbf16>
    %swap3A_535 = arith.constant 0 : index
    %swap3A_536 = arith.constant 7 : index
    %swap3A_537 = arith.constant 0 : index
    %swap3A_538 = arith.constant 0 : index
    %swap3A_539 = vector.load %arg7[%swap3A_535, %swap3A_536, %swap3A_537, %swap3A_538] : memref<1x8x1000x256xbf16, #tpu.memory_space<vmem>>, vector<1x1x1000x128xbf16>
    %swap3A_540 = vector.shape_cast %swap3A_539 : vector<1x1x1000x128xbf16> to vector<1000x128xbf16>
    %swap3A_541 = vector.shape_cast %convert_element_type3A_534 : vector<1000x128xbf16> to vector<1x1x1000x128xbf16>
    tpu.vector_store %arg7[%swap3A_535, %swap3A_536, %swap3A_537, %swap3A_538], %swap3A_541 {strides = array<i32>} : memref<1x8x1000x256xbf16, #tpu.memory_space<vmem>>, vector<1x1x1000x128xbf16>,
    %dot_general3A_542 = arith.constant dense<0.000000e+00> : vector<1x128xf32>
    %dot_general3A_543 = tpu.matmul %broadcast_in_dim3A_16, %convert_element_type3A_534, %dot_general3A_542 {dimension_numbers = #tpu.dot_dimension_numbers<[1], [0], [0], [1], [0, 0, 1, 1], [], []>, transpose_lhs_hint = false} : vector<1x1000xbf16>, vector<1000x128xbf16>, vector<1x128xf32> -> vector<1x128xf32>
    %add3A_544 = arith.addf %add3A_503, %dot_general3A_543 : vector<1x128xf32>
    %mul3A_545 = arith.mulf %add3A_533, %add3A_533 : vector<1000x128xf32>
    %convert_element_type3A_546 = arith.truncf %mul3A_545 : vector<1000x128xf32> to vector<1000x128xbf16>
    %dot_general3A_547 = arith.constant dense<0.000000e+00> : vector<1x128xf32>
    %dot_general3A_548 = tpu.matmul %broadcast_in_dim3A_16, %convert_element_type3A_546, %dot_general3A_547 {dimension_numbers = #tpu.dot_dimension_numbers<[1], [0], [0], [1], [0, 0, 1, 1], [], []>, transpose_lhs_hint = false} : vector<1x1000xbf16>, vector<1000x128xbf16>, vector<1x128xf32> -> vector<1x128xf32>
    %add3A_549 = arith.addf %add3A_508, %dot_general3A_548 : vector<1x128xf32>
    %get3A_550 = arith.constant 0 : index
    %get3A_551 = arith.constant 15 : index
    %get3A_552 = arith.constant 0 : index
    %get3A_553 = arith.constant 0 : index
    %get3A_554 = vector.load %arg3[%get3A_550, %get3A_551, %get3A_552, %get3A_553] : memref<1x16x1000x128xbf16, #tpu.memory_space<vmem>>, vector<1x1x1000x128xbf16>
    %get3A_555 = vector.shape_cast %get3A_554 : vector<1x1x1000x128xbf16> to vector<1000x128xbf16>
    %get3A_556 = arith.constant 0 : index
    %get3A_557 = arith.constant 0 : index
    %get3A_558 = vector.load %arg9[%get3A_556, %get3A_557] : memref<1000x128xf32, #tpu.memory_space<vmem>>, vector<1000x128xf32>
    %slice3A_559 = vector.extract_strided_slice %dot_general3A_520 {offsets = [0, 128], sizes = [1000, 128], strides = [1, 1]} : vector<1000x256xf32> to vector<1000x128xf32>
    %add3A_560 = arith.addf %get3A_558, %slice3A_559 : vector<1000x128xf32>
    %convert_element_type3A_561 = arith.extf %get3A_555 : vector<1000x128xbf16> to vector<1000x128xf32>
    %add3A_562 = arith.addf %add3A_560, %convert_element_type3A_561 : vector<1000x128xf32>
    %convert_element_type3A_563 = arith.truncf %add3A_562 : vector<1000x128xf32> to vector<1000x128xbf16>
    %swap3A_564 = arith.constant 0 : index
    %swap3A_565 = arith.constant 7 : index
    %swap3A_566 = arith.constant 0 : index
    %swap3A_567 = arith.constant 128 : index
    %swap3A_568 = vector.load %arg7[%swap3A_564, %swap3A_565, %swap3A_566, %swap3A_567] : memref<1x8x1000x256xbf16, #tpu.memory_space<vmem>>, vector<1x1x1000x128xbf16>
    %swap3A_569 = vector.shape_cast %swap3A_568 : vector<1x1x1000x128xbf16> to vector<1000x128xbf16>
    %swap3A_570 = vector.shape_cast %convert_element_type3A_563 : vector<1000x128xbf16> to vector<1x1x1000x128xbf16>
    tpu.vector_store %arg7[%swap3A_564, %swap3A_565, %swap3A_566, %swap3A_567], %swap3A_570 {strides = array<i32>} : memref<1x8x1000x256xbf16, #tpu.memory_space<vmem>>, vector<1x1x1000x128xbf16>,
    %dot_general3A_571 = arith.constant dense<0.000000e+00> : vector<1x128xf32>
    %dot_general3A_572 = tpu.matmul %broadcast_in_dim3A_16, %convert_element_type3A_563, %dot_general3A_571 {dimension_numbers = #tpu.dot_dimension_numbers<[1], [0], [0], [1], [0, 0, 1, 1], [], []>, transpose_lhs_hint = false} : vector<1x1000xbf16>, vector<1000x128xbf16>, vector<1x128xf32> -> vector<1x128xf32>
    %add3A_573 = arith.addf %add3A_544, %dot_general3A_572 : vector<1x128xf32>
    %mul3A_574 = arith.mulf %add3A_562, %add3A_562 : vector<1000x128xf32>
    %convert_element_type3A_575 = arith.truncf %mul3A_574 : vector<1000x128xf32> to vector<1000x128xbf16>
    %dot_general3A_576 = arith.constant dense<0.000000e+00> : vector<1x128xf32>
    %dot_general3A_577 = tpu.matmul %broadcast_in_dim3A_16, %convert_element_type3A_575, %dot_general3A_576 {dimension_numbers = #tpu.dot_dimension_numbers<[1], [0], [0], [1], [0, 0, 1, 1], [], []>, transpose_lhs_hint = false} : vector<1x1000xbf16>, vector<1000x128xbf16>, vector<1x128xf32> -> vector<1x128xf32>
    %add3A_578 = arith.addf %add3A_549, %dot_general3A_577 : vector<1x128xf32>
    %get3A_579 = arith.constant 0 : index
    %get3A_580 = arith.constant 0 : index
    %get3A_581 = vector.load %arg10[%get3A_579, %get3A_580] : memref<8x64xf32, #tpu.memory_space<vmem>>, vector<1x64xf32>
    %slice3A_582 = vector.extract_strided_slice %add3A_573 {offsets = [0, 0], sizes = [1, 64], strides = [1, 1]} : vector<1x128xf32> to vector<1x64xf32>
    %slice3A_583 = vector.extract_strided_slice %add3A_573 {offsets = [0, 64], sizes = [1, 64], strides = [1, 1]} : vector<1x128xf32> to vector<1x64xf32>
    %add3A_584 = arith.addf %slice3A_582, %slice3A_583 : vector<1x64xf32>
    %add3A_585 = arith.addf %get3A_581, %add3A_584 : vector<1x64xf32>
    %swap3A_586 = arith.constant 0 : index
    %swap3A_587 = arith.constant 0 : index
    %swap3A_588 = vector.load %arg10[%swap3A_586, %swap3A_587] : memref<8x64xf32, #tpu.memory_space<vmem>>, vector<1x64xf32>
    tpu.vector_store %arg10[%swap3A_586, %swap3A_587], %add3A_585 {strides = array<i32>} : memref<8x64xf32, #tpu.memory_space<vmem>>, vector<1x64xf32>,
    %get3A_589 = arith.constant 0 : index
    %get3A_590 = arith.constant 0 : index
    %get3A_591 = vector.load %arg11[%get3A_589, %get3A_590] : memref<8x64xf32, #tpu.memory_space<vmem>>, vector<1x64xf32>
    %slice3A_592 = vector.extract_strided_slice %add3A_578 {offsets = [0, 0], sizes = [1, 64], strides = [1, 1]} : vector<1x128xf32> to vector<1x64xf32>
    %slice3A_593 = vector.extract_strided_slice %add3A_578 {offsets = [0, 64], sizes = [1, 64], strides = [1, 1]} : vector<1x128xf32> to vector<1x64xf32>
    %add3A_594 = arith.addf %slice3A_592, %slice3A_593 : vector<1x64xf32>
    %add3A_595 = arith.addf %get3A_591, %add3A_594 : vector<1x64xf32>
    %swap3A_596 = arith.constant 0 : index
    %swap3A_597 = arith.constant 0 : index
    %swap3A_598 = vector.load %arg11[%swap3A_596, %swap3A_597] : memref<8x64xf32, #tpu.memory_space<vmem>>, vector<1x64xf32>
    tpu.vector_store %arg11[%swap3A_596, %swap3A_597], %add3A_595 {strides = array<i32>} : memref<8x64xf32, #tpu.memory_space<vmem>>, vector<1x64xf32>,
    %eq3A_599 = arith.constant 7 : i32
    %eq3A_600 = arith.cmpi eq, %arg0, %eq3A_599 : i32
    %convert_element_type3A_601 = arith.extui %eq3A_600 : i1 to i32
    %cond3A_602 = arith.constant 0 : i32
    %cond3A_603 = arith.cmpi ne, %convert_element_type3A_601, %cond3A_602 : i32
    scf.if %cond3A_603 {
      %get3A_604 = arith.constant 0 : index
      %get3A_605 = arith.constant 0 : index
      %get3A_606 = vector.load %arg10[%get3A_604, %get3A_605] : memref<8x64xf32, #tpu.memory_space<vmem>>, vector<1x64xf32>
      %swap3A_607 = arith.constant 0 : index
      %swap3A_608 = arith.constant 0 : index
      %swap3A_609 = vector.load %arg8[%swap3A_607, %swap3A_608] : memref<8x64xf32, #tpu.memory_space<vmem>>, vector<1x64xf32>
      tpu.vector_store %arg8[%swap3A_607, %swap3A_608], %get3A_606 {strides = array<i32>} : memref<8x64xf32, #tpu.memory_space<vmem>>, vector<1x64xf32>,
      %get3A_610 = arith.constant 0 : index
      %get3A_611 = arith.constant 0 : index
      %get3A_612 = vector.load %arg11[%get3A_610, %get3A_611] : memref<8x64xf32, #tpu.memory_space<vmem>>, vector<1x64xf32>
      %swap3A_613 = arith.constant 1 : index
      %swap3A_614 = arith.constant 0 : index
      %swap3A_615 = vector.load %arg8[%swap3A_613, %swap3A_614] : memref<8x64xf32, #tpu.memory_space<vmem>>, vector<1x64xf32>
      tpu.vector_store %arg8[%swap3A_613, %swap3A_614], %get3A_612 {strides = array<i32>} : memref<8x64xf32, #tpu.memory_space<vmem>>, vector<1x64xf32>,
      %broadcast_in_dim3A_616 = arith.constant 0.000000e+00 : f32
      %broadcast_in_dim3A_617 = vector.broadcast %broadcast_in_dim3A_616 : f32 to vector<6x64xf32>
      %swap3A_618 = arith.constant 2 : index
      %swap3A_619 = arith.constant 0 : index
      %swap3A_620 = vector.load %arg8[%swap3A_618, %swap3A_619] : memref<8x64xf32, #tpu.memory_space<vmem>>, vector<6x64xf32>
      tpu.vector_store %arg8[%swap3A_618, %swap3A_619], %broadcast_in_dim3A_617 {strides = array<i32>} : memref<8x64xf32, #tpu.memory_space<vmem>>, vector<6x64xf32>,
    } else {
    }
    return
  }
  func.func @transform_0(%arg0: i32) -> (i32, i32, i32, i32) {
    %c0_i32 = arith.constant 0 : i32
    %c0_i32_0 = arith.constant 0 : i32
    %c0_i32_1 = arith.constant 0 : i32
    %c0_i32_2 = arith.constant 0 : i32
    return %arg0, %c0_i32, %c0_i32_0, %c0_i32_1 : i32, i32, i32, i32
  }
  func.func @transform_1(%arg0: i32) -> (i32, i32, i32) {
    %c0_i32 = arith.constant 0 : i32
    %c0_i32_0 = arith.constant 0 : i32
    %c0_i32_1 = arith.constant 0 : i32
    return %arg0, %c0_i32, %c0_i32_0 : i32, i32, i32
  }
  func.func @transform_2(%arg0: i32) -> (i32, i32, i32, i32) {
    %c0_i32 = arith.constant 0 : i32
    %c0_i32_0 = arith.constant 0 : i32
    %c0_i32_1 = arith.constant 0 : i32
    %c0_i32_2 = arith.constant 0 : i32
    return %arg0, %c0_i32, %c0_i32_0, %c0_i32_1 : i32, i32, i32, i32
  }
  func.func @transform_3(%arg0: i32) -> (i32, i32) {
    %c0_i32 = arith.constant 0 : i32
    %c0_i32_0 = arith.constant 0 : i32
    %c0_i32_1 = arith.constant 0 : i32
    return %c0_i32, %c0_i32_0 : i32, i32
  }
  func.func @transform_4(%arg0: i32) -> (i32, i32) {
    %c0_i32 = arith.constant 0 : i32
    %c0_i32_0 = arith.constant 0 : i32
    %c0_i32_1 = arith.constant 0 : i32
    return %c0_i32, %c0_i32_0 : i32, i32
  }
  func.func @transform_5(%arg0: i32) -> (i32, i32) {
    %c0_i32 = arith.constant 0 : i32
    %c0_i32_0 = arith.constant 0 : i32
    %c0_i32_1 = arith.constant 0 : i32
    return %c0_i32, %c0_i32_0 : i32, i32
  }
  func.func @transform_6(%arg0: i32) -> (i32, i32, i32, i32) {
    %c0_i32 = arith.constant 0 : i32
    %c0_i32_0 = arith.constant 0 : i32
    %c0_i32_1 = arith.constant 0 : i32
    %c0_i32_2 = arith.constant 0 : i32
    return %arg0, %c0_i32, %c0_i32_0, %c0_i32_1 : i32, i32, i32, i32
  }
  func.func @transform_7(%arg0: i32) -> (i32, i32) {
    %c0_i32 = arith.constant 0 : i32
    %c0_i32_0 = arith.constant 0 : i32
    %c0_i32_1 = arith.constant 0 : i32
    return %c0_i32, %c0_i32_0 : i32, i32
  }
}

module attributes {stable_mosaic.version = 14 : i64} {
  func.func @body(%arg0: i32, %arg1: memref<1x8x1000x256xbf16, #tpu.memory_space<vmem>>, %arg2: memref<8x64xf32, #tpu.memory_space<vmem>>, %arg3: memref<1x64xf32, #tpu.memory_space<vmem>>, %arg4: memref<1x64xf32, #tpu.memory_space<vmem>>, %arg5: memref<1x1000x32xf32, #tpu.memory_space<vmem>>, %arg6: memref<8x32xf32, #tpu.memory_space<vmem>>, %arg7: memref<1000x32xf32, #tpu.memory_space<vmem>>, %arg8: memref<1000x32xf32, #tpu.memory_space<vmem>>) attributes {dimension_semantics = [#tpu.dimension_semantics<arbitrary>], iteration_bounds = array<i64: 8>, scalar_prefetch = 0 : i64, scratch_operands = 2 : i64, tpu.core_type = #tpu.core_type<tc>, window_params = [{transform_indices = @transform_0, window_bounds = array<i64: 1, 8, 1000, 256>}, {pipeline_mode = #tpu.pipeline_mode<synchronous>, transform_indices = @transform_1, window_bounds = array<i64: 8, 64>}, {pipeline_mode = #tpu.pipeline_mode<synchronous>, transform_indices = @transform_2, window_bounds = array<i64: 1, 64>}, {pipeline_mode = #tpu.pipeline_mode<synchronous>, transform_indices = @transform_3, window_bounds = array<i64: 1, 64>}, {transform_indices = @transform_4, window_bounds = array<i64: 1, 1000, 32>}, {pipeline_mode = #tpu.pipeline_mode<synchronous>, transform_indices = @transform_5, window_bounds = array<i64: 8, 32>}]} {
    %eq3A = arith.constant 0 : i32
    %eq3A_0 = arith.cmpi eq, %arg0, %eq3A : i32
    %convert_element_type3A = arith.extui %eq3A_0 : i1 to i32
    %cond3A = arith.constant 0 : i32
    %cond3A_1 = arith.cmpi ne, %convert_element_type3A, %cond3A : i32
    scf.if %cond3A_1 {
      %broadcast_in_dim3A_496 = arith.constant 0.000000e+00 : f32
      %broadcast_in_dim3A_497 = vector.broadcast %broadcast_in_dim3A_496 : f32 to vector<1000x32xf32>
      %swap3A_498 = arith.constant 0 : index
      %swap3A_499 = arith.constant 0 : index
      %swap3A_500 = vector.load %arg7[%swap3A_498, %swap3A_499] : memref<1000x32xf32, #tpu.memory_space<vmem>>, vector<1000x32xf32>
      tpu.vector_store %arg7[%swap3A_498, %swap3A_499], %broadcast_in_dim3A_497 {strides = array<i32>} : memref<1000x32xf32, #tpu.memory_space<vmem>>, vector<1000x32xf32>,
      %broadcast_in_dim3A_501 = arith.constant 0.000000e+00 : f32
      %broadcast_in_dim3A_502 = vector.broadcast %broadcast_in_dim3A_501 : f32 to vector<1000x32xf32>
      %swap3A_503 = arith.constant 0 : index
      %swap3A_504 = arith.constant 0 : index
      %swap3A_505 = vector.load %arg8[%swap3A_503, %swap3A_504] : memref<1000x32xf32, #tpu.memory_space<vmem>>, vector<1000x32xf32>
      tpu.vector_store %arg8[%swap3A_503, %swap3A_504], %broadcast_in_dim3A_502 {strides = array<i32>} : memref<1000x32xf32, #tpu.memory_space<vmem>>, vector<1000x32xf32>,
    } else {
    }
    %get3A = arith.constant 0 : index
    %get3A_2 = arith.constant 0 : index
    %get3A_3 = vector.load %arg2[%get3A, %get3A_2] : memref<8x64xf32, #tpu.memory_space<vmem>>, vector<1x64xf32>
    %get3A_4 = arith.constant 1 : index
    %get3A_5 = arith.constant 0 : index
    %get3A_6 = vector.load %arg2[%get3A_4, %get3A_5] : memref<8x64xf32, #tpu.memory_space<vmem>>, vector<1x64xf32>
    %mul3A = arith.constant 3.906250e-06 : f32
    %mul3A_7 = vector.broadcast %mul3A : f32 to vector<1x64xf32>
    %mul3A_8 = arith.mulf %get3A_3, %mul3A_7 : vector<1x64xf32>
    %mul3A_9 = arith.constant 3.906250e-06 : f32
    %mul3A_10 = vector.broadcast %mul3A_9 : f32 to vector<1x64xf32>
    %mul3A_11 = arith.mulf %get3A_6, %mul3A_10 : vector<1x64xf32>
    %mul3A_12 = arith.mulf %mul3A_8, %mul3A_8 : vector<1x64xf32>
    %sub3A = arith.subf %mul3A_11, %mul3A_12 : vector<1x64xf32>
    %get3A_13 = arith.constant 0 : index
    %get3A_14 = arith.constant 0 : index
    %get3A_15 = vector.load %arg3[%get3A_13, %get3A_14] : memref<1x64xf32, #tpu.memory_space<vmem>>, vector<1x64xf32>
    %add3A = arith.constant 9.99999974E-6 : f32
    %add3A_16 = vector.broadcast %add3A : f32 to vector<1x64xf32>
    %add3A_17 = arith.addf %sub3A, %add3A_16 : vector<1x64xf32>
    %rsqrt3A = math.rsqrt %add3A_17 : vector<1x64xf32>
    %mul3A_18 = arith.mulf %get3A_15, %rsqrt3A : vector<1x64xf32>
    %get3A_19 = arith.constant 0 : index
    %get3A_20 = arith.constant 0 : index
    %get3A_21 = vector.load %arg4[%get3A_19, %get3A_20] : memref<1x64xf32, #tpu.memory_space<vmem>>, vector<1x64xf32>
    %mul3A_22 = arith.mulf %mul3A_8, %mul3A_18 : vector<1x64xf32>
    %sub3A_23 = arith.subf %get3A_21, %mul3A_22 : vector<1x64xf32>
    %concatenate3A = tpu.concatenate %mul3A_18, %mul3A_18 in 1 : vector<1x64xf32>, vector<1x64xf32> -> vector<1x128xf32>
    %concatenate3A_24 = tpu.concatenate %sub3A_23, %sub3A_23 in 1 : vector<1x64xf32>, vector<1x64xf32> -> vector<1x128xf32>
    %broadcast_in_dim3A = arith.constant 0.000000e+00 : f32
    %broadcast_in_dim3A_25 = vector.broadcast %broadcast_in_dim3A : f32 to vector<1000x128xf32>
    %get3A_26 = arith.constant 0 : index
    %get3A_27 = arith.constant 0 : index
    %get3A_28 = arith.constant 0 : index
    %get3A_29 = arith.constant 0 : index
    %get3A_30 = vector.load %arg1[%get3A_26, %get3A_27, %get3A_28, %get3A_29] : memref<1x8x1000x256xbf16, #tpu.memory_space<vmem>>, vector<1x1x1000x128xbf16>
    %get3A_31 = vector.shape_cast %get3A_30 : vector<1x1x1000x128xbf16> to vector<1000x128xbf16>
    %convert_element_type3A_32 = arith.extf %get3A_31 : vector<1000x128xbf16> to vector<1000x128xf32>
    %mul3A_33 = vector.broadcast %concatenate3A : vector<1x128xf32> to vector<1000x128xf32>
    %mul3A_34 = arith.mulf %convert_element_type3A_32, %mul3A_33 : vector<1000x128xf32>
    %add3A_35 = vector.broadcast %concatenate3A_24 : vector<1x128xf32> to vector<1000x128xf32>
    %add3A_36 = arith.addf %mul3A_34, %add3A_35 : vector<1000x128xf32>
    %neg3A = arith.constant 0.000000e+00 : f32
    %neg3A_37 = vector.broadcast %neg3A : f32 to vector<1000x128xf32>
    %neg3A_38 = arith.subf %neg3A_37, %add3A_36 : vector<1000x128xf32>
    %exp3A = math.exp %neg3A_38 : vector<1000x128xf32>
    %add3A_39 = arith.constant 1.000000e+00 : f32
    %add3A_40 = vector.broadcast %add3A_39 : f32 to vector<1000x128xf32>
    %add3A_41 = arith.addf %add3A_40, %exp3A : vector<1000x128xf32>
    %div3A = arith.constant 1.000000e+00 : f32
    %div3A_42 = vector.broadcast %div3A : f32 to vector<1000x128xf32>
    %div3A_43 = arith.divf %div3A_42, %add3A_41 : vector<1000x128xf32>
    %max3A = arith.constant 0.000000e+00 : f32
    %max3A_44 = vector.broadcast %max3A : f32 to vector<1000x128xf32>
    %max3A_45 = arith.maximumf %add3A_36, %max3A_44 : vector<1000x128xf32>
    %roll3A = arith.constant 96 : i32
    %roll3A_46 = tpu.dynamic_rotate %max3A_45 by %roll3A dim 1 : vector<1000x128xf32>, i32 -> vector<1000x128xf32>
    %mul3A_47 = arith.mulf %div3A_43, %roll3A_46 : vector<1000x128xf32>
    %add3A_48 = arith.addf %broadcast_in_dim3A_25, %mul3A_47 : vector<1000x128xf32>
    %get3A_49 = arith.constant 0 : index
    %get3A_50 = arith.constant 0 : index
    %get3A_51 = arith.constant 0 : index
    %get3A_52 = arith.constant 128 : index
    %get3A_53 = vector.load %arg1[%get3A_49, %get3A_50, %get3A_51, %get3A_52] : memref<1x8x1000x256xbf16, #tpu.memory_space<vmem>>, vector<1x1x1000x128xbf16>
    %get3A_54 = vector.shape_cast %get3A_53 : vector<1x1x1000x128xbf16> to vector<1000x128xbf16>
    %convert_element_type3A_55 = arith.extf %get3A_54 : vector<1000x128xbf16> to vector<1000x128xf32>
    %mul3A_56 = vector.broadcast %concatenate3A : vector<1x128xf32> to vector<1000x128xf32>
    %mul3A_57 = arith.mulf %convert_element_type3A_55, %mul3A_56 : vector<1000x128xf32>
    %add3A_58 = vector.broadcast %concatenate3A_24 : vector<1x128xf32> to vector<1000x128xf32>
    %add3A_59 = arith.addf %mul3A_57, %add3A_58 : vector<1000x128xf32>
    %neg3A_60 = arith.constant 0.000000e+00 : f32
    %neg3A_61 = vector.broadcast %neg3A_60 : f32 to vector<1000x128xf32>
    %neg3A_62 = arith.subf %neg3A_61, %add3A_59 : vector<1000x128xf32>
    %exp3A_63 = math.exp %neg3A_62 : vector<1000x128xf32>
    %add3A_64 = arith.constant 1.000000e+00 : f32
    %add3A_65 = vector.broadcast %add3A_64 : f32 to vector<1000x128xf32>
    %add3A_66 = arith.addf %add3A_65, %exp3A_63 : vector<1000x128xf32>
    %div3A_67 = arith.constant 1.000000e+00 : f32
    %div3A_68 = vector.broadcast %div3A_67 : f32 to vector<1000x128xf32>
    %div3A_69 = arith.divf %div3A_68, %add3A_66 : vector<1000x128xf32>
    %max3A_70 = arith.constant 0.000000e+00 : f32
    %max3A_71 = vector.broadcast %max3A_70 : f32 to vector<1000x128xf32>
    %max3A_72 = arith.maximumf %add3A_59, %max3A_71 : vector<1000x128xf32>
    %roll3A_73 = arith.constant 96 : i32
    %roll3A_74 = tpu.dynamic_rotate %max3A_72 by %roll3A_73 dim 1 : vector<1000x128xf32>, i32 -> vector<1000x128xf32>
    %mul3A_75 = arith.mulf %div3A_69, %roll3A_74 : vector<1000x128xf32>
    %add3A_76 = arith.addf %add3A_48, %mul3A_75 : vector<1000x128xf32>
    %get3A_77 = arith.constant 0 : index
    %get3A_78 = arith.constant 1 : index
    %get3A_79 = arith.constant 0 : index
    %get3A_80 = arith.constant 0 : index
    %get3A_81 = vector.load %arg1[%get3A_77, %get3A_78, %get3A_79, %get3A_80] : memref<1x8x1000x256xbf16, #tpu.memory_space<vmem>>, vector<1x1x1000x128xbf16>
    %get3A_82 = vector.shape_cast %get3A_81 : vector<1x1x1000x128xbf16> to vector<1000x128xbf16>
    %convert_element_type3A_83 = arith.extf %get3A_82 : vector<1000x128xbf16> to vector<1000x128xf32>
    %mul3A_84 = vector.broadcast %concatenate3A : vector<1x128xf32> to vector<1000x128xf32>
    %mul3A_85 = arith.mulf %convert_element_type3A_83, %mul3A_84 : vector<1000x128xf32>
    %add3A_86 = vector.broadcast %concatenate3A_24 : vector<1x128xf32> to vector<1000x128xf32>
    %add3A_87 = arith.addf %mul3A_85, %add3A_86 : vector<1000x128xf32>
    %neg3A_88 = arith.constant 0.000000e+00 : f32
    %neg3A_89 = vector.broadcast %neg3A_88 : f32 to vector<1000x128xf32>
    %neg3A_90 = arith.subf %neg3A_89, %add3A_87 : vector<1000x128xf32>
    %exp3A_91 = math.exp %neg3A_90 : vector<1000x128xf32>
    %add3A_92 = arith.constant 1.000000e+00 : f32
    %add3A_93 = vector.broadcast %add3A_92 : f32 to vector<1000x128xf32>
    %add3A_94 = arith.addf %add3A_93, %exp3A_91 : vector<1000x128xf32>
    %div3A_95 = arith.constant 1.000000e+00 : f32
    %div3A_96 = vector.broadcast %div3A_95 : f32 to vector<1000x128xf32>
    %div3A_97 = arith.divf %div3A_96, %add3A_94 : vector<1000x128xf32>
    %max3A_98 = arith.constant 0.000000e+00 : f32
    %max3A_99 = vector.broadcast %max3A_98 : f32 to vector<1000x128xf32>
    %max3A_100 = arith.maximumf %add3A_87, %max3A_99 : vector<1000x128xf32>
    %roll3A_101 = arith.constant 96 : i32
    %roll3A_102 = tpu.dynamic_rotate %max3A_100 by %roll3A_101 dim 1 : vector<1000x128xf32>, i32 -> vector<1000x128xf32>
    %mul3A_103 = arith.mulf %div3A_97, %roll3A_102 : vector<1000x128xf32>
    %add3A_104 = arith.addf %add3A_76, %mul3A_103 : vector<1000x128xf32>
    %get3A_105 = arith.constant 0 : index
    %get3A_106 = arith.constant 1 : index
    %get3A_107 = arith.constant 0 : index
    %get3A_108 = arith.constant 128 : index
    %get3A_109 = vector.load %arg1[%get3A_105, %get3A_106, %get3A_107, %get3A_108] : memref<1x8x1000x256xbf16, #tpu.memory_space<vmem>>, vector<1x1x1000x128xbf16>
    %get3A_110 = vector.shape_cast %get3A_109 : vector<1x1x1000x128xbf16> to vector<1000x128xbf16>
    %convert_element_type3A_111 = arith.extf %get3A_110 : vector<1000x128xbf16> to vector<1000x128xf32>
    %mul3A_112 = vector.broadcast %concatenate3A : vector<1x128xf32> to vector<1000x128xf32>
    %mul3A_113 = arith.mulf %convert_element_type3A_111, %mul3A_112 : vector<1000x128xf32>
    %add3A_114 = vector.broadcast %concatenate3A_24 : vector<1x128xf32> to vector<1000x128xf32>
    %add3A_115 = arith.addf %mul3A_113, %add3A_114 : vector<1000x128xf32>
    %neg3A_116 = arith.constant 0.000000e+00 : f32
    %neg3A_117 = vector.broadcast %neg3A_116 : f32 to vector<1000x128xf32>
    %neg3A_118 = arith.subf %neg3A_117, %add3A_115 : vector<1000x128xf32>
    %exp3A_119 = math.exp %neg3A_118 : vector<1000x128xf32>
    %add3A_120 = arith.constant 1.000000e+00 : f32
    %add3A_121 = vector.broadcast %add3A_120 : f32 to vector<1000x128xf32>
    %add3A_122 = arith.addf %add3A_121, %exp3A_119 : vector<1000x128xf32>
    %div3A_123 = arith.constant 1.000000e+00 : f32
    %div3A_124 = vector.broadcast %div3A_123 : f32 to vector<1000x128xf32>
    %div3A_125 = arith.divf %div3A_124, %add3A_122 : vector<1000x128xf32>
    %max3A_126 = arith.constant 0.000000e+00 : f32
    %max3A_127 = vector.broadcast %max3A_126 : f32 to vector<1000x128xf32>
    %max3A_128 = arith.maximumf %add3A_115, %max3A_127 : vector<1000x128xf32>
    %roll3A_129 = arith.constant 96 : i32
    %roll3A_130 = tpu.dynamic_rotate %max3A_128 by %roll3A_129 dim 1 : vector<1000x128xf32>, i32 -> vector<1000x128xf32>
    %mul3A_131 = arith.mulf %div3A_125, %roll3A_130 : vector<1000x128xf32>
    %add3A_132 = arith.addf %add3A_104, %mul3A_131 : vector<1000x128xf32>
    %get3A_133 = arith.constant 0 : index
    %get3A_134 = arith.constant 2 : index
    %get3A_135 = arith.constant 0 : index
    %get3A_136 = arith.constant 0 : index
    %get3A_137 = vector.load %arg1[%get3A_133, %get3A_134, %get3A_135, %get3A_136] : memref<1x8x1000x256xbf16, #tpu.memory_space<vmem>>, vector<1x1x1000x128xbf16>
    %get3A_138 = vector.shape_cast %get3A_137 : vector<1x1x1000x128xbf16> to vector<1000x128xbf16>
    %convert_element_type3A_139 = arith.extf %get3A_138 : vector<1000x128xbf16> to vector<1000x128xf32>
    %mul3A_140 = vector.broadcast %concatenate3A : vector<1x128xf32> to vector<1000x128xf32>
    %mul3A_141 = arith.mulf %convert_element_type3A_139, %mul3A_140 : vector<1000x128xf32>
    %add3A_142 = vector.broadcast %concatenate3A_24 : vector<1x128xf32> to vector<1000x128xf32>
    %add3A_143 = arith.addf %mul3A_141, %add3A_142 : vector<1000x128xf32>
    %neg3A_144 = arith.constant 0.000000e+00 : f32
    %neg3A_145 = vector.broadcast %neg3A_144 : f32 to vector<1000x128xf32>
    %neg3A_146 = arith.subf %neg3A_145, %add3A_143 : vector<1000x128xf32>
    %exp3A_147 = math.exp %neg3A_146 : vector<1000x128xf32>
    %add3A_148 = arith.constant 1.000000e+00 : f32
    %add3A_149 = vector.broadcast %add3A_148 : f32 to vector<1000x128xf32>
    %add3A_150 = arith.addf %add3A_149, %exp3A_147 : vector<1000x128xf32>
    %div3A_151 = arith.constant 1.000000e+00 : f32
    %div3A_152 = vector.broadcast %div3A_151 : f32 to vector<1000x128xf32>
    %div3A_153 = arith.divf %div3A_152, %add3A_150 : vector<1000x128xf32>
    %max3A_154 = arith.constant 0.000000e+00 : f32
    %max3A_155 = vector.broadcast %max3A_154 : f32 to vector<1000x128xf32>
    %max3A_156 = arith.maximumf %add3A_143, %max3A_155 : vector<1000x128xf32>
    %roll3A_157 = arith.constant 96 : i32
    %roll3A_158 = tpu.dynamic_rotate %max3A_156 by %roll3A_157 dim 1 : vector<1000x128xf32>, i32 -> vector<1000x128xf32>
    %mul3A_159 = arith.mulf %div3A_153, %roll3A_158 : vector<1000x128xf32>
    %add3A_160 = arith.addf %add3A_132, %mul3A_159 : vector<1000x128xf32>
    %get3A_161 = arith.constant 0 : index
    %get3A_162 = arith.constant 2 : index
    %get3A_163 = arith.constant 0 : index
    %get3A_164 = arith.constant 128 : index
    %get3A_165 = vector.load %arg1[%get3A_161, %get3A_162, %get3A_163, %get3A_164] : memref<1x8x1000x256xbf16, #tpu.memory_space<vmem>>, vector<1x1x1000x128xbf16>
    %get3A_166 = vector.shape_cast %get3A_165 : vector<1x1x1000x128xbf16> to vector<1000x128xbf16>
    %convert_element_type3A_167 = arith.extf %get3A_166 : vector<1000x128xbf16> to vector<1000x128xf32>
    %mul3A_168 = vector.broadcast %concatenate3A : vector<1x128xf32> to vector<1000x128xf32>
    %mul3A_169 = arith.mulf %convert_element_type3A_167, %mul3A_168 : vector<1000x128xf32>
    %add3A_170 = vector.broadcast %concatenate3A_24 : vector<1x128xf32> to vector<1000x128xf32>
    %add3A_171 = arith.addf %mul3A_169, %add3A_170 : vector<1000x128xf32>
    %neg3A_172 = arith.constant 0.000000e+00 : f32
    %neg3A_173 = vector.broadcast %neg3A_172 : f32 to vector<1000x128xf32>
    %neg3A_174 = arith.subf %neg3A_173, %add3A_171 : vector<1000x128xf32>
    %exp3A_175 = math.exp %neg3A_174 : vector<1000x128xf32>
    %add3A_176 = arith.constant 1.000000e+00 : f32
    %add3A_177 = vector.broadcast %add3A_176 : f32 to vector<1000x128xf32>
    %add3A_178 = arith.addf %add3A_177, %exp3A_175 : vector<1000x128xf32>
    %div3A_179 = arith.constant 1.000000e+00 : f32
    %div3A_180 = vector.broadcast %div3A_179 : f32 to vector<1000x128xf32>
    %div3A_181 = arith.divf %div3A_180, %add3A_178 : vector<1000x128xf32>
    %max3A_182 = arith.constant 0.000000e+00 : f32
    %max3A_183 = vector.broadcast %max3A_182 : f32 to vector<1000x128xf32>
    %max3A_184 = arith.maximumf %add3A_171, %max3A_183 : vector<1000x128xf32>
    %roll3A_185 = arith.constant 96 : i32
    %roll3A_186 = tpu.dynamic_rotate %max3A_184 by %roll3A_185 dim 1 : vector<1000x128xf32>, i32 -> vector<1000x128xf32>
    %mul3A_187 = arith.mulf %div3A_181, %roll3A_186 : vector<1000x128xf32>
    %add3A_188 = arith.addf %add3A_160, %mul3A_187 : vector<1000x128xf32>
    %get3A_189 = arith.constant 0 : index
    %get3A_190 = arith.constant 3 : index
    %get3A_191 = arith.constant 0 : index
    %get3A_192 = arith.constant 0 : index
    %get3A_193 = vector.load %arg1[%get3A_189, %get3A_190, %get3A_191, %get3A_192] : memref<1x8x1000x256xbf16, #tpu.memory_space<vmem>>, vector<1x1x1000x128xbf16>
    %get3A_194 = vector.shape_cast %get3A_193 : vector<1x1x1000x128xbf16> to vector<1000x128xbf16>
    %convert_element_type3A_195 = arith.extf %get3A_194 : vector<1000x128xbf16> to vector<1000x128xf32>
    %mul3A_196 = vector.broadcast %concatenate3A : vector<1x128xf32> to vector<1000x128xf32>
    %mul3A_197 = arith.mulf %convert_element_type3A_195, %mul3A_196 : vector<1000x128xf32>
    %add3A_198 = vector.broadcast %concatenate3A_24 : vector<1x128xf32> to vector<1000x128xf32>
    %add3A_199 = arith.addf %mul3A_197, %add3A_198 : vector<1000x128xf32>
    %neg3A_200 = arith.constant 0.000000e+00 : f32
    %neg3A_201 = vector.broadcast %neg3A_200 : f32 to vector<1000x128xf32>
    %neg3A_202 = arith.subf %neg3A_201, %add3A_199 : vector<1000x128xf32>
    %exp3A_203 = math.exp %neg3A_202 : vector<1000x128xf32>
    %add3A_204 = arith.constant 1.000000e+00 : f32
    %add3A_205 = vector.broadcast %add3A_204 : f32 to vector<1000x128xf32>
    %add3A_206 = arith.addf %add3A_205, %exp3A_203 : vector<1000x128xf32>
    %div3A_207 = arith.constant 1.000000e+00 : f32
    %div3A_208 = vector.broadcast %div3A_207 : f32 to vector<1000x128xf32>
    %div3A_209 = arith.divf %div3A_208, %add3A_206 : vector<1000x128xf32>
    %max3A_210 = arith.constant 0.000000e+00 : f32
    %max3A_211 = vector.broadcast %max3A_210 : f32 to vector<1000x128xf32>
    %max3A_212 = arith.maximumf %add3A_199, %max3A_211 : vector<1000x128xf32>
    %roll3A_213 = arith.constant 96 : i32
    %roll3A_214 = tpu.dynamic_rotate %max3A_212 by %roll3A_213 dim 1 : vector<1000x128xf32>, i32 -> vector<1000x128xf32>
    %mul3A_215 = arith.mulf %div3A_209, %roll3A_214 : vector<1000x128xf32>
    %add3A_216 = arith.addf %add3A_188, %mul3A_215 : vector<1000x128xf32>
    %get3A_217 = arith.constant 0 : index
    %get3A_218 = arith.constant 3 : index
    %get3A_219 = arith.constant 0 : index
    %get3A_220 = arith.constant 128 : index
    %get3A_221 = vector.load %arg1[%get3A_217, %get3A_218, %get3A_219, %get3A_220] : memref<1x8x1000x256xbf16, #tpu.memory_space<vmem>>, vector<1x1x1000x128xbf16>
    %get3A_222 = vector.shape_cast %get3A_221 : vector<1x1x1000x128xbf16> to vector<1000x128xbf16>
    %convert_element_type3A_223 = arith.extf %get3A_222 : vector<1000x128xbf16> to vector<1000x128xf32>
    %mul3A_224 = vector.broadcast %concatenate3A : vector<1x128xf32> to vector<1000x128xf32>
    %mul3A_225 = arith.mulf %convert_element_type3A_223, %mul3A_224 : vector<1000x128xf32>
    %add3A_226 = vector.broadcast %concatenate3A_24 : vector<1x128xf32> to vector<1000x128xf32>
    %add3A_227 = arith.addf %mul3A_225, %add3A_226 : vector<1000x128xf32>
    %neg3A_228 = arith.constant 0.000000e+00 : f32
    %neg3A_229 = vector.broadcast %neg3A_228 : f32 to vector<1000x128xf32>
    %neg3A_230 = arith.subf %neg3A_229, %add3A_227 : vector<1000x128xf32>
    %exp3A_231 = math.exp %neg3A_230 : vector<1000x128xf32>
    %add3A_232 = arith.constant 1.000000e+00 : f32
    %add3A_233 = vector.broadcast %add3A_232 : f32 to vector<1000x128xf32>
    %add3A_234 = arith.addf %add3A_233, %exp3A_231 : vector<1000x128xf32>
    %div3A_235 = arith.constant 1.000000e+00 : f32
    %div3A_236 = vector.broadcast %div3A_235 : f32 to vector<1000x128xf32>
    %div3A_237 = arith.divf %div3A_236, %add3A_234 : vector<1000x128xf32>
    %max3A_238 = arith.constant 0.000000e+00 : f32
    %max3A_239 = vector.broadcast %max3A_238 : f32 to vector<1000x128xf32>
    %max3A_240 = arith.maximumf %add3A_227, %max3A_239 : vector<1000x128xf32>
    %roll3A_241 = arith.constant 96 : i32
    %roll3A_242 = tpu.dynamic_rotate %max3A_240 by %roll3A_241 dim 1 : vector<1000x128xf32>, i32 -> vector<1000x128xf32>
    %mul3A_243 = arith.mulf %div3A_237, %roll3A_242 : vector<1000x128xf32>
    %add3A_244 = arith.addf %add3A_216, %mul3A_243 : vector<1000x128xf32>
    %get3A_245 = arith.constant 0 : index
    %get3A_246 = arith.constant 4 : index
    %get3A_247 = arith.constant 0 : index
    %get3A_248 = arith.constant 0 : index
    %get3A_249 = vector.load %arg1[%get3A_245, %get3A_246, %get3A_247, %get3A_248] : memref<1x8x1000x256xbf16, #tpu.memory_space<vmem>>, vector<1x1x1000x128xbf16>
    %get3A_250 = vector.shape_cast %get3A_249 : vector<1x1x1000x128xbf16> to vector<1000x128xbf16>
    %convert_element_type3A_251 = arith.extf %get3A_250 : vector<1000x128xbf16> to vector<1000x128xf32>
    %mul3A_252 = vector.broadcast %concatenate3A : vector<1x128xf32> to vector<1000x128xf32>
    %mul3A_253 = arith.mulf %convert_element_type3A_251, %mul3A_252 : vector<1000x128xf32>
    %add3A_254 = vector.broadcast %concatenate3A_24 : vector<1x128xf32> to vector<1000x128xf32>
    %add3A_255 = arith.addf %mul3A_253, %add3A_254 : vector<1000x128xf32>
    %neg3A_256 = arith.constant 0.000000e+00 : f32
    %neg3A_257 = vector.broadcast %neg3A_256 : f32 to vector<1000x128xf32>
    %neg3A_258 = arith.subf %neg3A_257, %add3A_255 : vector<1000x128xf32>
    %exp3A_259 = math.exp %neg3A_258 : vector<1000x128xf32>
    %add3A_260 = arith.constant 1.000000e+00 : f32
    %add3A_261 = vector.broadcast %add3A_260 : f32 to vector<1000x128xf32>
    %add3A_262 = arith.addf %add3A_261, %exp3A_259 : vector<1000x128xf32>
    %div3A_263 = arith.constant 1.000000e+00 : f32
    %div3A_264 = vector.broadcast %div3A_263 : f32 to vector<1000x128xf32>
    %div3A_265 = arith.divf %div3A_264, %add3A_262 : vector<1000x128xf32>
    %max3A_266 = arith.constant 0.000000e+00 : f32
    %max3A_267 = vector.broadcast %max3A_266 : f32 to vector<1000x128xf32>
    %max3A_268 = arith.maximumf %add3A_255, %max3A_267 : vector<1000x128xf32>
    %roll3A_269 = arith.constant 96 : i32
    %roll3A_270 = tpu.dynamic_rotate %max3A_268 by %roll3A_269 dim 1 : vector<1000x128xf32>, i32 -> vector<1000x128xf32>
    %mul3A_271 = arith.mulf %div3A_265, %roll3A_270 : vector<1000x128xf32>
    %add3A_272 = arith.addf %add3A_244, %mul3A_271 : vector<1000x128xf32>
    %get3A_273 = arith.constant 0 : index
    %get3A_274 = arith.constant 4 : index
    %get3A_275 = arith.constant 0 : index
    %get3A_276 = arith.constant 128 : index
    %get3A_277 = vector.load %arg1[%get3A_273, %get3A_274, %get3A_275, %get3A_276] : memref<1x8x1000x256xbf16, #tpu.memory_space<vmem>>, vector<1x1x1000x128xbf16>
    %get3A_278 = vector.shape_cast %get3A_277 : vector<1x1x1000x128xbf16> to vector<1000x128xbf16>
    %convert_element_type3A_279 = arith.extf %get3A_278 : vector<1000x128xbf16> to vector<1000x128xf32>
    %mul3A_280 = vector.broadcast %concatenate3A : vector<1x128xf32> to vector<1000x128xf32>
    %mul3A_281 = arith.mulf %convert_element_type3A_279, %mul3A_280 : vector<1000x128xf32>
    %add3A_282 = vector.broadcast %concatenate3A_24 : vector<1x128xf32> to vector<1000x128xf32>
    %add3A_283 = arith.addf %mul3A_281, %add3A_282 : vector<1000x128xf32>
    %neg3A_284 = arith.constant 0.000000e+00 : f32
    %neg3A_285 = vector.broadcast %neg3A_284 : f32 to vector<1000x128xf32>
    %neg3A_286 = arith.subf %neg3A_285, %add3A_283 : vector<1000x128xf32>
    %exp3A_287 = math.exp %neg3A_286 : vector<1000x128xf32>
    %add3A_288 = arith.constant 1.000000e+00 : f32
    %add3A_289 = vector.broadcast %add3A_288 : f32 to vector<1000x128xf32>
    %add3A_290 = arith.addf %add3A_289, %exp3A_287 : vector<1000x128xf32>
    %div3A_291 = arith.constant 1.000000e+00 : f32
    %div3A_292 = vector.broadcast %div3A_291 : f32 to vector<1000x128xf32>
    %div3A_293 = arith.divf %div3A_292, %add3A_290 : vector<1000x128xf32>
    %max3A_294 = arith.constant 0.000000e+00 : f32
    %max3A_295 = vector.broadcast %max3A_294 : f32 to vector<1000x128xf32>
    %max3A_296 = arith.maximumf %add3A_283, %max3A_295 : vector<1000x128xf32>
    %roll3A_297 = arith.constant 96 : i32
    %roll3A_298 = tpu.dynamic_rotate %max3A_296 by %roll3A_297 dim 1 : vector<1000x128xf32>, i32 -> vector<1000x128xf32>
    %mul3A_299 = arith.mulf %div3A_293, %roll3A_298 : vector<1000x128xf32>
    %add3A_300 = arith.addf %add3A_272, %mul3A_299 : vector<1000x128xf32>
    %get3A_301 = arith.constant 0 : index
    %get3A_302 = arith.constant 5 : index
    %get3A_303 = arith.constant 0 : index
    %get3A_304 = arith.constant 0 : index
    %get3A_305 = vector.load %arg1[%get3A_301, %get3A_302, %get3A_303, %get3A_304] : memref<1x8x1000x256xbf16, #tpu.memory_space<vmem>>, vector<1x1x1000x128xbf16>
    %get3A_306 = vector.shape_cast %get3A_305 : vector<1x1x1000x128xbf16> to vector<1000x128xbf16>
    %convert_element_type3A_307 = arith.extf %get3A_306 : vector<1000x128xbf16> to vector<1000x128xf32>
    %mul3A_308 = vector.broadcast %concatenate3A : vector<1x128xf32> to vector<1000x128xf32>
    %mul3A_309 = arith.mulf %convert_element_type3A_307, %mul3A_308 : vector<1000x128xf32>
    %add3A_310 = vector.broadcast %concatenate3A_24 : vector<1x128xf32> to vector<1000x128xf32>
    %add3A_311 = arith.addf %mul3A_309, %add3A_310 : vector<1000x128xf32>
    %neg3A_312 = arith.constant 0.000000e+00 : f32
    %neg3A_313 = vector.broadcast %neg3A_312 : f32 to vector<1000x128xf32>
    %neg3A_314 = arith.subf %neg3A_313, %add3A_311 : vector<1000x128xf32>
    %exp3A_315 = math.exp %neg3A_314 : vector<1000x128xf32>
    %add3A_316 = arith.constant 1.000000e+00 : f32
    %add3A_317 = vector.broadcast %add3A_316 : f32 to vector<1000x128xf32>
    %add3A_318 = arith.addf %add3A_317, %exp3A_315 : vector<1000x128xf32>
    %div3A_319 = arith.constant 1.000000e+00 : f32
    %div3A_320 = vector.broadcast %div3A_319 : f32 to vector<1000x128xf32>
    %div3A_321 = arith.divf %div3A_320, %add3A_318 : vector<1000x128xf32>
    %max3A_322 = arith.constant 0.000000e+00 : f32
    %max3A_323 = vector.broadcast %max3A_322 : f32 to vector<1000x128xf32>
    %max3A_324 = arith.maximumf %add3A_311, %max3A_323 : vector<1000x128xf32>
    %roll3A_325 = arith.constant 96 : i32
    %roll3A_326 = tpu.dynamic_rotate %max3A_324 by %roll3A_325 dim 1 : vector<1000x128xf32>, i32 -> vector<1000x128xf32>
    %mul3A_327 = arith.mulf %div3A_321, %roll3A_326 : vector<1000x128xf32>
    %add3A_328 = arith.addf %add3A_300, %mul3A_327 : vector<1000x128xf32>
    %get3A_329 = arith.constant 0 : index
    %get3A_330 = arith.constant 5 : index
    %get3A_331 = arith.constant 0 : index
    %get3A_332 = arith.constant 128 : index
    %get3A_333 = vector.load %arg1[%get3A_329, %get3A_330, %get3A_331, %get3A_332] : memref<1x8x1000x256xbf16, #tpu.memory_space<vmem>>, vector<1x1x1000x128xbf16>
    %get3A_334 = vector.shape_cast %get3A_333 : vector<1x1x1000x128xbf16> to vector<1000x128xbf16>
    %convert_element_type3A_335 = arith.extf %get3A_334 : vector<1000x128xbf16> to vector<1000x128xf32>
    %mul3A_336 = vector.broadcast %concatenate3A : vector<1x128xf32> to vector<1000x128xf32>
    %mul3A_337 = arith.mulf %convert_element_type3A_335, %mul3A_336 : vector<1000x128xf32>
    %add3A_338 = vector.broadcast %concatenate3A_24 : vector<1x128xf32> to vector<1000x128xf32>
    %add3A_339 = arith.addf %mul3A_337, %add3A_338 : vector<1000x128xf32>
    %neg3A_340 = arith.constant 0.000000e+00 : f32
    %neg3A_341 = vector.broadcast %neg3A_340 : f32 to vector<1000x128xf32>
    %neg3A_342 = arith.subf %neg3A_341, %add3A_339 : vector<1000x128xf32>
    %exp3A_343 = math.exp %neg3A_342 : vector<1000x128xf32>
    %add3A_344 = arith.constant 1.000000e+00 : f32
    %add3A_345 = vector.broadcast %add3A_344 : f32 to vector<1000x128xf32>
    %add3A_346 = arith.addf %add3A_345, %exp3A_343 : vector<1000x128xf32>
    %div3A_347 = arith.constant 1.000000e+00 : f32
    %div3A_348 = vector.broadcast %div3A_347 : f32 to vector<1000x128xf32>
    %div3A_349 = arith.divf %div3A_348, %add3A_346 : vector<1000x128xf32>
    %max3A_350 = arith.constant 0.000000e+00 : f32
    %max3A_351 = vector.broadcast %max3A_350 : f32 to vector<1000x128xf32>
    %max3A_352 = arith.maximumf %add3A_339, %max3A_351 : vector<1000x128xf32>
    %roll3A_353 = arith.constant 96 : i32
    %roll3A_354 = tpu.dynamic_rotate %max3A_352 by %roll3A_353 dim 1 : vector<1000x128xf32>, i32 -> vector<1000x128xf32>
    %mul3A_355 = arith.mulf %div3A_349, %roll3A_354 : vector<1000x128xf32>
    %add3A_356 = arith.addf %add3A_328, %mul3A_355 : vector<1000x128xf32>
    %get3A_357 = arith.constant 0 : index
    %get3A_358 = arith.constant 6 : index
    %get3A_359 = arith.constant 0 : index
    %get3A_360 = arith.constant 0 : index
    %get3A_361 = vector.load %arg1[%get3A_357, %get3A_358, %get3A_359, %get3A_360] : memref<1x8x1000x256xbf16, #tpu.memory_space<vmem>>, vector<1x1x1000x128xbf16>
    %get3A_362 = vector.shape_cast %get3A_361 : vector<1x1x1000x128xbf16> to vector<1000x128xbf16>
    %convert_element_type3A_363 = arith.extf %get3A_362 : vector<1000x128xbf16> to vector<1000x128xf32>
    %mul3A_364 = vector.broadcast %concatenate3A : vector<1x128xf32> to vector<1000x128xf32>
    %mul3A_365 = arith.mulf %convert_element_type3A_363, %mul3A_364 : vector<1000x128xf32>
    %add3A_366 = vector.broadcast %concatenate3A_24 : vector<1x128xf32> to vector<1000x128xf32>
    %add3A_367 = arith.addf %mul3A_365, %add3A_366 : vector<1000x128xf32>
    %neg3A_368 = arith.constant 0.000000e+00 : f32
    %neg3A_369 = vector.broadcast %neg3A_368 : f32 to vector<1000x128xf32>
    %neg3A_370 = arith.subf %neg3A_369, %add3A_367 : vector<1000x128xf32>
    %exp3A_371 = math.exp %neg3A_370 : vector<1000x128xf32>
    %add3A_372 = arith.constant 1.000000e+00 : f32
    %add3A_373 = vector.broadcast %add3A_372 : f32 to vector<1000x128xf32>
    %add3A_374 = arith.addf %add3A_373, %exp3A_371 : vector<1000x128xf32>
    %div3A_375 = arith.constant 1.000000e+00 : f32
    %div3A_376 = vector.broadcast %div3A_375 : f32 to vector<1000x128xf32>
    %div3A_377 = arith.divf %div3A_376, %add3A_374 : vector<1000x128xf32>
    %max3A_378 = arith.constant 0.000000e+00 : f32
    %max3A_379 = vector.broadcast %max3A_378 : f32 to vector<1000x128xf32>
    %max3A_380 = arith.maximumf %add3A_367, %max3A_379 : vector<1000x128xf32>
    %roll3A_381 = arith.constant 96 : i32
    %roll3A_382 = tpu.dynamic_rotate %max3A_380 by %roll3A_381 dim 1 : vector<1000x128xf32>, i32 -> vector<1000x128xf32>
    %mul3A_383 = arith.mulf %div3A_377, %roll3A_382 : vector<1000x128xf32>
    %add3A_384 = arith.addf %add3A_356, %mul3A_383 : vector<1000x128xf32>
    %get3A_385 = arith.constant 0 : index
    %get3A_386 = arith.constant 6 : index
    %get3A_387 = arith.constant 0 : index
    %get3A_388 = arith.constant 128 : index
    %get3A_389 = vector.load %arg1[%get3A_385, %get3A_386, %get3A_387, %get3A_388] : memref<1x8x1000x256xbf16, #tpu.memory_space<vmem>>, vector<1x1x1000x128xbf16>
    %get3A_390 = vector.shape_cast %get3A_389 : vector<1x1x1000x128xbf16> to vector<1000x128xbf16>
    %convert_element_type3A_391 = arith.extf %get3A_390 : vector<1000x128xbf16> to vector<1000x128xf32>
    %mul3A_392 = vector.broadcast %concatenate3A : vector<1x128xf32> to vector<1000x128xf32>
    %mul3A_393 = arith.mulf %convert_element_type3A_391, %mul3A_392 : vector<1000x128xf32>
    %add3A_394 = vector.broadcast %concatenate3A_24 : vector<1x128xf32> to vector<1000x128xf32>
    %add3A_395 = arith.addf %mul3A_393, %add3A_394 : vector<1000x128xf32>
    %neg3A_396 = arith.constant 0.000000e+00 : f32
    %neg3A_397 = vector.broadcast %neg3A_396 : f32 to vector<1000x128xf32>
    %neg3A_398 = arith.subf %neg3A_397, %add3A_395 : vector<1000x128xf32>
    %exp3A_399 = math.exp %neg3A_398 : vector<1000x128xf32>
    %add3A_400 = arith.constant 1.000000e+00 : f32
    %add3A_401 = vector.broadcast %add3A_400 : f32 to vector<1000x128xf32>
    %add3A_402 = arith.addf %add3A_401, %exp3A_399 : vector<1000x128xf32>
    %div3A_403 = arith.constant 1.000000e+00 : f32
    %div3A_404 = vector.broadcast %div3A_403 : f32 to vector<1000x128xf32>
    %div3A_405 = arith.divf %div3A_404, %add3A_402 : vector<1000x128xf32>
    %max3A_406 = arith.constant 0.000000e+00 : f32
    %max3A_407 = vector.broadcast %max3A_406 : f32 to vector<1000x128xf32>
    %max3A_408 = arith.maximumf %add3A_395, %max3A_407 : vector<1000x128xf32>
    %roll3A_409 = arith.constant 96 : i32
    %roll3A_410 = tpu.dynamic_rotate %max3A_408 by %roll3A_409 dim 1 : vector<1000x128xf32>, i32 -> vector<1000x128xf32>
    %mul3A_411 = arith.mulf %div3A_405, %roll3A_410 : vector<1000x128xf32>
    %add3A_412 = arith.addf %add3A_384, %mul3A_411 : vector<1000x128xf32>
    %get3A_413 = arith.constant 0 : index
    %get3A_414 = arith.constant 7 : index
    %get3A_415 = arith.constant 0 : index
    %get3A_416 = arith.constant 0 : index
    %get3A_417 = vector.load %arg1[%get3A_413, %get3A_414, %get3A_415, %get3A_416] : memref<1x8x1000x256xbf16, #tpu.memory_space<vmem>>, vector<1x1x1000x128xbf16>
    %get3A_418 = vector.shape_cast %get3A_417 : vector<1x1x1000x128xbf16> to vector<1000x128xbf16>
    %convert_element_type3A_419 = arith.extf %get3A_418 : vector<1000x128xbf16> to vector<1000x128xf32>
    %mul3A_420 = vector.broadcast %concatenate3A : vector<1x128xf32> to vector<1000x128xf32>
    %mul3A_421 = arith.mulf %convert_element_type3A_419, %mul3A_420 : vector<1000x128xf32>
    %add3A_422 = vector.broadcast %concatenate3A_24 : vector<1x128xf32> to vector<1000x128xf32>
    %add3A_423 = arith.addf %mul3A_421, %add3A_422 : vector<1000x128xf32>
    %neg3A_424 = arith.constant 0.000000e+00 : f32
    %neg3A_425 = vector.broadcast %neg3A_424 : f32 to vector<1000x128xf32>
    %neg3A_426 = arith.subf %neg3A_425, %add3A_423 : vector<1000x128xf32>
    %exp3A_427 = math.exp %neg3A_426 : vector<1000x128xf32>
    %add3A_428 = arith.constant 1.000000e+00 : f32
    %add3A_429 = vector.broadcast %add3A_428 : f32 to vector<1000x128xf32>
    %add3A_430 = arith.addf %add3A_429, %exp3A_427 : vector<1000x128xf32>
    %div3A_431 = arith.constant 1.000000e+00 : f32
    %div3A_432 = vector.broadcast %div3A_431 : f32 to vector<1000x128xf32>
    %div3A_433 = arith.divf %div3A_432, %add3A_430 : vector<1000x128xf32>
    %max3A_434 = arith.constant 0.000000e+00 : f32
    %max3A_435 = vector.broadcast %max3A_434 : f32 to vector<1000x128xf32>
    %max3A_436 = arith.maximumf %add3A_423, %max3A_435 : vector<1000x128xf32>
    %roll3A_437 = arith.constant 96 : i32
    %roll3A_438 = tpu.dynamic_rotate %max3A_436 by %roll3A_437 dim 1 : vector<1000x128xf32>, i32 -> vector<1000x128xf32>
    %mul3A_439 = arith.mulf %div3A_433, %roll3A_438 : vector<1000x128xf32>
    %add3A_440 = arith.addf %add3A_412, %mul3A_439 : vector<1000x128xf32>
    %get3A_441 = arith.constant 0 : index
    %get3A_442 = arith.constant 7 : index
    %get3A_443 = arith.constant 0 : index
    %get3A_444 = arith.constant 128 : index
    %get3A_445 = vector.load %arg1[%get3A_441, %get3A_442, %get3A_443, %get3A_444] : memref<1x8x1000x256xbf16, #tpu.memory_space<vmem>>, vector<1x1x1000x128xbf16>
    %get3A_446 = vector.shape_cast %get3A_445 : vector<1x1x1000x128xbf16> to vector<1000x128xbf16>
    %convert_element_type3A_447 = arith.extf %get3A_446 : vector<1000x128xbf16> to vector<1000x128xf32>
    %mul3A_448 = vector.broadcast %concatenate3A : vector<1x128xf32> to vector<1000x128xf32>
    %mul3A_449 = arith.mulf %convert_element_type3A_447, %mul3A_448 : vector<1000x128xf32>
    %add3A_450 = vector.broadcast %concatenate3A_24 : vector<1x128xf32> to vector<1000x128xf32>
    %add3A_451 = arith.addf %mul3A_449, %add3A_450 : vector<1000x128xf32>
    %neg3A_452 = arith.constant 0.000000e+00 : f32
    %neg3A_453 = vector.broadcast %neg3A_452 : f32 to vector<1000x128xf32>
    %neg3A_454 = arith.subf %neg3A_453, %add3A_451 : vector<1000x128xf32>
    %exp3A_455 = math.exp %neg3A_454 : vector<1000x128xf32>
    %add3A_456 = arith.constant 1.000000e+00 : f32
    %add3A_457 = vector.broadcast %add3A_456 : f32 to vector<1000x128xf32>
    %add3A_458 = arith.addf %add3A_457, %exp3A_455 : vector<1000x128xf32>
    %div3A_459 = arith.constant 1.000000e+00 : f32
    %div3A_460 = vector.broadcast %div3A_459 : f32 to vector<1000x128xf32>
    %div3A_461 = arith.divf %div3A_460, %add3A_458 : vector<1000x128xf32>
    %max3A_462 = arith.constant 0.000000e+00 : f32
    %max3A_463 = vector.broadcast %max3A_462 : f32 to vector<1000x128xf32>
    %max3A_464 = arith.maximumf %add3A_451, %max3A_463 : vector<1000x128xf32>
    %roll3A_465 = arith.constant 96 : i32
    %roll3A_466 = tpu.dynamic_rotate %max3A_464 by %roll3A_465 dim 1 : vector<1000x128xf32>, i32 -> vector<1000x128xf32>
    %mul3A_467 = arith.mulf %div3A_461, %roll3A_466 : vector<1000x128xf32>
    %add3A_468 = arith.addf %add3A_440, %mul3A_467 : vector<1000x128xf32>
    %slice3A = vector.extract_strided_slice %add3A_468 {offsets = [0, 0], sizes = [1000, 32], strides = [1, 1]} : vector<1000x128xf32> to vector<1000x32xf32>
    %slice3A_469 = vector.extract_strided_slice %add3A_468 {offsets = [0, 64], sizes = [1000, 32], strides = [1, 1]} : vector<1000x128xf32> to vector<1000x32xf32>
    %add3A_470 = arith.addf %slice3A, %slice3A_469 : vector<1000x32xf32>
    %swap3A = arith.constant 0 : index
    %swap3A_471 = arith.constant 0 : index
    %swap3A_472 = arith.constant 0 : index
    %swap3A_473 = vector.load %arg5[%swap3A, %swap3A_471, %swap3A_472] : memref<1x1000x32xf32, #tpu.memory_space<vmem>>, vector<1x1000x32xf32>
    %swap3A_474 = vector.shape_cast %swap3A_473 : vector<1x1000x32xf32> to vector<1000x32xf32>
    %swap3A_475 = vector.shape_cast %add3A_470 : vector<1000x32xf32> to vector<1x1000x32xf32>
    tpu.vector_store %arg5[%swap3A, %swap3A_471, %swap3A_472], %swap3A_475 {strides = array<i32>} : memref<1x1000x32xf32, #tpu.memory_space<vmem>>, vector<1x1000x32xf32>,
    %get3A_476 = arith.constant 0 : index
    %get3A_477 = arith.constant 0 : index
    %get3A_478 = vector.load %arg7[%get3A_476, %get3A_477] : memref<1000x32xf32, #tpu.memory_space<vmem>>, vector<1000x32xf32>
    %add3A_479 = arith.addf %get3A_478, %add3A_470 : vector<1000x32xf32>
    %swap3A_480 = arith.constant 0 : index
    %swap3A_481 = arith.constant 0 : index
    %swap3A_482 = vector.load %arg7[%swap3A_480, %swap3A_481] : memref<1000x32xf32, #tpu.memory_space<vmem>>, vector<1000x32xf32>
    tpu.vector_store %arg7[%swap3A_480, %swap3A_481], %add3A_479 {strides = array<i32>} : memref<1000x32xf32, #tpu.memory_space<vmem>>, vector<1000x32xf32>,
    %get3A_483 = arith.constant 0 : index
    %get3A_484 = arith.constant 0 : index
    %get3A_485 = vector.load %arg8[%get3A_483, %get3A_484] : memref<1000x32xf32, #tpu.memory_space<vmem>>, vector<1000x32xf32>
    %mul3A_486 = arith.mulf %add3A_470, %add3A_470 : vector<1000x32xf32>
    %add3A_487 = arith.addf %get3A_485, %mul3A_486 : vector<1000x32xf32>
    %swap3A_488 = arith.constant 0 : index
    %swap3A_489 = arith.constant 0 : index
    %swap3A_490 = vector.load %arg8[%swap3A_488, %swap3A_489] : memref<1000x32xf32, #tpu.memory_space<vmem>>, vector<1000x32xf32>
    tpu.vector_store %arg8[%swap3A_488, %swap3A_489], %add3A_487 {strides = array<i32>} : memref<1000x32xf32, #tpu.memory_space<vmem>>, vector<1000x32xf32>,
    %eq3A_491 = arith.constant 7 : i32
    %eq3A_492 = arith.cmpi eq, %arg0, %eq3A_491 : i32
    %convert_element_type3A_493 = arith.extui %eq3A_492 : i1 to i32
    %cond3A_494 = arith.constant 0 : i32
    %cond3A_495 = arith.cmpi ne, %convert_element_type3A_493, %cond3A_494 : i32
    scf.if %cond3A_495 {
      %get3A_496 = arith.constant 0 : index
      %get3A_497 = arith.constant 0 : index
      %get3A_498 = vector.load %arg7[%get3A_496, %get3A_497] : memref<1000x32xf32, #tpu.memory_space<vmem>>, vector<1000x32xf32>
      %reduce_sum3A = arith.constant dense<0.000000e+00> : vector<32xf32>
      %reduce_sum3A_499 = vector.multi_reduction <add>, %get3A_498, %reduce_sum3A [0] : vector<1000x32xf32> to vector<32xf32>
      %broadcast_in_dim3A_500 = vector.shape_cast %reduce_sum3A_499 : vector<32xf32> to vector<1x32xf32>
      %swap3A_501 = arith.constant 0 : index
      %swap3A_502 = arith.constant 0 : index
      %swap3A_503 = vector.load %arg6[%swap3A_501, %swap3A_502] : memref<8x32xf32, #tpu.memory_space<vmem>>, vector<1x32xf32>
      tpu.vector_store %arg6[%swap3A_501, %swap3A_502], %broadcast_in_dim3A_500 {strides = array<i32>} : memref<8x32xf32, #tpu.memory_space<vmem>>, vector<1x32xf32>,
      %get3A_504 = arith.constant 0 : index
      %get3A_505 = arith.constant 0 : index
      %get3A_506 = vector.load %arg8[%get3A_504, %get3A_505] : memref<1000x32xf32, #tpu.memory_space<vmem>>, vector<1000x32xf32>
      %reduce_sum3A_507 = arith.constant dense<0.000000e+00> : vector<32xf32>
      %reduce_sum3A_508 = vector.multi_reduction <add>, %get3A_506, %reduce_sum3A_507 [0] : vector<1000x32xf32> to vector<32xf32>
      %broadcast_in_dim3A_509 = vector.shape_cast %reduce_sum3A_508 : vector<32xf32> to vector<1x32xf32>
      %swap3A_510 = arith.constant 1 : index
      %swap3A_511 = arith.constant 0 : index
      %swap3A_512 = vector.load %arg6[%swap3A_510, %swap3A_511] : memref<8x32xf32, #tpu.memory_space<vmem>>, vector<1x32xf32>
      tpu.vector_store %arg6[%swap3A_510, %swap3A_511], %broadcast_in_dim3A_509 {strides = array<i32>} : memref<8x32xf32, #tpu.memory_space<vmem>>, vector<1x32xf32>,
      %broadcast_in_dim3A_513 = arith.constant 0.000000e+00 : f32
      %broadcast_in_dim3A_514 = vector.broadcast %broadcast_in_dim3A_513 : f32 to vector<6x32xf32>
      %swap3A_515 = arith.constant 2 : index
      %swap3A_516 = arith.constant 0 : index
      %swap3A_517 = vector.load %arg6[%swap3A_515, %swap3A_516] : memref<8x32xf32, #tpu.memory_space<vmem>>, vector<6x32xf32>
      tpu.vector_store %arg6[%swap3A_515, %swap3A_516], %broadcast_in_dim3A_514 {strides = array<i32>} : memref<8x32xf32, #tpu.memory_space<vmem>>, vector<6x32xf32>,
    } else {
    }
    return
  }
  func.func @transform_0(%arg0: i32) -> (i32, i32, i32, i32) {
    %c0_i32 = arith.constant 0 : i32
    %c0_i32_0 = arith.constant 0 : i32
    %c0_i32_1 = arith.constant 0 : i32
    %c0_i32_2 = arith.constant 0 : i32
    return %arg0, %c0_i32, %c0_i32_0, %c0_i32_1 : i32, i32, i32, i32
  }
  func.func @transform_1(%arg0: i32) -> (i32, i32) {
    %c0_i32 = arith.constant 0 : i32
    %c0_i32_0 = arith.constant 0 : i32
    %c0_i32_1 = arith.constant 0 : i32
    return %c0_i32, %c0_i32_0 : i32, i32
  }
  func.func @transform_2(%arg0: i32) -> (i32, i32) {
    %c0_i32 = arith.constant 0 : i32
    %c0_i32_0 = arith.constant 0 : i32
    %c0_i32_1 = arith.constant 0 : i32
    return %c0_i32, %c0_i32_0 : i32, i32
  }
  func.func @transform_3(%arg0: i32) -> (i32, i32) {
    %c0_i32 = arith.constant 0 : i32
    %c0_i32_0 = arith.constant 0 : i32
    %c0_i32_1 = arith.constant 0 : i32
    return %c0_i32, %c0_i32_0 : i32, i32
  }
  func.func @transform_4(%arg0: i32) -> (i32, i32, i32) {
    %c0_i32 = arith.constant 0 : i32
    %c0_i32_0 = arith.constant 0 : i32
    %c0_i32_1 = arith.constant 0 : i32
    return %arg0, %c0_i32, %c0_i32_0 : i32, i32, i32
  }
  func.func @transform_5(%arg0: i32) -> (i32, i32) {
    %c0_i32 = arith.constant 0 : i32
    %c0_i32_0 = arith.constant 0 : i32
    %c0_i32_1 = arith.constant 0 : i32
    return %c0_i32, %c0_i32_0 : i32, i32
  }
}

module attributes {stable_mosaic.version = 14 : i64} {
  func.func @body(%arg0: i32, %arg1: memref<8x1000x32xf32, #tpu.memory_space<vmem>>, %arg2: memref<8x32xf32, #tpu.memory_space<vmem>>, %arg3: memref<8x1000x32xf32, #tpu.memory_space<vmem>>, %arg4: memref<1x32xf32, #tpu.memory_space<vmem>>, %arg5: memref<1x32xf32, #tpu.memory_space<vmem>>, %arg6: memref<8x1000x32xf32, #tpu.memory_space<vmem>>) attributes {dimension_semantics = [#tpu.dimension_semantics<arbitrary>], iteration_bounds = array<i64: 1>, scalar_prefetch = 0 : i64, scratch_operands = 0 : i64, tpu.core_type = #tpu.core_type<tc>, window_params = [{pipeline_mode = #tpu.pipeline_mode<synchronous>, transform_indices = @transform_0, window_bounds = array<i64: 8, 1000, 32>}, {pipeline_mode = #tpu.pipeline_mode<synchronous>, transform_indices = @transform_1, window_bounds = array<i64: 8, 32>}, {pipeline_mode = #tpu.pipeline_mode<synchronous>, transform_indices = @transform_2, window_bounds = array<i64: 8, 1000, 32>}, {pipeline_mode = #tpu.pipeline_mode<synchronous>, transform_indices = @transform_3, window_bounds = array<i64: 1, 32>}, {pipeline_mode = #tpu.pipeline_mode<synchronous>, transform_indices = @transform_4, window_bounds = array<i64: 1, 32>}, {pipeline_mode = #tpu.pipeline_mode<synchronous>, transform_indices = @transform_5, window_bounds = array<i64: 8, 1000, 32>}]} {
    %get3A = arith.constant 0 : index
    %get3A_0 = arith.constant 0 : index
    %get3A_1 = vector.load %arg2[%get3A, %get3A_0] : memref<8x32xf32, #tpu.memory_space<vmem>>, vector<1x32xf32>
    %get3A_2 = arith.constant 1 : index
    %get3A_3 = arith.constant 0 : index
    %get3A_4 = vector.load %arg2[%get3A_2, %get3A_3] : memref<8x32xf32, #tpu.memory_space<vmem>>, vector<1x32xf32>
    %mul3A = arith.constant 1.250000e-04 : f32
    %mul3A_5 = vector.broadcast %mul3A : f32 to vector<1x32xf32>
    %mul3A_6 = arith.mulf %get3A_1, %mul3A_5 : vector<1x32xf32>
    %mul3A_7 = arith.constant 1.250000e-04 : f32
    %mul3A_8 = vector.broadcast %mul3A_7 : f32 to vector<1x32xf32>
    %mul3A_9 = arith.mulf %get3A_4, %mul3A_8 : vector<1x32xf32>
    %mul3A_10 = arith.mulf %mul3A_6, %mul3A_6 : vector<1x32xf32>
    %sub3A = arith.subf %mul3A_9, %mul3A_10 : vector<1x32xf32>
    %get3A_11 = arith.constant 0 : index
    %get3A_12 = arith.constant 0 : index
    %get3A_13 = vector.load %arg4[%get3A_11, %get3A_12] : memref<1x32xf32, #tpu.memory_space<vmem>>, vector<1x32xf32>
    %add3A = arith.constant 9.99999974E-6 : f32
    %add3A_14 = vector.broadcast %add3A : f32 to vector<1x32xf32>
    %add3A_15 = arith.addf %sub3A, %add3A_14 : vector<1x32xf32>
    %rsqrt3A = math.rsqrt %add3A_15 : vector<1x32xf32>
    %mul3A_16 = arith.mulf %get3A_13, %rsqrt3A : vector<1x32xf32>
    %get3A_17 = arith.constant 0 : index
    %get3A_18 = arith.constant 0 : index
    %get3A_19 = vector.load %arg5[%get3A_17, %get3A_18] : memref<1x32xf32, #tpu.memory_space<vmem>>, vector<1x32xf32>
    %mul3A_20 = arith.mulf %mul3A_6, %mul3A_16 : vector<1x32xf32>
    %sub3A_21 = arith.subf %get3A_19, %mul3A_20 : vector<1x32xf32>
    %get3A_22 = arith.constant 0 : index
    %get3A_23 = arith.constant 0 : index
    %get3A_24 = arith.constant 0 : index
    %get3A_25 = vector.load %arg3[%get3A_22, %get3A_23, %get3A_24] : memref<8x1000x32xf32, #tpu.memory_space<vmem>>, vector<1x1000x32xf32>
    %get3A_26 = vector.shape_cast %get3A_25 : vector<1x1000x32xf32> to vector<1000x32xf32>
    %get3A_27 = arith.constant 0 : index
    %get3A_28 = arith.constant 0 : index
    %get3A_29 = arith.constant 0 : index
    %get3A_30 = vector.load %arg1[%get3A_27, %get3A_28, %get3A_29] : memref<8x1000x32xf32, #tpu.memory_space<vmem>>, vector<1x1000x32xf32>
    %get3A_31 = vector.shape_cast %get3A_30 : vector<1x1000x32xf32> to vector<1000x32xf32>
    %mul3A_32 = vector.broadcast %mul3A_16 : vector<1x32xf32> to vector<1000x32xf32>
    %mul3A_33 = arith.mulf %get3A_31, %mul3A_32 : vector<1000x32xf32>
    %add3A_34 = vector.broadcast %sub3A_21 : vector<1x32xf32> to vector<1000x32xf32>
    %add3A_35 = arith.addf %mul3A_33, %add3A_34 : vector<1000x32xf32>
    %add3A_36 = arith.addf %get3A_26, %add3A_35 : vector<1000x32xf32>
    %max3A = arith.constant 0.000000e+00 : f32
    %max3A_37 = vector.broadcast %max3A : f32 to vector<1000x32xf32>
    %max3A_38 = arith.maximumf %add3A_36, %max3A_37 : vector<1000x32xf32>
    %add3A_39 = arith.addf %get3A_26, %max3A_38 : vector<1000x32xf32>
    %swap3A = arith.constant 0 : index
    %swap3A_40 = arith.constant 0 : index
    %swap3A_41 = arith.constant 0 : index
    %swap3A_42 = vector.load %arg6[%swap3A, %swap3A_40, %swap3A_41] : memref<8x1000x32xf32, #tpu.memory_space<vmem>>, vector<1x1000x32xf32>
    %swap3A_43 = vector.shape_cast %swap3A_42 : vector<1x1000x32xf32> to vector<1000x32xf32>
    %swap3A_44 = vector.shape_cast %add3A_39 : vector<1000x32xf32> to vector<1x1000x32xf32>
    tpu.vector_store %arg6[%swap3A, %swap3A_40, %swap3A_41], %swap3A_44 {strides = array<i32>} : memref<8x1000x32xf32, #tpu.memory_space<vmem>>, vector<1x1000x32xf32>,
    %get3A_45 = arith.constant 1 : index
    %get3A_46 = arith.constant 0 : index
    %get3A_47 = arith.constant 0 : index
    %get3A_48 = vector.load %arg3[%get3A_45, %get3A_46, %get3A_47] : memref<8x1000x32xf32, #tpu.memory_space<vmem>>, vector<1x1000x32xf32>
    %get3A_49 = vector.shape_cast %get3A_48 : vector<1x1000x32xf32> to vector<1000x32xf32>
    %get3A_50 = arith.constant 1 : index
    %get3A_51 = arith.constant 0 : index
    %get3A_52 = arith.constant 0 : index
    %get3A_53 = vector.load %arg1[%get3A_50, %get3A_51, %get3A_52] : memref<8x1000x32xf32, #tpu.memory_space<vmem>>, vector<1x1000x32xf32>
    %get3A_54 = vector.shape_cast %get3A_53 : vector<1x1000x32xf32> to vector<1000x32xf32>
    %mul3A_55 = vector.broadcast %mul3A_16 : vector<1x32xf32> to vector<1000x32xf32>
    %mul3A_56 = arith.mulf %get3A_54, %mul3A_55 : vector<1000x32xf32>
    %add3A_57 = vector.broadcast %sub3A_21 : vector<1x32xf32> to vector<1000x32xf32>
    %add3A_58 = arith.addf %mul3A_56, %add3A_57 : vector<1000x32xf32>
    %add3A_59 = arith.addf %get3A_49, %add3A_58 : vector<1000x32xf32>
    %max3A_60 = arith.constant 0.000000e+00 : f32
    %max3A_61 = vector.broadcast %max3A_60 : f32 to vector<1000x32xf32>
    %max3A_62 = arith.maximumf %add3A_59, %max3A_61 : vector<1000x32xf32>
    %add3A_63 = arith.addf %get3A_49, %max3A_62 : vector<1000x32xf32>
    %swap3A_64 = arith.constant 1 : index
    %swap3A_65 = arith.constant 0 : index
    %swap3A_66 = arith.constant 0 : index
    %swap3A_67 = vector.load %arg6[%swap3A_64, %swap3A_65, %swap3A_66] : memref<8x1000x32xf32, #tpu.memory_space<vmem>>, vector<1x1000x32xf32>
    %swap3A_68 = vector.shape_cast %swap3A_67 : vector<1x1000x32xf32> to vector<1000x32xf32>
    %swap3A_69 = vector.shape_cast %add3A_63 : vector<1000x32xf32> to vector<1x1000x32xf32>
    tpu.vector_store %arg6[%swap3A_64, %swap3A_65, %swap3A_66], %swap3A_69 {strides = array<i32>} : memref<8x1000x32xf32, #tpu.memory_space<vmem>>, vector<1x1000x32xf32>,
    %get3A_70 = arith.constant 2 : index
    %get3A_71 = arith.constant 0 : index
    %get3A_72 = arith.constant 0 : index
    %get3A_73 = vector.load %arg3[%get3A_70, %get3A_71, %get3A_72] : memref<8x1000x32xf32, #tpu.memory_space<vmem>>, vector<1x1000x32xf32>
    %get3A_74 = vector.shape_cast %get3A_73 : vector<1x1000x32xf32> to vector<1000x32xf32>
    %get3A_75 = arith.constant 2 : index
    %get3A_76 = arith.constant 0 : index
    %get3A_77 = arith.constant 0 : index
    %get3A_78 = vector.load %arg1[%get3A_75, %get3A_76, %get3A_77] : memref<8x1000x32xf32, #tpu.memory_space<vmem>>, vector<1x1000x32xf32>
    %get3A_79 = vector.shape_cast %get3A_78 : vector<1x1000x32xf32> to vector<1000x32xf32>
    %mul3A_80 = vector.broadcast %mul3A_16 : vector<1x32xf32> to vector<1000x32xf32>
    %mul3A_81 = arith.mulf %get3A_79, %mul3A_80 : vector<1000x32xf32>
    %add3A_82 = vector.broadcast %sub3A_21 : vector<1x32xf32> to vector<1000x32xf32>
    %add3A_83 = arith.addf %mul3A_81, %add3A_82 : vector<1000x32xf32>
    %add3A_84 = arith.addf %get3A_74, %add3A_83 : vector<1000x32xf32>
    %max3A_85 = arith.constant 0.000000e+00 : f32
    %max3A_86 = vector.broadcast %max3A_85 : f32 to vector<1000x32xf32>
    %max3A_87 = arith.maximumf %add3A_84, %max3A_86 : vector<1000x32xf32>
    %add3A_88 = arith.addf %get3A_74, %max3A_87 : vector<1000x32xf32>
    %swap3A_89 = arith.constant 2 : index
    %swap3A_90 = arith.constant 0 : index
    %swap3A_91 = arith.constant 0 : index
    %swap3A_92 = vector.load %arg6[%swap3A_89, %swap3A_90, %swap3A_91] : memref<8x1000x32xf32, #tpu.memory_space<vmem>>, vector<1x1000x32xf32>
    %swap3A_93 = vector.shape_cast %swap3A_92 : vector<1x1000x32xf32> to vector<1000x32xf32>
    %swap3A_94 = vector.shape_cast %add3A_88 : vector<1000x32xf32> to vector<1x1000x32xf32>
    tpu.vector_store %arg6[%swap3A_89, %swap3A_90, %swap3A_91], %swap3A_94 {strides = array<i32>} : memref<8x1000x32xf32, #tpu.memory_space<vmem>>, vector<1x1000x32xf32>,
    %get3A_95 = arith.constant 3 : index
    %get3A_96 = arith.constant 0 : index
    %get3A_97 = arith.constant 0 : index
    %get3A_98 = vector.load %arg3[%get3A_95, %get3A_96, %get3A_97] : memref<8x1000x32xf32, #tpu.memory_space<vmem>>, vector<1x1000x32xf32>
    %get3A_99 = vector.shape_cast %get3A_98 : vector<1x1000x32xf32> to vector<1000x32xf32>
    %get3A_100 = arith.constant 3 : index
    %get3A_101 = arith.constant 0 : index
    %get3A_102 = arith.constant 0 : index
    %get3A_103 = vector.load %arg1[%get3A_100, %get3A_101, %get3A_102] : memref<8x1000x32xf32, #tpu.memory_space<vmem>>, vector<1x1000x32xf32>
    %get3A_104 = vector.shape_cast %get3A_103 : vector<1x1000x32xf32> to vector<1000x32xf32>
    %mul3A_105 = vector.broadcast %mul3A_16 : vector<1x32xf32> to vector<1000x32xf32>
    %mul3A_106 = arith.mulf %get3A_104, %mul3A_105 : vector<1000x32xf32>
    %add3A_107 = vector.broadcast %sub3A_21 : vector<1x32xf32> to vector<1000x32xf32>
    %add3A_108 = arith.addf %mul3A_106, %add3A_107 : vector<1000x32xf32>
    %add3A_109 = arith.addf %get3A_99, %add3A_108 : vector<1000x32xf32>
    %max3A_110 = arith.constant 0.000000e+00 : f32
    %max3A_111 = vector.broadcast %max3A_110 : f32 to vector<1000x32xf32>
    %max3A_112 = arith.maximumf %add3A_109, %max3A_111 : vector<1000x32xf32>
    %add3A_113 = arith.addf %get3A_99, %max3A_112 : vector<1000x32xf32>
    %swap3A_114 = arith.constant 3 : index
    %swap3A_115 = arith.constant 0 : index
    %swap3A_116 = arith.constant 0 : index
    %swap3A_117 = vector.load %arg6[%swap3A_114, %swap3A_115, %swap3A_116] : memref<8x1000x32xf32, #tpu.memory_space<vmem>>, vector<1x1000x32xf32>
    %swap3A_118 = vector.shape_cast %swap3A_117 : vector<1x1000x32xf32> to vector<1000x32xf32>
    %swap3A_119 = vector.shape_cast %add3A_113 : vector<1000x32xf32> to vector<1x1000x32xf32>
    tpu.vector_store %arg6[%swap3A_114, %swap3A_115, %swap3A_116], %swap3A_119 {strides = array<i32>} : memref<8x1000x32xf32, #tpu.memory_space<vmem>>, vector<1x1000x32xf32>,
    %get3A_120 = arith.constant 4 : index
    %get3A_121 = arith.constant 0 : index
    %get3A_122 = arith.constant 0 : index
    %get3A_123 = vector.load %arg3[%get3A_120, %get3A_121, %get3A_122] : memref<8x1000x32xf32, #tpu.memory_space<vmem>>, vector<1x1000x32xf32>
    %get3A_124 = vector.shape_cast %get3A_123 : vector<1x1000x32xf32> to vector<1000x32xf32>
    %get3A_125 = arith.constant 4 : index
    %get3A_126 = arith.constant 0 : index
    %get3A_127 = arith.constant 0 : index
    %get3A_128 = vector.load %arg1[%get3A_125, %get3A_126, %get3A_127] : memref<8x1000x32xf32, #tpu.memory_space<vmem>>, vector<1x1000x32xf32>
    %get3A_129 = vector.shape_cast %get3A_128 : vector<1x1000x32xf32> to vector<1000x32xf32>
    %mul3A_130 = vector.broadcast %mul3A_16 : vector<1x32xf32> to vector<1000x32xf32>
    %mul3A_131 = arith.mulf %get3A_129, %mul3A_130 : vector<1000x32xf32>
    %add3A_132 = vector.broadcast %sub3A_21 : vector<1x32xf32> to vector<1000x32xf32>
    %add3A_133 = arith.addf %mul3A_131, %add3A_132 : vector<1000x32xf32>
    %add3A_134 = arith.addf %get3A_124, %add3A_133 : vector<1000x32xf32>
    %max3A_135 = arith.constant 0.000000e+00 : f32
    %max3A_136 = vector.broadcast %max3A_135 : f32 to vector<1000x32xf32>
    %max3A_137 = arith.maximumf %add3A_134, %max3A_136 : vector<1000x32xf32>
    %add3A_138 = arith.addf %get3A_124, %max3A_137 : vector<1000x32xf32>
    %swap3A_139 = arith.constant 4 : index
    %swap3A_140 = arith.constant 0 : index
    %swap3A_141 = arith.constant 0 : index
    %swap3A_142 = vector.load %arg6[%swap3A_139, %swap3A_140, %swap3A_141] : memref<8x1000x32xf32, #tpu.memory_space<vmem>>, vector<1x1000x32xf32>
    %swap3A_143 = vector.shape_cast %swap3A_142 : vector<1x1000x32xf32> to vector<1000x32xf32>
    %swap3A_144 = vector.shape_cast %add3A_138 : vector<1000x32xf32> to vector<1x1000x32xf32>
    tpu.vector_store %arg6[%swap3A_139, %swap3A_140, %swap3A_141], %swap3A_144 {strides = array<i32>} : memref<8x1000x32xf32, #tpu.memory_space<vmem>>, vector<1x1000x32xf32>,
    %get3A_145 = arith.constant 5 : index
    %get3A_146 = arith.constant 0 : index
    %get3A_147 = arith.constant 0 : index
    %get3A_148 = vector.load %arg3[%get3A_145, %get3A_146, %get3A_147] : memref<8x1000x32xf32, #tpu.memory_space<vmem>>, vector<1x1000x32xf32>
    %get3A_149 = vector.shape_cast %get3A_148 : vector<1x1000x32xf32> to vector<1000x32xf32>
    %get3A_150 = arith.constant 5 : index
    %get3A_151 = arith.constant 0 : index
    %get3A_152 = arith.constant 0 : index
    %get3A_153 = vector.load %arg1[%get3A_150, %get3A_151, %get3A_152] : memref<8x1000x32xf32, #tpu.memory_space<vmem>>, vector<1x1000x32xf32>
    %get3A_154 = vector.shape_cast %get3A_153 : vector<1x1000x32xf32> to vector<1000x32xf32>
    %mul3A_155 = vector.broadcast %mul3A_16 : vector<1x32xf32> to vector<1000x32xf32>
    %mul3A_156 = arith.mulf %get3A_154, %mul3A_155 : vector<1000x32xf32>
    %add3A_157 = vector.broadcast %sub3A_21 : vector<1x32xf32> to vector<1000x32xf32>
    %add3A_158 = arith.addf %mul3A_156, %add3A_157 : vector<1000x32xf32>
    %add3A_159 = arith.addf %get3A_149, %add3A_158 : vector<1000x32xf32>
    %max3A_160 = arith.constant 0.000000e+00 : f32
    %max3A_161 = vector.broadcast %max3A_160 : f32 to vector<1000x32xf32>
    %max3A_162 = arith.maximumf %add3A_159, %max3A_161 : vector<1000x32xf32>
    %add3A_163 = arith.addf %get3A_149, %max3A_162 : vector<1000x32xf32>
    %swap3A_164 = arith.constant 5 : index
    %swap3A_165 = arith.constant 0 : index
    %swap3A_166 = arith.constant 0 : index
    %swap3A_167 = vector.load %arg6[%swap3A_164, %swap3A_165, %swap3A_166] : memref<8x1000x32xf32, #tpu.memory_space<vmem>>, vector<1x1000x32xf32>
    %swap3A_168 = vector.shape_cast %swap3A_167 : vector<1x1000x32xf32> to vector<1000x32xf32>
    %swap3A_169 = vector.shape_cast %add3A_163 : vector<1000x32xf32> to vector<1x1000x32xf32>
    tpu.vector_store %arg6[%swap3A_164, %swap3A_165, %swap3A_166], %swap3A_169 {strides = array<i32>} : memref<8x1000x32xf32, #tpu.memory_space<vmem>>, vector<1x1000x32xf32>,
    %get3A_170 = arith.constant 6 : index
    %get3A_171 = arith.constant 0 : index
    %get3A_172 = arith.constant 0 : index
    %get3A_173 = vector.load %arg3[%get3A_170, %get3A_171, %get3A_172] : memref<8x1000x32xf32, #tpu.memory_space<vmem>>, vector<1x1000x32xf32>
    %get3A_174 = vector.shape_cast %get3A_173 : vector<1x1000x32xf32> to vector<1000x32xf32>
    %get3A_175 = arith.constant 6 : index
    %get3A_176 = arith.constant 0 : index
    %get3A_177 = arith.constant 0 : index
    %get3A_178 = vector.load %arg1[%get3A_175, %get3A_176, %get3A_177] : memref<8x1000x32xf32, #tpu.memory_space<vmem>>, vector<1x1000x32xf32>
    %get3A_179 = vector.shape_cast %get3A_178 : vector<1x1000x32xf32> to vector<1000x32xf32>
    %mul3A_180 = vector.broadcast %mul3A_16 : vector<1x32xf32> to vector<1000x32xf32>
    %mul3A_181 = arith.mulf %get3A_179, %mul3A_180 : vector<1000x32xf32>
    %add3A_182 = vector.broadcast %sub3A_21 : vector<1x32xf32> to vector<1000x32xf32>
    %add3A_183 = arith.addf %mul3A_181, %add3A_182 : vector<1000x32xf32>
    %add3A_184 = arith.addf %get3A_174, %add3A_183 : vector<1000x32xf32>
    %max3A_185 = arith.constant 0.000000e+00 : f32
    %max3A_186 = vector.broadcast %max3A_185 : f32 to vector<1000x32xf32>
    %max3A_187 = arith.maximumf %add3A_184, %max3A_186 : vector<1000x32xf32>
    %add3A_188 = arith.addf %get3A_174, %max3A_187 : vector<1000x32xf32>
    %swap3A_189 = arith.constant 6 : index
    %swap3A_190 = arith.constant 0 : index
    %swap3A_191 = arith.constant 0 : index
    %swap3A_192 = vector.load %arg6[%swap3A_189, %swap3A_190, %swap3A_191] : memref<8x1000x32xf32, #tpu.memory_space<vmem>>, vector<1x1000x32xf32>
    %swap3A_193 = vector.shape_cast %swap3A_192 : vector<1x1000x32xf32> to vector<1000x32xf32>
    %swap3A_194 = vector.shape_cast %add3A_188 : vector<1000x32xf32> to vector<1x1000x32xf32>
    tpu.vector_store %arg6[%swap3A_189, %swap3A_190, %swap3A_191], %swap3A_194 {strides = array<i32>} : memref<8x1000x32xf32, #tpu.memory_space<vmem>>, vector<1x1000x32xf32>,
    %get3A_195 = arith.constant 7 : index
    %get3A_196 = arith.constant 0 : index
    %get3A_197 = arith.constant 0 : index
    %get3A_198 = vector.load %arg3[%get3A_195, %get3A_196, %get3A_197] : memref<8x1000x32xf32, #tpu.memory_space<vmem>>, vector<1x1000x32xf32>
    %get3A_199 = vector.shape_cast %get3A_198 : vector<1x1000x32xf32> to vector<1000x32xf32>
    %get3A_200 = arith.constant 7 : index
    %get3A_201 = arith.constant 0 : index
    %get3A_202 = arith.constant 0 : index
    %get3A_203 = vector.load %arg1[%get3A_200, %get3A_201, %get3A_202] : memref<8x1000x32xf32, #tpu.memory_space<vmem>>, vector<1x1000x32xf32>
    %get3A_204 = vector.shape_cast %get3A_203 : vector<1x1000x32xf32> to vector<1000x32xf32>
    %mul3A_205 = vector.broadcast %mul3A_16 : vector<1x32xf32> to vector<1000x32xf32>
    %mul3A_206 = arith.mulf %get3A_204, %mul3A_205 : vector<1000x32xf32>
    %add3A_207 = vector.broadcast %sub3A_21 : vector<1x32xf32> to vector<1000x32xf32>
    %add3A_208 = arith.addf %mul3A_206, %add3A_207 : vector<1000x32xf32>
    %add3A_209 = arith.addf %get3A_199, %add3A_208 : vector<1000x32xf32>
    %max3A_210 = arith.constant 0.000000e+00 : f32
    %max3A_211 = vector.broadcast %max3A_210 : f32 to vector<1000x32xf32>
    %max3A_212 = arith.maximumf %add3A_209, %max3A_211 : vector<1000x32xf32>
    %add3A_213 = arith.addf %get3A_199, %max3A_212 : vector<1000x32xf32>
    %swap3A_214 = arith.constant 7 : index
    %swap3A_215 = arith.constant 0 : index
    %swap3A_216 = arith.constant 0 : index
    %swap3A_217 = vector.load %arg6[%swap3A_214, %swap3A_215, %swap3A_216] : memref<8x1000x32xf32, #tpu.memory_space<vmem>>, vector<1x1000x32xf32>
    %swap3A_218 = vector.shape_cast %swap3A_217 : vector<1x1000x32xf32> to vector<1000x32xf32>
    %swap3A_219 = vector.shape_cast %add3A_213 : vector<1000x32xf32> to vector<1x1000x32xf32>
    tpu.vector_store %arg6[%swap3A_214, %swap3A_215, %swap3A_216], %swap3A_219 {strides = array<i32>} : memref<8x1000x32xf32, #tpu.memory_space<vmem>>, vector<1x1000x32xf32>,
    return
  }
  func.func @transform_0(%arg0: i32) -> (i32, i32, i32) {
    %c0_i32 = arith.constant 0 : i32
    %c0_i32_0 = arith.constant 0 : i32
    %c0_i32_1 = arith.constant 0 : i32
    %c0_i32_2 = arith.constant 0 : i32
    return %c0_i32, %c0_i32_0, %c0_i32_1 : i32, i32, i32
  }
  func.func @transform_1(%arg0: i32) -> (i32, i32) {
    %c0_i32 = arith.constant 0 : i32
    %c0_i32_0 = arith.constant 0 : i32
    %c0_i32_1 = arith.constant 0 : i32
    return %c0_i32, %c0_i32_0 : i32, i32
  }
  func.func @transform_2(%arg0: i32) -> (i32, i32, i32) {
    %c0_i32 = arith.constant 0 : i32
    %c0_i32_0 = arith.constant 0 : i32
    %c0_i32_1 = arith.constant 0 : i32
    %c0_i32_2 = arith.constant 0 : i32
    return %c0_i32, %c0_i32_0, %c0_i32_1 : i32, i32, i32
  }
  func.func @transform_3(%arg0: i32) -> (i32, i32) {
    %c0_i32 = arith.constant 0 : i32
    %c0_i32_0 = arith.constant 0 : i32
    %c0_i32_1 = arith.constant 0 : i32
    return %c0_i32, %c0_i32_0 : i32, i32
  }
  func.func @transform_4(%arg0: i32) -> (i32, i32) {
    %c0_i32 = arith.constant 0 : i32
    %c0_i32_0 = arith.constant 0 : i32
    %c0_i32_1 = arith.constant 0 : i32
    return %c0_i32, %c0_i32_0 : i32, i32
  }
  func.func @transform_5(%arg0: i32) -> (i32, i32, i32) {
    %c0_i32 = arith.constant 0 : i32
    %c0_i32_0 = arith.constant 0 : i32
    %c0_i32_1 = arith.constant 0 : i32
    %c0_i32_2 = arith.constant 0 : i32
    return %c0_i32, %c0_i32_0, %c0_i32_1 : i32, i32, i32
  }
}

module attributes {stable_mosaic.version = 14 : i64} {
  func.func @body(%arg0: i32, %arg1: memref<8x1000x32xf32, #tpu.memory_space<vmem>>, %arg2: memref<32x6xf32, #tpu.memory_space<vmem>>, %arg3: memref<1x6xf32, #tpu.memory_space<vmem>>, %arg4: memref<8x6xf32, #tpu.memory_space<vmem>>) attributes {dimension_semantics = [#tpu.dimension_semantics<arbitrary>], iteration_bounds = array<i64: 1>, scalar_prefetch = 0 : i64, scratch_operands = 0 : i64, tpu.core_type = #tpu.core_type<tc>, window_params = [{pipeline_mode = #tpu.pipeline_mode<synchronous>, transform_indices = @transform_0, window_bounds = array<i64: 8, 1000, 32>}, {pipeline_mode = #tpu.pipeline_mode<synchronous>, transform_indices = @transform_1, window_bounds = array<i64: 32, 6>}, {pipeline_mode = #tpu.pipeline_mode<synchronous>, transform_indices = @transform_2, window_bounds = array<i64: 1, 6>}, {pipeline_mode = #tpu.pipeline_mode<synchronous>, transform_indices = @transform_3, window_bounds = array<i64: 8, 6>}]} {
    %get3A = arith.constant 0 : index
    %get3A_0 = arith.constant 0 : index
    %get3A_1 = arith.constant 0 : index
    %get3A_2 = vector.load %arg1[%get3A, %get3A_0, %get3A_1] : memref<8x1000x32xf32, #tpu.memory_space<vmem>>, vector<1x1000x32xf32>
    %get3A_3 = vector.shape_cast %get3A_2 : vector<1x1000x32xf32> to vector<1000x32xf32>
    %max3A = arith.constant 0.000000e+00 : f32
    %max3A_4 = vector.broadcast %max3A : f32 to vector<1000x32xf32>
    %max3A_5 = arith.maximumf %get3A_3, %max3A_4 : vector<1000x32xf32>
    %reduce_sum3A = arith.constant dense<0.000000e+00> : vector<32xf32>
    %reduce_sum3A_6 = vector.multi_reduction <add>, %max3A_5, %reduce_sum3A [0] : vector<1000x32xf32> to vector<32xf32>
    %broadcast_in_dim3A = vector.shape_cast %reduce_sum3A_6 : vector<32xf32> to vector<1x32xf32>
    %get3A_7 = arith.constant 1 : index
    %get3A_8 = arith.constant 0 : index
    %get3A_9 = arith.constant 0 : index
    %get3A_10 = vector.load %arg1[%get3A_7, %get3A_8, %get3A_9] : memref<8x1000x32xf32, #tpu.memory_space<vmem>>, vector<1x1000x32xf32>
    %get3A_11 = vector.shape_cast %get3A_10 : vector<1x1000x32xf32> to vector<1000x32xf32>
    %max3A_12 = arith.constant 0.000000e+00 : f32
    %max3A_13 = vector.broadcast %max3A_12 : f32 to vector<1000x32xf32>
    %max3A_14 = arith.maximumf %get3A_11, %max3A_13 : vector<1000x32xf32>
    %reduce_sum3A_15 = arith.constant dense<0.000000e+00> : vector<32xf32>
    %reduce_sum3A_16 = vector.multi_reduction <add>, %max3A_14, %reduce_sum3A_15 [0] : vector<1000x32xf32> to vector<32xf32>
    %broadcast_in_dim3A_17 = vector.shape_cast %reduce_sum3A_16 : vector<32xf32> to vector<1x32xf32>
    %get3A_18 = arith.constant 2 : index
    %get3A_19 = arith.constant 0 : index
    %get3A_20 = arith.constant 0 : index
    %get3A_21 = vector.load %arg1[%get3A_18, %get3A_19, %get3A_20] : memref<8x1000x32xf32, #tpu.memory_space<vmem>>, vector<1x1000x32xf32>
    %get3A_22 = vector.shape_cast %get3A_21 : vector<1x1000x32xf32> to vector<1000x32xf32>
    %max3A_23 = arith.constant 0.000000e+00 : f32
    %max3A_24 = vector.broadcast %max3A_23 : f32 to vector<1000x32xf32>
    %max3A_25 = arith.maximumf %get3A_22, %max3A_24 : vector<1000x32xf32>
    %reduce_sum3A_26 = arith.constant dense<0.000000e+00> : vector<32xf32>
    %reduce_sum3A_27 = vector.multi_reduction <add>, %max3A_25, %reduce_sum3A_26 [0] : vector<1000x32xf32> to vector<32xf32>
    %broadcast_in_dim3A_28 = vector.shape_cast %reduce_sum3A_27 : vector<32xf32> to vector<1x32xf32>
    %get3A_29 = arith.constant 3 : index
    %get3A_30 = arith.constant 0 : index
    %get3A_31 = arith.constant 0 : index
    %get3A_32 = vector.load %arg1[%get3A_29, %get3A_30, %get3A_31] : memref<8x1000x32xf32, #tpu.memory_space<vmem>>, vector<1x1000x32xf32>
    %get3A_33 = vector.shape_cast %get3A_32 : vector<1x1000x32xf32> to vector<1000x32xf32>
    %max3A_34 = arith.constant 0.000000e+00 : f32
    %max3A_35 = vector.broadcast %max3A_34 : f32 to vector<1000x32xf32>
    %max3A_36 = arith.maximumf %get3A_33, %max3A_35 : vector<1000x32xf32>
    %reduce_sum3A_37 = arith.constant dense<0.000000e+00> : vector<32xf32>
    %reduce_sum3A_38 = vector.multi_reduction <add>, %max3A_36, %reduce_sum3A_37 [0] : vector<1000x32xf32> to vector<32xf32>
    %broadcast_in_dim3A_39 = vector.shape_cast %reduce_sum3A_38 : vector<32xf32> to vector<1x32xf32>
    %get3A_40 = arith.constant 4 : index
    %get3A_41 = arith.constant 0 : index
    %get3A_42 = arith.constant 0 : index
    %get3A_43 = vector.load %arg1[%get3A_40, %get3A_41, %get3A_42] : memref<8x1000x32xf32, #tpu.memory_space<vmem>>, vector<1x1000x32xf32>
    %get3A_44 = vector.shape_cast %get3A_43 : vector<1x1000x32xf32> to vector<1000x32xf32>
    %max3A_45 = arith.constant 0.000000e+00 : f32
    %max3A_46 = vector.broadcast %max3A_45 : f32 to vector<1000x32xf32>
    %max3A_47 = arith.maximumf %get3A_44, %max3A_46 : vector<1000x32xf32>
    %reduce_sum3A_48 = arith.constant dense<0.000000e+00> : vector<32xf32>
    %reduce_sum3A_49 = vector.multi_reduction <add>, %max3A_47, %reduce_sum3A_48 [0] : vector<1000x32xf32> to vector<32xf32>
    %broadcast_in_dim3A_50 = vector.shape_cast %reduce_sum3A_49 : vector<32xf32> to vector<1x32xf32>
    %get3A_51 = arith.constant 5 : index
    %get3A_52 = arith.constant 0 : index
    %get3A_53 = arith.constant 0 : index
    %get3A_54 = vector.load %arg1[%get3A_51, %get3A_52, %get3A_53] : memref<8x1000x32xf32, #tpu.memory_space<vmem>>, vector<1x1000x32xf32>
    %get3A_55 = vector.shape_cast %get3A_54 : vector<1x1000x32xf32> to vector<1000x32xf32>
    %max3A_56 = arith.constant 0.000000e+00 : f32
    %max3A_57 = vector.broadcast %max3A_56 : f32 to vector<1000x32xf32>
    %max3A_58 = arith.maximumf %get3A_55, %max3A_57 : vector<1000x32xf32>
    %reduce_sum3A_59 = arith.constant dense<0.000000e+00> : vector<32xf32>
    %reduce_sum3A_60 = vector.multi_reduction <add>, %max3A_58, %reduce_sum3A_59 [0] : vector<1000x32xf32> to vector<32xf32>
    %broadcast_in_dim3A_61 = vector.shape_cast %reduce_sum3A_60 : vector<32xf32> to vector<1x32xf32>
    %get3A_62 = arith.constant 6 : index
    %get3A_63 = arith.constant 0 : index
    %get3A_64 = arith.constant 0 : index
    %get3A_65 = vector.load %arg1[%get3A_62, %get3A_63, %get3A_64] : memref<8x1000x32xf32, #tpu.memory_space<vmem>>, vector<1x1000x32xf32>
    %get3A_66 = vector.shape_cast %get3A_65 : vector<1x1000x32xf32> to vector<1000x32xf32>
    %max3A_67 = arith.constant 0.000000e+00 : f32
    %max3A_68 = vector.broadcast %max3A_67 : f32 to vector<1000x32xf32>
    %max3A_69 = arith.maximumf %get3A_66, %max3A_68 : vector<1000x32xf32>
    %reduce_sum3A_70 = arith.constant dense<0.000000e+00> : vector<32xf32>
    %reduce_sum3A_71 = vector.multi_reduction <add>, %max3A_69, %reduce_sum3A_70 [0] : vector<1000x32xf32> to vector<32xf32>
    %broadcast_in_dim3A_72 = vector.shape_cast %reduce_sum3A_71 : vector<32xf32> to vector<1x32xf32>
    %get3A_73 = arith.constant 7 : index
    %get3A_74 = arith.constant 0 : index
    %get3A_75 = arith.constant 0 : index
    %get3A_76 = vector.load %arg1[%get3A_73, %get3A_74, %get3A_75] : memref<8x1000x32xf32, #tpu.memory_space<vmem>>, vector<1x1000x32xf32>
    %get3A_77 = vector.shape_cast %get3A_76 : vector<1x1000x32xf32> to vector<1000x32xf32>
    %max3A_78 = arith.constant 0.000000e+00 : f32
    %max3A_79 = vector.broadcast %max3A_78 : f32 to vector<1000x32xf32>
    %max3A_80 = arith.maximumf %get3A_77, %max3A_79 : vector<1000x32xf32>
    %reduce_sum3A_81 = arith.constant dense<0.000000e+00> : vector<32xf32>
    %reduce_sum3A_82 = vector.multi_reduction <add>, %max3A_80, %reduce_sum3A_81 [0] : vector<1000x32xf32> to vector<32xf32>
    %broadcast_in_dim3A_83 = vector.shape_cast %reduce_sum3A_82 : vector<32xf32> to vector<1x32xf32>
    %concatenate3A = tpu.concatenate %broadcast_in_dim3A, %broadcast_in_dim3A_17, %broadcast_in_dim3A_28, %broadcast_in_dim3A_39, %broadcast_in_dim3A_50, %broadcast_in_dim3A_61, %broadcast_in_dim3A_72, %broadcast_in_dim3A_83 in 0 : vector<1x32xf32>, vector<1x32xf32>, vector<1x32xf32>, vector<1x32xf32>, vector<1x32xf32>, vector<1x32xf32>, vector<1x32xf32>, vector<1x32xf32> -> vector<8x32xf32>
    %mul3A = arith.constant 1.000000e-03 : f32
    %mul3A_84 = vector.broadcast %mul3A : f32 to vector<8x32xf32>
    %mul3A_85 = arith.mulf %concatenate3A, %mul3A_84 : vector<8x32xf32>
    %get3A_86 = arith.constant 0 : index
    %get3A_87 = arith.constant 0 : index
    %get3A_88 = vector.load %arg2[%get3A_86, %get3A_87] : memref<32x6xf32, #tpu.memory_space<vmem>>, vector<32x6xf32>
    %dot_general3A = arith.constant dense<0.000000e+00> : vector<8x6xf32>
    %dot_general3A_89 = tpu.matmul %mul3A_85, %get3A_88, %dot_general3A {dimension_numbers = #tpu.dot_dimension_numbers<[1], [0], [0], [1], [0, 0, 1, 1], [], []>, transpose_lhs_hint = false} : vector<8x32xf32>, vector<32x6xf32>, vector<8x6xf32> -> vector<8x6xf32>
    %get3A_90 = arith.constant 0 : index
    %get3A_91 = arith.constant 0 : index
    %get3A_92 = vector.load %arg3[%get3A_90, %get3A_91] : memref<1x6xf32, #tpu.memory_space<vmem>>, vector<1x6xf32>
    %add3A = vector.broadcast %get3A_92 : vector<1x6xf32> to vector<8x6xf32>
    %add3A_93 = arith.addf %dot_general3A_89, %add3A : vector<8x6xf32>
    %reduce_max3A = arith.constant dense<0xFF800000> : vector<8xf32>
    %reduce_max3A_94 = vector.multi_reduction <maximumf>, %add3A_93, %reduce_max3A [1] : vector<8x6xf32> to vector<8xf32>
    %broadcast_in_dim3A_95 = vector.shape_cast %reduce_max3A_94 : vector<8xf32> to vector<8x1xf32>
    %sub3A = vector.broadcast %broadcast_in_dim3A_95 : vector<8x1xf32> to vector<8x6xf32>
    %sub3A_96 = arith.subf %add3A_93, %sub3A : vector<8x6xf32>
    %exp3A = math.exp %sub3A_96 : vector<8x6xf32>
    %reduce_sum3A_97 = arith.constant dense<0.000000e+00> : vector<8xf32>
    %reduce_sum3A_98 = vector.multi_reduction <add>, %exp3A, %reduce_sum3A_97 [1] : vector<8x6xf32> to vector<8xf32>
    %broadcast_in_dim3A_99 = vector.shape_cast %reduce_sum3A_98 : vector<8xf32> to vector<8x1xf32>
    %div3A = vector.broadcast %broadcast_in_dim3A_99 : vector<8x1xf32> to vector<8x6xf32>
    %div3A_100 = arith.divf %exp3A, %div3A : vector<8x6xf32>
    %swap3A = arith.constant 0 : index
    %swap3A_101 = arith.constant 0 : index
    %swap3A_102 = vector.load %arg4[%swap3A, %swap3A_101] : memref<8x6xf32, #tpu.memory_space<vmem>>, vector<8x6xf32>
    tpu.vector_store %arg4[%swap3A, %swap3A_101], %div3A_100 {strides = array<i32>} : memref<8x6xf32, #tpu.memory_space<vmem>>, vector<8x6xf32>,
    return
  }
  func.func @transform_0(%arg0: i32) -> (i32, i32, i32) {
    %c0_i32 = arith.constant 0 : i32
    %c0_i32_0 = arith.constant 0 : i32
    %c0_i32_1 = arith.constant 0 : i32
    %c0_i32_2 = arith.constant 0 : i32
    return %c0_i32, %c0_i32_0, %c0_i32_1 : i32, i32, i32
  }
  func.func @transform_1(%arg0: i32) -> (i32, i32) {
    %c0_i32 = arith.constant 0 : i32
    %c0_i32_0 = arith.constant 0 : i32
    %c0_i32_1 = arith.constant 0 : i32
    return %c0_i32, %c0_i32_0 : i32, i32
  }
  func.func @transform_2(%arg0: i32) -> (i32, i32) {
    %c0_i32 = arith.constant 0 : i32
    %c0_i32_0 = arith.constant 0 : i32
    %c0_i32_1 = arith.constant 0 : i32
    return %c0_i32, %c0_i32_0 : i32, i32
  }
  func.func @transform_3(%arg0: i32) -> (i32, i32) {
    %c0_i32 = arith.constant 0 : i32
    %c0_i32_0 = arith.constant 0 : i32
    %c0_i32_1 = arith.constant 0 : i32
    return %c0_i32, %c0_i32_0 : i32, i32
  }
}

</mosaic_0001>

<sc_bundles>
// kernel: kernel.16.cloned.1.call-start
scs
__scs_entry_jumppad:
0x0: {  	(pc) =	sbr.rel $0x88, $3  }
0x1: {  	(tag) =	ssettag $0x0;
	lr =	simm.s32 $0x1  }
0x2: {  	[smem:$0x3F97] =	sst lr;
	_ =	strace $0xD0000000  }
0x3: {  	_ = 	snop  }
0x4: {  	_ = 	snop  }
0x5: {  	_ = 	snop  }
0x6: {  	_ = 	snop  }
0x7: {  	_ = 	snop  }
__scs_overlays_trampoline_lowered:
0x8: {  	[smem:$0x3FA6] =	sst s0  }
0x9: {  	[smem:$0x3FA7] =	sst s1  }
0xa: {  	[smem:$0x3FA8] =	sst s2  }
0xb: {  	[smem:$0x3FA9] =	sst s3  }
0xc: {  	[smem:$0x3FAA] =	sst s4  }
0xd: {  	[smem:$0x3FAB] =	sst s5  }
0xe: {  	[smem:$0x3FAC] =	sst s6  }
0xf: {  	[smem:$0x3FAD] =	sst s7  }
0x10: {  	[smem:$0x3FAE] =	sst s8  }
0x11: {  	[smem:$0x3FAF] =	sst s9;
	s0 =	simm.s32 @!p0 $0x0  }
0x12: {  	s1 =	sld [smem:$0x3F95];
	s0 =	simm.s32 @p0 $0x1  }
0x13: {  	[smem:$0x3FB0] =	sst s0;
	s0 =	simm.s32 @!p1 $0x0  }
0x14: {  	s2 =	sld [smem:$0x3F94];
	s0 =	simm.s32 @p1 $0x1  }
0x15: {  	[smem:$0x3FB1] =	sst s0;
	s0 =	simm.s32 @!p2 $0x0  }
0x16: {  	s3 =	sld [smem:$0x3FDB];
	s0 =	simm.s32 @p2 $0x1  }
0x17: {  	s4 =	simm.s32 $0x1BF5;
	[smem:$0x3FB3] =	sst s0  }
0x18: {  	s0 =	sld [smem:$0x3F96];
	_ =	swait.ge [sflag:s4], $0x0  }
0x19: {  	s7 =	sld [smem:$0x3F97]  }
0x1a: {  	s8 =	sadd.s32 $0xFFFFE003, lr  }
0x1b: {  	s9 =	sadd.s32 $0xFFFFFEF7, lr;
	s5 =	simm.s32 $0xFFFFFFFF;
	p2 =	slt.u32 s8, $0xFFFFF086  }
0x1c: {  	p1 =	slt.u32 s9, $0xF7A;
	s5 =	simm.s32 @!p2 $0x0  }
0x1d: {  	s5 =	simm.s32 @p1 $0x1;
	p0 =	seq.s32 s7, s2  }
0x1e: {  	s7 =	smul.u32 @!p0 $0xF7A, s2;
	p2 =	seq.s32 @!p0 s5, $0x0  }
0x1f: {  	s9 =	smul.u32 $0xF7A, s1;
	s8 =	simm.s32 @!p0 $0x1BF5;
	p2 =	por !p2, p0  }
0x20: {  	[sflag:s8] =	ssyncset.s32 @!p0 $0xFFFFF086;
	s6 =	sadd.s32 @!p0 s3, s7;
	s7 =	simm.s32 @!p0 $0x108  }
0x21: {  	s3 =	sadd.s32 s3, s9;
	s6 =	sadd.s32 @!p0 $0x88, s6;
	s7 =	simm.s32 @p2 $0x1082  }
0x22: {  	[simem:s7], [sflag:s8] =	dma.local @!p0 [hbm:s6], $0xF7A  }
0x23: {  	s9 =	sor.u32 $0xD0000000, s2;
	s6 =	simm.s32 $0x108;
	_ =	swait.ge @!p0 [sflag:s8], $0x0  }
0x24: {  	s3 =	sadd.s32 $0x88, s3;
	s6 =	simm.s32 @!p1 $0x1082;
	[sflag:s4] =	ssyncset.s32 $0xFFFFF086  }
0x25: {  	[simem:s6], [sflag:s4] =	dma.local [hbm:s3], $0xF7A  }
0x26: {  	[smem:$0x3F97] =	sst s1;
	(tag) =	ssettag s2;
	_ =	strace s9  }
0x27: {  	s1 =	sld [smem:$0x3FA7]  }
0x28: {  	s2 =	sld [smem:$0x3FA8]  }
0x29: {  	s4 =	sld [smem:$0x3FAA]  }
0x2a: {  	p0 =	seq.s32 s5, $0x0;
	s5 =	sld [smem:$0x3FAB]  }
0x2b: {  	s6 =	sld [smem:$0x3FAC]  }
0x2c: {  	s7 =	sld [smem:$0x3FAD]  }
0x2d: {  	s3 =	simm.s32 $0x108;
	s8 =	sld [smem:$0x3FAE]  }
0x2e: {  	s3 =	simm.s32 @!p0 $0x1082;
	s9 =	sld [smem:$0x3FAF]  }
0x2f: {  	lr =	sadd.s32 s0, s3;
	s0 =	sld [smem:$0x3FA6]  }
0x30: {  	s3 =	sld [smem:$0x3FA9]  }
0x31: {  	[smem:$0x3FB2] =	sst s10  }
0x32: {  	s10 =	sld [smem:$0x3FB0];
	_ =	sdelay $0x3  }
0x33: {  	p0 =	seq.s32 s10, $0x1;
	s10 =	sld [smem:$0x3FB2];
	_ =	sdelay $0x3  }
0x34: {  	[smem:$0x3FB2] =	sst s10  }
0x35: {  	s10 =	sld [smem:$0x3FB1];
	_ =	sdelay $0x3  }
0x36: {  	p1 =	seq.s32 s10, $0x1;
	s10 =	sld [smem:$0x3FB2];
	_ =	sdelay $0x3  }
0x37: {  	[smem:$0x3FB2] =	sst s10  }
0x38: {  	s10 =	sld [smem:$0x3FB3]  }
0x39: {  	_ = 	snop;
	(pc) =	sbr.ind lr, $3  }
0x3a: {  	_ = 	snop  }
0x3b: {  	_ = 	snop  }
0x3c: {  	p2 =	seq.s32 s10, $0x1;
	s10 =	sld [smem:$0x3FB2]  }
0x3d: {  	_ =	shalt  }
0x3e: {  	_ =	shalt  }
0x3f: {  	_ =	shalt  }
0x40: {  	_ =	shalt  }
0x41: {  	_ =	shalt  }
0x42: {  	_ =	shalt  }
0x43: {  	_ =	shalt  }
0x44: {  	_ =	shalt  }
0x45: {  	_ =	shalt  }
0x46: {  	_ =	shalt  }
0x47: {  	_ =	shalt  }
0x48: {  	_ =	shalt  }
0x49: {  	_ =	shalt  }
0x4a: {  	_ =	shalt  }
0x4b: {  	_ =	shalt  }
0x4c: {  	_ =	shalt  }
0x4d: {  	_ =	shalt  }
0x4e: {  	_ =	shalt  }
0x4f: {  	_ =	shalt  }
0x50: {  	_ =	shalt  }
0x51: {  	_ =	shalt  }
0x52: {  	_ =	shalt  }
0x53: {  	_ =	shalt  }
0x54: {  	_ =	shalt  }
0x55: {  	_ =	shalt  }
0x56: {  	_ =	shalt  }
0x57: {  	_ =	shalt  }
0x58: {  	_ =	shalt  }
0x59: {  	_ =	shalt  }
0x5a: {  	_ =	shalt  }
0x5b: {  	_ =	shalt  }
0x5c: {  	_ =	shalt  }
0x5d: {  	_ =	shalt  }
0x5e: {  	_ =	shalt  }
0x5f: {  	_ =	shalt  }
0x60: {  	_ =	shalt  }
0x61: {  	_ =	shalt  }
0x62: {  	_ =	shalt  }
0x63: {  	_ =	shalt  }
0x64: {  	_ =	shalt  }
0x65: {  	_ =	shalt  }
0x66: {  	_ =	shalt  }
0x67: {  	_ =	shalt  }
0x68: {  	_ =	shalt  }
0x69: {  	_ =	shalt  }
0x6a: {  	_ =	shalt  }
0x6b: {  	_ =	shalt  }
0x6c: {  	_ =	shalt  }
0x6d: {  	_ =	shalt  }
0x6e: {  	_ =	shalt  }
0x6f: {  	_ =	shalt  }
0x70: {  	_ =	shalt  }
0x71: {  	_ =	shalt  }
0x72: {  	_ =	shalt  }
0x73: {  	_ =	shalt  }
0x74: {  	_ =	shalt  }
0x75: {  	_ =	shalt  }
0x76: {  	_ =	shalt  }
0x77: {  	_ =	shalt  }
0x78: {  	_ =	shalt  }
0x79: {  	_ =	shalt  }
0x7a: {  	_ =	shalt  }
0x7b: {  	_ =	shalt  }
0x7c: {  	_ =	shalt  }
0x7d: {  	_ =	shalt  }
0x7e: {  	_ =	shalt  }
0x7f: {  	_ =	shalt  }
0x80: {  	_ =	shalt  }
0x81: {  	_ =	shalt  }
0x82: {  	_ =	shalt  }
0x83: {  	_ =	shalt  }
0x84: {  	_ =	shalt  }
0x85: {  	_ =	shalt  }
0x86: {  	_ =	shalt  }
0x87: {  	_ =	shalt  }
.Lfunc_end0:
.L_simem_size_0:
called_computation_lowered:
.L_overlay_start_0:
0x88: {  	s2 =	sld [smem:$0x3FD9]  }
0x89: {  	s3 =	sld [smem:$0x3FFE];
	_ =	sdelay $0x1  }
0x8a: {  	s1 =	srdreg.scid  }
0x8b: {  	s0 =	sand.u32 $0x1, s1  }
0x8c: {  	s16 =	sshll.u32 s0, $0xA;
	s2 =	sadd.s32 s3, s2  }
0x8d: {  	s2 =	sadd.s32 s2, s16  }
0x8e: {  	[smem:$0x3FBE] =	sst s2  }
0x8f: {  	_ = 	snop  }
0x90: {  	(tm) =	ssettm $0x1  }
0x91: {  	s17 =	sld [smem:$0x3FFB];
	_ =	sdelay $0x3  }
0x92: {  	_ =	strace s17  }
0x93: {  	s2 =	sld [smem:$0x3FFC];
	_ =	sdelay $0x3  }
0x94: {  	_ =	strace s2  }
0x95: {  	s2 =	sld [smem:$0x3FFD];
	_ =	sdelay $0x3  }
0x96: {  	_ =	strace s2  }
0x97: {  	_ =	strace $0x8FFFFFFF  }
0x98: {  	s18 =	sld [smem:$0x3FDB];
	_ =	sdelay $0x1  }
0x99: {  	s19 =	simm.s32 $_scs_section_size  }
0x9a: {  	s4 =	simm.s32 $_size__tile_overlayer_lowered;
	s5 =	simm.s32 $_tile_overlayer_lowered  }
0x9b: {  	s22 =	simm.s32 $0x1BFF;
	s21 =	sshll.u32 s5, $0x1;
	s2 =	sadd.s32 s19, s18  }
0x9c: {  	s6 =	simm.s32 $0x0;
	s20 =	sshll.u32 s4, $0x1;
	s4 =	sadd.s32 s21, s2  }
0x9d: {  	[timem:s6], [sflag:s22] =	dma.local [hbm:s4], s20  }
0x9e: {  	_ =	swait.ge [sflag:s22], s20  }
0x9f: {  	s3 =	ssub.s32 $0x0, s20;
	[sflag:s22] =	ssyncset.done $0x0  }
0xa0: {  	[sflag:s22] =	ssyncadd.s32 s3;
	_ =	sdelay $0x1  }
0xa1: {  	s23 =	simm.s32 $0x1B8B  }
0xa2: {  	_ =	swait.ge [sflag:s23], $0x1  }
0xa3: {  	[sflag:s23] =	ssyncset.done $0x0  }
0xa4: {  	s25 =	simm.s32 $0x1B8E;
	s24 =	sld [smem:$0x3FFE];
	[sflag:s23] =	ssyncadd.s32 $0xFFFFFFFF  }
0xa5: {  	s26 =	simm.s32 $execute0_lowered;
	[smem:$0x3FD2] =	sst s25  }
0xa6: {  	s4 =	sshll.u32 s26, $0x1;
	_ =	strace $0x80000046;
	[dreg:$0x1] =	wrdreg $0xFFFFFFFF  }
0xa7: {  	s28 =	simm.s32 $_size_execute0_lowered;
	s2 =	sadd.s32 s2, s4;
	[dreg:$0x0] =	wrdreg $0x0  }
0xa8: {  	s4 =	sshll.u32 s28, $0x1;
	[dreg:$0x2] =	wrdreg s2  }
0xa9: {  	[dreg:$0x3] =	wrdreg s4  }
0xaa: {  	[dreg:$0x4] =	wrdreg $0xC0  }
0xab: {  	_ =	task [dreg:s6], $0x5FFFF  }
0xac: {  	[dreg:$0x1] =	wrdreg $0xFFFFFFFF  }
0xad: {  	[dreg:$0x0] =	wrdreg $0x60  }
0xae: {  	[dreg:$0x2] =	wrdreg s24  }
0xaf: {  	[dreg:$0x3] =	wrdreg $0x9  }
0xb0: {  	_ =	task.clear_ibuf [dreg:s6], $0x4FFFF;
	_ =	strace $0x90000046  }
0xb1: {  	s29 =	simm.s32 $0x9;
	_ =	strace $0x8000004F  }
0xb2: {  	_ =	swait.ge [sflag:s29], $0x1  }
0xb3: {  	[sflag:s29] =	ssyncadd.s32 $0xFFFFFFFF  }
0xb4: {  	_ =	strace $0x9000004F  }
0xb5: {  	_ =	sfence  }
0xb6: {  	s30 =	sld [smem:$0x0];
	_ =	sdelay $0x2  }
0xb7: {  	s31 =	sshll.u32 s1, $0xD;
	s1 =	sshrl.u32 s1, $0x2  }
0xb8: {  	s3 =	sand.u32 $0x4000, s31;
	s1 =	sadd.s32 s1, s30  }
0xb9: {  	s0 =	sor.u32 s3, s0;
	s1 =	sshll.u32 s1, $0x11  }
0xba: {  	s0 =	sor.u32 s1, s0  }
0xbb: {  	s0 =	sadd.s32 $0x8F2B, s0  }
0xbc: {  	[sflag:s0] =	ssyncadd.remote.s32 $0x1  }
0xbd: {  	_ =	sfence.sel $0xFFFF  }
0xbe: {  	[dreg:$0x0] =	wrdreg $0xFFFFFFFF;
	(pc) =	sbr.abs _section_cstart, $3  }
0xbf: {  	[dreg:$0x1] =	wrdreg $0xFFFFFFFF  }
0xc0: {  	_ =	task.clear_ibuf [dreg:s6], $0x2FFFF;
	_ =	strace $0x9FFFFFFF  }
0xc1: {  	(tm) =	ssettm $0x7FFFFFFF  }
tec
execute0_lowered:
.L_overlay_start_1:
0x0: {  	(tag) =	ssettag $0x1  }
0x1: {  	s0 =	srdreg.scid  }
0x2: {  	s5 =	rddreg [dreg:$0x0];
	s1 =	stileid.u32;
	s2 =	simm.s32 $0x0  }
0x3: {  	s10 =	simm.s32 $0x80;
	s7 =	sand.u32 $0x1, s0;
	s0 =	rddreg [dreg:$0x1]  }
0x4: {  	s11 =	simm.s32 $0x0;
	[smem:$0x7FF] =	sst s2;
	s3 =	sshll.u32 s7, $0x4  }
0x5: {  	s6 =	sadd.s32 $0x4200, s5;
	_ =	strace $0x80000047;
	s3 =	sor.u32 s1, s3  }
0x6: {  	[dreg:$0x2] =	wrdreg s6;
	p0 =	seq.s32 s7, $0x0;
	s4 =	smul.u32 $0x3E, s3  }
0x7: {  	s29 =	ssub.s32 $0x2, s7;
	[dreg:$0x3] =	wrdreg s10;
	s8 =	smul.u32 $0x3F, s3  }
0x8: {  	s10 =	simm.s32 $0x5;
	s30 =	sshrl.u32 s29, $0x1;
	s3 =	sadd.s32 $0x10, s4  }
0x9: {  	s4 =	sadd.s32 $0x106000, s5;
	s5 =	sadd.s32 $0xC000, s5;
	s3 =	smov.u32 @p0 s8  }
0xa: {  	[dreg:$0x4] =	wrdreg s5;
	s8 =	ssub.s32 s29, s30;
	s9 =	sshll.u32 s3, $0x4  }
0xb: {  	s5 =	sxor.u32 $0x3F, s7;
	s7 =	ssub.s32 $0x3E, s7;
	s31 =	sand.u32 $0x1FFFFFF0, s9  }
0xc: {  	s8 =	smax.u32 s8, $0x1;
	s9 =	simm.s32 $0x1;
	s6 =	sadd.s32 s4, s31  }
.LBB2_1:
0xd: {  	_ =	strace $0x80000048;
	p2 =	sne.s32 s5, $0x1  }
.Ltmp0:
0xe: {  	p0 =	seq.s32 s5, $0x1;
	s13 =	simm.s32 $0x1;
	(pc) =	sbr.rel @!p2 .LBB2_2-.Ltmp0, $4  }
0xf: {  	[tilespmem:s2], [sflag:$0x1] =	stream.linear.gather [hbm4b:s6+s2], $0x80, $0x200038;
	[tilespmem:$0x2100] =	vst v63  }
0x10: {  	s12 =	simm.s32 $0x1;
	p1 =	por $0x1, $0x1;
	s13 =	simm.s32 @p0 $0x0  }
0x11: {  	p6 =	sgt.u32 s7, $0x0;
	p4 =	por p1, p1;
	p3 =	sne.s32 s13, $0x0  }
0x12: {  	_ =	strace $0x90000048;
	p5 =	por !p6, !p3;
	p6 =	por $0x0, $0x0  }
0x13: {  	p2 =	por !p5, !p5  }
0x14: {  	s21 =	sand.u32 $0x1, s2;
	s19 =	simm.s32 $0x2;
	s14 =	sadd.s32 @p2 s3, s13  }
0x15: {  	p1 =	por p3, p3;
	s15 =	sand.u32 @p2 $0x1, s9;
	s14 =	sshll.u32 @p2 s14, $0x4  }
0x16: {  	_ =	strace @p2 $0x80000049;
	s17 =	simm.s32 @p2 $0x0;
	s14 =	sand.u32 @p2 $0x1FFFFFF0, s14  }
0x17: {  	s16 =	sshll.u32 @p2 s15, $0x7;
	s15 =	sadd.s32 @p2 $0x1, s15;
	s14 =	sadd.s32 @p2 s4, s14  }
0x18: {  	[tilespmem:s16], [sflag:s15] =	stream.linear.gather @p2 [hbm4b:s14+s17], $0x80, $0x200038;
	[tilespmem:$0x2100] =	vst v63  }
0x19: {  	s30 =	simm.s32 $0x0;
	p6 =	por $0x0, $0x0;
	_ =	strace @p2 $0x90000049  }
0x1a: {  	p0 =	sne.s32 s5, $0x2;
	s29 =	sadd.s32 $0x1, s21;
	_ =	strace $0x8000004A  }
0x1b: {  	s24 =	sadd.s32 $0x0, s3;
	p5 =	sgt.u32 s7, $0x1;
	_ =	swait.ge [sflag:s29], $0x80  }
0x1c: {  	s23 =	simm.s32 $0x1;
	s22 =	sshll.u32 s21, $0xC;
	[sflag:s29] =	ssyncset.done $0x0  }
0x1d: {  	s22 =	sor.u32 $0x100, s22;
	s16 =	sand.u32 @!p4 $0x1, s2;
	[sflag:s29] =	ssyncadd.s32 $0xFFFFFF80  }
0x1e: {  	s15 =	simm.s32 $0x1;
	s17 =	sadd.s32 $0x1, s13;
	_ =	strace $0x9000004A  }
0x1f: {  	s14 =	sand.u32 $0x80, s30;
	s15 =	simm.s32 @!p2 $0x0;
	_ =	strace $0x8000004B  }
0x20: {  	p2 =	por p4, p4;
	p4 =	por p6, p6;
	s20 =	rddreg [dreg:$0x3]  }
0x21: {  	p3 =	seq.s32 s17, s5;
	p6 =	seq.s32 s7, $0x0;
	s31 =	rddreg [dreg:$0x2]  }
0x22: {  	[tilespmem:s22], [sflag:$0x5] =	stream.indirect.gather [hbm4b:s31+s20], $0x20, s14, s20, $0x2000b8;
	[tilespmem:$0x2100] =	vst v63  }
.Ltmp1:
0x23: {  	s18 =	sadd.s32 $0x1, s15;
	s17 =	simm.s32 @p3 $0x0;
	(pc) =	sbr.rel @!p0 .LBB2_4-.Ltmp1, $4  }
0x24: {  	p1 =	por p6, p1;
	p6 =	por $0x0, $0x0;
	_ =	swait.ge [sflag:s10], $0x1000  }
0x25: {  	s15 =	simm.s32 $0x0;
	p3 =	sne.s32 s13, s17;
	[sflag:s10] =	ssyncset.done $0x0  }
0x26: {  	s23 =	simm.s32 @!p6 $0x0;
	p5 =	por !p5, !p3;
	[sflag:s10] =	ssyncadd.s32 $0xFFFFF000  }
0x27: {  	s14 =	simm.s32 $0x0;
	s20 =	simm.s32 $0x0;
	_ =	strace $0x9000004B  }
.LBB2_5:
0x28: {  	_ =	strace @p1 $0x8000004C;
	s14 =	sadd.s32 s23, s14;
	s23 =	smov.u32 s12  }
0x29: {  	s12 =	smov.u32 s19;
	s19 =	sadd.s32 $0x1, s19;
	p0 =	por p3, p3  }
0x2a: {  	s29 =	sshll.u32 @p1 s24, $0x9;
	s21 =	sadd.s32 @p1 $0x3, s21;
	s25 =	simm.s32 @!p0 $0x0  }
0x2b: {  	s26 =	rddreg [dreg:$0x4];
	s29 =	sand.u32 @p1 $0x1FFFFE00, s29;
	s25 =	simm.s32 @p0 $0x1  }
0x2c: {  	s26 =	sadd.s32 @p1 s26, s29;
	s29 =	simm.s32 @p1 $0x0;
	p0 =	sne.s32 s5, s19  }
0x2d: {  	[hbm4b:s26+s29] =	stream.linear.scatter @p1 [tilespmem:s22], [sflag:s21], $0x1000, $0x200038;
	[tilespmem:$0x2100] =	vst v63  }
0x2e: {  	s21 =	sadd.s32 @!p2 $0x3, s16;
	s16 =	simm.s32 @!p0 $0x0  }
0x2f: {  	s28 =	simm.s32 $0x1;
	[smem:$0x7FC] =	sst s25;
	s16 =	simm.s32 @p0 $0x1  }
0x30: {  	s28 =	simm.s32 @!p1 $0x0;
	_ =	strace @p1 $0x9000004C;
	[smem:$0x7FD] =	sst s16  }
0x31: {  	s20 =	sadd.s32 s28, s20;
	s25 =	sand.u32 @!p4 $0x1, s14;
	_ =	strace @!p2 $0x8000004D  }
0x32: {  	p1 =	por !p5, !p5;
	s16 =	smov.u32 s25;
	_ =	swait.ge @!p2 [sflag:s21], $0x1000  }
0x33: {  	s22 =	sand.u32 @p1 $0x1, s18;
	s25 =	sadd.s32 @p1 s3, s17;
	[sflag:s21] =	ssyncset.done @!p2 $0x0  }
0x34: {  	s26 =	sshll.u32 @p1 s22, $0x7;
	s25 =	sshll.u32 @p1 s25, $0x4;
	[sflag:s21] =	ssyncadd.s32 @!p2 $0xFFFFF000  }
0x35: {  	s21 =	sadd.s32 @p1 $0x1, s22;
	s22 =	sand.u32 @p1 $0x1FFFFFF0, s25;
	_ =	strace @!p2 $0x9000004D  }
0x36: {  	s25 =	simm.s32 @p1 $0x0;
	s22 =	sadd.s32 @p1 s4, s22;
	_ =	strace @p1 $0x80000049  }
0x37: {  	[tilespmem:s26], [sflag:s21] =	stream.linear.gather @p1 [hbm4b:s22+s25], $0x80, $0x200038;
	[tilespmem:$0x2100] =	vst v63  }
0x38: {  	s15 =	sadd.s32 s28, s15;
	s28 =	sand.u32 $0x1, s20;
	_ =	strace @p1 $0x90000049  }
0x39: {  	s28 =	sadd.s32 $0x1, s28;
	_ =	strace $0x8000004A  }
0x3a: {  	_ =	swait.ge [sflag:s28], $0x80  }
0x3b: {  	[sflag:s28] =	ssyncset.done $0x0  }
0x3c: {  	s21 =	simm.s32 $0x1;
	[sflag:s28] =	ssyncadd.s32 $0xFFFFFF80  }
0x3d: {  	s21 =	simm.s32 @!p1 $0x0;
	_ =	strace $0x9000004A  }
0x3e: {  	s18 =	sadd.s32 s21, s18;
	s21 =	sand.u32 $0x1, s15;
	_ =	strace $0x8000004B  }
0x3f: {  	s31 =	sshll.u32 s20, $0x7;
	s29 =	sshll.u32 s21, $0xC;
	s25 =	rddreg [dreg:$0x3]  }
0x40: {  	s31 =	sand.u32 $0x80, s31;
	s22 =	sor.u32 $0x100, s29;
	s26 =	rddreg [dreg:$0x2]  }
0x41: {  	[tilespmem:s22], [sflag:$0x5] =	stream.indirect.gather [hbm4b:s26+s25], $0x20, s31, s25, $0x2000b8;
	[tilespmem:$0x2100] =	vst v63  }
0x42: {  	_ =	swait.ge [sflag:s10], $0x1000  }
0x43: {  	[sflag:s10] =	ssyncset.done $0x0  }
0x44: {  	[sflag:s10] =	ssyncadd.s32 $0xFFFFF000  }
0x45: {  	s30 =	sadd.s32 $0x1, s17;
	_ =	strace $0x9000004B  }
0x46: {  	s24 =	sadd.s32 s3, s13;
	s13 =	smov.u32 s17;
	s31 =	sld [smem:$0x7FD]  }
0x47: {  	p0 =	sne.s32 s23, $0x0;
	s17 =	smov.u32 s30;
	p1 =	seq.s32 s30, s5  }
0x48: {  	s17 =	simm.s32 @p1 $0x0;
	p1 =	seq.s32 s7, s23;
	s23 =	simm.s32 $0x1  }
0x49: {  	s23 =	simm.s32 @!p0 $0x0;
	p0 =	seq.s32 s31, $0x1  }
.Ltmp2:
0x4a: {  	s30 =	sld [smem:$0x7FC];
	(pc) =	sbr.rel @p0 .LBB2_5-.Ltmp2, $4  }
0x4b: {  	p3 =	seq.s32 s12, $0x0  }
0x4c: {  	p6 =	por p3, p3;
	p5 =	slt.u32 s12, s7  }
0x4d: {  	p2 =	por p4, p4;
	p3 =	sne.s32 s13, s17;
	p4 =	seq.s32 s30, $0x1  }
0x4e: {  	p5 =	por !p5, !p3;
	p1 =	por p1, p4;
	p4 =	por p6, p6  }
0x4f: {  	p6 =	por $0x1, $0x1  }
.LBB2_7:
0x50: {  	p0 =	por !p1, !p6  }
0x51: {  	s25 =	simm.s32 $0x1;
	_ =	strace @!p0 $0x8000004C;
	s24 =	sshll.u32 @!p0 s24, $0x9  }
0x52: {  	p2 =	por p2, !p6;
	s19 =	rddreg [dreg:$0x4];
	s24 =	sand.u32 @!p0 $0x1FFFFE00, s24  }
0x53: {  	s21 =	sadd.s32 @!p0 $0x3, s21;
	s19 =	sadd.s32 @!p0 s19, s24;
	s24 =	simm.s32 @!p0 $0x0  }
0x54: {  	[hbm4b:s19+s24] =	stream.linear.scatter @!p0 [tilespmem:s22], [sflag:s21], $0x1000, $0x200038;
	[tilespmem:$0x2100] =	vst v63  }
0x55: {  	p1 =	por !p5, !p5;
	s25 =	simm.s32 @p0 $0x0;
	_ =	strace @!p0 $0x9000004C  }
0x56: {  	s16 =	sadd.s32 @!p2 $0x3, s16;
	s17 =	sadd.s32 @p1 s3, s17;
	_ =	strace @!p2 $0x8000004D  }
0x57: {  	s18 =	sand.u32 @p1 $0x1, s18;
	s17 =	sshll.u32 @p1 s17, $0x4;
	_ =	swait.ge @!p2 [sflag:s16], $0x1000  }
0x58: {  	s17 =	sand.u32 @p1 $0x1FFFFFF0, s17;
	s19 =	sadd.s32 @p6 s25, s20;
	[sflag:s16] =	ssyncset.done @!p2 $0x0  }
0x59: {  	s20 =	simm.s32 $0x0;
	s17 =	sadd.s32 @p1 s4, s17;
	[sflag:s16] =	ssyncadd.s32 @!p2 $0xFFFFF000  }
0x5a: {  	s20 =	smov.u32 @p6 s19;
	s19 =	sshll.u32 @p1 s18, $0x7;
	_ =	strace @!p2 $0x9000004D  }
0x5b: {  	s16 =	sadd.s32 @p1 $0x1, s18;
	s18 =	simm.s32 @p1 $0x0;
	_ =	strace @p1 $0x80000049  }
0x5c: {  	[tilespmem:s19], [sflag:s16] =	stream.linear.gather @p1 [hbm4b:s17+s18], $0x80, $0x200038;
	[tilespmem:$0x2100] =	vst v63  }
0x5d: {  	s26 =	sand.u32 $0x1, s20;
	_ =	strace @p1 $0x90000049  }
0x5e: {  	s16 =	sadd.s32 $0x1, s26;
	_ =	strace $0x8000004A  }
0x5f: {  	_ =	swait.ge [sflag:s16], $0x80  }
0x60: {  	[sflag:s16] =	ssyncset.done $0x0  }
0x61: {  	s15 =	sadd.s32 @p6 s25, s15;
	[sflag:s16] =	ssyncadd.s32 $0xFFFFFF80;
	s16 =	simm.s32 $0x0  }
0x62: {  	_ =	strace $0x9000004A;
	s16 =	smov.u32 @p6 s15  }
0x63: {  	_ =	strace $0x8000004B;
	s16 =	sand.u32 $0x1, s16  }
0x64: {  	s30 =	sshll.u32 s20, $0x7;
	s28 =	rddreg [dreg:$0x3];
	s31 =	sshll.u32 s16, $0xC  }
0x65: {  	s18 =	sand.u32 $0x80, s30;
	s29 =	rddreg [dreg:$0x2];
	s19 =	sor.u32 $0x100, s31  }
0x66: {  	[tilespmem:s19], [sflag:$0x5] =	stream.indirect.gather [hbm4b:s29+s28], $0x20, s18, s28, $0x2000b8;
	[tilespmem:$0x2100] =	vst v63  }
0x67: {  	_ =	swait.ge [sflag:s10], $0x1000  }
0x68: {  	p3 =	por p3, p3;
	[sflag:s10] =	ssyncset.done $0x0  }
0x69: {  	p5 =	seq.s32 s7, s12;
	s13 =	sadd.s32 s3, s13;
	[sflag:s10] =	ssyncadd.s32 $0xFFFFF000  }
0x6a: {  	s14 =	sadd.s32 @p6 s23, s14;
	p1 =	por p5, p3;
	_ =	strace $0x9000004B  }
0x6b: {  	s17 =	simm.s32 $0x0;
	s13 =	sshll.u32 @p1 s13, $0x9;
	_ =	strace @p1 $0x8000004C  }
0x6c: {  	s17 =	smov.u32 @p6 s14;
	s13 =	sand.u32 @p1 $0x1FFFFE00, s13;
	s15 =	rddreg [dreg:$0x4]  }
0x6d: {  	s14 =	sadd.s32 @p1 $0x3, s16;
	s13 =	sadd.s32 @p1 s15, s13;
	s15 =	simm.s32 @p1 $0x0  }
0x6e: {  	[hbm4b:s13+s15] =	stream.linear.scatter @p1 [tilespmem:s19], [sflag:s14], $0x1000, $0x200038;
	[tilespmem:$0x2100] =	vst v63  }
0x6f: {  	p0 =	por p4, p4;
	s13 =	sand.u32 @!p4 $0x1, s17;
	_ =	strace @p1 $0x9000004C  }
0x70: {  	s13 =	sadd.s32 @!p0 $0x3, s13;
	_ =	strace @!p0 $0x8000004D  }
0x71: {  	p1 =	sne.s32 s12, $0x0;
	s12 =	simm.s32 $0x1;
	_ =	swait.ge @!p0 [sflag:s13], $0x1000  }
0x72: {  	s12 =	simm.s32 @!p1 $0x0;
	[sflag:s13] =	ssyncset.done @!p0 $0x0  }
0x73: {  	s11 =	sadd.s32 $0x1, s11;
	s12 =	sadd.s32 s12, s17;
	[sflag:s13] =	ssyncadd.s32 @!p0 $0xFFFFF000  }
0x74: {  	s12 =	sand.u32 $0x1, s12;
	_ =	strace @!p0 $0x9000004D;
	p0 =	sne.s32 s11, s8  }
.Ltmp3:
0x75: {  	s12 =	sadd.s32 $0x3, s12;
	_ =	strace $0x8000004E;
	(pc) =	sbr.rel @p0 .LBB2_1-.Ltmp3, $4  }
.Ltmp4:
0x76: {  	_ =	swait.ge [sflag:s12], $0x1000;
	(pc) =	sbr.rel @!p0 .LBB2_8-.Ltmp4, $4  }
0x77: {  	[sflag:s12] =	ssyncset.done $0x0  }
0x78: {  	[sflag:s12] =	ssyncadd.s32 $0xFFFFF000  }
0x79: {  	_ =	strace $0x9000004E  }
0x7a: {  	_ = 	snop  }
.LBB2_2:
.Ltmp5:
0x7b: {  	(pc) =	sbr.rel .LBB2_7-.Ltmp5, $4  }
0x7c: {  	_ = 	snop  }
0x7d: {  	s14 =	simm.s32 $0x0  }
0x7e: {  	s12 =	simm.s32 $0x0;
	s15 =	simm.s32 $0x0;
	s17 =	smov.u32 s13  }
0x7f: {  	s20 =	simm.s32 $0x0;
	s18 =	simm.s32 $0x1;
	s13 =	simm.s32 $0x0  }
.LBB2_4:
.Ltmp6:
0x80: {  	(pc) =	sbr.rel .LBB2_7-.Ltmp6, $3  }
0x81: {  	_ =	sdelay $0x1  }
0x82: {  	s14 =	simm.s32 $0x0  }
0x83: {  	s15 =	simm.s32 $0x0;
	s20 =	simm.s32 $0x0;
	p6 =	por $0x1, $0x1  }
.LBB2_8:
0x84: {  	_ =	sfence.sel $0x180000  }
0x85: {  	[bflag:$0x0] =	sbarrier.arrive $0xFFFF  }
0x86: {  	p0 =	sne.s32 s1, $0x0;
	_ =	strace $0x90000047  }
0x87: {  	s0 =	sadd.s32 @!p0 $0x100000, s0;
	[bflag:$0x2] =	sbarrier.arrive $0xFFFF  }
0x88: {  	[sflag:s0] =	ssyncadd.tile.s32 @!p0 $0x1;
	_ =	shalt  }
.Lfunc_end2:
_tile_overlayer_lowered:
.L_overlay_start_2:
0x89: {  	(tag) =	ssettag $0x2  }
0x8a: {  	s0 =	rddreg [dreg:$0x0];
	s2 =	stileid.u32  }
0x8b: {  	s1 =	rddreg [dreg:$0x1];
	p0 =	sne.s32 s2, $0x0  }
0x8c: {  	s3 =	rddreg [dreg:$0x2];
	[bflag:$0x3] =	sbarrier.arrive $0xFFFF;
	s2 =	simm.s32 @!p0 $0x1C01  }
0x8d: {  	[timem:s3], [sflag:s2] =	dma.local @!p0 [hbm:s0], s1  }
0x8e: {  	s0 =	simm.s32 @!p0 $0x1  }
0x8f: {  	_ =	swait.ge @!p0 [sflag:s0], s1  }
0x90: {  	s1 =	ssub.s32 @!p0 $0x0, s1;
	[sflag:s0] =	ssyncset.done @!p0 $0x0  }
0x91: {  	[sflag:s0] =	ssyncadd.s32 @!p0 s1  }
0x92: {  	[bflag:$0x3] =	sbarrier.arrive $0xFFFF  }
0x93: {  	_ =	shalt  }

// kernel: kernel.19.cloned.1.call-start
scs
__scs_entry_jumppad:
0x0: {  	(pc) =	sbr.rel $0x88, $3  }
0x1: {  	(tag) =	ssettag $0x0;
	lr =	simm.s32 $0x1  }
0x2: {  	[smem:$0x3F97] =	sst lr;
	_ =	strace $0xD0000000  }
0x3: {  	_ = 	snop  }
0x4: {  	_ = 	snop  }
0x5: {  	_ = 	snop  }
0x6: {  	_ = 	snop  }
0x7: {  	_ = 	snop  }
__scs_overlays_trampoline_lowered:
0x8: {  	[smem:$0x3FA6] =	sst s0  }
0x9: {  	[smem:$0x3FA7] =	sst s1  }
0xa: {  	[smem:$0x3FA8] =	sst s2  }
0xb: {  	[smem:$0x3FA9] =	sst s3  }
0xc: {  	[smem:$0x3FAA] =	sst s4  }
0xd: {  	[smem:$0x3FAB] =	sst s5  }
0xe: {  	[smem:$0x3FAC] =	sst s6  }
0xf: {  	[smem:$0x3FAD] =	sst s7  }
0x10: {  	[smem:$0x3FAE] =	sst s8  }
0x11: {  	[smem:$0x3FAF] =	sst s9;
	s0 =	simm.s32 @!p0 $0x0  }
0x12: {  	s1 =	sld [smem:$0x3F95];
	s0 =	simm.s32 @p0 $0x1  }
0x13: {  	[smem:$0x3FB0] =	sst s0;
	s0 =	simm.s32 @!p1 $0x0  }
0x14: {  	s2 =	sld [smem:$0x3F94];
	s0 =	simm.s32 @p1 $0x1  }
0x15: {  	[smem:$0x3FB1] =	sst s0;
	s0 =	simm.s32 @!p2 $0x0  }
0x16: {  	s3 =	sld [smem:$0x3FDB];
	s0 =	simm.s32 @p2 $0x1  }
0x17: {  	s4 =	simm.s32 $0x1BF5;
	[smem:$0x3FB3] =	sst s0  }
0x18: {  	s0 =	sld [smem:$0x3F96];
	_ =	swait.ge [sflag:s4], $0x0  }
0x19: {  	s7 =	sld [smem:$0x3F97]  }
0x1a: {  	s8 =	sadd.s32 $0xFFFFE003, lr  }
0x1b: {  	s9 =	sadd.s32 $0xFFFFFEF7, lr;
	s5 =	simm.s32 $0xFFFFFFFF;
	p2 =	slt.u32 s8, $0xFFFFF086  }
0x1c: {  	p1 =	slt.u32 s9, $0xF7A;
	s5 =	simm.s32 @!p2 $0x0  }
0x1d: {  	s5 =	simm.s32 @p1 $0x1;
	p0 =	seq.s32 s7, s2  }
0x1e: {  	s7 =	smul.u32 @!p0 $0xF7A, s2;
	p2 =	seq.s32 @!p0 s5, $0x0  }
0x1f: {  	s9 =	smul.u32 $0xF7A, s1;
	s8 =	simm.s32 @!p0 $0x1BF5;
	p2 =	por !p2, p0  }
0x20: {  	[sflag:s8] =	ssyncset.s32 @!p0 $0xFFFFF086;
	s6 =	sadd.s32 @!p0 s3, s7;
	s7 =	simm.s32 @!p0 $0x108  }
0x21: {  	s3 =	sadd.s32 s3, s9;
	s6 =	sadd.s32 @!p0 $0x88, s6;
	s7 =	simm.s32 @p2 $0x1082  }
0x22: {  	[simem:s7], [sflag:s8] =	dma.local @!p0 [hbm:s6], $0xF7A  }
0x23: {  	s9 =	sor.u32 $0xD0000000, s2;
	s6 =	simm.s32 $0x108;
	_ =	swait.ge @!p0 [sflag:s8], $0x0  }
0x24: {  	s3 =	sadd.s32 $0x88, s3;
	s6 =	simm.s32 @!p1 $0x1082;
	[sflag:s4] =	ssyncset.s32 $0xFFFFF086  }
0x25: {  	[simem:s6], [sflag:s4] =	dma.local [hbm:s3], $0xF7A  }
0x26: {  	[smem:$0x3F97] =	sst s1;
	(tag) =	ssettag s2;
	_ =	strace s9  }
0x27: {  	s1 =	sld [smem:$0x3FA7]  }
0x28: {  	s2 =	sld [smem:$0x3FA8]  }
0x29: {  	s4 =	sld [smem:$0x3FAA]  }
0x2a: {  	p0 =	seq.s32 s5, $0x0;
	s5 =	sld [smem:$0x3FAB]  }
0x2b: {  	s6 =	sld [smem:$0x3FAC]  }
0x2c: {  	s7 =	sld [smem:$0x3FAD]  }
0x2d: {  	s3 =	simm.s32 $0x108;
	s8 =	sld [smem:$0x3FAE]  }
0x2e: {  	s3 =	simm.s32 @!p0 $0x1082;
	s9 =	sld [smem:$0x3FAF]  }
0x2f: {  	lr =	sadd.s32 s0, s3;
	s0 =	sld [smem:$0x3FA6]  }
0x30: {  	s3 =	sld [smem:$0x3FA9]  }
0x31: {  	[smem:$0x3FB2] =	sst s10  }
0x32: {  	s10 =	sld [smem:$0x3FB0];
	_ =	sdelay $0x3  }
0x33: {  	p0 =	seq.s32 s10, $0x1;
	s10 =	sld [smem:$0x3FB2];
	_ =	sdelay $0x3  }
0x34: {  	[smem:$0x3FB2] =	sst s10  }
0x35: {  	s10 =	sld [smem:$0x3FB1];
	_ =	sdelay $0x3  }
0x36: {  	p1 =	seq.s32 s10, $0x1;
	s10 =	sld [smem:$0x3FB2];
	_ =	sdelay $0x3  }
0x37: {  	[smem:$0x3FB2] =	sst s10  }
0x38: {  	s10 =	sld [smem:$0x3FB3]  }
0x39: {  	_ = 	snop;
	(pc) =	sbr.ind lr, $3  }
0x3a: {  	_ = 	snop  }
0x3b: {  	_ = 	snop  }
0x3c: {  	p2 =	seq.s32 s10, $0x1;
	s10 =	sld [smem:$0x3FB2]  }
0x3d: {  	_ =	shalt  }
0x3e: {  	_ =	shalt  }
0x3f: {  	_ =	shalt  }
0x40: {  	_ =	shalt  }
0x41: {  	_ =	shalt  }
0x42: {  	_ =	shalt  }
0x43: {  	_ =	shalt  }
0x44: {  	_ =	shalt  }
0x45: {  	_ =	shalt  }
0x46: {  	_ =	shalt  }
0x47: {  	_ =	shalt  }
0x48: {  	_ =	shalt  }
0x49: {  	_ =	shalt  }
0x4a: {  	_ =	shalt  }
0x4b: {  	_ =	shalt  }
0x4c: {  	_ =	shalt  }
0x4d: {  	_ =	shalt  }
0x4e: {  	_ =	shalt  }
0x4f: {  	_ =	shalt  }
0x50: {  	_ =	shalt  }
0x51: {  	_ =	shalt  }
0x52: {  	_ =	shalt  }
0x53: {  	_ =	shalt  }
0x54: {  	_ =	shalt  }
0x55: {  	_ =	shalt  }
0x56: {  	_ =	shalt  }
0x57: {  	_ =	shalt  }
0x58: {  	_ =	shalt  }
0x59: {  	_ =	shalt  }
0x5a: {  	_ =	shalt  }
0x5b: {  	_ =	shalt  }
0x5c: {  	_ =	shalt  }
0x5d: {  	_ =	shalt  }
0x5e: {  	_ =	shalt  }
0x5f: {  	_ =	shalt  }
0x60: {  	_ =	shalt  }
0x61: {  	_ =	shalt  }
0x62: {  	_ =	shalt  }
0x63: {  	_ =	shalt  }
0x64: {  	_ =	shalt  }
0x65: {  	_ =	shalt  }
0x66: {  	_ =	shalt  }
0x67: {  	_ =	shalt  }
0x68: {  	_ =	shalt  }
0x69: {  	_ =	shalt  }
0x6a: {  	_ =	shalt  }
0x6b: {  	_ =	shalt  }
0x6c: {  	_ =	shalt  }
0x6d: {  	_ =	shalt  }
0x6e: {  	_ =	shalt  }
0x6f: {  	_ =	shalt  }
0x70: {  	_ =	shalt  }
0x71: {  	_ =	shalt  }
0x72: {  	_ =	shalt  }
0x73: {  	_ =	shalt  }
0x74: {  	_ =	shalt  }
0x75: {  	_ =	shalt  }
0x76: {  	_ =	shalt  }
0x77: {  	_ =	shalt  }
0x78: {  	_ =	shalt  }
0x79: {  	_ =	shalt  }
0x7a: {  	_ =	shalt  }
0x7b: {  	_ =	shalt  }
0x7c: {  	_ =	shalt  }
0x7d: {  	_ =	shalt  }
0x7e: {  	_ =	shalt  }
0x7f: {  	_ =	shalt  }
0x80: {  	_ =	shalt  }
0x81: {  	_ =	shalt  }
0x82: {  	_ =	shalt  }
0x83: {  	_ =	shalt  }
0x84: {  	_ =	shalt  }
0x85: {  	_ =	shalt  }
0x86: {  	_ =	shalt  }
0x87: {  	_ =	shalt  }
.Lfunc_end0:
.L_simem_size_0:
called_computation.1_lowered:
.L_overlay_start_0:
0x88: {  	s2 =	sld [smem:$0x3FD9]  }
0x89: {  	s3 =	sld [smem:$0x3FFE];
	_ =	sdelay $0x1  }
0x8a: {  	s1 =	srdreg.scid  }
0x8b: {  	s0 =	sand.u32 $0x1, s1  }
0x8c: {  	s16 =	sshll.u32 s0, $0xA;
	s2 =	sadd.s32 s3, s2  }
0x8d: {  	s2 =	sadd.s32 s2, s16  }
0x8e: {  	[smem:$0x3FBE] =	sst s2  }
0x8f: {  	_ = 	snop  }
0x90: {  	(tm) =	ssettm $0x1  }
0x91: {  	s17 =	sld [smem:$0x3FFB];
	_ =	sdelay $0x3  }
0x92: {  	_ =	strace s17  }
0x93: {  	s2 =	sld [smem:$0x3FFC];
	_ =	sdelay $0x3  }
0x94: {  	_ =	strace s2  }
0x95: {  	s2 =	sld [smem:$0x3FFD];
	_ =	sdelay $0x3  }
0x96: {  	_ =	strace s2  }
0x97: {  	_ =	strace $0x8FFFFFFF  }
0x98: {  	s18 =	sld [smem:$0x3FDB];
	_ =	sdelay $0x1  }
0x99: {  	s19 =	simm.s32 $_scs_section_size  }
0x9a: {  	s4 =	simm.s32 $_size__tile_overlayer_lowered;
	s5 =	simm.s32 $_tile_overlayer_lowered  }
0x9b: {  	s22 =	simm.s32 $0x1BFF;
	s21 =	sshll.u32 s5, $0x1;
	s2 =	sadd.s32 s19, s18  }
0x9c: {  	s6 =	simm.s32 $0x0;
	s20 =	sshll.u32 s4, $0x1;
	s4 =	sadd.s32 s21, s2  }
0x9d: {  	[timem:s6], [sflag:s22] =	dma.local [hbm:s4], s20  }
0x9e: {  	_ =	swait.ge [sflag:s22], s20  }
0x9f: {  	s3 =	ssub.s32 $0x0, s20;
	[sflag:s22] =	ssyncset.done $0x0  }
0xa0: {  	[sflag:s22] =	ssyncadd.s32 s3;
	_ =	sdelay $0x1  }
0xa1: {  	s23 =	simm.s32 $0x1B8B  }
0xa2: {  	_ =	swait.ge [sflag:s23], $0x1  }
0xa3: {  	[sflag:s23] =	ssyncset.done $0x0  }
0xa4: {  	s25 =	simm.s32 $0x1B8E;
	s24 =	sld [smem:$0x3FFE];
	[sflag:s23] =	ssyncadd.s32 $0xFFFFFFFF  }
0xa5: {  	s26 =	simm.s32 $execute0_lowered;
	[smem:$0x3FD2] =	sst s25  }
0xa6: {  	s4 =	sshll.u32 s26, $0x1;
	_ =	strace $0x80000050;
	[dreg:$0x1] =	wrdreg $0xFFFFFFFF  }
0xa7: {  	s28 =	simm.s32 $_size_execute0_lowered;
	s2 =	sadd.s32 s2, s4;
	[dreg:$0x0] =	wrdreg $0x0  }
0xa8: {  	s4 =	sshll.u32 s28, $0x1;
	[dreg:$0x2] =	wrdreg s2  }
0xa9: {  	[dreg:$0x3] =	wrdreg s4  }
0xaa: {  	[dreg:$0x4] =	wrdreg $0xC0  }
0xab: {  	_ =	task [dreg:s6], $0x5FFFF  }
0xac: {  	[dreg:$0x1] =	wrdreg $0xFFFFFFFF  }
0xad: {  	[dreg:$0x0] =	wrdreg $0x60  }
0xae: {  	[dreg:$0x2] =	wrdreg s24  }
0xaf: {  	[dreg:$0x3] =	wrdreg $0x9  }
0xb0: {  	_ =	task.clear_ibuf [dreg:s6], $0x4FFFF;
	_ =	strace $0x90000050  }
0xb1: {  	s29 =	simm.s32 $0x9;
	_ =	strace $0x80000059  }
0xb2: {  	_ =	swait.ge [sflag:s29], $0x1  }
0xb3: {  	[sflag:s29] =	ssyncadd.s32 $0xFFFFFFFF  }
0xb4: {  	_ =	strace $0x90000059  }
0xb5: {  	_ =	sfence  }
0xb6: {  	s30 =	sld [smem:$0x0];
	_ =	sdelay $0x2  }
0xb7: {  	s31 =	sshll.u32 s1, $0xD;
	s1 =	sshrl.u32 s1, $0x2  }
0xb8: {  	s3 =	sand.u32 $0x4000, s31;
	s1 =	sadd.s32 s1, s30  }
0xb9: {  	s0 =	sor.u32 s3, s0;
	s1 =	sshll.u32 s1, $0x11  }
0xba: {  	s0 =	sor.u32 s1, s0  }
0xbb: {  	s0 =	sadd.s32 $0x8F2B, s0  }
0xbc: {  	[sflag:s0] =	ssyncadd.remote.s32 $0x1  }
0xbd: {  	_ =	sfence.sel $0xFFFF  }
0xbe: {  	[dreg:$0x0] =	wrdreg $0xFFFFFFFF;
	(pc) =	sbr.abs _section_cstart, $3  }
0xbf: {  	[dreg:$0x1] =	wrdreg $0xFFFFFFFF  }
0xc0: {  	_ =	task.clear_ibuf [dreg:s6], $0x2FFFF;
	_ =	strace $0x9FFFFFFF  }
0xc1: {  	(tm) =	ssettm $0x7FFFFFFF  }
tec
execute0_lowered:
.L_overlay_start_1:
0x0: {  	(tag) =	ssettag $0x1  }
0x1: {  	s5 =	rddreg [dreg:$0x0]  }
0x2: {  	s1 =	srdreg.scid;
	s0 =	rddreg [dreg:$0x1];
	s2 =	simm.s32 $0x0  }
0x3: {  	s10 =	simm.s32 $0x80;
	s11 =	simm.s32 $0x0;
	s7 =	sand.u32 $0x1, s1  }
0x4: {  	s1 =	stileid.u32;
	[smem:$0x7FF] =	sst s2;
	s3 =	sshll.u32 s7, $0x4  }
0x5: {  	s6 =	sadd.s32 $0x10DE00, s5;
	_ =	strace $0x80000051;
	s3 =	sor.u32 s1, s3  }
0x6: {  	[dreg:$0x2] =	wrdreg s6;
	p0 =	seq.s32 s7, $0x0;
	s4 =	smul.u32 $0x3E, s3  }
0x7: {  	s29 =	ssub.s32 $0x2, s7;
	[dreg:$0x3] =	wrdreg s10;
	s8 =	smul.u32 $0x3F, s3  }
0x8: {  	s10 =	simm.s32 $0x5;
	s30 =	sshrl.u32 s29, $0x1;
	s3 =	sadd.s32 $0x10, s4  }
0x9: {  	s4 =	sadd.s32 $0x106000, s5;
	s5 =	sadd.s32 $0x4200, s5;
	s3 =	smov.u32 @p0 s8  }
0xa: {  	[dreg:$0x4] =	wrdreg s5;
	s8 =	ssub.s32 s29, s30;
	s9 =	sshll.u32 s3, $0x4  }
0xb: {  	s5 =	sxor.u32 $0x3F, s7;
	s7 =	ssub.s32 $0x3E, s7;
	s31 =	sand.u32 $0x1FFFFFF0, s9  }
0xc: {  	s8 =	smax.u32 s8, $0x1;
	s9 =	simm.s32 $0x1;
	s6 =	sadd.s32 s4, s31  }
.LBB2_1:
0xd: {  	_ =	strace $0x80000052;
	p2 =	sne.s32 s5, $0x1  }
.Ltmp0:
0xe: {  	p0 =	seq.s32 s5, $0x1;
	s13 =	simm.s32 $0x1;
	(pc) =	sbr.rel @!p2 .LBB2_2-.Ltmp0, $4  }
0xf: {  	[tilespmem:s2], [sflag:$0x1] =	stream.linear.gather [hbm4b:s6+s2], $0x80, $0x200038;
	[tilespmem:$0x2100] =	vst v63  }
0x10: {  	s12 =	simm.s32 $0x1;
	p1 =	por $0x1, $0x1;
	s13 =	simm.s32 @p0 $0x0  }
0x11: {  	p6 =	sgt.u32 s7, $0x0;
	p4 =	por p1, p1;
	p3 =	sne.s32 s13, $0x0  }
0x12: {  	_ =	strace $0x90000052;
	p5 =	por !p6, !p3;
	p6 =	por $0x0, $0x0  }
0x13: {  	p2 =	por !p5, !p5  }
0x14: {  	s21 =	sand.u32 $0x1, s2;
	s19 =	simm.s32 $0x2;
	s14 =	sadd.s32 @p2 s3, s13  }
0x15: {  	p1 =	por p3, p3;
	s15 =	sand.u32 @p2 $0x1, s9;
	s14 =	sshll.u32 @p2 s14, $0x4  }
0x16: {  	_ =	strace @p2 $0x80000053;
	s17 =	simm.s32 @p2 $0x0;
	s14 =	sand.u32 @p2 $0x1FFFFFF0, s14  }
0x17: {  	s16 =	sshll.u32 @p2 s15, $0x7;
	s15 =	sadd.s32 @p2 $0x1, s15;
	s14 =	sadd.s32 @p2 s4, s14  }
0x18: {  	[tilespmem:s16], [sflag:s15] =	stream.linear.gather @p2 [hbm4b:s14+s17], $0x80, $0x200038;
	[tilespmem:$0x2100] =	vst v63  }
0x19: {  	s30 =	simm.s32 $0x0;
	p6 =	por $0x0, $0x0;
	_ =	strace @p2 $0x90000053  }
0x1a: {  	p0 =	sne.s32 s5, $0x2;
	s29 =	sadd.s32 $0x1, s21;
	_ =	strace $0x80000054  }
0x1b: {  	s24 =	sadd.s32 $0x0, s3;
	p5 =	sgt.u32 s7, $0x1;
	_ =	swait.ge [sflag:s29], $0x80  }
0x1c: {  	s23 =	simm.s32 $0x1;
	s22 =	sshll.u32 s21, $0xC;
	[sflag:s29] =	ssyncset.done $0x0  }
0x1d: {  	s22 =	sor.u32 $0x100, s22;
	s16 =	sand.u32 @!p4 $0x1, s2;
	[sflag:s29] =	ssyncadd.s32 $0xFFFFFF80  }
0x1e: {  	s15 =	simm.s32 $0x1;
	s17 =	sadd.s32 $0x1, s13;
	_ =	strace $0x90000054  }
0x1f: {  	s14 =	sand.u32 $0x80, s30;
	s15 =	simm.s32 @!p2 $0x0;
	_ =	strace $0x80000055  }
0x20: {  	p2 =	por p4, p4;
	p4 =	por p6, p6;
	s20 =	rddreg [dreg:$0x3]  }
0x21: {  	p3 =	seq.s32 s17, s5;
	p6 =	seq.s32 s7, $0x0;
	s31 =	rddreg [dreg:$0x2]  }
0x22: {  	[tilespmem:s22], [sflag:$0x5] =	stream.indirect.gather [hbm4b:s31+s20], $0x20, s14, s20, $0x2000b8;
	[tilespmem:$0x2100] =	vst v63  }
.Ltmp1:
0x23: {  	s18 =	sadd.s32 $0x1, s15;
	s17 =	simm.s32 @p3 $0x0;
	(pc) =	sbr.rel @!p0 .LBB2_4-.Ltmp1, $4  }
0x24: {  	p1 =	por p6, p1;
	p6 =	por $0x0, $0x0;
	_ =	swait.ge [sflag:s10], $0x1000  }
0x25: {  	s15 =	simm.s32 $0x0;
	p3 =	sne.s32 s13, s17;
	[sflag:s10] =	ssyncset.done $0x0  }
0x26: {  	s23 =	simm.s32 @!p6 $0x0;
	p5 =	por !p5, !p3;
	[sflag:s10] =	ssyncadd.s32 $0xFFFFF000  }
0x27: {  	s14 =	simm.s32 $0x0;
	s20 =	simm.s32 $0x0;
	_ =	strace $0x90000055  }
.LBB2_5:
0x28: {  	_ =	strace @p1 $0x80000056;
	s14 =	sadd.s32 s23, s14;
	s23 =	smov.u32 s12  }
0x29: {  	s12 =	smov.u32 s19;
	s19 =	sadd.s32 $0x1, s19;
	p0 =	por p3, p3  }
0x2a: {  	s29 =	sshll.u32 @p1 s24, $0x9;
	s21 =	sadd.s32 @p1 $0x3, s21;
	s25 =	simm.s32 @!p0 $0x0  }
0x2b: {  	s26 =	rddreg [dreg:$0x4];
	s29 =	sand.u32 @p1 $0x1FFFFE00, s29;
	s25 =	simm.s32 @p0 $0x1  }
0x2c: {  	s26 =	sadd.s32 @p1 s26, s29;
	s29 =	simm.s32 @p1 $0x0;
	p0 =	sne.s32 s5, s19  }
0x2d: {  	[hbm4b:s26+s29] =	stream.linear.scatter @p1 [tilespmem:s22], [sflag:s21], $0x1000, $0x200038;
	[tilespmem:$0x2100] =	vst v63  }
0x2e: {  	s21 =	sadd.s32 @!p2 $0x3, s16;
	s16 =	simm.s32 @!p0 $0x0  }
0x2f: {  	s28 =	simm.s32 $0x1;
	[smem:$0x7FC] =	sst s25;
	s16 =	simm.s32 @p0 $0x1  }
0x30: {  	s28 =	simm.s32 @!p1 $0x0;
	_ =	strace @p1 $0x90000056;
	[smem:$0x7FD] =	sst s16  }
0x31: {  	s20 =	sadd.s32 s28, s20;
	s25 =	sand.u32 @!p4 $0x1, s14;
	_ =	strace @!p2 $0x80000057  }
0x32: {  	p1 =	por !p5, !p5;
	s16 =	smov.u32 s25;
	_ =	swait.ge @!p2 [sflag:s21], $0x1000  }
0x33: {  	s22 =	sand.u32 @p1 $0x1, s18;
	s25 =	sadd.s32 @p1 s3, s17;
	[sflag:s21] =	ssyncset.done @!p2 $0x0  }
0x34: {  	s26 =	sshll.u32 @p1 s22, $0x7;
	s25 =	sshll.u32 @p1 s25, $0x4;
	[sflag:s21] =	ssyncadd.s32 @!p2 $0xFFFFF000  }
0x35: {  	s21 =	sadd.s32 @p1 $0x1, s22;
	s22 =	sand.u32 @p1 $0x1FFFFFF0, s25;
	_ =	strace @!p2 $0x90000057  }
0x36: {  	s25 =	simm.s32 @p1 $0x0;
	s22 =	sadd.s32 @p1 s4, s22;
	_ =	strace @p1 $0x80000053  }
0x37: {  	[tilespmem:s26], [sflag:s21] =	stream.linear.gather @p1 [hbm4b:s22+s25], $0x80, $0x200038;
	[tilespmem:$0x2100] =	vst v63  }
0x38: {  	s15 =	sadd.s32 s28, s15;
	s28 =	sand.u32 $0x1, s20;
	_ =	strace @p1 $0x90000053  }
0x39: {  	s28 =	sadd.s32 $0x1, s28;
	_ =	strace $0x80000054  }
0x3a: {  	_ =	swait.ge [sflag:s28], $0x80  }
0x3b: {  	[sflag:s28] =	ssyncset.done $0x0  }
0x3c: {  	s21 =	simm.s32 $0x1;
	[sflag:s28] =	ssyncadd.s32 $0xFFFFFF80  }
0x3d: {  	s21 =	simm.s32 @!p1 $0x0;
	_ =	strace $0x90000054  }
0x3e: {  	s18 =	sadd.s32 s21, s18;
	s21 =	sand.u32 $0x1, s15;
	_ =	strace $0x80000055  }
0x3f: {  	s31 =	sshll.u32 s20, $0x7;
	s29 =	sshll.u32 s21, $0xC;
	s25 =	rddreg [dreg:$0x3]  }
0x40: {  	s31 =	sand.u32 $0x80, s31;
	s22 =	sor.u32 $0x100, s29;
	s26 =	rddreg [dreg:$0x2]  }
0x41: {  	[tilespmem:s22], [sflag:$0x5] =	stream.indirect.gather [hbm4b:s26+s25], $0x20, s31, s25, $0x2000b8;
	[tilespmem:$0x2100] =	vst v63  }
0x42: {  	_ =	swait.ge [sflag:s10], $0x1000  }
0x43: {  	[sflag:s10] =	ssyncset.done $0x0  }
0x44: {  	[sflag:s10] =	ssyncadd.s32 $0xFFFFF000  }
0x45: {  	s30 =	sadd.s32 $0x1, s17;
	_ =	strace $0x90000055  }
0x46: {  	s24 =	sadd.s32 s3, s13;
	s13 =	smov.u32 s17;
	s31 =	sld [smem:$0x7FD]  }
0x47: {  	p0 =	sne.s32 s23, $0x0;
	s17 =	smov.u32 s30;
	p1 =	seq.s32 s30, s5  }
0x48: {  	s17 =	simm.s32 @p1 $0x0;
	p1 =	seq.s32 s7, s23;
	s23 =	simm.s32 $0x1  }
0x49: {  	s23 =	simm.s32 @!p0 $0x0;
	p0 =	seq.s32 s31, $0x1  }
.Ltmp2:
0x4a: {  	s30 =	sld [smem:$0x7FC];
	(pc) =	sbr.rel @p0 .LBB2_5-.Ltmp2, $4  }
0x4b: {  	p3 =	seq.s32 s12, $0x0  }
0x4c: {  	p6 =	por p3, p3;
	p5 =	slt.u32 s12, s7  }
0x4d: {  	p2 =	por p4, p4;
	p3 =	sne.s32 s13, s17;
	p4 =	seq.s32 s30, $0x1  }
0x4e: {  	p5 =	por !p5, !p3;
	p1 =	por p1, p4;
	p4 =	por p6, p6  }
0x4f: {  	p6 =	por $0x1, $0x1  }
.LBB2_7:
0x50: {  	p0 =	por !p1, !p6  }
0x51: {  	s25 =	simm.s32 $0x1;
	_ =	strace @!p0 $0x80000056;
	s24 =	sshll.u32 @!p0 s24, $0x9  }
0x52: {  	p2 =	por p2, !p6;
	s19 =	rddreg [dreg:$0x4];
	s24 =	sand.u32 @!p0 $0x1FFFFE00, s24  }
0x53: {  	s21 =	sadd.s32 @!p0 $0x3, s21;
	s19 =	sadd.s32 @!p0 s19, s24;
	s24 =	simm.s32 @!p0 $0x0  }
0x54: {  	[hbm4b:s19+s24] =	stream.linear.scatter @!p0 [tilespmem:s22], [sflag:s21], $0x1000, $0x200038;
	[tilespmem:$0x2100] =	vst v63  }
0x55: {  	p1 =	por !p5, !p5;
	s25 =	simm.s32 @p0 $0x0;
	_ =	strace @!p0 $0x90000056  }
0x56: {  	s16 =	sadd.s32 @!p2 $0x3, s16;
	s17 =	sadd.s32 @p1 s3, s17;
	_ =	strace @!p2 $0x80000057  }
0x57: {  	s18 =	sand.u32 @p1 $0x1, s18;
	s17 =	sshll.u32 @p1 s17, $0x4;
	_ =	swait.ge @!p2 [sflag:s16], $0x1000  }
0x58: {  	s17 =	sand.u32 @p1 $0x1FFFFFF0, s17;
	s19 =	sadd.s32 @p6 s25, s20;
	[sflag:s16] =	ssyncset.done @!p2 $0x0  }
0x59: {  	s20 =	simm.s32 $0x0;
	s17 =	sadd.s32 @p1 s4, s17;
	[sflag:s16] =	ssyncadd.s32 @!p2 $0xFFFFF000  }
0x5a: {  	s20 =	smov.u32 @p6 s19;
	s19 =	sshll.u32 @p1 s18, $0x7;
	_ =	strace @!p2 $0x90000057  }
0x5b: {  	s16 =	sadd.s32 @p1 $0x1, s18;
	s18 =	simm.s32 @p1 $0x0;
	_ =	strace @p1 $0x80000053  }
0x5c: {  	[tilespmem:s19], [sflag:s16] =	stream.linear.gather @p1 [hbm4b:s17+s18], $0x80, $0x200038;
	[tilespmem:$0x2100] =	vst v63  }
0x5d: {  	s26 =	sand.u32 $0x1, s20;
	_ =	strace @p1 $0x90000053  }
0x5e: {  	s16 =	sadd.s32 $0x1, s26;
	_ =	strace $0x80000054  }
0x5f: {  	_ =	swait.ge [sflag:s16], $0x80  }
0x60: {  	[sflag:s16] =	ssyncset.done $0x0  }
0x61: {  	s15 =	sadd.s32 @p6 s25, s15;
	[sflag:s16] =	ssyncadd.s32 $0xFFFFFF80;
	s16 =	simm.s32 $0x0  }
0x62: {  	_ =	strace $0x90000054;
	s16 =	smov.u32 @p6 s15  }
0x63: {  	_ =	strace $0x80000055;
	s16 =	sand.u32 $0x1, s16  }
0x64: {  	s30 =	sshll.u32 s20, $0x7;
	s28 =	rddreg [dreg:$0x3];
	s31 =	sshll.u32 s16, $0xC  }
0x65: {  	s18 =	sand.u32 $0x80, s30;
	s29 =	rddreg [dreg:$0x2];
	s19 =	sor.u32 $0x100, s31  }
0x66: {  	[tilespmem:s19], [sflag:$0x5] =	stream.indirect.gather [hbm4b:s29+s28], $0x20, s18, s28, $0x2000b8;
	[tilespmem:$0x2100] =	vst v63  }
0x67: {  	_ =	swait.ge [sflag:s10], $0x1000  }
0x68: {  	p3 =	por p3, p3;
	[sflag:s10] =	ssyncset.done $0x0  }
0x69: {  	p5 =	seq.s32 s7, s12;
	s13 =	sadd.s32 s3, s13;
	[sflag:s10] =	ssyncadd.s32 $0xFFFFF000  }
0x6a: {  	s14 =	sadd.s32 @p6 s23, s14;
	p1 =	por p5, p3;
	_ =	strace $0x90000055  }
0x6b: {  	s17 =	simm.s32 $0x0;
	s13 =	sshll.u32 @p1 s13, $0x9;
	_ =	strace @p1 $0x80000056  }
0x6c: {  	s17 =	smov.u32 @p6 s14;
	s13 =	sand.u32 @p1 $0x1FFFFE00, s13;
	s15 =	rddreg [dreg:$0x4]  }
0x6d: {  	s14 =	sadd.s32 @p1 $0x3, s16;
	s13 =	sadd.s32 @p1 s15, s13;
	s15 =	simm.s32 @p1 $0x0  }
0x6e: {  	[hbm4b:s13+s15] =	stream.linear.scatter @p1 [tilespmem:s19], [sflag:s14], $0x1000, $0x200038;
	[tilespmem:$0x2100] =	vst v63  }
0x6f: {  	p0 =	por p4, p4;
	s13 =	sand.u32 @!p4 $0x1, s17;
	_ =	strace @p1 $0x90000056  }
0x70: {  	s13 =	sadd.s32 @!p0 $0x3, s13;
	_ =	strace @!p0 $0x80000057  }
0x71: {  	p1 =	sne.s32 s12, $0x0;
	s12 =	simm.s32 $0x1;
	_ =	swait.ge @!p0 [sflag:s13], $0x1000  }
0x72: {  	s12 =	simm.s32 @!p1 $0x0;
	[sflag:s13] =	ssyncset.done @!p0 $0x0  }
0x73: {  	s11 =	sadd.s32 $0x1, s11;
	s12 =	sadd.s32 s12, s17;
	[sflag:s13] =	ssyncadd.s32 @!p0 $0xFFFFF000  }
0x74: {  	s12 =	sand.u32 $0x1, s12;
	_ =	strace @!p0 $0x90000057;
	p0 =	sne.s32 s11, s8  }
.Ltmp3:
0x75: {  	s12 =	sadd.s32 $0x3, s12;
	_ =	strace $0x80000058;
	(pc) =	sbr.rel @p0 .LBB2_1-.Ltmp3, $4  }
.Ltmp4:
0x76: {  	_ =	swait.ge [sflag:s12], $0x1000;
	(pc) =	sbr.rel @!p0 .LBB2_8-.Ltmp4, $4  }
0x77: {  	[sflag:s12] =	ssyncset.done $0x0  }
0x78: {  	[sflag:s12] =	ssyncadd.s32 $0xFFFFF000  }
0x79: {  	_ =	strace $0x90000058  }
0x7a: {  	_ = 	snop  }
.LBB2_2:
.Ltmp5:
0x7b: {  	(pc) =	sbr.rel .LBB2_7-.Ltmp5, $4  }
0x7c: {  	_ = 	snop  }
0x7d: {  	s14 =	simm.s32 $0x0  }
0x7e: {  	s12 =	simm.s32 $0x0;
	s15 =	simm.s32 $0x0;
	s17 =	smov.u32 s13  }
0x7f: {  	s20 =	simm.s32 $0x0;
	s18 =	simm.s32 $0x1;
	s13 =	simm.s32 $0x0  }
.LBB2_4:
.Ltmp6:
0x80: {  	(pc) =	sbr.rel .LBB2_7-.Ltmp6, $3  }
0x81: {  	_ =	sdelay $0x1  }
0x82: {  	s14 =	simm.s32 $0x0  }
0x83: {  	s15 =	simm.s32 $0x0;
	s20 =	simm.s32 $0x0;
	p6 =	por $0x1, $0x1  }
.LBB2_8:
0x84: {  	_ =	sfence.sel $0x180000  }
0x85: {  	[bflag:$0x0] =	sbarrier.arrive $0xFFFF  }
0x86: {  	p0 =	sne.s32 s1, $0x0;
	_ =	strace $0x90000051  }
0x87: {  	s0 =	sadd.s32 @!p0 $0x100000, s0;
	[bflag:$0x2] =	sbarrier.arrive $0xFFFF  }
0x88: {  	[sflag:s0] =	ssyncadd.tile.s32 @!p0 $0x1;
	_ =	shalt  }
.Lfunc_end2:
_tile_overlayer_lowered:
.L_overlay_start_2:
0x89: {  	(tag) =	ssettag $0x2  }
0x8a: {  	s0 =	rddreg [dreg:$0x0];
	s2 =	stileid.u32  }
0x8b: {  	s1 =	rddreg [dreg:$0x1];
	p0 =	sne.s32 s2, $0x0  }
0x8c: {  	s3 =	rddreg [dreg:$0x2];
	[bflag:$0x3] =	sbarrier.arrive $0xFFFF;
	s2 =	simm.s32 @!p0 $0x1C01  }
0x8d: {  	[timem:s3], [sflag:s2] =	dma.local @!p0 [hbm:s0], s1  }
0x8e: {  	s0 =	simm.s32 @!p0 $0x1  }
0x8f: {  	_ =	swait.ge @!p0 [sflag:s0], s1  }
0x90: {  	s1 =	ssub.s32 @!p0 $0x0, s1;
	[sflag:s0] =	ssyncset.done @!p0 $0x0  }
0x91: {  	[sflag:s0] =	ssyncadd.s32 @!p0 s1  }
0x92: {  	[bflag:$0x3] =	sbarrier.arrive $0xFFFF  }
0x93: {  	_ =	shalt  }

// kernel: kernel.22.cloned.1.call-start
scs
__scs_entry_jumppad:
0x0: {  	(pc) =	sbr.rel $0x88, $3  }
0x1: {  	(tag) =	ssettag $0x0;
	lr =	simm.s32 $0x1  }
0x2: {  	[smem:$0x3F97] =	sst lr;
	_ =	strace $0xD0000000  }
0x3: {  	_ = 	snop  }
0x4: {  	_ = 	snop  }
0x5: {  	_ = 	snop  }
0x6: {  	_ = 	snop  }
0x7: {  	_ = 	snop  }
__scs_overlays_trampoline_lowered:
0x8: {  	[smem:$0x3FA6] =	sst s0  }
0x9: {  	[smem:$0x3FA7] =	sst s1  }
0xa: {  	[smem:$0x3FA8] =	sst s2  }
0xb: {  	[smem:$0x3FA9] =	sst s3  }
0xc: {  	[smem:$0x3FAA] =	sst s4  }
0xd: {  	[smem:$0x3FAB] =	sst s5  }
0xe: {  	[smem:$0x3FAC] =	sst s6  }
0xf: {  	[smem:$0x3FAD] =	sst s7  }
0x10: {  	[smem:$0x3FAE] =	sst s8  }
0x11: {  	[smem:$0x3FAF] =	sst s9;
	s0 =	simm.s32 @!p0 $0x0  }
0x12: {  	s1 =	sld [smem:$0x3F95];
	s0 =	simm.s32 @p0 $0x1  }
0x13: {  	[smem:$0x3FB0] =	sst s0;
	s0 =	simm.s32 @!p1 $0x0  }
0x14: {  	s2 =	sld [smem:$0x3F94];
	s0 =	simm.s32 @p1 $0x1  }
0x15: {  	[smem:$0x3FB1] =	sst s0;
	s0 =	simm.s32 @!p2 $0x0  }
0x16: {  	s3 =	sld [smem:$0x3FDB];
	s0 =	simm.s32 @p2 $0x1  }
0x17: {  	s4 =	simm.s32 $0x1BF5;
	[smem:$0x3FB3] =	sst s0  }
0x18: {  	s0 =	sld [smem:$0x3F96];
	_ =	swait.ge [sflag:s4], $0x0  }
0x19: {  	s7 =	sld [smem:$0x3F97]  }
0x1a: {  	s8 =	sadd.s32 $0xFFFFE003, lr  }
0x1b: {  	s9 =	sadd.s32 $0xFFFFFEF7, lr;
	s5 =	simm.s32 $0xFFFFFFFF;
	p2 =	slt.u32 s8, $0xFFFFF086  }
0x1c: {  	p1 =	slt.u32 s9, $0xF7A;
	s5 =	simm.s32 @!p2 $0x0  }
0x1d: {  	s5 =	simm.s32 @p1 $0x1;
	p0 =	seq.s32 s7, s2  }
0x1e: {  	s7 =	smul.u32 @!p0 $0xF7A, s2;
	p2 =	seq.s32 @!p0 s5, $0x0  }
0x1f: {  	s9 =	smul.u32 $0xF7A, s1;
	s8 =	simm.s32 @!p0 $0x1BF5;
	p2 =	por !p2, p0  }
0x20: {  	[sflag:s8] =	ssyncset.s32 @!p0 $0xFFFFF086;
	s6 =	sadd.s32 @!p0 s3, s7;
	s7 =	simm.s32 @!p0 $0x108  }
0x21: {  	s3 =	sadd.s32 s3, s9;
	s6 =	sadd.s32 @!p0 $0x88, s6;
	s7 =	simm.s32 @p2 $0x1082  }
0x22: {  	[simem:s7], [sflag:s8] =	dma.local @!p0 [hbm:s6], $0xF7A  }
0x23: {  	s9 =	sor.u32 $0xD0000000, s2;
	s6 =	simm.s32 $0x108;
	_ =	swait.ge @!p0 [sflag:s8], $0x0  }
0x24: {  	s3 =	sadd.s32 $0x88, s3;
	s6 =	simm.s32 @!p1 $0x1082;
	[sflag:s4] =	ssyncset.s32 $0xFFFFF086  }
0x25: {  	[simem:s6], [sflag:s4] =	dma.local [hbm:s3], $0xF7A  }
0x26: {  	[smem:$0x3F97] =	sst s1;
	(tag) =	ssettag s2;
	_ =	strace s9  }
0x27: {  	s1 =	sld [smem:$0x3FA7]  }
0x28: {  	s2 =	sld [smem:$0x3FA8]  }
0x29: {  	s4 =	sld [smem:$0x3FAA]  }
0x2a: {  	p0 =	seq.s32 s5, $0x0;
	s5 =	sld [smem:$0x3FAB]  }
0x2b: {  	s6 =	sld [smem:$0x3FAC]  }
0x2c: {  	s7 =	sld [smem:$0x3FAD]  }
0x2d: {  	s3 =	simm.s32 $0x108;
	s8 =	sld [smem:$0x3FAE]  }
0x2e: {  	s3 =	simm.s32 @!p0 $0x1082;
	s9 =	sld [smem:$0x3FAF]  }
0x2f: {  	lr =	sadd.s32 s0, s3;
	s0 =	sld [smem:$0x3FA6]  }
0x30: {  	s3 =	sld [smem:$0x3FA9]  }
0x31: {  	[smem:$0x3FB2] =	sst s10  }
0x32: {  	s10 =	sld [smem:$0x3FB0];
	_ =	sdelay $0x3  }
0x33: {  	p0 =	seq.s32 s10, $0x1;
	s10 =	sld [smem:$0x3FB2];
	_ =	sdelay $0x3  }
0x34: {  	[smem:$0x3FB2] =	sst s10  }
0x35: {  	s10 =	sld [smem:$0x3FB1];
	_ =	sdelay $0x3  }
0x36: {  	p1 =	seq.s32 s10, $0x1;
	s10 =	sld [smem:$0x3FB2];
	_ =	sdelay $0x3  }
0x37: {  	[smem:$0x3FB2] =	sst s10  }
0x38: {  	s10 =	sld [smem:$0x3FB3]  }
0x39: {  	_ = 	snop;
	(pc) =	sbr.ind lr, $3  }
0x3a: {  	_ = 	snop  }
0x3b: {  	_ = 	snop  }
0x3c: {  	p2 =	seq.s32 s10, $0x1;
	s10 =	sld [smem:$0x3FB2]  }
0x3d: {  	_ =	shalt  }
0x3e: {  	_ =	shalt  }
0x3f: {  	_ =	shalt  }
0x40: {  	_ =	shalt  }
0x41: {  	_ =	shalt  }
0x42: {  	_ =	shalt  }
0x43: {  	_ =	shalt  }
0x44: {  	_ =	shalt  }
0x45: {  	_ =	shalt  }
0x46: {  	_ =	shalt  }
0x47: {  	_ =	shalt  }
0x48: {  	_ =	shalt  }
0x49: {  	_ =	shalt  }
0x4a: {  	_ =	shalt  }
0x4b: {  	_ =	shalt  }
0x4c: {  	_ =	shalt  }
0x4d: {  	_ =	shalt  }
0x4e: {  	_ =	shalt  }
0x4f: {  	_ =	shalt  }
0x50: {  	_ =	shalt  }
0x51: {  	_ =	shalt  }
0x52: {  	_ =	shalt  }
0x53: {  	_ =	shalt  }
0x54: {  	_ =	shalt  }
0x55: {  	_ =	shalt  }
0x56: {  	_ =	shalt  }
0x57: {  	_ =	shalt  }
0x58: {  	_ =	shalt  }
0x59: {  	_ =	shalt  }
0x5a: {  	_ =	shalt  }
0x5b: {  	_ =	shalt  }
0x5c: {  	_ =	shalt  }
0x5d: {  	_ =	shalt  }
0x5e: {  	_ =	shalt  }
0x5f: {  	_ =	shalt  }
0x60: {  	_ =	shalt  }
0x61: {  	_ =	shalt  }
0x62: {  	_ =	shalt  }
0x63: {  	_ =	shalt  }
0x64: {  	_ =	shalt  }
0x65: {  	_ =	shalt  }
0x66: {  	_ =	shalt  }
0x67: {  	_ =	shalt  }
0x68: {  	_ =	shalt  }
0x69: {  	_ =	shalt  }
0x6a: {  	_ =	shalt  }
0x6b: {  	_ =	shalt  }
0x6c: {  	_ =	shalt  }
0x6d: {  	_ =	shalt  }
0x6e: {  	_ =	shalt  }
0x6f: {  	_ =	shalt  }
0x70: {  	_ =	shalt  }
0x71: {  	_ =	shalt  }
0x72: {  	_ =	shalt  }
0x73: {  	_ =	shalt  }
0x74: {  	_ =	shalt  }
0x75: {  	_ =	shalt  }
0x76: {  	_ =	shalt  }
0x77: {  	_ =	shalt  }
0x78: {  	_ =	shalt  }
0x79: {  	_ =	shalt  }
0x7a: {  	_ =	shalt  }
0x7b: {  	_ =	shalt  }
0x7c: {  	_ =	shalt  }
0x7d: {  	_ =	shalt  }
0x7e: {  	_ =	shalt  }
0x7f: {  	_ =	shalt  }
0x80: {  	_ =	shalt  }
0x81: {  	_ =	shalt  }
0x82: {  	_ =	shalt  }
0x83: {  	_ =	shalt  }
0x84: {  	_ =	shalt  }
0x85: {  	_ =	shalt  }
0x86: {  	_ =	shalt  }
0x87: {  	_ =	shalt  }
.Lfunc_end0:
.L_simem_size_0:
called_computation.2_lowered:
.L_overlay_start_0:
0x88: {  	s2 =	sld [smem:$0x3FD9]  }
0x89: {  	s3 =	sld [smem:$0x3FFE];
	_ =	sdelay $0x1  }
0x8a: {  	s1 =	srdreg.scid  }
0x8b: {  	s0 =	sand.u32 $0x1, s1  }
0x8c: {  	s16 =	sshll.u32 s0, $0xA;
	s2 =	sadd.s32 s3, s2  }
0x8d: {  	s2 =	sadd.s32 s2, s16  }
0x8e: {  	[smem:$0x3FBE] =	sst s2  }
0x8f: {  	_ = 	snop  }
0x90: {  	(tm) =	ssettm $0x1  }
0x91: {  	s17 =	sld [smem:$0x3FFB];
	_ =	sdelay $0x3  }
0x92: {  	_ =	strace s17  }
0x93: {  	s2 =	sld [smem:$0x3FFC];
	_ =	sdelay $0x3  }
0x94: {  	_ =	strace s2  }
0x95: {  	s2 =	sld [smem:$0x3FFD];
	_ =	sdelay $0x3  }
0x96: {  	_ =	strace s2  }
0x97: {  	_ =	strace $0x8FFFFFFF  }
0x98: {  	s18 =	sld [smem:$0x3FDB];
	_ =	sdelay $0x1  }
0x99: {  	s19 =	simm.s32 $_scs_section_size  }
0x9a: {  	s4 =	simm.s32 $_size__tile_overlayer_lowered;
	s5 =	simm.s32 $_tile_overlayer_lowered  }
0x9b: {  	s22 =	simm.s32 $0x1BFF;
	s21 =	sshll.u32 s5, $0x1;
	s2 =	sadd.s32 s19, s18  }
0x9c: {  	s6 =	simm.s32 $0x0;
	s20 =	sshll.u32 s4, $0x1;
	s4 =	sadd.s32 s21, s2  }
0x9d: {  	[timem:s6], [sflag:s22] =	dma.local [hbm:s4], s20  }
0x9e: {  	_ =	swait.ge [sflag:s22], s20  }
0x9f: {  	s3 =	ssub.s32 $0x0, s20;
	[sflag:s22] =	ssyncset.done $0x0  }
0xa0: {  	[sflag:s22] =	ssyncadd.s32 s3;
	_ =	sdelay $0x1  }
0xa1: {  	s23 =	simm.s32 $0x1B8B  }
0xa2: {  	_ =	swait.ge [sflag:s23], $0x1  }
0xa3: {  	[sflag:s23] =	ssyncset.done $0x0  }
0xa4: {  	s25 =	simm.s32 $0x1B8E;
	s24 =	sld [smem:$0x3FFE];
	[sflag:s23] =	ssyncadd.s32 $0xFFFFFFFF  }
0xa5: {  	s26 =	simm.s32 $execute0_lowered;
	[smem:$0x3FD2] =	sst s25  }
0xa6: {  	s4 =	sshll.u32 s26, $0x1;
	_ =	strace $0x8000005A;
	[dreg:$0x1] =	wrdreg $0xFFFFFFFF  }
0xa7: {  	s28 =	simm.s32 $_size_execute0_lowered;
	s2 =	sadd.s32 s2, s4;
	[dreg:$0x0] =	wrdreg $0x0  }
0xa8: {  	s4 =	sshll.u32 s28, $0x1;
	[dreg:$0x2] =	wrdreg s2  }
0xa9: {  	[dreg:$0x3] =	wrdreg s4  }
0xaa: {  	[dreg:$0x4] =	wrdreg $0xC0  }
0xab: {  	_ =	task [dreg:s6], $0x5FFFF  }
0xac: {  	[dreg:$0x1] =	wrdreg $0xFFFFFFFF  }
0xad: {  	[dreg:$0x0] =	wrdreg $0x60  }
0xae: {  	[dreg:$0x2] =	wrdreg s24  }
0xaf: {  	[dreg:$0x3] =	wrdreg $0x9  }
0xb0: {  	_ =	task.clear_ibuf [dreg:s6], $0x4FFFF;
	_ =	strace $0x9000005A  }
0xb1: {  	s29 =	simm.s32 $0x9;
	_ =	strace $0x80000063  }
0xb2: {  	_ =	swait.ge [sflag:s29], $0x1  }
0xb3: {  	[sflag:s29] =	ssyncadd.s32 $0xFFFFFFFF  }
0xb4: {  	_ =	strace $0x90000063  }
0xb5: {  	_ =	sfence  }
0xb6: {  	s30 =	sld [smem:$0x0];
	_ =	sdelay $0x2  }
0xb7: {  	s31 =	sshll.u32 s1, $0xD;
	s1 =	sshrl.u32 s1, $0x2  }
0xb8: {  	s3 =	sand.u32 $0x4000, s31;
	s1 =	sadd.s32 s1, s30  }
0xb9: {  	s0 =	sor.u32 s3, s0;
	s1 =	sshll.u32 s1, $0x11  }
0xba: {  	s0 =	sor.u32 s1, s0  }
0xbb: {  	s0 =	sadd.s32 $0x8F2B, s0  }
0xbc: {  	[sflag:s0] =	ssyncadd.remote.s32 $0x1  }
0xbd: {  	_ =	sfence.sel $0xFFFF  }
0xbe: {  	[dreg:$0x0] =	wrdreg $0xFFFFFFFF;
	(pc) =	sbr.abs _section_cstart, $3  }
0xbf: {  	[dreg:$0x1] =	wrdreg $0xFFFFFFFF  }
0xc0: {  	_ =	task.clear_ibuf [dreg:s6], $0x2FFFF;
	_ =	strace $0x9FFFFFFF  }
0xc1: {  	(tm) =	ssettm $0x7FFFFFFF  }
tec
execute0_lowered:
.L_overlay_start_1:
0x0: {  	(tag) =	ssettag $0x1  }
0x1: {  	s0 =	srdreg.scid  }
0x2: {  	s5 =	rddreg [dreg:$0x0];
	s1 =	stileid.u32;
	s2 =	simm.s32 $0x0  }
0x3: {  	s10 =	simm.s32 $0x80;
	s7 =	sand.u32 $0x1, s0;
	s0 =	rddreg [dreg:$0x1]  }
0x4: {  	s11 =	simm.s32 $0x0;
	[smem:$0x7FF] =	sst s2;
	s3 =	sshll.u32 s7, $0x4  }
0x5: {  	s6 =	sadd.s32 $0x4200, s5;
	_ =	strace $0x8000005B;
	s3 =	sor.u32 s1, s3  }
0x6: {  	[dreg:$0x2] =	wrdreg s6;
	p0 =	seq.s32 s7, $0x0;
	s4 =	smul.u32 $0x3E, s3  }
0x7: {  	s29 =	ssub.s32 $0x2, s7;
	[dreg:$0x3] =	wrdreg s10;
	s8 =	smul.u32 $0x3F, s3  }
0x8: {  	s10 =	simm.s32 $0x5;
	s30 =	sshrl.u32 s29, $0x1;
	s3 =	sadd.s32 $0x10, s4  }
0x9: {  	s4 =	sadd.s32 $0x106000, s5;
	s5 =	sadd.s32 $0xC000, s5;
	s3 =	smov.u32 @p0 s8  }
0xa: {  	[dreg:$0x4] =	wrdreg s5;
	s8 =	ssub.s32 s29, s30;
	s9 =	sshll.u32 s3, $0x4  }
0xb: {  	s5 =	sxor.u32 $0x3F, s7;
	s7 =	ssub.s32 $0x3E, s7;
	s31 =	sand.u32 $0x1FFFFFF0, s9  }
0xc: {  	s8 =	smax.u32 s8, $0x1;
	s9 =	simm.s32 $0x1;
	s6 =	sadd.s32 s4, s31  }
.LBB2_1:
0xd: {  	_ =	strace $0x8000005C;
	p2 =	sne.s32 s5, $0x1  }
.Ltmp0:
0xe: {  	p0 =	seq.s32 s5, $0x1;
	s13 =	simm.s32 $0x1;
	(pc) =	sbr.rel @!p2 .LBB2_2-.Ltmp0, $4  }
0xf: {  	[tilespmem:s2], [sflag:$0x1] =	stream.linear.gather [hbm4b:s6+s2], $0x80, $0x200038;
	[tilespmem:$0x2100] =	vst v63  }
0x10: {  	s12 =	simm.s32 $0x1;
	p1 =	por $0x1, $0x1;
	s13 =	simm.s32 @p0 $0x0  }
0x11: {  	p6 =	sgt.u32 s7, $0x0;
	p4 =	por p1, p1;
	p3 =	sne.s32 s13, $0x0  }
0x12: {  	_ =	strace $0x9000005C;
	p5 =	por !p6, !p3;
	p6 =	por $0x0, $0x0  }
0x13: {  	p2 =	por !p5, !p5  }
0x14: {  	s21 =	sand.u32 $0x1, s2;
	s19 =	simm.s32 $0x2;
	s14 =	sadd.s32 @p2 s3, s13  }
0x15: {  	p1 =	por p3, p3;
	s15 =	sand.u32 @p2 $0x1, s9;
	s14 =	sshll.u32 @p2 s14, $0x4  }
0x16: {  	_ =	strace @p2 $0x8000005D;
	s17 =	simm.s32 @p2 $0x0;
	s14 =	sand.u32 @p2 $0x1FFFFFF0, s14  }
0x17: {  	s16 =	sshll.u32 @p2 s15, $0x7;
	s15 =	sadd.s32 @p2 $0x1, s15;
	s14 =	sadd.s32 @p2 s4, s14  }
0x18: {  	[tilespmem:s16], [sflag:s15] =	stream.linear.gather @p2 [hbm4b:s14+s17], $0x80, $0x200038;
	[tilespmem:$0x2100] =	vst v63  }
0x19: {  	s30 =	simm.s32 $0x0;
	p6 =	por $0x0, $0x0;
	_ =	strace @p2 $0x9000005D  }
0x1a: {  	p0 =	sne.s32 s5, $0x2;
	s29 =	sadd.s32 $0x1, s21;
	_ =	strace $0x8000005E  }
0x1b: {  	s24 =	sadd.s32 $0x0, s3;
	p5 =	sgt.u32 s7, $0x1;
	_ =	swait.ge [sflag:s29], $0x80  }
0x1c: {  	s23 =	simm.s32 $0x1;
	s22 =	sshll.u32 s21, $0xC;
	[sflag:s29] =	ssyncset.done $0x0  }
0x1d: {  	s22 =	sor.u32 $0x100, s22;
	s16 =	sand.u32 @!p4 $0x1, s2;
	[sflag:s29] =	ssyncadd.s32 $0xFFFFFF80  }
0x1e: {  	s15 =	simm.s32 $0x1;
	s17 =	sadd.s32 $0x1, s13;
	_ =	strace $0x9000005E  }
0x1f: {  	s14 =	sand.u32 $0x80, s30;
	s15 =	simm.s32 @!p2 $0x0;
	_ =	strace $0x8000005F  }
0x20: {  	p2 =	por p4, p4;
	p4 =	por p6, p6;
	s20 =	rddreg [dreg:$0x3]  }
0x21: {  	p3 =	seq.s32 s17, s5;
	p6 =	seq.s32 s7, $0x0;
	s31 =	rddreg [dreg:$0x2]  }
0x22: {  	[tilespmem:s22], [sflag:$0x5] =	stream.indirect.gather [hbm4b:s31+s20], $0x20, s14, s20, $0x2000b8;
	[tilespmem:$0x2100] =	vst v63  }
.Ltmp1:
0x23: {  	s18 =	sadd.s32 $0x1, s15;
	s17 =	simm.s32 @p3 $0x0;
	(pc) =	sbr.rel @!p0 .LBB2_4-.Ltmp1, $4  }
0x24: {  	p1 =	por p6, p1;
	p6 =	por $0x0, $0x0;
	_ =	swait.ge [sflag:s10], $0x1000  }
0x25: {  	s15 =	simm.s32 $0x0;
	p3 =	sne.s32 s13, s17;
	[sflag:s10] =	ssyncset.done $0x0  }
0x26: {  	s23 =	simm.s32 @!p6 $0x0;
	p5 =	por !p5, !p3;
	[sflag:s10] =	ssyncadd.s32 $0xFFFFF000  }
0x27: {  	s14 =	simm.s32 $0x0;
	s20 =	simm.s32 $0x0;
	_ =	strace $0x9000005F  }
.LBB2_5:
0x28: {  	_ =	strace @p1 $0x80000060;
	s14 =	sadd.s32 s23, s14;
	s23 =	smov.u32 s12  }
0x29: {  	s12 =	smov.u32 s19;
	s19 =	sadd.s32 $0x1, s19;
	p0 =	por p3, p3  }
0x2a: {  	s29 =	sshll.u32 @p1 s24, $0x9;
	s21 =	sadd.s32 @p1 $0x3, s21;
	s25 =	simm.s32 @!p0 $0x0  }
0x2b: {  	s26 =	rddreg [dreg:$0x4];
	s29 =	sand.u32 @p1 $0x1FFFFE00, s29;
	s25 =	simm.s32 @p0 $0x1  }
0x2c: {  	s26 =	sadd.s32 @p1 s26, s29;
	s29 =	simm.s32 @p1 $0x0;
	p0 =	sne.s32 s5, s19  }
0x2d: {  	[hbm4b:s26+s29] =	stream.linear.scatter @p1 [tilespmem:s22], [sflag:s21], $0x1000, $0x200038;
	[tilespmem:$0x2100] =	vst v63  }
0x2e: {  	s21 =	sadd.s32 @!p2 $0x3, s16;
	s16 =	simm.s32 @!p0 $0x0  }
0x2f: {  	s28 =	simm.s32 $0x1;
	[smem:$0x7FC] =	sst s25;
	s16 =	simm.s32 @p0 $0x1  }
0x30: {  	s28 =	simm.s32 @!p1 $0x0;
	_ =	strace @p1 $0x90000060;
	[smem:$0x7FD] =	sst s16  }
0x31: {  	s20 =	sadd.s32 s28, s20;
	s25 =	sand.u32 @!p4 $0x1, s14;
	_ =	strace @!p2 $0x80000061  }
0x32: {  	p1 =	por !p5, !p5;
	s16 =	smov.u32 s25;
	_ =	swait.ge @!p2 [sflag:s21], $0x1000  }
0x33: {  	s22 =	sand.u32 @p1 $0x1, s18;
	s25 =	sadd.s32 @p1 s3, s17;
	[sflag:s21] =	ssyncset.done @!p2 $0x0  }
0x34: {  	s26 =	sshll.u32 @p1 s22, $0x7;
	s25 =	sshll.u32 @p1 s25, $0x4;
	[sflag:s21] =	ssyncadd.s32 @!p2 $0xFFFFF000  }
0x35: {  	s21 =	sadd.s32 @p1 $0x1, s22;
	s22 =	sand.u32 @p1 $0x1FFFFFF0, s25;
	_ =	strace @!p2 $0x90000061  }
0x36: {  	s25 =	simm.s32 @p1 $0x0;
	s22 =	sadd.s32 @p1 s4, s22;
	_ =	strace @p1 $0x8000005D  }
0x37: {  	[tilespmem:s26], [sflag:s21] =	stream.linear.gather @p1 [hbm4b:s22+s25], $0x80, $0x200038;
	[tilespmem:$0x2100] =	vst v63  }
0x38: {  	s15 =	sadd.s32 s28, s15;
	s28 =	sand.u32 $0x1, s20;
	_ =	strace @p1 $0x9000005D  }
0x39: {  	s28 =	sadd.s32 $0x1, s28;
	_ =	strace $0x8000005E  }
0x3a: {  	_ =	swait.ge [sflag:s28], $0x80  }
0x3b: {  	[sflag:s28] =	ssyncset.done $0x0  }
0x3c: {  	s21 =	simm.s32 $0x1;
	[sflag:s28] =	ssyncadd.s32 $0xFFFFFF80  }
0x3d: {  	s21 =	simm.s32 @!p1 $0x0;
	_ =	strace $0x9000005E  }
0x3e: {  	s18 =	sadd.s32 s21, s18;
	s21 =	sand.u32 $0x1, s15;
	_ =	strace $0x8000005F  }
0x3f: {  	s31 =	sshll.u32 s20, $0x7;
	s29 =	sshll.u32 s21, $0xC;
	s25 =	rddreg [dreg:$0x3]  }
0x40: {  	s31 =	sand.u32 $0x80, s31;
	s22 =	sor.u32 $0x100, s29;
	s26 =	rddreg [dreg:$0x2]  }
0x41: {  	[tilespmem:s22], [sflag:$0x5] =	stream.indirect.gather [hbm4b:s26+s25], $0x20, s31, s25, $0x2000b8;
	[tilespmem:$0x2100] =	vst v63  }
0x42: {  	_ =	swait.ge [sflag:s10], $0x1000  }
0x43: {  	[sflag:s10] =	ssyncset.done $0x0  }
0x44: {  	[sflag:s10] =	ssyncadd.s32 $0xFFFFF000  }
0x45: {  	s30 =	sadd.s32 $0x1, s17;
	_ =	strace $0x9000005F  }
0x46: {  	s24 =	sadd.s32 s3, s13;
	s13 =	smov.u32 s17;
	s31 =	sld [smem:$0x7FD]  }
0x47: {  	p0 =	sne.s32 s23, $0x0;
	s17 =	smov.u32 s30;
	p1 =	seq.s32 s30, s5  }
0x48: {  	s17 =	simm.s32 @p1 $0x0;
	p1 =	seq.s32 s7, s23;
	s23 =	simm.s32 $0x1  }
0x49: {  	s23 =	simm.s32 @!p0 $0x0;
	p0 =	seq.s32 s31, $0x1  }
.Ltmp2:
0x4a: {  	s30 =	sld [smem:$0x7FC];
	(pc) =	sbr.rel @p0 .LBB2_5-.Ltmp2, $4  }
0x4b: {  	p3 =	seq.s32 s12, $0x0  }
0x4c: {  	p6 =	por p3, p3;
	p5 =	slt.u32 s12, s7  }
0x4d: {  	p2 =	por p4, p4;
	p3 =	sne.s32 s13, s17;
	p4 =	seq.s32 s30, $0x1  }
0x4e: {  	p5 =	por !p5, !p3;
	p1 =	por p1, p4;
	p4 =	por p6, p6  }
0x4f: {  	p6 =	por $0x1, $0x1  }
.LBB2_7:
0x50: {  	p0 =	por !p1, !p6  }
0x51: {  	s25 =	simm.s32 $0x1;
	_ =	strace @!p0 $0x80000060;
	s24 =	sshll.u32 @!p0 s24, $0x9  }
0x52: {  	p2 =	por p2, !p6;
	s19 =	rddreg [dreg:$0x4];
	s24 =	sand.u32 @!p0 $0x1FFFFE00, s24  }
0x53: {  	s21 =	sadd.s32 @!p0 $0x3, s21;
	s19 =	sadd.s32 @!p0 s19, s24;
	s24 =	simm.s32 @!p0 $0x0  }
0x54: {  	[hbm4b:s19+s24] =	stream.linear.scatter @!p0 [tilespmem:s22], [sflag:s21], $0x1000, $0x200038;
	[tilespmem:$0x2100] =	vst v63  }
0x55: {  	p1 =	por !p5, !p5;
	s25 =	simm.s32 @p0 $0x0;
	_ =	strace @!p0 $0x90000060  }
0x56: {  	s16 =	sadd.s32 @!p2 $0x3, s16;
	s17 =	sadd.s32 @p1 s3, s17;
	_ =	strace @!p2 $0x80000061  }
0x57: {  	s18 =	sand.u32 @p1 $0x1, s18;
	s17 =	sshll.u32 @p1 s17, $0x4;
	_ =	swait.ge @!p2 [sflag:s16], $0x1000  }
0x58: {  	s17 =	sand.u32 @p1 $0x1FFFFFF0, s17;
	s19 =	sadd.s32 @p6 s25, s20;
	[sflag:s16] =	ssyncset.done @!p2 $0x0  }
0x59: {  	s20 =	simm.s32 $0x0;
	s17 =	sadd.s32 @p1 s4, s17;
	[sflag:s16] =	ssyncadd.s32 @!p2 $0xFFFFF000  }
0x5a: {  	s20 =	smov.u32 @p6 s19;
	s19 =	sshll.u32 @p1 s18, $0x7;
	_ =	strace @!p2 $0x90000061  }
0x5b: {  	s16 =	sadd.s32 @p1 $0x1, s18;
	s18 =	simm.s32 @p1 $0x0;
	_ =	strace @p1 $0x8000005D  }
0x5c: {  	[tilespmem:s19], [sflag:s16] =	stream.linear.gather @p1 [hbm4b:s17+s18], $0x80, $0x200038;
	[tilespmem:$0x2100] =	vst v63  }
0x5d: {  	s26 =	sand.u32 $0x1, s20;
	_ =	strace @p1 $0x9000005D  }
0x5e: {  	s16 =	sadd.s32 $0x1, s26;
	_ =	strace $0x8000005E  }
0x5f: {  	_ =	swait.ge [sflag:s16], $0x80  }
0x60: {  	[sflag:s16] =	ssyncset.done $0x0  }
0x61: {  	s15 =	sadd.s32 @p6 s25, s15;
	[sflag:s16] =	ssyncadd.s32 $0xFFFFFF80;
	s16 =	simm.s32 $0x0  }
0x62: {  	_ =	strace $0x9000005E;
	s16 =	smov.u32 @p6 s15  }
0x63: {  	_ =	strace $0x8000005F;
	s16 =	sand.u32 $0x1, s16  }
0x64: {  	s30 =	sshll.u32 s20, $0x7;
	s28 =	rddreg [dreg:$0x3];
	s31 =	sshll.u32 s16, $0xC  }
0x65: {  	s18 =	sand.u32 $0x80, s30;
	s29 =	rddreg [dreg:$0x2];
	s19 =	sor.u32 $0x100, s31  }
0x66: {  	[tilespmem:s19], [sflag:$0x5] =	stream.indirect.gather [hbm4b:s29+s28], $0x20, s18, s28, $0x2000b8;
	[tilespmem:$0x2100] =	vst v63  }
0x67: {  	_ =	swait.ge [sflag:s10], $0x1000  }
0x68: {  	p3 =	por p3, p3;
	[sflag:s10] =	ssyncset.done $0x0  }
0x69: {  	p5 =	seq.s32 s7, s12;
	s13 =	sadd.s32 s3, s13;
	[sflag:s10] =	ssyncadd.s32 $0xFFFFF000  }
0x6a: {  	s14 =	sadd.s32 @p6 s23, s14;
	p1 =	por p5, p3;
	_ =	strace $0x9000005F  }
0x6b: {  	s17 =	simm.s32 $0x0;
	s13 =	sshll.u32 @p1 s13, $0x9;
	_ =	strace @p1 $0x80000060  }
0x6c: {  	s17 =	smov.u32 @p6 s14;
	s13 =	sand.u32 @p1 $0x1FFFFE00, s13;
	s15 =	rddreg [dreg:$0x4]  }
0x6d: {  	s14 =	sadd.s32 @p1 $0x3, s16;
	s13 =	sadd.s32 @p1 s15, s13;
	s15 =	simm.s32 @p1 $0x0  }
0x6e: {  	[hbm4b:s13+s15] =	stream.linear.scatter @p1 [tilespmem:s19], [sflag:s14], $0x1000, $0x200038;
	[tilespmem:$0x2100] =	vst v63  }
0x6f: {  	p0 =	por p4, p4;
	s13 =	sand.u32 @!p4 $0x1, s17;
	_ =	strace @p1 $0x90000060  }
0x70: {  	s13 =	sadd.s32 @!p0 $0x3, s13;
	_ =	strace @!p0 $0x80000061  }
0x71: {  	p1 =	sne.s32 s12, $0x0;
	s12 =	simm.s32 $0x1;
	_ =	swait.ge @!p0 [sflag:s13], $0x1000  }
0x72: {  	s12 =	simm.s32 @!p1 $0x0;
	[sflag:s13] =	ssyncset.done @!p0 $0x0  }
0x73: {  	s11 =	sadd.s32 $0x1, s11;
	s12 =	sadd.s32 s12, s17;
	[sflag:s13] =	ssyncadd.s32 @!p0 $0xFFFFF000  }
0x74: {  	s12 =	sand.u32 $0x1, s12;
	_ =	strace @!p0 $0x90000061;
	p0 =	sne.s32 s11, s8  }
.Ltmp3:
0x75: {  	s12 =	sadd.s32 $0x3, s12;
	_ =	strace $0x80000062;
	(pc) =	sbr.rel @p0 .LBB2_1-.Ltmp3, $4  }
.Ltmp4:
0x76: {  	_ =	swait.ge [sflag:s12], $0x1000;
	(pc) =	sbr.rel @!p0 .LBB2_8-.Ltmp4, $4  }
0x77: {  	[sflag:s12] =	ssyncset.done $0x0  }
0x78: {  	[sflag:s12] =	ssyncadd.s32 $0xFFFFF000  }
0x79: {  	_ =	strace $0x90000062  }
0x7a: {  	_ = 	snop  }
.LBB2_2:
.Ltmp5:
0x7b: {  	(pc) =	sbr.rel .LBB2_7-.Ltmp5, $4  }
0x7c: {  	_ = 	snop  }
0x7d: {  	s14 =	simm.s32 $0x0  }
0x7e: {  	s12 =	simm.s32 $0x0;
	s15 =	simm.s32 $0x0;
	s17 =	smov.u32 s13  }
0x7f: {  	s20 =	simm.s32 $0x0;
	s18 =	simm.s32 $0x1;
	s13 =	simm.s32 $0x0  }
.LBB2_4:
.Ltmp6:
0x80: {  	(pc) =	sbr.rel .LBB2_7-.Ltmp6, $3  }
0x81: {  	_ =	sdelay $0x1  }
0x82: {  	s14 =	simm.s32 $0x0  }
0x83: {  	s15 =	simm.s32 $0x0;
	s20 =	simm.s32 $0x0;
	p6 =	por $0x1, $0x1  }
.LBB2_8:
0x84: {  	_ =	sfence.sel $0x180000  }
0x85: {  	[bflag:$0x0] =	sbarrier.arrive $0xFFFF  }
0x86: {  	p0 =	sne.s32 s1, $0x0;
	_ =	strace $0x9000005B  }
0x87: {  	s0 =	sadd.s32 @!p0 $0x100000, s0;
	[bflag:$0x2] =	sbarrier.arrive $0xFFFF  }
0x88: {  	[sflag:s0] =	ssyncadd.tile.s32 @!p0 $0x1;
	_ =	shalt  }
.Lfunc_end2:
_tile_overlayer_lowered:
.L_overlay_start_2:
0x89: {  	(tag) =	ssettag $0x2  }
0x8a: {  	s0 =	rddreg [dreg:$0x0];
	s2 =	stileid.u32  }
0x8b: {  	s1 =	rddreg [dreg:$0x1];
	p0 =	sne.s32 s2, $0x0  }
0x8c: {  	s3 =	rddreg [dreg:$0x2];
	[bflag:$0x3] =	sbarrier.arrive $0xFFFF;
	s2 =	simm.s32 @!p0 $0x1C01  }
0x8d: {  	[timem:s3], [sflag:s2] =	dma.local @!p0 [hbm:s0], s1  }
0x8e: {  	s0 =	simm.s32 @!p0 $0x1  }
0x8f: {  	_ =	swait.ge @!p0 [sflag:s0], s1  }
0x90: {  	s1 =	ssub.s32 @!p0 $0x0, s1;
	[sflag:s0] =	ssyncset.done @!p0 $0x0  }
0x91: {  	[sflag:s0] =	ssyncadd.s32 @!p0 s1  }
0x92: {  	[bflag:$0x3] =	sbarrier.arrive $0xFFFF  }
0x93: {  	_ =	shalt  }

</sc_bundles>
